<compile_context>
chip_gen: v7x
topology: tpu7x:2x2x1
jax: 0.10.2.dev20260603
libtpu: 0.0.44.dev20260713+nightly
codegen_flags: <defaults>
</compile_context>

<pallas_src>
import functools

import jax
import jax.numpy as jnp
from jax import lax
from jax.experimental import pallas as pl
from jax.experimental.pallas import tpu as pltpu
from jax.experimental.pallas import tpu_sc as plsc

B = 32
N = 1_000_000
K2 = 32
CHUNK = 50_000
NCHUNKS = N // CHUNK
GROUP = 400
NGROUPS = CHUNK // GROUP
CAND = 64
BIGI = 2**31 - 1
BIGF = 3.0e38


def _scal_max(x):
    m = x[0]
    for i in range(1, 16):
        m = jnp.maximum(m, x[i])
    return m


def _scal_min(x):
    m = x[0]
    for i in range(1, 16):
        m = jnp.minimum(m, x[i])
    return m


def _merge_top32(cand_v, cand_i, top_v, top_i, lane):

    def one(j, carry):
        t0, t1, i0, i1 = carry
        acc = jnp.full((16,), -BIGF, jnp.float32)
        for i in range(CAND // 16):
            acc = jnp.maximum(acc, cand_v[pl.ds(i * 16, 16)])
        m = jnp.broadcast_to(_scal_max(acc), (16,))
        cacc = jnp.full((16,), BIGI, jnp.int32)
        for i in range(CAND // 16):
            v = cand_v[pl.ds(i * 16, 16)]
            c = cand_i[pl.ds(i * 16, 16)]
            cacc = jnp.minimum(cacc, jnp.where(v == m, c, BIGI))
        best = jnp.broadcast_to(_scal_min(cacc), (16,))
        for i in range(CAND // 16):
            v = cand_v[pl.ds(i * 16, 16)]
            c = cand_i[pl.ds(i * 16, 16)]
            cand_v[pl.ds(i * 16, 16)] = jnp.where(c == best, -BIGF, v)
        t0 = jnp.where(lane == j, m, t0)
        t1 = jnp.where(lane == (j - 16), m, t1)
        i0 = jnp.where(lane == j, best, i0)
        i1 = jnp.where(lane == (j - 16), best, i1)
        return t0, t1, i0, i1

    init = (jnp.full((16,), -BIGF, jnp.float32),
            jnp.full((16,), -BIGF, jnp.float32),
            jnp.full((16,), BIGI, jnp.int32), jnp.full((16,), BIGI, jnp.int32))
    t0, t1, i0, i1 = lax.fori_loop(0, K2, one, init)
    cand_v[pl.ds(0, 16)] = t0
    cand_v[pl.ds(16, 16)] = t1
    cand_i[pl.ds(0, 16)] = i0
    cand_i[pl.ds(16, 16)] = i1
    for i in range(2, CAND // 16):
        cand_v[pl.ds(i * 16, 16)] = jnp.full((16,), -BIGF, jnp.float32)
        cand_i[pl.ds(i * 16, 16)] = jnp.full((16,), BIGI, jnp.int32)
    top_v[pl.ds(0, 16)] = t0
    top_v[pl.ds(16, 16)] = t1
    top_i[pl.ds(0, 16)] = i0
    top_i[pl.ds(16, 16)] = i1
    return _scal_min(t1)


def _sc_row_topk(scores_flat):
    mesh = plsc.VectorSubcoreMesh(core_axis_name="c", subcore_axis_name="s")

    @functools.partial(
        pl.kernel,
        mesh=mesh,
        out_type=[
            jax.ShapeDtypeStruct((B * K2,), jnp.float32),
            jax.ShapeDtypeStruct((B * K2,), jnp.int32),
        ],
        scratch_types=[
            pltpu.VMEM((CHUNK,), jnp.float32),
            pltpu.VMEM((CHUNK,), jnp.float32),
            pltpu.VMEM((NGROUPS * 16,), jnp.float32),
            pltpu.VMEM((CAND,), jnp.float32),
            pltpu.VMEM((CAND,), jnp.int32),
            pltpu.VMEM((K2,), jnp.float32),
            pltpu.VMEM((K2,), jnp.int32),
            pltpu.SemaphoreType.DMA,
            pltpu.SemaphoreType.DMA,
        ],
    )
    def k(scores_hbm, out_v_hbm, out_i_hbm, buf0, buf1, summ, cand_v, cand_i,
          top_v, top_i, sem0, sem1):
        wid = lax.axis_index("s") * 2 + lax.axis_index("c")
        lane = lax.iota(jnp.int32, 16)

        for i in range(CAND // 16):
            cand_v[pl.ds(i * 16, 16)] = jnp.full((16,), -BIGF, jnp.float32)
            cand_i[pl.ds(i * 16, 16)] = jnp.full((16,), BIGI, jnp.int32)

        def src(c):
            return scores_hbm.at[pl.ds(wid * N + c * CHUNK, CHUNK)]

        def process(buf, c, T):
            v0 = buf[pl.ds(0, 16)]
            buf[pl.ds(0, 16)] = jnp.where(c * CHUNK + lane >= 2, v0, -BIGF)

            @plsc.parallel_loop(0, NGROUPS, unroll=4)
            def _(g):
                off = g * GROUP
                vs = [buf[pl.ds(off + r * 16, 16)] for r in range(GROUP // 16)]
                while len(vs) > 1:
                    vs = [jnp.maximum(vs[i], vs[i + 1])
                          for i in range(0, len(vs) - 1, 2)] + (
                              [vs[-1]] if len(vs) % 2 else [])
                summ[pl.ds(g * 16, 16)] = vs[0]

            def summ_max(_, acc):
                return jnp.maximum(acc, summ[pl.ds(_ * 16, 16)])

            m0 = _scal_max(lax.fori_loop(
                0, NGROUPS, summ_max, jnp.full((16,), -BIGF, jnp.float32)))

            def round_body(j, st):
                cont, cnt, nextm, T1, prevm, prevcol = st

                def work(_, st2):
                    _cnt, _nextm, _prevm, _prevcol = st2
                    m16 = jnp.broadcast_to(_nextm, (16,))

                    def find_g(i, acc):
                        sv = summ[pl.ds(i * 16, 16)]
                        return jnp.minimum(acc, jnp.where(sv == m16, i, BIGI))

                    gstar = _scal_min(lax.fori_loop(
                        0, NGROUPS, find_g, jnp.full((16,), BIGI, jnp.int32)))
                    goff = gstar * GROUP
                    gbase = c * CHUNK + goff

                    lower = jnp.where(_nextm == _prevm, _prevcol, -1)
                    lower16 = jnp.broadcast_to(lower, (16,))

                    def find_col(r, acc):
                        v = buf[pl.ds(goff + r * 16, 16)]
                        col = lane + (gbase + r * 16)
                        return jnp.minimum(
                            acc,
                            jnp.where((v == m16) & (col > lower16), col, BIGI))

                    mincol = _scal_min(lax.fori_loop(
                        0, GROUP // 16, find_col,
                        jnp.full((16,), BIGI, jnp.int32)))
                    mincol16 = jnp.broadcast_to(mincol, (16,))

                    slot = 32 + (_cnt // 16) * 16
                    pos = _cnt % 16
                    cv = cand_v[pl.ds(slot, 16)]
                    ci = cand_i[pl.ds(slot, 16)]
                    cand_v[pl.ds(slot, 16)] = jnp.where(lane == pos, m16, cv)
                    cand_i[pl.ds(slot, 16)] = jnp.where(lane == pos, mincol16, ci)

                    def regroup(r, acc):
                        v = buf[pl.ds(goff + r * 16, 16)]
                        col = lane + (gbase + r * 16)
                        gone = (v > m16) | ((v == m16) & (col <= mincol16))
                        return jnp.maximum(acc, jnp.where(gone, -BIGF, v))

                    newsum = lax.fori_loop(0, GROUP // 16, regroup,
                                           jnp.full((16,), -BIGF, jnp.float32))
                    summ[pl.ds(gstar * 16, 16)] = newsum

                    nm = _scal_max(lax.fori_loop(
                        0, NGROUPS, summ_max,
                        jnp.full((16,), -BIGF, jnp.float32)))
                    return _cnt + 1, nm, _nextm, mincol

                cnt2, nextm2, prevm2, prevcol2 = lax.fori_loop(
                    0, cont, work, (cnt, nextm, prevm, prevcol))
                cont2 = ((nextm2 > T1) & (cnt2 < K2)).astype(jnp.int32)
                return cont2, cnt2, nextm2, T1, prevm2, prevcol2

            cont0 = (m0 > T).astype(jnp.int32)
            _, cntf, _, _, _, _ = lax.fori_loop(
                0, K2, round_body,
                (cont0, jnp.int32(0), m0, T, jnp.float32(BIGF), jnp.int32(-1)))

            def do_merge(_, T2):
                return _merge_top32(cand_v, cand_i, top_v, top_i, lane)

            return lax.fori_loop(0, (cntf > 0).astype(jnp.int32), do_merge, T)


        def step_body(sstep, T):
            c0 = sstep * 2
            pltpu.async_copy(src(c0 + 1), buf1, sem1)
            pltpu.make_async_copy(src(c0), buf0, sem0).wait()
            T = process(buf0, c0, T)
            nxt = jnp.minimum(c0 + 2, NCHUNKS - 1)
            pltpu.async_copy(src(nxt), buf0, sem0)
            pltpu.make_async_copy(src(c0 + 1), buf1, sem1).wait()
            return process(buf1, c0 + 1, T)

        pltpu.async_copy(src(0), buf0, sem0)
        lax.fori_loop(0, NCHUNKS // 2, step_body, jnp.float32(-BIGF))
        pltpu.make_async_copy(src(NCHUNKS - 1), buf0, sem0).wait()

        pltpu.sync_copy(top_v, out_v_hbm.at[pl.ds(wid * K2, K2)])
        pltpu.sync_copy(top_i, out_i_hbm.at[pl.ds(wid * K2, K2)])

    return k(scores_flat)


def _tc_merge(vals, cols, curr_scores):

    def body(v_ref, i_ref, c_ref, op_ref, ot_ref, oa_ref, ow_ref):
        vals = v_ref[...]
        cols = i_ref[...]
        curr = c_ref[...]
        valid = vals > 0.0
        lv = jnp.where(valid, jnp.log(vals) + curr, -jnp.inf)
        rows = lax.broadcasted_iota(jnp.int32, (B, K2), 0)
        flat = jnp.where(valid, rows * N + cols, BIGI)
        lane = lax.broadcasted_iota(jnp.int32, (1, K2), 1)
        res_v = jnp.zeros((1, K2), jnp.float32)
        res_f = jnp.zeros((1, K2), jnp.int32)
        for j in range(K2):
            m = jnp.max(lv)
            f = jnp.min(jnp.where(lv == m, flat, BIGI))
            res_v = jnp.where(lane == j, m, res_v)
            res_f = jnp.where(lane == j, f, res_f)
            lv = jnp.where(flat == f, -jnp.inf, lv)
        op_ref[...] = res_v
        ot_ref[...] = res_f
        oa_ref[...] = res_f // N
        ow_ref[...] = res_f % N

    return pl.pallas_call(
        body,
        out_shape=[
            jax.ShapeDtypeStruct((1, K2), jnp.float32),
            jax.ShapeDtypeStruct((1, K2), jnp.int32),
            jax.ShapeDtypeStruct((1, K2), jnp.int32),
            jax.ShapeDtypeStruct((1, K2), jnp.int32),
        ],
    )(vals, cols, curr_scores)


def kernel(scores, curr_scores, k):
    vals, cols = _sc_row_topk(scores.reshape(-1))
    maxp, top2k, anc, wrd = _tc_merge(vals.reshape(B, K2),
                                      cols.reshape(B, K2), curr_scores)
    return (maxp.reshape(-1), top2k.reshape(-1),
            anc.reshape(-1), wrd.reshape(-1))

# --- scband reference (transcript-rebuilt; emitter-appended) ---
"""Pipeline reference for scband-generator-19421842112613 (READ-ONLY COPY).

The authoritative reference and input builder live on the scoring server;
editing this copy changes nothing except your own understanding.
"""

import jax, jax.numpy as jnp
import numpy as np

UNK_IDX = 0
EOS_IDX = 1


def setup_inputs(seed: int = 0) -> dict:
    key = jax.random.key(seed)
    k1, k2 = jax.random.split(key)
    # wrd_dist-style positive probabilities (output of a softmax in the original)
    scores = jax.random.uniform(k1, (32, 1000000), dtype=jnp.float32, minval=1e-6, maxval=1.0)
    # running beam scores, broadcast-added like curr_scores.expand_as(wrd_dist)
    curr_scores = jax.random.normal(k2, (32, 1), dtype=jnp.float32)
    return {"scores": scores, "curr_scores": curr_scores, "k": 16}


def reference(scores, curr_scores, k):
    # Faithful core of Generator.temp_bs inner loop:
    #   wrd_dist[:, unk_idx].zero_(); wrd_dist[:, eos_idx].zero_()
    #   wrd_dist.log_(); wrd_dist.add_(curr_scores.expand_as(wrd_dist))
    #   maxprobs, top2k = torch.topk(wrd_dist.view(-1), 2*K)
    #   anc, wrd = top2k // cols, top2k % cols
    B, N = scores.shape
    logd = jnp.log(scores)
    # zeroed probabilities -> -inf log prob (masking)
    logd = logd.at[:, UNK_IDX].set(-jnp.inf).at[:, EOS_IDX].set(-jnp.inf)
    logd = logd + curr_scores  # broadcast over vocab
    flat = logd.reshape(-1) + jnp.asarray(k - k, logd.dtype)
    maxprobs, top2k = jax.lax.top_k(flat, 2 * 16)
    anc = top2k // N  # ancestor beam index
    wrd = top2k % N   # word index within vocab
    return maxprobs, top2k, anc, wrd

if __name__ == "__main__":
    import jax
    _d = setup_inputs()
    print(jax.jit(kernel)(*tuple(_d.values())))

</pallas_src>

<mosaic_0001>
#map = affine_map<(d0, d1) -> (0)>
module attributes {stable_mosaic.version = 14 : i64} {
  func.func @k(%arg0: i32, %arg1: i32, %arg2: memref<32000000xf32, #tpu.memory_space<hbm>>, %arg3: memref<1024xf32, #tpu.memory_space<hbm>>, %arg4: memref<1024xi32, #tpu.memory_space<hbm>>, %arg5: memref<50000xf32, #tpu.memory_space<vmem>>, %arg6: memref<50000xf32, #tpu.memory_space<vmem>>, %arg7: memref<2000xf32, #tpu.memory_space<vmem>>, %arg8: memref<64xf32, #tpu.memory_space<vmem>>, %arg9: memref<64xi32, #tpu.memory_space<vmem>>, %arg10: memref<32xf32, #tpu.memory_space<vmem>>, %arg11: memref<32xi32, #tpu.memory_space<vmem>>, %arg12: memref<!tpu.dma_semaphore, #tpu.memory_space<semaphore_mem>>, %arg13: memref<!tpu.dma_semaphore, #tpu.memory_space<semaphore_mem>>) attributes {dimension_semantics = [#tpu.dimension_semantics<core_parallel>, #tpu.dimension_semantics<subcore_parallel>], iteration_bounds = array<i64: 2, 16>, scalar_prefetch = 0 : i64, scratch_operands = 9 : i64, tpu.core_type = #tpu.core_type<sc_vector_subcore>, window_params = [{transform_indices = #map}, {transform_indices = #map}, {transform_indices = #map}]} {
    %mul3A = arith.constant 2 : i32
    %mul3A_0 = arith.muli %arg1, %mul3A : i32
    %add3A = arith.addi %mul3A_0, %arg0 : i32
    %iota3A = tpu.iota {dimensions = array<i32: 0>} : vector<16xi32>
    %broadcast_in_dim3A = arith.constant -3.000000e+38 : f32
    %broadcast_in_dim3A_1 = vector.broadcast %broadcast_in_dim3A : f32 to vector<16xf32>
    %swap3A = arith.constant 0 : index
    %swap3A_2 = tpu.vector_load %arg8[%swap3A] {strides = array<i32>} : memref<64xf32, #tpu.memory_space<vmem>>, vector<16xf32>,
    %swap3A_3 = vector.shape_cast %swap3A_2 : vector<16xf32> to vector<16xf32>
    %swap3A_4 = vector.shape_cast %broadcast_in_dim3A_1 : vector<16xf32> to vector<16xf32>
    tpu.vector_store %arg8[%swap3A], %swap3A_4 {strides = array<i32>} : memref<64xf32, #tpu.memory_space<vmem>>, vector<16xf32>,
    %broadcast_in_dim3A_5 = arith.constant 2147483647 : i32
    %broadcast_in_dim3A_6 = vector.broadcast %broadcast_in_dim3A_5 : i32 to vector<16xi32>
    %swap3A_7 = arith.constant 0 : index
    %swap3A_8 = tpu.vector_load %arg9[%swap3A_7] {strides = array<i32>} : memref<64xi32, #tpu.memory_space<vmem>>, vector<16xi32>,
    %swap3A_9 = vector.shape_cast %swap3A_8 : vector<16xi32> to vector<16xi32>
    %swap3A_10 = vector.shape_cast %broadcast_in_dim3A_6 : vector<16xi32> to vector<16xi32>
    tpu.vector_store %arg9[%swap3A_7], %swap3A_10 {strides = array<i32>} : memref<64xi32, #tpu.memory_space<vmem>>, vector<16xi32>,
    %broadcast_in_dim3A_11 = arith.constant -3.000000e+38 : f32
    %broadcast_in_dim3A_12 = vector.broadcast %broadcast_in_dim3A_11 : f32 to vector<16xf32>
    %swap3A_13 = arith.constant 16 : index
    %swap3A_14 = tpu.vector_load %arg8[%swap3A_13] {strides = array<i32>} : memref<64xf32, #tpu.memory_space<vmem>>, vector<16xf32>,
    %swap3A_15 = vector.shape_cast %swap3A_14 : vector<16xf32> to vector<16xf32>
    %swap3A_16 = vector.shape_cast %broadcast_in_dim3A_12 : vector<16xf32> to vector<16xf32>
    tpu.vector_store %arg8[%swap3A_13], %swap3A_16 {strides = array<i32>} : memref<64xf32, #tpu.memory_space<vmem>>, vector<16xf32>,
    %broadcast_in_dim3A_17 = arith.constant 2147483647 : i32
    %broadcast_in_dim3A_18 = vector.broadcast %broadcast_in_dim3A_17 : i32 to vector<16xi32>
    %swap3A_19 = arith.constant 16 : index
    %swap3A_20 = tpu.vector_load %arg9[%swap3A_19] {strides = array<i32>} : memref<64xi32, #tpu.memory_space<vmem>>, vector<16xi32>,
    %swap3A_21 = vector.shape_cast %swap3A_20 : vector<16xi32> to vector<16xi32>
    %swap3A_22 = vector.shape_cast %broadcast_in_dim3A_18 : vector<16xi32> to vector<16xi32>
    tpu.vector_store %arg9[%swap3A_19], %swap3A_22 {strides = array<i32>} : memref<64xi32, #tpu.memory_space<vmem>>, vector<16xi32>,
    %broadcast_in_dim3A_23 = arith.constant -3.000000e+38 : f32
    %broadcast_in_dim3A_24 = vector.broadcast %broadcast_in_dim3A_23 : f32 to vector<16xf32>
    %swap3A_25 = arith.constant 32 : index
    %swap3A_26 = tpu.vector_load %arg8[%swap3A_25] {strides = array<i32>} : memref<64xf32, #tpu.memory_space<vmem>>, vector<16xf32>,
    %swap3A_27 = vector.shape_cast %swap3A_26 : vector<16xf32> to vector<16xf32>
    %swap3A_28 = vector.shape_cast %broadcast_in_dim3A_24 : vector<16xf32> to vector<16xf32>
    tpu.vector_store %arg8[%swap3A_25], %swap3A_28 {strides = array<i32>} : memref<64xf32, #tpu.memory_space<vmem>>, vector<16xf32>,
    %broadcast_in_dim3A_29 = arith.constant 2147483647 : i32
    %broadcast_in_dim3A_30 = vector.broadcast %broadcast_in_dim3A_29 : i32 to vector<16xi32>
    %swap3A_31 = arith.constant 32 : index
    %swap3A_32 = tpu.vector_load %arg9[%swap3A_31] {strides = array<i32>} : memref<64xi32, #tpu.memory_space<vmem>>, vector<16xi32>,
    %swap3A_33 = vector.shape_cast %swap3A_32 : vector<16xi32> to vector<16xi32>
    %swap3A_34 = vector.shape_cast %broadcast_in_dim3A_30 : vector<16xi32> to vector<16xi32>
    tpu.vector_store %arg9[%swap3A_31], %swap3A_34 {strides = array<i32>} : memref<64xi32, #tpu.memory_space<vmem>>, vector<16xi32>,
    %broadcast_in_dim3A_35 = arith.constant -3.000000e+38 : f32
    %broadcast_in_dim3A_36 = vector.broadcast %broadcast_in_dim3A_35 : f32 to vector<16xf32>
    %swap3A_37 = arith.constant 48 : index
    %swap3A_38 = tpu.vector_load %arg8[%swap3A_37] {strides = array<i32>} : memref<64xf32, #tpu.memory_space<vmem>>, vector<16xf32>,
    %swap3A_39 = vector.shape_cast %swap3A_38 : vector<16xf32> to vector<16xf32>
    %swap3A_40 = vector.shape_cast %broadcast_in_dim3A_36 : vector<16xf32> to vector<16xf32>
    tpu.vector_store %arg8[%swap3A_37], %swap3A_40 {strides = array<i32>} : memref<64xf32, #tpu.memory_space<vmem>>, vector<16xf32>,
    %broadcast_in_dim3A_41 = arith.constant 2147483647 : i32
    %broadcast_in_dim3A_42 = vector.broadcast %broadcast_in_dim3A_41 : i32 to vector<16xi32>
    %swap3A_43 = arith.constant 48 : index
    %swap3A_44 = tpu.vector_load %arg9[%swap3A_43] {strides = array<i32>} : memref<64xi32, #tpu.memory_space<vmem>>, vector<16xi32>,
    %swap3A_45 = vector.shape_cast %swap3A_44 : vector<16xi32> to vector<16xi32>
    %swap3A_46 = vector.shape_cast %broadcast_in_dim3A_42 : vector<16xi32> to vector<16xi32>
    tpu.vector_store %arg9[%swap3A_43], %swap3A_46 {strides = array<i32>} : memref<64xi32, #tpu.memory_space<vmem>>, vector<16xi32>,
    %mul3A_47 = arith.constant 1000000 : i32
    %mul3A_48 = arith.muli %add3A, %mul3A_47 : i32
    %add3A_49 = arith.constant 0 : i32
    %add3A_50 = arith.addi %mul3A_48, %add3A_49 : i32
    %dma_start3A = tpu.memref_slice %arg2[%add3A_50] : memref<32000000xf32, #tpu.memory_space<hbm>> -> memref<50000xf32, #tpu.memory_space<hbm>>
    %dma_start3A_51 = tpu.memref_slice %arg2[%add3A_50] : memref<32000000xf32, #tpu.memory_space<hbm>> -> memref<50000xf32, #tpu.memory_space<hbm>>
    tpu.enqueue_dma source(%dma_start3A_51 : memref<50000xf32, #tpu.memory_space<hbm>>) target(%arg5 : memref<50000xf32, #tpu.memory_space<vmem>>) target_semaphore(%arg12 : memref<!tpu.dma_semaphore, #tpu.memory_space<semaphore_mem>>)
    %scan3A = arith.constant -3.000000e+38 : f32
    %scan3A_52 = arith.constant 0 : i32
    %scan3A_53 = arith.constant 10 : i32
    %scan3A_54 = arith.addi %scan3A_52, %scan3A_53 : i32
    %scan3A_55 = arith.constant 1 : i32
    %scan3A_56 = scf.for %scan3A_67 = %scan3A_52 to %scan3A_54 step %scan3A_55 iter_args(%scan3A_68 = %scan3A) -> (f32)  : i32 {
      %mul3A_69 = arith.constant 2 : i32
      %mul3A_70 = arith.muli %scan3A_67, %mul3A_69 : i32
      %add3A_71 = arith.constant 1 : i32
      %add3A_72 = arith.addi %mul3A_70, %add3A_71 : i32
      %mul3A_73 = arith.constant 1000000 : i32
      %mul3A_74 = arith.muli %add3A, %mul3A_73 : i32
      %mul3A_75 = arith.constant 50000 : i32
      %mul3A_76 = arith.muli %add3A_72, %mul3A_75 : i32
      %add3A_77 = arith.addi %mul3A_74, %mul3A_76 : i32
      %dma_start3A_78 = tpu.memref_slice %arg2[%add3A_77] : memref<32000000xf32, #tpu.memory_space<hbm>> -> memref<50000xf32, #tpu.memory_space<hbm>>
      %dma_start3A_79 = tpu.memref_slice %arg2[%add3A_77] : memref<32000000xf32, #tpu.memory_space<hbm>> -> memref<50000xf32, #tpu.memory_space<hbm>>
      tpu.enqueue_dma source(%dma_start3A_79 : memref<50000xf32, #tpu.memory_space<hbm>>) target(%arg6 : memref<50000xf32, #tpu.memory_space<vmem>>) target_semaphore(%arg13 : memref<!tpu.dma_semaphore, #tpu.memory_space<semaphore_mem>>)
      %mul3A_80 = arith.constant 1000000 : i32
      %mul3A_81 = arith.muli %add3A, %mul3A_80 : i32
      %mul3A_82 = arith.constant 50000 : i32
      %mul3A_83 = arith.muli %mul3A_70, %mul3A_82 : i32
      %add3A_84 = arith.addi %mul3A_81, %mul3A_83 : i32
      %dma_wait3A_85 = tpu.memref_slice %arg2[%add3A_84] : memref<32000000xf32, #tpu.memory_space<hbm>> -> memref<50000xf32, #tpu.memory_space<hbm>>
      %dma_wait3A_86 = tpu.memref_slice %arg2[%add3A_84] : memref<32000000xf32, #tpu.memory_space<hbm>> -> memref<50000xf32, #tpu.memory_space<hbm>>
      tpu.wait_dma2 semaphore(%arg12 : memref<!tpu.dma_semaphore, #tpu.memory_space<semaphore_mem>>) src(%dma_wait3A_86 : memref<50000xf32, #tpu.memory_space<hbm>>) dst(%arg5 : memref<50000xf32, #tpu.memory_space<vmem>>)
      %get3A = arith.constant 0 : index
      %get3A_87 = tpu.vector_load %arg5[%get3A] {strides = array<i32>} : memref<50000xf32, #tpu.memory_space<vmem>>, vector<16xf32>,
      %get3A_88 = vector.shape_cast %get3A_87 : vector<16xf32> to vector<16xf32>
      %mul3A_89 = arith.constant 50000 : i32
      %mul3A_90 = arith.muli %mul3A_70, %mul3A_89 : i32
      %add3A_91 = vector.broadcast %mul3A_90 : i32 to vector<16xi32>
      %add3A_92 = arith.addi %add3A_91, %iota3A : vector<16xi32>
      %ge3A = arith.constant 2 : i32
      %ge3A_93 = vector.broadcast %ge3A : i32 to vector<16xi32>
      %ge3A_94 = arith.cmpi sge, %add3A_92, %ge3A_93 : vector<16xi32>
      %jit3A = arith.constant -3.000000e+38 : f32
      %broadcast_in_dim3A_95 = vector.broadcast %jit3A : f32 to vector<16xf32>
      %select_n3A = arith.select %ge3A_94, %get3A_88, %broadcast_in_dim3A_95 : vector<16xi1>, vector<16xf32>
      %swap3A_96 = arith.constant 0 : index
      %swap3A_97 = tpu.vector_load %arg5[%swap3A_96] {strides = array<i32>} : memref<50000xf32, #tpu.memory_space<vmem>>, vector<16xf32>,
      %swap3A_98 = vector.shape_cast %swap3A_97 : vector<16xf32> to vector<16xf32>
      %swap3A_99 = vector.shape_cast %select_n3A : vector<16xf32> to vector<16xf32>
      tpu.vector_store %arg5[%swap3A_96], %swap3A_99 {strides = array<i32>} : memref<50000xf32, #tpu.memory_space<vmem>>, vector<16xf32>,
      %parallel_loop3A = arith.constant 0 : i32
      %parallel_loop3A_100 = arith.constant 125 : i32
      %parallel_loop3A_101 = arith.constant 1 : i32
      scf.for %parallel_loop3A_297 = %parallel_loop3A to %parallel_loop3A_100 step %parallel_loop3A_101  : i32 {
        %parallel_loop3A_298 = arith.constant 400 : i32
        %parallel_loop3A_299 = arith.muli %parallel_loop3A_297, %parallel_loop3A_298 : i32
        %parallel_loop3A_300 = arith.constant 0 : i32
        %parallel_loop3A_301 = arith.addi %parallel_loop3A_299, %parallel_loop3A_300 : i32
        %parallel_loop3A_302 = arith.index_cast %parallel_loop3A_301 : i32 to index
        %parallel_loop3A_303 = tpu.vector_load %arg5[%parallel_loop3A_302] {strides = array<i32>} : memref<50000xf32, #tpu.memory_space<vmem>>, vector<16xf32>,
        %parallel_loop3A_304 = vector.shape_cast %parallel_loop3A_303 : vector<16xf32> to vector<16xf32>
        %parallel_loop3A_305 = arith.constant 16 : i32
        %parallel_loop3A_306 = arith.addi %parallel_loop3A_299, %parallel_loop3A_305 : i32
        %parallel_loop3A_307 = arith.index_cast %parallel_loop3A_306 : i32 to index
        %parallel_loop3A_308 = tpu.vector_load %arg5[%parallel_loop3A_307] {strides = array<i32>} : memref<50000xf32, #tpu.memory_space<vmem>>, vector<16xf32>,
        %parallel_loop3A_309 = vector.shape_cast %parallel_loop3A_308 : vector<16xf32> to vector<16xf32>
        %parallel_loop3A_310 = arith.constant 32 : i32
        %parallel_loop3A_311 = arith.addi %parallel_loop3A_299, %parallel_loop3A_310 : i32
        %parallel_loop3A_312 = arith.index_cast %parallel_loop3A_311 : i32 to index
        %parallel_loop3A_313 = tpu.vector_load %arg5[%parallel_loop3A_312] {strides = array<i32>} : memref<50000xf32, #tpu.memory_space<vmem>>, vector<16xf32>,
        %parallel_loop3A_314 = vector.shape_cast %parallel_loop3A_313 : vector<16xf32> to vector<16xf32>
        %parallel_loop3A_315 = arith.constant 48 : i32
        %parallel_loop3A_316 = arith.addi %parallel_loop3A_299, %parallel_loop3A_315 : i32
        %parallel_loop3A_317 = arith.index_cast %parallel_loop3A_316 : i32 to index
        %parallel_loop3A_318 = tpu.vector_load %arg5[%parallel_loop3A_317] {strides = array<i32>} : memref<50000xf32, #tpu.memory_space<vmem>>, vector<16xf32>,
        %parallel_loop3A_319 = vector.shape_cast %parallel_loop3A_318 : vector<16xf32> to vector<16xf32>
        %parallel_loop3A_320 = arith.constant 64 : i32
        %parallel_loop3A_321 = arith.addi %parallel_loop3A_299, %parallel_loop3A_320 : i32
        %parallel_loop3A_322 = arith.index_cast %parallel_loop3A_321 : i32 to index
        %parallel_loop3A_323 = tpu.vector_load %arg5[%parallel_loop3A_322] {strides = array<i32>} : memref<50000xf32, #tpu.memory_space<vmem>>, vector<16xf32>,
        %parallel_loop3A_324 = vector.shape_cast %parallel_loop3A_323 : vector<16xf32> to vector<16xf32>
        %parallel_loop3A_325 = arith.constant 80 : i32
        %parallel_loop3A_326 = arith.addi %parallel_loop3A_299, %parallel_loop3A_325 : i32
        %parallel_loop3A_327 = arith.index_cast %parallel_loop3A_326 : i32 to index
        %parallel_loop3A_328 = tpu.vector_load %arg5[%parallel_loop3A_327] {strides = array<i32>} : memref<50000xf32, #tpu.memory_space<vmem>>, vector<16xf32>,
        %parallel_loop3A_329 = vector.shape_cast %parallel_loop3A_328 : vector<16xf32> to vector<16xf32>
        %parallel_loop3A_330 = arith.constant 96 : i32
        %parallel_loop3A_331 = arith.addi %parallel_loop3A_299, %parallel_loop3A_330 : i32
        %parallel_loop3A_332 = arith.index_cast %parallel_loop3A_331 : i32 to index
        %parallel_loop3A_333 = tpu.vector_load %arg5[%parallel_loop3A_332] {strides = array<i32>} : memref<50000xf32, #tpu.memory_space<vmem>>, vector<16xf32>,
        %parallel_loop3A_334 = vector.shape_cast %parallel_loop3A_333 : vector<16xf32> to vector<16xf32>
        %parallel_loop3A_335 = arith.constant 112 : i32
        %parallel_loop3A_336 = arith.addi %parallel_loop3A_299, %parallel_loop3A_335 : i32
        %parallel_loop3A_337 = arith.index_cast %parallel_loop3A_336 : i32 to index
        %parallel_loop3A_338 = tpu.vector_load %arg5[%parallel_loop3A_337] {strides = array<i32>} : memref<50000xf32, #tpu.memory_space<vmem>>, vector<16xf32>,
        %parallel_loop3A_339 = vector.shape_cast %parallel_loop3A_338 : vector<16xf32> to vector<16xf32>
        %parallel_loop3A_340 = arith.constant 128 : i32
        %parallel_loop3A_341 = arith.addi %parallel_loop3A_299, %parallel_loop3A_340 : i32
        %parallel_loop3A_342 = arith.index_cast %parallel_loop3A_341 : i32 to index
        %parallel_loop3A_343 = tpu.vector_load %arg5[%parallel_loop3A_342] {strides = array<i32>} : memref<50000xf32, #tpu.memory_space<vmem>>, vector<16xf32>,
        %parallel_loop3A_344 = vector.shape_cast %parallel_loop3A_343 : vector<16xf32> to vector<16xf32>
        %parallel_loop3A_345 = arith.constant 144 : i32
        %parallel_loop3A_346 = arith.addi %parallel_loop3A_299, %parallel_loop3A_345 : i32
        %parallel_loop3A_347 = arith.index_cast %parallel_loop3A_346 : i32 to index
        %parallel_loop3A_348 = tpu.vector_load %arg5[%parallel_loop3A_347] {strides = array<i32>} : memref<50000xf32, #tpu.memory_space<vmem>>, vector<16xf32>,
        %parallel_loop3A_349 = vector.shape_cast %parallel_loop3A_348 : vector<16xf32> to vector<16xf32>
        %parallel_loop3A_350 = arith.constant 160 : i32
        %parallel_loop3A_351 = arith.addi %parallel_loop3A_299, %parallel_loop3A_350 : i32
        %parallel_loop3A_352 = arith.index_cast %parallel_loop3A_351 : i32 to index
        %parallel_loop3A_353 = tpu.vector_load %arg5[%parallel_loop3A_352] {strides = array<i32>} : memref<50000xf32, #tpu.memory_space<vmem>>, vector<16xf32>,
        %parallel_loop3A_354 = vector.shape_cast %parallel_loop3A_353 : vector<16xf32> to vector<16xf32>
        %parallel_loop3A_355 = arith.constant 176 : i32
        %parallel_loop3A_356 = arith.addi %parallel_loop3A_299, %parallel_loop3A_355 : i32
        %parallel_loop3A_357 = arith.index_cast %parallel_loop3A_356 : i32 to index
        %parallel_loop3A_358 = tpu.vector_load %arg5[%parallel_loop3A_357] {strides = array<i32>} : memref<50000xf32, #tpu.memory_space<vmem>>, vector<16xf32>,
        %parallel_loop3A_359 = vector.shape_cast %parallel_loop3A_358 : vector<16xf32> to vector<16xf32>
        %parallel_loop3A_360 = arith.constant 192 : i32
        %parallel_loop3A_361 = arith.addi %parallel_loop3A_299, %parallel_loop3A_360 : i32
        %parallel_loop3A_362 = arith.index_cast %parallel_loop3A_361 : i32 to index
        %parallel_loop3A_363 = tpu.vector_load %arg5[%parallel_loop3A_362] {strides = array<i32>} : memref<50000xf32, #tpu.memory_space<vmem>>, vector<16xf32>,
        %parallel_loop3A_364 = vector.shape_cast %parallel_loop3A_363 : vector<16xf32> to vector<16xf32>
        %parallel_loop3A_365 = arith.constant 208 : i32
        %parallel_loop3A_366 = arith.addi %parallel_loop3A_299, %parallel_loop3A_365 : i32
        %parallel_loop3A_367 = arith.index_cast %parallel_loop3A_366 : i32 to index
        %parallel_loop3A_368 = tpu.vector_load %arg5[%parallel_loop3A_367] {strides = array<i32>} : memref<50000xf32, #tpu.memory_space<vmem>>, vector<16xf32>,
        %parallel_loop3A_369 = vector.shape_cast %parallel_loop3A_368 : vector<16xf32> to vector<16xf32>
        %parallel_loop3A_370 = arith.constant 224 : i32
        %parallel_loop3A_371 = arith.addi %parallel_loop3A_299, %parallel_loop3A_370 : i32
        %parallel_loop3A_372 = arith.index_cast %parallel_loop3A_371 : i32 to index
        %parallel_loop3A_373 = tpu.vector_load %arg5[%parallel_loop3A_372] {strides = array<i32>} : memref<50000xf32, #tpu.memory_space<vmem>>, vector<16xf32>,
        %parallel_loop3A_374 = vector.shape_cast %parallel_loop3A_373 : vector<16xf32> to vector<16xf32>
        %parallel_loop3A_375 = arith.constant 240 : i32
        %parallel_loop3A_376 = arith.addi %parallel_loop3A_299, %parallel_loop3A_375 : i32
        %parallel_loop3A_377 = arith.index_cast %parallel_loop3A_376 : i32 to index
        %parallel_loop3A_378 = tpu.vector_load %arg5[%parallel_loop3A_377] {strides = array<i32>} : memref<50000xf32, #tpu.memory_space<vmem>>, vector<16xf32>,
        %parallel_loop3A_379 = vector.shape_cast %parallel_loop3A_378 : vector<16xf32> to vector<16xf32>
        %parallel_loop3A_380 = arith.constant 256 : i32
        %parallel_loop3A_381 = arith.addi %parallel_loop3A_299, %parallel_loop3A_380 : i32
        %parallel_loop3A_382 = arith.index_cast %parallel_loop3A_381 : i32 to index
        %parallel_loop3A_383 = tpu.vector_load %arg5[%parallel_loop3A_382] {strides = array<i32>} : memref<50000xf32, #tpu.memory_space<vmem>>, vector<16xf32>,
        %parallel_loop3A_384 = vector.shape_cast %parallel_loop3A_383 : vector<16xf32> to vector<16xf32>
        %parallel_loop3A_385 = arith.constant 272 : i32
        %parallel_loop3A_386 = arith.addi %parallel_loop3A_299, %parallel_loop3A_385 : i32
        %parallel_loop3A_387 = arith.index_cast %parallel_loop3A_386 : i32 to index
        %parallel_loop3A_388 = tpu.vector_load %arg5[%parallel_loop3A_387] {strides = array<i32>} : memref<50000xf32, #tpu.memory_space<vmem>>, vector<16xf32>,
        %parallel_loop3A_389 = vector.shape_cast %parallel_loop3A_388 : vector<16xf32> to vector<16xf32>
        %parallel_loop3A_390 = arith.constant 288 : i32
        %parallel_loop3A_391 = arith.addi %parallel_loop3A_299, %parallel_loop3A_390 : i32
        %parallel_loop3A_392 = arith.index_cast %parallel_loop3A_391 : i32 to index
        %parallel_loop3A_393 = tpu.vector_load %arg5[%parallel_loop3A_392] {strides = array<i32>} : memref<50000xf32, #tpu.memory_space<vmem>>, vector<16xf32>,
        %parallel_loop3A_394 = vector.shape_cast %parallel_loop3A_393 : vector<16xf32> to vector<16xf32>
        %parallel_loop3A_395 = arith.constant 304 : i32
        %parallel_loop3A_396 = arith.addi %parallel_loop3A_299, %parallel_loop3A_395 : i32
        %parallel_loop3A_397 = arith.index_cast %parallel_loop3A_396 : i32 to index
        %parallel_loop3A_398 = tpu.vector_load %arg5[%parallel_loop3A_397] {strides = array<i32>} : memref<50000xf32, #tpu.memory_space<vmem>>, vector<16xf32>,
        %parallel_loop3A_399 = vector.shape_cast %parallel_loop3A_398 : vector<16xf32> to vector<16xf32>
        %parallel_loop3A_400 = arith.constant 320 : i32
        %parallel_loop3A_401 = arith.addi %parallel_loop3A_299, %parallel_loop3A_400 : i32
        %parallel_loop3A_402 = arith.index_cast %parallel_loop3A_401 : i32 to index
        %parallel_loop3A_403 = tpu.vector_load %arg5[%parallel_loop3A_402] {strides = array<i32>} : memref<50000xf32, #tpu.memory_space<vmem>>, vector<16xf32>,
        %parallel_loop3A_404 = vector.shape_cast %parallel_loop3A_403 : vector<16xf32> to vector<16xf32>
        %parallel_loop3A_405 = arith.constant 336 : i32
        %parallel_loop3A_406 = arith.addi %parallel_loop3A_299, %parallel_loop3A_405 : i32
        %parallel_loop3A_407 = arith.index_cast %parallel_loop3A_406 : i32 to index
        %parallel_loop3A_408 = tpu.vector_load %arg5[%parallel_loop3A_407] {strides = array<i32>} : memref<50000xf32, #tpu.memory_space<vmem>>, vector<16xf32>,
        %parallel_loop3A_409 = vector.shape_cast %parallel_loop3A_408 : vector<16xf32> to vector<16xf32>
        %parallel_loop3A_410 = arith.constant 352 : i32
        %parallel_loop3A_411 = arith.addi %parallel_loop3A_299, %parallel_loop3A_410 : i32
        %parallel_loop3A_412 = arith.index_cast %parallel_loop3A_411 : i32 to index
        %parallel_loop3A_413 = tpu.vector_load %arg5[%parallel_loop3A_412] {strides = array<i32>} : memref<50000xf32, #tpu.memory_space<vmem>>, vector<16xf32>,
        %parallel_loop3A_414 = vector.shape_cast %parallel_loop3A_413 : vector<16xf32> to vector<16xf32>
        %parallel_loop3A_415 = arith.constant 368 : i32
        %parallel_loop3A_416 = arith.addi %parallel_loop3A_299, %parallel_loop3A_415 : i32
        %parallel_loop3A_417 = arith.index_cast %parallel_loop3A_416 : i32 to index
        %parallel_loop3A_418 = tpu.vector_load %arg5[%parallel_loop3A_417] {strides = array<i32>} : memref<50000xf32, #tpu.memory_space<vmem>>, vector<16xf32>,
        %parallel_loop3A_419 = vector.shape_cast %parallel_loop3A_418 : vector<16xf32> to vector<16xf32>
        %parallel_loop3A_420 = arith.constant 384 : i32
        %parallel_loop3A_421 = arith.addi %parallel_loop3A_299, %parallel_loop3A_420 : i32
        %parallel_loop3A_422 = arith.index_cast %parallel_loop3A_421 : i32 to index
        %parallel_loop3A_423 = tpu.vector_load %arg5[%parallel_loop3A_422] {strides = array<i32>} : memref<50000xf32, #tpu.memory_space<vmem>>, vector<16xf32>,
        %parallel_loop3A_424 = vector.shape_cast %parallel_loop3A_423 : vector<16xf32> to vector<16xf32>
        %parallel_loop3A_425 = arith.maximumf %parallel_loop3A_304, %parallel_loop3A_309 : vector<16xf32>
        %parallel_loop3A_426 = arith.maximumf %parallel_loop3A_314, %parallel_loop3A_319 : vector<16xf32>
        %parallel_loop3A_427 = arith.maximumf %parallel_loop3A_324, %parallel_loop3A_329 : vector<16xf32>
        %parallel_loop3A_428 = arith.maximumf %parallel_loop3A_334, %parallel_loop3A_339 : vector<16xf32>
        %parallel_loop3A_429 = arith.maximumf %parallel_loop3A_344, %parallel_loop3A_349 : vector<16xf32>
        %parallel_loop3A_430 = arith.maximumf %parallel_loop3A_354, %parallel_loop3A_359 : vector<16xf32>
        %parallel_loop3A_431 = arith.maximumf %parallel_loop3A_364, %parallel_loop3A_369 : vector<16xf32>
        %parallel_loop3A_432 = arith.maximumf %parallel_loop3A_374, %parallel_loop3A_379 : vector<16xf32>
        %parallel_loop3A_433 = arith.maximumf %parallel_loop3A_384, %parallel_loop3A_389 : vector<16xf32>
        %parallel_loop3A_434 = arith.maximumf %parallel_loop3A_394, %parallel_loop3A_399 : vector<16xf32>
        %parallel_loop3A_435 = arith.maximumf %parallel_loop3A_404, %parallel_loop3A_409 : vector<16xf32>
        %parallel_loop3A_436 = arith.maximumf %parallel_loop3A_414, %parallel_loop3A_419 : vector<16xf32>
        %parallel_loop3A_437 = arith.maximumf %parallel_loop3A_425, %parallel_loop3A_426 : vector<16xf32>
        %parallel_loop3A_438 = arith.maximumf %parallel_loop3A_427, %parallel_loop3A_428 : vector<16xf32>
        %parallel_loop3A_439 = arith.maximumf %parallel_loop3A_429, %parallel_loop3A_430 : vector<16xf32>
        %parallel_loop3A_440 = arith.maximumf %parallel_loop3A_431, %parallel_loop3A_432 : vector<16xf32>
        %parallel_loop3A_441 = arith.maximumf %parallel_loop3A_433, %parallel_loop3A_434 : vector<16xf32>
        %parallel_loop3A_442 = arith.maximumf %parallel_loop3A_435, %parallel_loop3A_436 : vector<16xf32>
        %parallel_loop3A_443 = arith.maximumf %parallel_loop3A_437, %parallel_loop3A_438 : vector<16xf32>
        %parallel_loop3A_444 = arith.maximumf %parallel_loop3A_439, %parallel_loop3A_440 : vector<16xf32>
        %parallel_loop3A_445 = arith.maximumf %parallel_loop3A_441, %parallel_loop3A_442 : vector<16xf32>
        %parallel_loop3A_446 = arith.maximumf %parallel_loop3A_443, %parallel_loop3A_444 : vector<16xf32>
        %parallel_loop3A_447 = arith.maximumf %parallel_loop3A_445, %parallel_loop3A_424 : vector<16xf32>
        %parallel_loop3A_448 = arith.maximumf %parallel_loop3A_446, %parallel_loop3A_447 : vector<16xf32>
        %parallel_loop3A_449 = arith.constant 16 : i32
        %parallel_loop3A_450 = arith.muli %parallel_loop3A_297, %parallel_loop3A_449 : i32
        %parallel_loop3A_451 = arith.index_cast %parallel_loop3A_450 : i32 to index
        %parallel_loop3A_452 = tpu.vector_load %arg7[%parallel_loop3A_451] {strides = array<i32>} : memref<2000xf32, #tpu.memory_space<vmem>>, vector<16xf32>,
        %parallel_loop3A_453 = vector.shape_cast %parallel_loop3A_452 : vector<16xf32> to vector<16xf32>
        %parallel_loop3A_454 = vector.shape_cast %parallel_loop3A_448 : vector<16xf32> to vector<16xf32>
        tpu.vector_store %arg7[%parallel_loop3A_451], %parallel_loop3A_454 {strides = array<i32>} : memref<2000xf32, #tpu.memory_space<vmem>>, vector<16xf32>,
      } {sc.loop_unroll_factor = 4 : i64, sc.parallel_access}
      %broadcast_in_dim3A_102 = arith.constant -3.000000e+38 : f32
      %broadcast_in_dim3A_103 = vector.broadcast %broadcast_in_dim3A_102 : f32 to vector<16xf32>
      %scan3A_104 = arith.constant 0 : i32
      %scan3A_105 = arith.constant 125 : i32
      %scan3A_106 = arith.addi %scan3A_104, %scan3A_105 : i32
      %scan3A_107 = arith.constant 1 : i32
      %scan3A_108 = scf.for %scan3A_297 = %scan3A_104 to %scan3A_106 step %scan3A_107 iter_args(%scan3A_298 = %broadcast_in_dim3A_103) -> (vector<16xf32>)  : i32 {
        %mul3A_299 = arith.constant 16 : i32
        %mul3A_300 = arith.muli %scan3A_297, %mul3A_299 : i32
        %get3A_301 = arith.index_cast %mul3A_300 : i32 to index
        %get3A_302 = tpu.vector_load %arg7[%get3A_301] {strides = array<i32>} : memref<2000xf32, #tpu.memory_space<vmem>>, vector<16xf32>,
        %get3A_303 = vector.shape_cast %get3A_302 : vector<16xf32> to vector<16xf32>
        %max3A_304 = arith.maximumf %scan3A_298, %get3A_303 : vector<16xf32>
        scf.yield %max3A_304 : vector<16xf32>
      }
      %scan3A_109 = arith.constant 125 : i32
      %slice3A = vector.extract_strided_slice %scan3A_108 {offsets = [0], sizes = [1], strides = [1]} : vector<16xf32> to vector<1xf32>
      %squeeze3A = vector.extract %slice3A[0] : f32 from vector<1xf32>
      %slice3A_110 = vector.extract_strided_slice %scan3A_108 {offsets = [1], sizes = [1], strides = [1]} : vector<16xf32> to vector<1xf32>
      %squeeze3A_111 = vector.extract %slice3A_110[0] : f32 from vector<1xf32>
      %max3A = arith.maximumf %squeeze3A, %squeeze3A_111 : f32
      %slice3A_112 = vector.extract_strided_slice %scan3A_108 {offsets = [2], sizes = [1], strides = [1]} : vector<16xf32> to vector<1xf32>
      %squeeze3A_113 = vector.extract %slice3A_112[0] : f32 from vector<1xf32>
      %max3A_114 = arith.maximumf %max3A, %squeeze3A_113 : f32
      %slice3A_115 = vector.extract_strided_slice %scan3A_108 {offsets = [3], sizes = [1], strides = [1]} : vector<16xf32> to vector<1xf32>
      %squeeze3A_116 = vector.extract %slice3A_115[0] : f32 from vector<1xf32>
      %max3A_117 = arith.maximumf %max3A_114, %squeeze3A_116 : f32
      %slice3A_118 = vector.extract_strided_slice %scan3A_108 {offsets = [4], sizes = [1], strides = [1]} : vector<16xf32> to vector<1xf32>
      %squeeze3A_119 = vector.extract %slice3A_118[0] : f32 from vector<1xf32>
      %max3A_120 = arith.maximumf %max3A_117, %squeeze3A_119 : f32
      %slice3A_121 = vector.extract_strided_slice %scan3A_108 {offsets = [5], sizes = [1], strides = [1]} : vector<16xf32> to vector<1xf32>
      %squeeze3A_122 = vector.extract %slice3A_121[0] : f32 from vector<1xf32>
      %max3A_123 = arith.maximumf %max3A_120, %squeeze3A_122 : f32
      %slice3A_124 = vector.extract_strided_slice %scan3A_108 {offsets = [6], sizes = [1], strides = [1]} : vector<16xf32> to vector<1xf32>
      %squeeze3A_125 = vector.extract %slice3A_124[0] : f32 from vector<1xf32>
      %max3A_126 = arith.maximumf %max3A_123, %squeeze3A_125 : f32
      %slice3A_127 = vector.extract_strided_slice %scan3A_108 {offsets = [7], sizes = [1], strides = [1]} : vector<16xf32> to vector<1xf32>
      %squeeze3A_128 = vector.extract %slice3A_127[0] : f32 from vector<1xf32>
      %max3A_129 = arith.maximumf %max3A_126, %squeeze3A_128 : f32
      %slice3A_130 = vector.extract_strided_slice %scan3A_108 {offsets = [8], sizes = [1], strides = [1]} : vector<16xf32> to vector<1xf32>
      %squeeze3A_131 = vector.extract %slice3A_130[0] : f32 from vector<1xf32>
      %max3A_132 = arith.maximumf %max3A_129, %squeeze3A_131 : f32
      %slice3A_133 = vector.extract_strided_slice %scan3A_108 {offsets = [9], sizes = [1], strides = [1]} : vector<16xf32> to vector<1xf32>
      %squeeze3A_134 = vector.extract %slice3A_133[0] : f32 from vector<1xf32>
      %max3A_135 = arith.maximumf %max3A_132, %squeeze3A_134 : f32
      %slice3A_136 = vector.extract_strided_slice %scan3A_108 {offsets = [10], sizes = [1], strides = [1]} : vector<16xf32> to vector<1xf32>
      %squeeze3A_137 = vector.extract %slice3A_136[0] : f32 from vector<1xf32>
      %max3A_138 = arith.maximumf %max3A_135, %squeeze3A_137 : f32
      %slice3A_139 = vector.extract_strided_slice %scan3A_108 {offsets = [11], sizes = [1], strides = [1]} : vector<16xf32> to vector<1xf32>
      %squeeze3A_140 = vector.extract %slice3A_139[0] : f32 from vector<1xf32>
      %max3A_141 = arith.maximumf %max3A_138, %squeeze3A_140 : f32
      %slice3A_142 = vector.extract_strided_slice %scan3A_108 {offsets = [12], sizes = [1], strides = [1]} : vector<16xf32> to vector<1xf32>
      %squeeze3A_143 = vector.extract %slice3A_142[0] : f32 from vector<1xf32>
      %max3A_144 = arith.maximumf %max3A_141, %squeeze3A_143 : f32
      %slice3A_145 = vector.extract_strided_slice %scan3A_108 {offsets = [13], sizes = [1], strides = [1]} : vector<16xf32> to vector<1xf32>
      %squeeze3A_146 = vector.extract %slice3A_145[0] : f32 from vector<1xf32>
      %max3A_147 = arith.maximumf %max3A_144, %squeeze3A_146 : f32
      %slice3A_148 = vector.extract_strided_slice %scan3A_108 {offsets = [14], sizes = [1], strides = [1]} : vector<16xf32> to vector<1xf32>
      %squeeze3A_149 = vector.extract %slice3A_148[0] : f32 from vector<1xf32>
      %max3A_150 = arith.maximumf %max3A_147, %squeeze3A_149 : f32
      %slice3A_151 = vector.extract_strided_slice %scan3A_108 {offsets = [15], sizes = [1], strides = [1]} : vector<16xf32> to vector<1xf32>
      %squeeze3A_152 = vector.extract %slice3A_151[0] : f32 from vector<1xf32>
      %max3A_153 = arith.maximumf %max3A_150, %squeeze3A_152 : f32
      %gt3A = arith.cmpf ogt, %max3A_153, %scan3A_68 : f32
      %convert_element_type3A = arith.extui %gt3A : i1 to i32
      %scan3A_154 = arith.constant 0 : i32
      %scan3A_155 = arith.constant 3.000000e+38 : f32
      %scan3A_156 = arith.constant -1 : i32
      %scan3A_157 = arith.constant 0 : i32
      %scan3A_158 = arith.constant 32 : i32
      %scan3A_159 = arith.addi %scan3A_157, %scan3A_158 : i32
      %scan3A_160 = arith.constant 1 : i32
      %scan3A_161:5 = scf.for %scan3A_297 = %scan3A_157 to %scan3A_159 step %scan3A_160 iter_args(%scan3A_298 = %convert_element_type3A, %scan3A_299 = %scan3A_154, %scan3A_300 = %max3A_153, %scan3A_301 = %scan3A_155, %scan3A_302 = %scan3A_156) -> (i32, i32, f32, f32, i32)  : i32 {
        %while3A_303 = arith.constant 0 : i32
        %while3A_304 = arith.subi %scan3A_298, %while3A_303 : i32
        %while3A_305 = arith.addi %while3A_303, %while3A_304 : i32
        %while3A_306 = arith.constant 1 : i32
        %while3A_307 = arith.divsi %while3A_304, %while3A_306 : i32
        %while3A_308 = arith.muli %while3A_307, %while3A_306 : i32
        %while3A_309 = arith.addi %while3A_303, %while3A_308 : i32
        %while3A_310 = arith.constant 1 : i32
        %while3A_311:4 = scf.for %while3A_317 = %while3A_303 to %while3A_309 step %while3A_310 iter_args(%while3A_318 = %scan3A_299, %while3A_319 = %scan3A_300, %while3A_320 = %scan3A_301, %while3A_321 = %scan3A_302) -> (i32, f32, f32, i32)  : i32 {
          %broadcast_in_dim3A_322 = vector.broadcast %while3A_319 : f32 to vector<16xf32>
          %broadcast_in_dim3A_323 = arith.constant 2147483647 : i32
          %broadcast_in_dim3A_324 = vector.broadcast %broadcast_in_dim3A_323 : i32 to vector<16xi32>
          %scan3A_325 = arith.constant 0 : i32
          %scan3A_326 = arith.constant 125 : i32
          %scan3A_327 = arith.addi %scan3A_325, %scan3A_326 : i32
          %scan3A_328 = arith.constant 1 : i32
          %scan3A_329 = scf.for %scan3A_572 = %scan3A_325 to %scan3A_327 step %scan3A_328 iter_args(%scan3A_573 = %broadcast_in_dim3A_324) -> (vector<16xi32>)  : i32 {
            %mul3A_574 = arith.constant 16 : i32
            %mul3A_575 = arith.muli %scan3A_572, %mul3A_574 : i32
            %get3A_576 = arith.index_cast %mul3A_575 : i32 to index
            %get3A_577 = tpu.vector_load %arg7[%get3A_576] {strides = array<i32>} : memref<2000xf32, #tpu.memory_space<vmem>>, vector<16xf32>,
            %get3A_578 = vector.shape_cast %get3A_577 : vector<16xf32> to vector<16xf32>
            %eq3A_579 = arith.cmpf oeq, %get3A_578, %broadcast_in_dim3A_322 : vector<16xf32>
            %jit3A_580 = arith.constant 2147483647 : i32
            %broadcast_in_dim3A_581 = vector.broadcast %scan3A_572 : i32 to vector<16xi32>
            %broadcast_in_dim3A_582 = vector.broadcast %jit3A_580 : i32 to vector<16xi32>
            %select_n3A_583 = arith.select %eq3A_579, %broadcast_in_dim3A_581, %broadcast_in_dim3A_582 : vector<16xi1>, vector<16xi32>
            %min3A_584 = arith.minsi %scan3A_573, %select_n3A_583 : vector<16xi32>
            scf.yield %min3A_584 : vector<16xi32>
          }
          %scan3A_330 = arith.constant 125 : i32
          %slice3A_331 = vector.extract_strided_slice %scan3A_329 {offsets = [0], sizes = [1], strides = [1]} : vector<16xi32> to vector<1xi32>
          %squeeze3A_332 = vector.extract %slice3A_331[0] : i32 from vector<1xi32>
          %slice3A_333 = vector.extract_strided_slice %scan3A_329 {offsets = [1], sizes = [1], strides = [1]} : vector<16xi32> to vector<1xi32>
          %squeeze3A_334 = vector.extract %slice3A_333[0] : i32 from vector<1xi32>
          %min3A_335 = arith.minsi %squeeze3A_332, %squeeze3A_334 : i32
          %slice3A_336 = vector.extract_strided_slice %scan3A_329 {offsets = [2], sizes = [1], strides = [1]} : vector<16xi32> to vector<1xi32>
          %squeeze3A_337 = vector.extract %slice3A_336[0] : i32 from vector<1xi32>
          %min3A_338 = arith.minsi %min3A_335, %squeeze3A_337 : i32
          %slice3A_339 = vector.extract_strided_slice %scan3A_329 {offsets = [3], sizes = [1], strides = [1]} : vector<16xi32> to vector<1xi32>
          %squeeze3A_340 = vector.extract %slice3A_339[0] : i32 from vector<1xi32>
          %min3A_341 = arith.minsi %min3A_338, %squeeze3A_340 : i32
          %slice3A_342 = vector.extract_strided_slice %scan3A_329 {offsets = [4], sizes = [1], strides = [1]} : vector<16xi32> to vector<1xi32>
          %squeeze3A_343 = vector.extract %slice3A_342[0] : i32 from vector<1xi32>
          %min3A_344 = arith.minsi %min3A_341, %squeeze3A_343 : i32
          %slice3A_345 = vector.extract_strided_slice %scan3A_329 {offsets = [5], sizes = [1], strides = [1]} : vector<16xi32> to vector<1xi32>
          %squeeze3A_346 = vector.extract %slice3A_345[0] : i32 from vector<1xi32>
          %min3A_347 = arith.minsi %min3A_344, %squeeze3A_346 : i32
          %slice3A_348 = vector.extract_strided_slice %scan3A_329 {offsets = [6], sizes = [1], strides = [1]} : vector<16xi32> to vector<1xi32>
          %squeeze3A_349 = vector.extract %slice3A_348[0] : i32 from vector<1xi32>
          %min3A_350 = arith.minsi %min3A_347, %squeeze3A_349 : i32
          %slice3A_351 = vector.extract_strided_slice %scan3A_329 {offsets = [7], sizes = [1], strides = [1]} : vector<16xi32> to vector<1xi32>
          %squeeze3A_352 = vector.extract %slice3A_351[0] : i32 from vector<1xi32>
          %min3A_353 = arith.minsi %min3A_350, %squeeze3A_352 : i32
          %slice3A_354 = vector.extract_strided_slice %scan3A_329 {offsets = [8], sizes = [1], strides = [1]} : vector<16xi32> to vector<1xi32>
          %squeeze3A_355 = vector.extract %slice3A_354[0] : i32 from vector<1xi32>
          %min3A_356 = arith.minsi %min3A_353, %squeeze3A_355 : i32
          %slice3A_357 = vector.extract_strided_slice %scan3A_329 {offsets = [9], sizes = [1], strides = [1]} : vector<16xi32> to vector<1xi32>
          %squeeze3A_358 = vector.extract %slice3A_357[0] : i32 from vector<1xi32>
          %min3A_359 = arith.minsi %min3A_356, %squeeze3A_358 : i32
          %slice3A_360 = vector.extract_strided_slice %scan3A_329 {offsets = [10], sizes = [1], strides = [1]} : vector<16xi32> to vector<1xi32>
          %squeeze3A_361 = vector.extract %slice3A_360[0] : i32 from vector<1xi32>
          %min3A_362 = arith.minsi %min3A_359, %squeeze3A_361 : i32
          %slice3A_363 = vector.extract_strided_slice %scan3A_329 {offsets = [11], sizes = [1], strides = [1]} : vector<16xi32> to vector<1xi32>
          %squeeze3A_364 = vector.extract %slice3A_363[0] : i32 from vector<1xi32>
          %min3A_365 = arith.minsi %min3A_362, %squeeze3A_364 : i32
          %slice3A_366 = vector.extract_strided_slice %scan3A_329 {offsets = [12], sizes = [1], strides = [1]} : vector<16xi32> to vector<1xi32>
          %squeeze3A_367 = vector.extract %slice3A_366[0] : i32 from vector<1xi32>
          %min3A_368 = arith.minsi %min3A_365, %squeeze3A_367 : i32
          %slice3A_369 = vector.extract_strided_slice %scan3A_329 {offsets = [13], sizes = [1], strides = [1]} : vector<16xi32> to vector<1xi32>
          %squeeze3A_370 = vector.extract %slice3A_369[0] : i32 from vector<1xi32>
          %min3A_371 = arith.minsi %min3A_368, %squeeze3A_370 : i32
          %slice3A_372 = vector.extract_strided_slice %scan3A_329 {offsets = [14], sizes = [1], strides = [1]} : vector<16xi32> to vector<1xi32>
          %squeeze3A_373 = vector.extract %slice3A_372[0] : i32 from vector<1xi32>
          %min3A_374 = arith.minsi %min3A_371, %squeeze3A_373 : i32
          %slice3A_375 = vector.extract_strided_slice %scan3A_329 {offsets = [15], sizes = [1], strides = [1]} : vector<16xi32> to vector<1xi32>
          %squeeze3A_376 = vector.extract %slice3A_375[0] : i32 from vector<1xi32>
          %min3A_377 = arith.minsi %min3A_374, %squeeze3A_376 : i32
          %mul3A_378 = arith.constant 400 : i32
          %mul3A_379 = arith.muli %min3A_377, %mul3A_378 : i32
          %mul3A_380 = arith.constant 50000 : i32
          %mul3A_381 = arith.muli %mul3A_70, %mul3A_380 : i32
          %add3A_382 = arith.addi %mul3A_381, %mul3A_379 : i32
          %eq3A = arith.cmpf oeq, %while3A_319, %while3A_320 : f32
          %jit3A_383 = arith.constant -1 : i32
          %select_n3A_384 = arith.select %eq3A, %while3A_321, %jit3A_383 : i32
          %broadcast_in_dim3A_385 = vector.broadcast %select_n3A_384 : i32 to vector<16xi32>
          %broadcast_in_dim3A_386 = arith.constant 2147483647 : i32
          %broadcast_in_dim3A_387 = vector.broadcast %broadcast_in_dim3A_386 : i32 to vector<16xi32>
          %scan3A_388 = arith.constant 0 : i32
          %scan3A_389 = arith.constant 25 : i32
          %scan3A_390 = arith.addi %scan3A_388, %scan3A_389 : i32
          %scan3A_391 = arith.constant 1 : i32
          %scan3A_392 = scf.for %scan3A_572 = %scan3A_388 to %scan3A_390 step %scan3A_391 iter_args(%scan3A_573 = %broadcast_in_dim3A_387) -> (vector<16xi32>)  : i32 {
            %mul3A_574 = arith.constant 16 : i32
            %mul3A_575 = arith.muli %scan3A_572, %mul3A_574 : i32
            %add3A_576 = arith.addi %mul3A_379, %mul3A_575 : i32
            %get3A_577 = arith.index_cast %add3A_576 : i32 to index
            %get3A_578 = tpu.vector_load %arg5[%get3A_577] {strides = array<i32>} : memref<50000xf32, #tpu.memory_space<vmem>>, vector<16xf32>,
            %get3A_579 = vector.shape_cast %get3A_578 : vector<16xf32> to vector<16xf32>
            %mul3A_580 = arith.constant 16 : i32
            %mul3A_581 = arith.muli %scan3A_572, %mul3A_580 : i32
            %add3A_582 = arith.addi %add3A_382, %mul3A_581 : i32
            %add3A_583 = vector.broadcast %add3A_582 : i32 to vector<16xi32>
            %add3A_584 = arith.addi %iota3A, %add3A_583 : vector<16xi32>
            %eq3A_585 = arith.cmpf oeq, %get3A_579, %broadcast_in_dim3A_322 : vector<16xf32>
            %gt3A_586 = arith.cmpi sgt, %add3A_584, %broadcast_in_dim3A_385 : vector<16xi32>
            %and3A_587 = arith.andi %eq3A_585, %gt3A_586 : vector<16xi1>
            %jit3A_588 = arith.constant 2147483647 : i32
            %broadcast_in_dim3A_589 = vector.broadcast %jit3A_588 : i32 to vector<16xi32>
            %select_n3A_590 = arith.select %and3A_587, %add3A_584, %broadcast_in_dim3A_589 : vector<16xi1>, vector<16xi32>
            %min3A_591 = arith.minsi %scan3A_573, %select_n3A_590 : vector<16xi32>
            scf.yield %min3A_591 : vector<16xi32>
          }
          %scan3A_393 = arith.constant 25 : i32
          %slice3A_394 = vector.extract_strided_slice %scan3A_392 {offsets = [0], sizes = [1], strides = [1]} : vector<16xi32> to vector<1xi32>
          %squeeze3A_395 = vector.extract %slice3A_394[0] : i32 from vector<1xi32>
          %slice3A_396 = vector.extract_strided_slice %scan3A_392 {offsets = [1], sizes = [1], strides = [1]} : vector<16xi32> to vector<1xi32>
          %squeeze3A_397 = vector.extract %slice3A_396[0] : i32 from vector<1xi32>
          %min3A_398 = arith.minsi %squeeze3A_395, %squeeze3A_397 : i32
          %slice3A_399 = vector.extract_strided_slice %scan3A_392 {offsets = [2], sizes = [1], strides = [1]} : vector<16xi32> to vector<1xi32>
          %squeeze3A_400 = vector.extract %slice3A_399[0] : i32 from vector<1xi32>
          %min3A_401 = arith.minsi %min3A_398, %squeeze3A_400 : i32
          %slice3A_402 = vector.extract_strided_slice %scan3A_392 {offsets = [3], sizes = [1], strides = [1]} : vector<16xi32> to vector<1xi32>
          %squeeze3A_403 = vector.extract %slice3A_402[0] : i32 from vector<1xi32>
          %min3A_404 = arith.minsi %min3A_401, %squeeze3A_403 : i32
          %slice3A_405 = vector.extract_strided_slice %scan3A_392 {offsets = [4], sizes = [1], strides = [1]} : vector<16xi32> to vector<1xi32>
          %squeeze3A_406 = vector.extract %slice3A_405[0] : i32 from vector<1xi32>
          %min3A_407 = arith.minsi %min3A_404, %squeeze3A_406 : i32
          %slice3A_408 = vector.extract_strided_slice %scan3A_392 {offsets = [5], sizes = [1], strides = [1]} : vector<16xi32> to vector<1xi32>
          %squeeze3A_409 = vector.extract %slice3A_408[0] : i32 from vector<1xi32>
          %min3A_410 = arith.minsi %min3A_407, %squeeze3A_409 : i32
          %slice3A_411 = vector.extract_strided_slice %scan3A_392 {offsets = [6], sizes = [1], strides = [1]} : vector<16xi32> to vector<1xi32>
          %squeeze3A_412 = vector.extract %slice3A_411[0] : i32 from vector<1xi32>
          %min3A_413 = arith.minsi %min3A_410, %squeeze3A_412 : i32
          %slice3A_414 = vector.extract_strided_slice %scan3A_392 {offsets = [7], sizes = [1], strides = [1]} : vector<16xi32> to vector<1xi32>
          %squeeze3A_415 = vector.extract %slice3A_414[0] : i32 from vector<1xi32>
          %min3A_416 = arith.minsi %min3A_413, %squeeze3A_415 : i32
          %slice3A_417 = vector.extract_strided_slice %scan3A_392 {offsets = [8], sizes = [1], strides = [1]} : vector<16xi32> to vector<1xi32>
          %squeeze3A_418 = vector.extract %slice3A_417[0] : i32 from vector<1xi32>
          %min3A_419 = arith.minsi %min3A_416, %squeeze3A_418 : i32
          %slice3A_420 = vector.extract_strided_slice %scan3A_392 {offsets = [9], sizes = [1], strides = [1]} : vector<16xi32> to vector<1xi32>
          %squeeze3A_421 = vector.extract %slice3A_420[0] : i32 from vector<1xi32>
          %min3A_422 = arith.minsi %min3A_419, %squeeze3A_421 : i32
          %slice3A_423 = vector.extract_strided_slice %scan3A_392 {offsets = [10], sizes = [1], strides = [1]} : vector<16xi32> to vector<1xi32>
          %squeeze3A_424 = vector.extract %slice3A_423[0] : i32 from vector<1xi32>
          %min3A_425 = arith.minsi %min3A_422, %squeeze3A_424 : i32
          %slice3A_426 = vector.extract_strided_slice %scan3A_392 {offsets = [11], sizes = [1], strides = [1]} : vector<16xi32> to vector<1xi32>
          %squeeze3A_427 = vector.extract %slice3A_426[0] : i32 from vector<1xi32>
          %min3A_428 = arith.minsi %min3A_425, %squeeze3A_427 : i32
          %slice3A_429 = vector.extract_strided_slice %scan3A_392 {offsets = [12], sizes = [1], strides = [1]} : vector<16xi32> to vector<1xi32>
          %squeeze3A_430 = vector.extract %slice3A_429[0] : i32 from vector<1xi32>
          %min3A_431 = arith.minsi %min3A_428, %squeeze3A_430 : i32
          %slice3A_432 = vector.extract_strided_slice %scan3A_392 {offsets = [13], sizes = [1], strides = [1]} : vector<16xi32> to vector<1xi32>
          %squeeze3A_433 = vector.extract %slice3A_432[0] : i32 from vector<1xi32>
          %min3A_434 = arith.minsi %min3A_431, %squeeze3A_433 : i32
          %slice3A_435 = vector.extract_strided_slice %scan3A_392 {offsets = [14], sizes = [1], strides = [1]} : vector<16xi32> to vector<1xi32>
          %squeeze3A_436 = vector.extract %slice3A_435[0] : i32 from vector<1xi32>
          %min3A_437 = arith.minsi %min3A_434, %squeeze3A_436 : i32
          %slice3A_438 = vector.extract_strided_slice %scan3A_392 {offsets = [15], sizes = [1], strides = [1]} : vector<16xi32> to vector<1xi32>
          %squeeze3A_439 = vector.extract %slice3A_438[0] : i32 from vector<1xi32>
          %min3A_440 = arith.minsi %min3A_437, %squeeze3A_439 : i32
          %broadcast_in_dim3A_441 = vector.broadcast %min3A_440 : i32 to vector<16xi32>
          %jit3A_442 = arith.constant 16 : i32
          %div3A = arith.divsi %while3A_318, %jit3A_442 : i32
          %sign3A = arith.constant 0 : i32
          %sign3A_443 = arith.cmpi sgt, %while3A_318, %sign3A : i32
          %sign3A_444 = arith.extui %sign3A_443 : i1 to i32
          %sign3A_445 = arith.constant 0 : i32
          %sign3A_446 = arith.cmpi slt, %while3A_318, %sign3A_445 : i32
          %sign3A_447 = arith.extui %sign3A_446 : i1 to i32
          %sign3A_448 = arith.subi %sign3A_444, %sign3A_447 : i32
          %sign3A_449 = arith.constant 0 : i32
          %sign3A_450 = arith.cmpi sgt, %jit3A_442, %sign3A_449 : i32
          %sign3A_451 = arith.extui %sign3A_450 : i1 to i32
          %sign3A_452 = arith.constant 0 : i32
          %sign3A_453 = arith.cmpi slt, %jit3A_442, %sign3A_452 : i32
          %sign3A_454 = arith.extui %sign3A_453 : i1 to i32
          %sign3A_455 = arith.subi %sign3A_451, %sign3A_454 : i32
          %ne3A = arith.cmpi ne, %sign3A_448, %sign3A_455 : i32
          %rem3A = arith.remsi %while3A_318, %jit3A_442 : i32
          %ne3A_456 = arith.constant 0 : i32
          %ne3A_457 = arith.cmpi ne, %rem3A, %ne3A_456 : i32
          %and3A_458 = arith.andi %ne3A, %ne3A_457 : i1
          %sub3A = arith.constant 1 : i32
          %sub3A_459 = arith.subi %div3A, %sub3A : i32
          %select_n3A_460 = arith.select %and3A_458, %sub3A_459, %div3A : i32
          %mul3A_461 = arith.constant 16 : i32
          %mul3A_462 = arith.muli %select_n3A_460, %mul3A_461 : i32
          %add3A_463 = arith.constant 32 : i32
          %add3A_464 = arith.addi %add3A_463, %mul3A_462 : i32
          %jit3A_465 = arith.constant 16 : i32
          %eq3A_466 = arith.constant 0 : i32
          %eq3A_467 = arith.cmpi eq, %jit3A_465, %eq3A_466 : i32
          %jit3A_468 = arith.constant 1 : i32
          %select_n3A_469 = arith.select %eq3A_467, %jit3A_468, %jit3A_465 : i32
          %rem3A_470 = arith.remsi %while3A_318, %select_n3A_469 : i32
          %ne3A_471 = arith.constant 0 : i32
          %ne3A_472 = arith.cmpi ne, %rem3A_470, %ne3A_471 : i32
          %lt3A_473 = arith.constant 0 : i32
          %lt3A_474 = arith.cmpi slt, %rem3A_470, %lt3A_473 : i32
          %lt3A_475 = arith.constant 0 : i32
          %lt3A_476 = arith.cmpi slt, %select_n3A_469, %lt3A_475 : i32
          %ne3A_477 = arith.xori %lt3A_474, %lt3A_476 : i1
          %and3A_478 = arith.andi %ne3A_477, %ne3A_472 : i1
          %add3A_479 = arith.addi %rem3A_470, %select_n3A_469 : i32
          %select_n3A_480 = arith.select %and3A_478, %add3A_479, %rem3A_470 : i32
          %get3A_481 = arith.index_cast %add3A_464 : i32 to index
          %get3A_482 = tpu.vector_load %arg8[%get3A_481] {strides = array<i32>} : memref<64xf32, #tpu.memory_space<vmem>>, vector<16xf32>,
          %get3A_483 = vector.shape_cast %get3A_482 : vector<16xf32> to vector<16xf32>
          %get3A_484 = arith.index_cast %add3A_464 : i32 to index
          %get3A_485 = tpu.vector_load %arg9[%get3A_484] {strides = array<i32>} : memref<64xi32, #tpu.memory_space<vmem>>, vector<16xi32>,
          %get3A_486 = vector.shape_cast %get3A_485 : vector<16xi32> to vector<16xi32>
          %eq3A_487 = vector.broadcast %select_n3A_480 : i32 to vector<16xi32>
          %eq3A_488 = arith.cmpi eq, %iota3A, %eq3A_487 : vector<16xi32>
          %select_n3A_489 = arith.select %eq3A_488, %broadcast_in_dim3A_322, %get3A_483 : vector<16xi1>, vector<16xf32>
          %swap3A_490 = arith.index_cast %add3A_464 : i32 to index
          %swap3A_491 = tpu.vector_load %arg8[%swap3A_490] {strides = array<i32>} : memref<64xf32, #tpu.memory_space<vmem>>, vector<16xf32>,
          %swap3A_492 = vector.shape_cast %swap3A_491 : vector<16xf32> to vector<16xf32>
          %swap3A_493 = vector.shape_cast %select_n3A_489 : vector<16xf32> to vector<16xf32>
          tpu.vector_store %arg8[%swap3A_490], %swap3A_493 {strides = array<i32>} : memref<64xf32, #tpu.memory_space<vmem>>, vector<16xf32>,
          %eq3A_494 = vector.broadcast %select_n3A_480 : i32 to vector<16xi32>
          %eq3A_495 = arith.cmpi eq, %iota3A, %eq3A_494 : vector<16xi32>
          %select_n3A_496 = arith.select %eq3A_495, %broadcast_in_dim3A_441, %get3A_486 : vector<16xi1>, vector<16xi32>
          %swap3A_497 = arith.index_cast %add3A_464 : i32 to index
          %swap3A_498 = tpu.vector_load %arg9[%swap3A_497] {strides = array<i32>} : memref<64xi32, #tpu.memory_space<vmem>>, vector<16xi32>,
          %swap3A_499 = vector.shape_cast %swap3A_498 : vector<16xi32> to vector<16xi32>
          %swap3A_500 = vector.shape_cast %select_n3A_496 : vector<16xi32> to vector<16xi32>
          tpu.vector_store %arg9[%swap3A_497], %swap3A_500 {strides = array<i32>} : memref<64xi32, #tpu.memory_space<vmem>>, vector<16xi32>,
          %broadcast_in_dim3A_501 = arith.constant -3.000000e+38 : f32
          %broadcast_in_dim3A_502 = vector.broadcast %broadcast_in_dim3A_501 : f32 to vector<16xf32>
          %scan3A_503 = arith.constant 0 : i32
          %scan3A_504 = arith.constant 25 : i32
          %scan3A_505 = arith.addi %scan3A_503, %scan3A_504 : i32
          %scan3A_506 = arith.constant 1 : i32
          %scan3A_507 = scf.for %scan3A_572 = %scan3A_503 to %scan3A_505 step %scan3A_506 iter_args(%scan3A_573 = %broadcast_in_dim3A_502) -> (vector<16xf32>)  : i32 {
            %mul3A_574 = arith.constant 16 : i32
            %mul3A_575 = arith.muli %scan3A_572, %mul3A_574 : i32
            %add3A_576 = arith.addi %mul3A_379, %mul3A_575 : i32
            %get3A_577 = arith.index_cast %add3A_576 : i32 to index
            %get3A_578 = tpu.vector_load %arg5[%get3A_577] {strides = array<i32>} : memref<50000xf32, #tpu.memory_space<vmem>>, vector<16xf32>,
            %get3A_579 = vector.shape_cast %get3A_578 : vector<16xf32> to vector<16xf32>
            %mul3A_580 = arith.constant 16 : i32
            %mul3A_581 = arith.muli %scan3A_572, %mul3A_580 : i32
            %add3A_582 = arith.addi %add3A_382, %mul3A_581 : i32
            %add3A_583 = vector.broadcast %add3A_582 : i32 to vector<16xi32>
            %add3A_584 = arith.addi %iota3A, %add3A_583 : vector<16xi32>
            %gt3A_585 = arith.cmpf ogt, %get3A_579, %broadcast_in_dim3A_322 : vector<16xf32>
            %eq3A_586 = arith.cmpf oeq, %get3A_579, %broadcast_in_dim3A_322 : vector<16xf32>
            %le3A = arith.cmpi sle, %add3A_584, %broadcast_in_dim3A_441 : vector<16xi32>
            %and3A_587 = arith.andi %eq3A_586, %le3A : vector<16xi1>
            %or3A = arith.ori %gt3A_585, %and3A_587 : vector<16xi1>
            %jit3A_588 = arith.constant -3.000000e+38 : f32
            %broadcast_in_dim3A_589 = vector.broadcast %jit3A_588 : f32 to vector<16xf32>
            %select_n3A_590 = arith.select %or3A, %broadcast_in_dim3A_589, %get3A_579 : vector<16xi1>, vector<16xf32>
            %max3A_591 = arith.maximumf %scan3A_573, %select_n3A_590 : vector<16xf32>
            scf.yield %max3A_591 : vector<16xf32>
          }
          %scan3A_508 = arith.constant 25 : i32
          %mul3A_509 = arith.constant 16 : i32
          %mul3A_510 = arith.muli %min3A_377, %mul3A_509 : i32
          %swap3A_511 = arith.index_cast %mul3A_510 : i32 to index
          %swap3A_512 = tpu.vector_load %arg7[%swap3A_511] {strides = array<i32>} : memref<2000xf32, #tpu.memory_space<vmem>>, vector<16xf32>,
          %swap3A_513 = vector.shape_cast %swap3A_512 : vector<16xf32> to vector<16xf32>
          %swap3A_514 = vector.shape_cast %scan3A_507 : vector<16xf32> to vector<16xf32>
          tpu.vector_store %arg7[%swap3A_511], %swap3A_514 {strides = array<i32>} : memref<2000xf32, #tpu.memory_space<vmem>>, vector<16xf32>,
          %broadcast_in_dim3A_515 = arith.constant -3.000000e+38 : f32
          %broadcast_in_dim3A_516 = vector.broadcast %broadcast_in_dim3A_515 : f32 to vector<16xf32>
          %scan3A_517 = arith.constant 0 : i32
          %scan3A_518 = arith.constant 125 : i32
          %scan3A_519 = arith.addi %scan3A_517, %scan3A_518 : i32
          %scan3A_520 = arith.constant 1 : i32
          %scan3A_521 = scf.for %scan3A_572 = %scan3A_517 to %scan3A_519 step %scan3A_520 iter_args(%scan3A_573 = %broadcast_in_dim3A_516) -> (vector<16xf32>)  : i32 {
            %mul3A_574 = arith.constant 16 : i32
            %mul3A_575 = arith.muli %scan3A_572, %mul3A_574 : i32
            %get3A_576 = arith.index_cast %mul3A_575 : i32 to index
            %get3A_577 = tpu.vector_load %arg7[%get3A_576] {strides = array<i32>} : memref<2000xf32, #tpu.memory_space<vmem>>, vector<16xf32>,
            %get3A_578 = vector.shape_cast %get3A_577 : vector<16xf32> to vector<16xf32>
            %max3A_579 = arith.maximumf %scan3A_573, %get3A_578 : vector<16xf32>
            scf.yield %max3A_579 : vector<16xf32>
          }
          %scan3A_522 = arith.constant 125 : i32
          %slice3A_523 = vector.extract_strided_slice %scan3A_521 {offsets = [0], sizes = [1], strides = [1]} : vector<16xf32> to vector<1xf32>
          %squeeze3A_524 = vector.extract %slice3A_523[0] : f32 from vector<1xf32>
          %slice3A_525 = vector.extract_strided_slice %scan3A_521 {offsets = [1], sizes = [1], strides = [1]} : vector<16xf32> to vector<1xf32>
          %squeeze3A_526 = vector.extract %slice3A_525[0] : f32 from vector<1xf32>
          %max3A_527 = arith.maximumf %squeeze3A_524, %squeeze3A_526 : f32
          %slice3A_528 = vector.extract_strided_slice %scan3A_521 {offsets = [2], sizes = [1], strides = [1]} : vector<16xf32> to vector<1xf32>
          %squeeze3A_529 = vector.extract %slice3A_528[0] : f32 from vector<1xf32>
          %max3A_530 = arith.maximumf %max3A_527, %squeeze3A_529 : f32
          %slice3A_531 = vector.extract_strided_slice %scan3A_521 {offsets = [3], sizes = [1], strides = [1]} : vector<16xf32> to vector<1xf32>
          %squeeze3A_532 = vector.extract %slice3A_531[0] : f32 from vector<1xf32>
          %max3A_533 = arith.maximumf %max3A_530, %squeeze3A_532 : f32
          %slice3A_534 = vector.extract_strided_slice %scan3A_521 {offsets = [4], sizes = [1], strides = [1]} : vector<16xf32> to vector<1xf32>
          %squeeze3A_535 = vector.extract %slice3A_534[0] : f32 from vector<1xf32>
          %max3A_536 = arith.maximumf %max3A_533, %squeeze3A_535 : f32
          %slice3A_537 = vector.extract_strided_slice %scan3A_521 {offsets = [5], sizes = [1], strides = [1]} : vector<16xf32> to vector<1xf32>
          %squeeze3A_538 = vector.extract %slice3A_537[0] : f32 from vector<1xf32>
          %max3A_539 = arith.maximumf %max3A_536, %squeeze3A_538 : f32
          %slice3A_540 = vector.extract_strided_slice %scan3A_521 {offsets = [6], sizes = [1], strides = [1]} : vector<16xf32> to vector<1xf32>
          %squeeze3A_541 = vector.extract %slice3A_540[0] : f32 from vector<1xf32>
          %max3A_542 = arith.maximumf %max3A_539, %squeeze3A_541 : f32
          %slice3A_543 = vector.extract_strided_slice %scan3A_521 {offsets = [7], sizes = [1], strides = [1]} : vector<16xf32> to vector<1xf32>
          %squeeze3A_544 = vector.extract %slice3A_543[0] : f32 from vector<1xf32>
          %max3A_545 = arith.maximumf %max3A_542, %squeeze3A_544 : f32
          %slice3A_546 = vector.extract_strided_slice %scan3A_521 {offsets = [8], sizes = [1], strides = [1]} : vector<16xf32> to vector<1xf32>
          %squeeze3A_547 = vector.extract %slice3A_546[0] : f32 from vector<1xf32>
          %max3A_548 = arith.maximumf %max3A_545, %squeeze3A_547 : f32
          %slice3A_549 = vector.extract_strided_slice %scan3A_521 {offsets = [9], sizes = [1], strides = [1]} : vector<16xf32> to vector<1xf32>
          %squeeze3A_550 = vector.extract %slice3A_549[0] : f32 from vector<1xf32>
          %max3A_551 = arith.maximumf %max3A_548, %squeeze3A_550 : f32
          %slice3A_552 = vector.extract_strided_slice %scan3A_521 {offsets = [10], sizes = [1], strides = [1]} : vector<16xf32> to vector<1xf32>
          %squeeze3A_553 = vector.extract %slice3A_552[0] : f32 from vector<1xf32>
          %max3A_554 = arith.maximumf %max3A_551, %squeeze3A_553 : f32
          %slice3A_555 = vector.extract_strided_slice %scan3A_521 {offsets = [11], sizes = [1], strides = [1]} : vector<16xf32> to vector<1xf32>
          %squeeze3A_556 = vector.extract %slice3A_555[0] : f32 from vector<1xf32>
          %max3A_557 = arith.maximumf %max3A_554, %squeeze3A_556 : f32
          %slice3A_558 = vector.extract_strided_slice %scan3A_521 {offsets = [12], sizes = [1], strides = [1]} : vector<16xf32> to vector<1xf32>
          %squeeze3A_559 = vector.extract %slice3A_558[0] : f32 from vector<1xf32>
          %max3A_560 = arith.maximumf %max3A_557, %squeeze3A_559 : f32
          %slice3A_561 = vector.extract_strided_slice %scan3A_521 {offsets = [13], sizes = [1], strides = [1]} : vector<16xf32> to vector<1xf32>
          %squeeze3A_562 = vector.extract %slice3A_561[0] : f32 from vector<1xf32>
          %max3A_563 = arith.maximumf %max3A_560, %squeeze3A_562 : f32
          %slice3A_564 = vector.extract_strided_slice %scan3A_521 {offsets = [14], sizes = [1], strides = [1]} : vector<16xf32> to vector<1xf32>
          %squeeze3A_565 = vector.extract %slice3A_564[0] : f32 from vector<1xf32>
          %max3A_566 = arith.maximumf %max3A_563, %squeeze3A_565 : f32
          %slice3A_567 = vector.extract_strided_slice %scan3A_521 {offsets = [15], sizes = [1], strides = [1]} : vector<16xf32> to vector<1xf32>
          %squeeze3A_568 = vector.extract %slice3A_567[0] : f32 from vector<1xf32>
          %max3A_569 = arith.maximumf %max3A_566, %squeeze3A_568 : f32
          %add3A_570 = arith.constant 1 : i32
          %add3A_571 = arith.addi %while3A_318, %add3A_570 : i32
          scf.yield %add3A_571, %max3A_569, %while3A_319, %min3A_440 : i32, f32, f32, i32
        }
        %while3A_312 = arith.constant 1 : i32
        %while3A_313:4 = scf.for %while3A_317 = %while3A_309 to %while3A_305 step %while3A_312 iter_args(%while3A_318 = %while3A_311#0, %while3A_319 = %while3A_311#1, %while3A_320 = %while3A_311#2, %while3A_321 = %while3A_311#3) -> (i32, f32, f32, i32)  : i32 {
          %broadcast_in_dim3A_322 = vector.broadcast %while3A_319 : f32 to vector<16xf32>
          %broadcast_in_dim3A_323 = arith.constant 2147483647 : i32
          %broadcast_in_dim3A_324 = vector.broadcast %broadcast_in_dim3A_323 : i32 to vector<16xi32>
          %scan3A_325 = arith.constant 0 : i32
          %scan3A_326 = arith.constant 125 : i32
          %scan3A_327 = arith.addi %scan3A_325, %scan3A_326 : i32
          %scan3A_328 = arith.constant 1 : i32
          %scan3A_329 = scf.for %scan3A_572 = %scan3A_325 to %scan3A_327 step %scan3A_328 iter_args(%scan3A_573 = %broadcast_in_dim3A_324) -> (vector<16xi32>)  : i32 {
            %mul3A_574 = arith.constant 16 : i32
            %mul3A_575 = arith.muli %scan3A_572, %mul3A_574 : i32
            %get3A_576 = arith.index_cast %mul3A_575 : i32 to index
            %get3A_577 = tpu.vector_load %arg7[%get3A_576] {strides = array<i32>} : memref<2000xf32, #tpu.memory_space<vmem>>, vector<16xf32>,
            %get3A_578 = vector.shape_cast %get3A_577 : vector<16xf32> to vector<16xf32>
            %eq3A_579 = arith.cmpf oeq, %get3A_578, %broadcast_in_dim3A_322 : vector<16xf32>
            %jit3A_580 = arith.constant 2147483647 : i32
            %broadcast_in_dim3A_581 = vector.broadcast %scan3A_572 : i32 to vector<16xi32>
            %broadcast_in_dim3A_582 = vector.broadcast %jit3A_580 : i32 to vector<16xi32>
            %select_n3A_583 = arith.select %eq3A_579, %broadcast_in_dim3A_581, %broadcast_in_dim3A_582 : vector<16xi1>, vector<16xi32>
            %min3A_584 = arith.minsi %scan3A_573, %select_n3A_583 : vector<16xi32>
            scf.yield %min3A_584 : vector<16xi32>
          }
          %scan3A_330 = arith.constant 125 : i32
          %slice3A_331 = vector.extract_strided_slice %scan3A_329 {offsets = [0], sizes = [1], strides = [1]} : vector<16xi32> to vector<1xi32>
          %squeeze3A_332 = vector.extract %slice3A_331[0] : i32 from vector<1xi32>
          %slice3A_333 = vector.extract_strided_slice %scan3A_329 {offsets = [1], sizes = [1], strides = [1]} : vector<16xi32> to vector<1xi32>
          %squeeze3A_334 = vector.extract %slice3A_333[0] : i32 from vector<1xi32>
          %min3A_335 = arith.minsi %squeeze3A_332, %squeeze3A_334 : i32
          %slice3A_336 = vector.extract_strided_slice %scan3A_329 {offsets = [2], sizes = [1], strides = [1]} : vector<16xi32> to vector<1xi32>
          %squeeze3A_337 = vector.extract %slice3A_336[0] : i32 from vector<1xi32>
          %min3A_338 = arith.minsi %min3A_335, %squeeze3A_337 : i32
          %slice3A_339 = vector.extract_strided_slice %scan3A_329 {offsets = [3], sizes = [1], strides = [1]} : vector<16xi32> to vector<1xi32>
          %squeeze3A_340 = vector.extract %slice3A_339[0] : i32 from vector<1xi32>
          %min3A_341 = arith.minsi %min3A_338, %squeeze3A_340 : i32
          %slice3A_342 = vector.extract_strided_slice %scan3A_329 {offsets = [4], sizes = [1], strides = [1]} : vector<16xi32> to vector<1xi32>
          %squeeze3A_343 = vector.extract %slice3A_342[0] : i32 from vector<1xi32>
          %min3A_344 = arith.minsi %min3A_341, %squeeze3A_343 : i32
          %slice3A_345 = vector.extract_strided_slice %scan3A_329 {offsets = [5], sizes = [1], strides = [1]} : vector<16xi32> to vector<1xi32>
          %squeeze3A_346 = vector.extract %slice3A_345[0] : i32 from vector<1xi32>
          %min3A_347 = arith.minsi %min3A_344, %squeeze3A_346 : i32
          %slice3A_348 = vector.extract_strided_slice %scan3A_329 {offsets = [6], sizes = [1], strides = [1]} : vector<16xi32> to vector<1xi32>
          %squeeze3A_349 = vector.extract %slice3A_348[0] : i32 from vector<1xi32>
          %min3A_350 = arith.minsi %min3A_347, %squeeze3A_349 : i32
          %slice3A_351 = vector.extract_strided_slice %scan3A_329 {offsets = [7], sizes = [1], strides = [1]} : vector<16xi32> to vector<1xi32>
          %squeeze3A_352 = vector.extract %slice3A_351[0] : i32 from vector<1xi32>
          %min3A_353 = arith.minsi %min3A_350, %squeeze3A_352 : i32
          %slice3A_354 = vector.extract_strided_slice %scan3A_329 {offsets = [8], sizes = [1], strides = [1]} : vector<16xi32> to vector<1xi32>
          %squeeze3A_355 = vector.extract %slice3A_354[0] : i32 from vector<1xi32>
          %min3A_356 = arith.minsi %min3A_353, %squeeze3A_355 : i32
          %slice3A_357 = vector.extract_strided_slice %scan3A_329 {offsets = [9], sizes = [1], strides = [1]} : vector<16xi32> to vector<1xi32>
          %squeeze3A_358 = vector.extract %slice3A_357[0] : i32 from vector<1xi32>
          %min3A_359 = arith.minsi %min3A_356, %squeeze3A_358 : i32
          %slice3A_360 = vector.extract_strided_slice %scan3A_329 {offsets = [10], sizes = [1], strides = [1]} : vector<16xi32> to vector<1xi32>
          %squeeze3A_361 = vector.extract %slice3A_360[0] : i32 from vector<1xi32>
          %min3A_362 = arith.minsi %min3A_359, %squeeze3A_361 : i32
          %slice3A_363 = vector.extract_strided_slice %scan3A_329 {offsets = [11], sizes = [1], strides = [1]} : vector<16xi32> to vector<1xi32>
          %squeeze3A_364 = vector.extract %slice3A_363[0] : i32 from vector<1xi32>
          %min3A_365 = arith.minsi %min3A_362, %squeeze3A_364 : i32
          %slice3A_366 = vector.extract_strided_slice %scan3A_329 {offsets = [12], sizes = [1], strides = [1]} : vector<16xi32> to vector<1xi32>
          %squeeze3A_367 = vector.extract %slice3A_366[0] : i32 from vector<1xi32>
          %min3A_368 = arith.minsi %min3A_365, %squeeze3A_367 : i32
          %slice3A_369 = vector.extract_strided_slice %scan3A_329 {offsets = [13], sizes = [1], strides = [1]} : vector<16xi32> to vector<1xi32>
          %squeeze3A_370 = vector.extract %slice3A_369[0] : i32 from vector<1xi32>
          %min3A_371 = arith.minsi %min3A_368, %squeeze3A_370 : i32
          %slice3A_372 = vector.extract_strided_slice %scan3A_329 {offsets = [14], sizes = [1], strides = [1]} : vector<16xi32> to vector<1xi32>
          %squeeze3A_373 = vector.extract %slice3A_372[0] : i32 from vector<1xi32>
          %min3A_374 = arith.minsi %min3A_371, %squeeze3A_373 : i32
          %slice3A_375 = vector.extract_strided_slice %scan3A_329 {offsets = [15], sizes = [1], strides = [1]} : vector<16xi32> to vector<1xi32>
          %squeeze3A_376 = vector.extract %slice3A_375[0] : i32 from vector<1xi32>
          %min3A_377 = arith.minsi %min3A_374, %squeeze3A_376 : i32
          %mul3A_378 = arith.constant 400 : i32
          %mul3A_379 = arith.muli %min3A_377, %mul3A_378 : i32
          %mul3A_380 = arith.constant 50000 : i32
          %mul3A_381 = arith.muli %mul3A_70, %mul3A_380 : i32
          %add3A_382 = arith.addi %mul3A_381, %mul3A_379 : i32
          %eq3A = arith.cmpf oeq, %while3A_319, %while3A_320 : f32
          %jit3A_383 = arith.constant -1 : i32
          %select_n3A_384 = arith.select %eq3A, %while3A_321, %jit3A_383 : i32
          %broadcast_in_dim3A_385 = vector.broadcast %select_n3A_384 : i32 to vector<16xi32>
          %broadcast_in_dim3A_386 = arith.constant 2147483647 : i32
          %broadcast_in_dim3A_387 = vector.broadcast %broadcast_in_dim3A_386 : i32 to vector<16xi32>
          %scan3A_388 = arith.constant 0 : i32
          %scan3A_389 = arith.constant 25 : i32
          %scan3A_390 = arith.addi %scan3A_388, %scan3A_389 : i32
          %scan3A_391 = arith.constant 1 : i32
          %scan3A_392 = scf.for %scan3A_572 = %scan3A_388 to %scan3A_390 step %scan3A_391 iter_args(%scan3A_573 = %broadcast_in_dim3A_387) -> (vector<16xi32>)  : i32 {
            %mul3A_574 = arith.constant 16 : i32
            %mul3A_575 = arith.muli %scan3A_572, %mul3A_574 : i32
            %add3A_576 = arith.addi %mul3A_379, %mul3A_575 : i32
            %get3A_577 = arith.index_cast %add3A_576 : i32 to index
            %get3A_578 = tpu.vector_load %arg5[%get3A_577] {strides = array<i32>} : memref<50000xf32, #tpu.memory_space<vmem>>, vector<16xf32>,
            %get3A_579 = vector.shape_cast %get3A_578 : vector<16xf32> to vector<16xf32>
            %mul3A_580 = arith.constant 16 : i32
            %mul3A_581 = arith.muli %scan3A_572, %mul3A_580 : i32
            %add3A_582 = arith.addi %add3A_382, %mul3A_581 : i32
            %add3A_583 = vector.broadcast %add3A_582 : i32 to vector<16xi32>
            %add3A_584 = arith.addi %iota3A, %add3A_583 : vector<16xi32>
            %eq3A_585 = arith.cmpf oeq, %get3A_579, %broadcast_in_dim3A_322 : vector<16xf32>
            %gt3A_586 = arith.cmpi sgt, %add3A_584, %broadcast_in_dim3A_385 : vector<16xi32>
            %and3A_587 = arith.andi %eq3A_585, %gt3A_586 : vector<16xi1>
            %jit3A_588 = arith.constant 2147483647 : i32
            %broadcast_in_dim3A_589 = vector.broadcast %jit3A_588 : i32 to vector<16xi32>
            %select_n3A_590 = arith.select %and3A_587, %add3A_584, %broadcast_in_dim3A_589 : vector<16xi1>, vector<16xi32>
            %min3A_591 = arith.minsi %scan3A_573, %select_n3A_590 : vector<16xi32>
            scf.yield %min3A_591 : vector<16xi32>
          }
          %scan3A_393 = arith.constant 25 : i32
          %slice3A_394 = vector.extract_strided_slice %scan3A_392 {offsets = [0], sizes = [1], strides = [1]} : vector<16xi32> to vector<1xi32>
          %squeeze3A_395 = vector.extract %slice3A_394[0] : i32 from vector<1xi32>
          %slice3A_396 = vector.extract_strided_slice %scan3A_392 {offsets = [1], sizes = [1], strides = [1]} : vector<16xi32> to vector<1xi32>
          %squeeze3A_397 = vector.extract %slice3A_396[0] : i32 from vector<1xi32>
          %min3A_398 = arith.minsi %squeeze3A_395, %squeeze3A_397 : i32
          %slice3A_399 = vector.extract_strided_slice %scan3A_392 {offsets = [2], sizes = [1], strides = [1]} : vector<16xi32> to vector<1xi32>
          %squeeze3A_400 = vector.extract %slice3A_399[0] : i32 from vector<1xi32>
          %min3A_401 = arith.minsi %min3A_398, %squeeze3A_400 : i32
          %slice3A_402 = vector.extract_strided_slice %scan3A_392 {offsets = [3], sizes = [1], strides = [1]} : vector<16xi32> to vector<1xi32>
          %squeeze3A_403 = vector.extract %slice3A_402[0] : i32 from vector<1xi32>
          %min3A_404 = arith.minsi %min3A_401, %squeeze3A_403 : i32
          %slice3A_405 = vector.extract_strided_slice %scan3A_392 {offsets = [4], sizes = [1], strides = [1]} : vector<16xi32> to vector<1xi32>
          %squeeze3A_406 = vector.extract %slice3A_405[0] : i32 from vector<1xi32>
          %min3A_407 = arith.minsi %min3A_404, %squeeze3A_406 : i32
          %slice3A_408 = vector.extract_strided_slice %scan3A_392 {offsets = [5], sizes = [1], strides = [1]} : vector<16xi32> to vector<1xi32>
          %squeeze3A_409 = vector.extract %slice3A_408[0] : i32 from vector<1xi32>
          %min3A_410 = arith.minsi %min3A_407, %squeeze3A_409 : i32
          %slice3A_411 = vector.extract_strided_slice %scan3A_392 {offsets = [6], sizes = [1], strides = [1]} : vector<16xi32> to vector<1xi32>
          %squeeze3A_412 = vector.extract %slice3A_411[0] : i32 from vector<1xi32>
          %min3A_413 = arith.minsi %min3A_410, %squeeze3A_412 : i32
          %slice3A_414 = vector.extract_strided_slice %scan3A_392 {offsets = [7], sizes = [1], strides = [1]} : vector<16xi32> to vector<1xi32>
          %squeeze3A_415 = vector.extract %slice3A_414[0] : i32 from vector<1xi32>
          %min3A_416 = arith.minsi %min3A_413, %squeeze3A_415 : i32
          %slice3A_417 = vector.extract_strided_slice %scan3A_392 {offsets = [8], sizes = [1], strides = [1]} : vector<16xi32> to vector<1xi32>
          %squeeze3A_418 = vector.extract %slice3A_417[0] : i32 from vector<1xi32>
          %min3A_419 = arith.minsi %min3A_416, %squeeze3A_418 : i32
          %slice3A_420 = vector.extract_strided_slice %scan3A_392 {offsets = [9], sizes = [1], strides = [1]} : vector<16xi32> to vector<1xi32>
          %squeeze3A_421 = vector.extract %slice3A_420[0] : i32 from vector<1xi32>
          %min3A_422 = arith.minsi %min3A_419, %squeeze3A_421 : i32
          %slice3A_423 = vector.extract_strided_slice %scan3A_392 {offsets = [10], sizes = [1], strides = [1]} : vector<16xi32> to vector<1xi32>
          %squeeze3A_424 = vector.extract %slice3A_423[0] : i32 from vector<1xi32>
          %min3A_425 = arith.minsi %min3A_422, %squeeze3A_424 : i32
          %slice3A_426 = vector.extract_strided_slice %scan3A_392 {offsets = [11], sizes = [1], strides = [1]} : vector<16xi32> to vector<1xi32>
          %squeeze3A_427 = vector.extract %slice3A_426[0] : i32 from vector<1xi32>
          %min3A_428 = arith.minsi %min3A_425, %squeeze3A_427 : i32
          %slice3A_429 = vector.extract_strided_slice %scan3A_392 {offsets = [12], sizes = [1], strides = [1]} : vector<16xi32> to vector<1xi32>
          %squeeze3A_430 = vector.extract %slice3A_429[0] : i32 from vector<1xi32>
          %min3A_431 = arith.minsi %min3A_428, %squeeze3A_430 : i32
          %slice3A_432 = vector.extract_strided_slice %scan3A_392 {offsets = [13], sizes = [1], strides = [1]} : vector<16xi32> to vector<1xi32>
          %squeeze3A_433 = vector.extract %slice3A_432[0] : i32 from vector<1xi32>
          %min3A_434 = arith.minsi %min3A_431, %squeeze3A_433 : i32
          %slice3A_435 = vector.extract_strided_slice %scan3A_392 {offsets = [14], sizes = [1], strides = [1]} : vector<16xi32> to vector<1xi32>
          %squeeze3A_436 = vector.extract %slice3A_435[0] : i32 from vector<1xi32>
          %min3A_437 = arith.minsi %min3A_434, %squeeze3A_436 : i32
          %slice3A_438 = vector.extract_strided_slice %scan3A_392 {offsets = [15], sizes = [1], strides = [1]} : vector<16xi32> to vector<1xi32>
          %squeeze3A_439 = vector.extract %slice3A_438[0] : i32 from vector<1xi32>
          %min3A_440 = arith.minsi %min3A_437, %squeeze3A_439 : i32
          %broadcast_in_dim3A_441 = vector.broadcast %min3A_440 : i32 to vector<16xi32>
          %jit3A_442 = arith.constant 16 : i32
          %div3A = arith.divsi %while3A_318, %jit3A_442 : i32
          %sign3A = arith.constant 0 : i32
          %sign3A_443 = arith.cmpi sgt, %while3A_318, %sign3A : i32
          %sign3A_444 = arith.extui %sign3A_443 : i1 to i32
          %sign3A_445 = arith.constant 0 : i32
          %sign3A_446 = arith.cmpi slt, %while3A_318, %sign3A_445 : i32
          %sign3A_447 = arith.extui %sign3A_446 : i1 to i32
          %sign3A_448 = arith.subi %sign3A_444, %sign3A_447 : i32
          %sign3A_449 = arith.constant 0 : i32
          %sign3A_450 = arith.cmpi sgt, %jit3A_442, %sign3A_449 : i32
          %sign3A_451 = arith.extui %sign3A_450 : i1 to i32
          %sign3A_452 = arith.constant 0 : i32
          %sign3A_453 = arith.cmpi slt, %jit3A_442, %sign3A_452 : i32
          %sign3A_454 = arith.extui %sign3A_453 : i1 to i32
          %sign3A_455 = arith.subi %sign3A_451, %sign3A_454 : i32
          %ne3A = arith.cmpi ne, %sign3A_448, %sign3A_455 : i32
          %rem3A = arith.remsi %while3A_318, %jit3A_442 : i32
          %ne3A_456 = arith.constant 0 : i32
          %ne3A_457 = arith.cmpi ne, %rem3A, %ne3A_456 : i32
          %and3A_458 = arith.andi %ne3A, %ne3A_457 : i1
          %sub3A = arith.constant 1 : i32
          %sub3A_459 = arith.subi %div3A, %sub3A : i32
          %select_n3A_460 = arith.select %and3A_458, %sub3A_459, %div3A : i32
          %mul3A_461 = arith.constant 16 : i32
          %mul3A_462 = arith.muli %select_n3A_460, %mul3A_461 : i32
          %add3A_463 = arith.constant 32 : i32
          %add3A_464 = arith.addi %add3A_463, %mul3A_462 : i32
          %jit3A_465 = arith.constant 16 : i32
          %eq3A_466 = arith.constant 0 : i32
          %eq3A_467 = arith.cmpi eq, %jit3A_465, %eq3A_466 : i32
          %jit3A_468 = arith.constant 1 : i32
          %select_n3A_469 = arith.select %eq3A_467, %jit3A_468, %jit3A_465 : i32
          %rem3A_470 = arith.remsi %while3A_318, %select_n3A_469 : i32
          %ne3A_471 = arith.constant 0 : i32
          %ne3A_472 = arith.cmpi ne, %rem3A_470, %ne3A_471 : i32
          %lt3A_473 = arith.constant 0 : i32
          %lt3A_474 = arith.cmpi slt, %rem3A_470, %lt3A_473 : i32
          %lt3A_475 = arith.constant 0 : i32
          %lt3A_476 = arith.cmpi slt, %select_n3A_469, %lt3A_475 : i32
          %ne3A_477 = arith.xori %lt3A_474, %lt3A_476 : i1
          %and3A_478 = arith.andi %ne3A_477, %ne3A_472 : i1
          %add3A_479 = arith.addi %rem3A_470, %select_n3A_469 : i32
          %select_n3A_480 = arith.select %and3A_478, %add3A_479, %rem3A_470 : i32
          %get3A_481 = arith.index_cast %add3A_464 : i32 to index
          %get3A_482 = tpu.vector_load %arg8[%get3A_481] {strides = array<i32>} : memref<64xf32, #tpu.memory_space<vmem>>, vector<16xf32>,
          %get3A_483 = vector.shape_cast %get3A_482 : vector<16xf32> to vector<16xf32>
          %get3A_484 = arith.index_cast %add3A_464 : i32 to index
          %get3A_485 = tpu.vector_load %arg9[%get3A_484] {strides = array<i32>} : memref<64xi32, #tpu.memory_space<vmem>>, vector<16xi32>,
          %get3A_486 = vector.shape_cast %get3A_485 : vector<16xi32> to vector<16xi32>
          %eq3A_487 = vector.broadcast %select_n3A_480 : i32 to vector<16xi32>
          %eq3A_488 = arith.cmpi eq, %iota3A, %eq3A_487 : vector<16xi32>
          %select_n3A_489 = arith.select %eq3A_488, %broadcast_in_dim3A_322, %get3A_483 : vector<16xi1>, vector<16xf32>
          %swap3A_490 = arith.index_cast %add3A_464 : i32 to index
          %swap3A_491 = tpu.vector_load %arg8[%swap3A_490] {strides = array<i32>} : memref<64xf32, #tpu.memory_space<vmem>>, vector<16xf32>,
          %swap3A_492 = vector.shape_cast %swap3A_491 : vector<16xf32> to vector<16xf32>
          %swap3A_493 = vector.shape_cast %select_n3A_489 : vector<16xf32> to vector<16xf32>
          tpu.vector_store %arg8[%swap3A_490], %swap3A_493 {strides = array<i32>} : memref<64xf32, #tpu.memory_space<vmem>>, vector<16xf32>,
          %eq3A_494 = vector.broadcast %select_n3A_480 : i32 to vector<16xi32>
          %eq3A_495 = arith.cmpi eq, %iota3A, %eq3A_494 : vector<16xi32>
          %select_n3A_496 = arith.select %eq3A_495, %broadcast_in_dim3A_441, %get3A_486 : vector<16xi1>, vector<16xi32>
          %swap3A_497 = arith.index_cast %add3A_464 : i32 to index
          %swap3A_498 = tpu.vector_load %arg9[%swap3A_497] {strides = array<i32>} : memref<64xi32, #tpu.memory_space<vmem>>, vector<16xi32>,
          %swap3A_499 = vector.shape_cast %swap3A_498 : vector<16xi32> to vector<16xi32>
          %swap3A_500 = vector.shape_cast %select_n3A_496 : vector<16xi32> to vector<16xi32>
          tpu.vector_store %arg9[%swap3A_497], %swap3A_500 {strides = array<i32>} : memref<64xi32, #tpu.memory_space<vmem>>, vector<16xi32>,
          %broadcast_in_dim3A_501 = arith.constant -3.000000e+38 : f32
          %broadcast_in_dim3A_502 = vector.broadcast %broadcast_in_dim3A_501 : f32 to vector<16xf32>
          %scan3A_503 = arith.constant 0 : i32
          %scan3A_504 = arith.constant 25 : i32
          %scan3A_505 = arith.addi %scan3A_503, %scan3A_504 : i32
          %scan3A_506 = arith.constant 1 : i32
          %scan3A_507 = scf.for %scan3A_572 = %scan3A_503 to %scan3A_505 step %scan3A_506 iter_args(%scan3A_573 = %broadcast_in_dim3A_502) -> (vector<16xf32>)  : i32 {
            %mul3A_574 = arith.constant 16 : i32
            %mul3A_575 = arith.muli %scan3A_572, %mul3A_574 : i32
            %add3A_576 = arith.addi %mul3A_379, %mul3A_575 : i32
            %get3A_577 = arith.index_cast %add3A_576 : i32 to index
            %get3A_578 = tpu.vector_load %arg5[%get3A_577] {strides = array<i32>} : memref<50000xf32, #tpu.memory_space<vmem>>, vector<16xf32>,
            %get3A_579 = vector.shape_cast %get3A_578 : vector<16xf32> to vector<16xf32>
            %mul3A_580 = arith.constant 16 : i32
            %mul3A_581 = arith.muli %scan3A_572, %mul3A_580 : i32
            %add3A_582 = arith.addi %add3A_382, %mul3A_581 : i32
            %add3A_583 = vector.broadcast %add3A_582 : i32 to vector<16xi32>
            %add3A_584 = arith.addi %iota3A, %add3A_583 : vector<16xi32>
            %gt3A_585 = arith.cmpf ogt, %get3A_579, %broadcast_in_dim3A_322 : vector<16xf32>
            %eq3A_586 = arith.cmpf oeq, %get3A_579, %broadcast_in_dim3A_322 : vector<16xf32>
            %le3A = arith.cmpi sle, %add3A_584, %broadcast_in_dim3A_441 : vector<16xi32>
            %and3A_587 = arith.andi %eq3A_586, %le3A : vector<16xi1>
            %or3A = arith.ori %gt3A_585, %and3A_587 : vector<16xi1>
            %jit3A_588 = arith.constant -3.000000e+38 : f32
            %broadcast_in_dim3A_589 = vector.broadcast %jit3A_588 : f32 to vector<16xf32>
            %select_n3A_590 = arith.select %or3A, %broadcast_in_dim3A_589, %get3A_579 : vector<16xi1>, vector<16xf32>
            %max3A_591 = arith.maximumf %scan3A_573, %select_n3A_590 : vector<16xf32>
            scf.yield %max3A_591 : vector<16xf32>
          }
          %scan3A_508 = arith.constant 25 : i32
          %mul3A_509 = arith.constant 16 : i32
          %mul3A_510 = arith.muli %min3A_377, %mul3A_509 : i32
          %swap3A_511 = arith.index_cast %mul3A_510 : i32 to index
          %swap3A_512 = tpu.vector_load %arg7[%swap3A_511] {strides = array<i32>} : memref<2000xf32, #tpu.memory_space<vmem>>, vector<16xf32>,
          %swap3A_513 = vector.shape_cast %swap3A_512 : vector<16xf32> to vector<16xf32>
          %swap3A_514 = vector.shape_cast %scan3A_507 : vector<16xf32> to vector<16xf32>
          tpu.vector_store %arg7[%swap3A_511], %swap3A_514 {strides = array<i32>} : memref<2000xf32, #tpu.memory_space<vmem>>, vector<16xf32>,
          %broadcast_in_dim3A_515 = arith.constant -3.000000e+38 : f32
          %broadcast_in_dim3A_516 = vector.broadcast %broadcast_in_dim3A_515 : f32 to vector<16xf32>
          %scan3A_517 = arith.constant 0 : i32
          %scan3A_518 = arith.constant 125 : i32
          %scan3A_519 = arith.addi %scan3A_517, %scan3A_518 : i32
          %scan3A_520 = arith.constant 1 : i32
          %scan3A_521 = scf.for %scan3A_572 = %scan3A_517 to %scan3A_519 step %scan3A_520 iter_args(%scan3A_573 = %broadcast_in_dim3A_516) -> (vector<16xf32>)  : i32 {
            %mul3A_574 = arith.constant 16 : i32
            %mul3A_575 = arith.muli %scan3A_572, %mul3A_574 : i32
            %get3A_576 = arith.index_cast %mul3A_575 : i32 to index
            %get3A_577 = tpu.vector_load %arg7[%get3A_576] {strides = array<i32>} : memref<2000xf32, #tpu.memory_space<vmem>>, vector<16xf32>,
            %get3A_578 = vector.shape_cast %get3A_577 : vector<16xf32> to vector<16xf32>
            %max3A_579 = arith.maximumf %scan3A_573, %get3A_578 : vector<16xf32>
            scf.yield %max3A_579 : vector<16xf32>
          }
          %scan3A_522 = arith.constant 125 : i32
          %slice3A_523 = vector.extract_strided_slice %scan3A_521 {offsets = [0], sizes = [1], strides = [1]} : vector<16xf32> to vector<1xf32>
          %squeeze3A_524 = vector.extract %slice3A_523[0] : f32 from vector<1xf32>
          %slice3A_525 = vector.extract_strided_slice %scan3A_521 {offsets = [1], sizes = [1], strides = [1]} : vector<16xf32> to vector<1xf32>
          %squeeze3A_526 = vector.extract %slice3A_525[0] : f32 from vector<1xf32>
          %max3A_527 = arith.maximumf %squeeze3A_524, %squeeze3A_526 : f32
          %slice3A_528 = vector.extract_strided_slice %scan3A_521 {offsets = [2], sizes = [1], strides = [1]} : vector<16xf32> to vector<1xf32>
          %squeeze3A_529 = vector.extract %slice3A_528[0] : f32 from vector<1xf32>
          %max3A_530 = arith.maximumf %max3A_527, %squeeze3A_529 : f32
          %slice3A_531 = vector.extract_strided_slice %scan3A_521 {offsets = [3], sizes = [1], strides = [1]} : vector<16xf32> to vector<1xf32>
          %squeeze3A_532 = vector.extract %slice3A_531[0] : f32 from vector<1xf32>
          %max3A_533 = arith.maximumf %max3A_530, %squeeze3A_532 : f32
          %slice3A_534 = vector.extract_strided_slice %scan3A_521 {offsets = [4], sizes = [1], strides = [1]} : vector<16xf32> to vector<1xf32>
          %squeeze3A_535 = vector.extract %slice3A_534[0] : f32 from vector<1xf32>
          %max3A_536 = arith.maximumf %max3A_533, %squeeze3A_535 : f32
          %slice3A_537 = vector.extract_strided_slice %scan3A_521 {offsets = [5], sizes = [1], strides = [1]} : vector<16xf32> to vector<1xf32>
          %squeeze3A_538 = vector.extract %slice3A_537[0] : f32 from vector<1xf32>
          %max3A_539 = arith.maximumf %max3A_536, %squeeze3A_538 : f32
          %slice3A_540 = vector.extract_strided_slice %scan3A_521 {offsets = [6], sizes = [1], strides = [1]} : vector<16xf32> to vector<1xf32>
          %squeeze3A_541 = vector.extract %slice3A_540[0] : f32 from vector<1xf32>
          %max3A_542 = arith.maximumf %max3A_539, %squeeze3A_541 : f32
          %slice3A_543 = vector.extract_strided_slice %scan3A_521 {offsets = [7], sizes = [1], strides = [1]} : vector<16xf32> to vector<1xf32>
          %squeeze3A_544 = vector.extract %slice3A_543[0] : f32 from vector<1xf32>
          %max3A_545 = arith.maximumf %max3A_542, %squeeze3A_544 : f32
          %slice3A_546 = vector.extract_strided_slice %scan3A_521 {offsets = [8], sizes = [1], strides = [1]} : vector<16xf32> to vector<1xf32>
          %squeeze3A_547 = vector.extract %slice3A_546[0] : f32 from vector<1xf32>
          %max3A_548 = arith.maximumf %max3A_545, %squeeze3A_547 : f32
          %slice3A_549 = vector.extract_strided_slice %scan3A_521 {offsets = [9], sizes = [1], strides = [1]} : vector<16xf32> to vector<1xf32>
          %squeeze3A_550 = vector.extract %slice3A_549[0] : f32 from vector<1xf32>
          %max3A_551 = arith.maximumf %max3A_548, %squeeze3A_550 : f32
          %slice3A_552 = vector.extract_strided_slice %scan3A_521 {offsets = [10], sizes = [1], strides = [1]} : vector<16xf32> to vector<1xf32>
          %squeeze3A_553 = vector.extract %slice3A_552[0] : f32 from vector<1xf32>
          %max3A_554 = arith.maximumf %max3A_551, %squeeze3A_553 : f32
          %slice3A_555 = vector.extract_strided_slice %scan3A_521 {offsets = [11], sizes = [1], strides = [1]} : vector<16xf32> to vector<1xf32>
          %squeeze3A_556 = vector.extract %slice3A_555[0] : f32 from vector<1xf32>
          %max3A_557 = arith.maximumf %max3A_554, %squeeze3A_556 : f32
          %slice3A_558 = vector.extract_strided_slice %scan3A_521 {offsets = [12], sizes = [1], strides = [1]} : vector<16xf32> to vector<1xf32>
          %squeeze3A_559 = vector.extract %slice3A_558[0] : f32 from vector<1xf32>
          %max3A_560 = arith.maximumf %max3A_557, %squeeze3A_559 : f32
          %slice3A_561 = vector.extract_strided_slice %scan3A_521 {offsets = [13], sizes = [1], strides = [1]} : vector<16xf32> to vector<1xf32>
          %squeeze3A_562 = vector.extract %slice3A_561[0] : f32 from vector<1xf32>
          %max3A_563 = arith.maximumf %max3A_560, %squeeze3A_562 : f32
          %slice3A_564 = vector.extract_strided_slice %scan3A_521 {offsets = [14], sizes = [1], strides = [1]} : vector<16xf32> to vector<1xf32>
          %squeeze3A_565 = vector.extract %slice3A_564[0] : f32 from vector<1xf32>
          %max3A_566 = arith.maximumf %max3A_563, %squeeze3A_565 : f32
          %slice3A_567 = vector.extract_strided_slice %scan3A_521 {offsets = [15], sizes = [1], strides = [1]} : vector<16xf32> to vector<1xf32>
          %squeeze3A_568 = vector.extract %slice3A_567[0] : f32 from vector<1xf32>
          %max3A_569 = arith.maximumf %max3A_566, %squeeze3A_568 : f32
          %add3A_570 = arith.constant 1 : i32
          %add3A_571 = arith.addi %while3A_318, %add3A_570 : i32
          scf.yield %add3A_571, %max3A_569, %while3A_319, %min3A_440 : i32, f32, f32, i32
        }
        %gt3A_314 = arith.cmpf ogt, %while3A_313#1, %scan3A_68 : f32
        %lt3A = arith.constant 32 : i32
        %lt3A_315 = arith.cmpi slt, %while3A_313#0, %lt3A : i32
        %and3A = arith.andi %gt3A_314, %lt3A_315 : i1
        %convert_element_type3A_316 = arith.extui %and3A : i1 to i32
        scf.yield %convert_element_type3A_316, %while3A_313#0, %while3A_313#1, %while3A_313#2, %while3A_313#3 : i32, i32, f32, f32, i32
      }
      %scan3A_162 = arith.constant 32 : i32
      %gt3A_163 = arith.constant 0 : i32
      %gt3A_164 = arith.cmpi sgt, %scan3A_161#1, %gt3A_163 : i32
      %convert_element_type3A_165 = arith.extui %gt3A_164 : i1 to i32
      %while3A = arith.constant 0 : i32
      %while3A_166 = arith.subi %convert_element_type3A_165, %while3A : i32
      %while3A_167 = arith.addi %while3A, %while3A_166 : i32
      %while3A_168 = arith.constant 1 : i32
      %while3A_169 = arith.divsi %while3A_166, %while3A_168 : i32
      %while3A_170 = arith.muli %while3A_169, %while3A_168 : i32
      %while3A_171 = arith.addi %while3A, %while3A_170 : i32
      %while3A_172 = arith.constant 1 : i32
      %while3A_173 = scf.for %while3A_297 = %while3A to %while3A_171 step %while3A_172 iter_args(%while3A_298 = %scan3A_68) -> (f32)  : i32 {
        %broadcast_in_dim3A_299 = arith.constant -3.000000e+38 : f32
        %broadcast_in_dim3A_300 = vector.broadcast %broadcast_in_dim3A_299 : f32 to vector<16xf32>
        %broadcast_in_dim3A_301 = arith.constant -3.000000e+38 : f32
        %broadcast_in_dim3A_302 = vector.broadcast %broadcast_in_dim3A_301 : f32 to vector<16xf32>
        %broadcast_in_dim3A_303 = arith.constant 2147483647 : i32
        %broadcast_in_dim3A_304 = vector.broadcast %broadcast_in_dim3A_303 : i32 to vector<16xi32>
        %broadcast_in_dim3A_305 = arith.constant 2147483647 : i32
        %broadcast_in_dim3A_306 = vector.broadcast %broadcast_in_dim3A_305 : i32 to vector<16xi32>
        %scan3A_307 = arith.constant 0 : i32
        %scan3A_308 = arith.constant 32 : i32
        %scan3A_309 = arith.addi %scan3A_307, %scan3A_308 : i32
        %scan3A_310 = arith.constant 1 : i32
        %scan3A_311:4 = scf.for %scan3A_416 = %scan3A_307 to %scan3A_309 step %scan3A_310 iter_args(%scan3A_417 = %broadcast_in_dim3A_300, %scan3A_418 = %broadcast_in_dim3A_302, %scan3A_419 = %broadcast_in_dim3A_304, %scan3A_420 = %broadcast_in_dim3A_306) -> (vector<16xf32>, vector<16xf32>, vector<16xi32>, vector<16xi32>)  : i32 {
          %broadcast_in_dim3A_421 = arith.constant -3.000000e+38 : f32
          %broadcast_in_dim3A_422 = vector.broadcast %broadcast_in_dim3A_421 : f32 to vector<16xf32>
          %get3A_423 = arith.constant 0 : index
          %get3A_424 = tpu.vector_load %arg8[%get3A_423] {strides = array<i32>} : memref<64xf32, #tpu.memory_space<vmem>>, vector<16xf32>,
          %get3A_425 = vector.shape_cast %get3A_424 : vector<16xf32> to vector<16xf32>
          %max3A_426 = arith.maximumf %broadcast_in_dim3A_422, %get3A_425 : vector<16xf32>
          %get3A_427 = arith.constant 16 : index
          %get3A_428 = tpu.vector_load %arg8[%get3A_427] {strides = array<i32>} : memref<64xf32, #tpu.memory_space<vmem>>, vector<16xf32>,
          %get3A_429 = vector.shape_cast %get3A_428 : vector<16xf32> to vector<16xf32>
          %max3A_430 = arith.maximumf %max3A_426, %get3A_429 : vector<16xf32>
          %get3A_431 = arith.constant 32 : index
          %get3A_432 = tpu.vector_load %arg8[%get3A_431] {strides = array<i32>} : memref<64xf32, #tpu.memory_space<vmem>>, vector<16xf32>,
          %get3A_433 = vector.shape_cast %get3A_432 : vector<16xf32> to vector<16xf32>
          %max3A_434 = arith.maximumf %max3A_430, %get3A_433 : vector<16xf32>
          %get3A_435 = arith.constant 48 : index
          %get3A_436 = tpu.vector_load %arg8[%get3A_435] {strides = array<i32>} : memref<64xf32, #tpu.memory_space<vmem>>, vector<16xf32>,
          %get3A_437 = vector.shape_cast %get3A_436 : vector<16xf32> to vector<16xf32>
          %max3A_438 = arith.maximumf %max3A_434, %get3A_437 : vector<16xf32>
          %slice3A_439 = vector.extract_strided_slice %max3A_438 {offsets = [0], sizes = [1], strides = [1]} : vector<16xf32> to vector<1xf32>
          %squeeze3A_440 = vector.extract %slice3A_439[0] : f32 from vector<1xf32>
          %slice3A_441 = vector.extract_strided_slice %max3A_438 {offsets = [1], sizes = [1], strides = [1]} : vector<16xf32> to vector<1xf32>
          %squeeze3A_442 = vector.extract %slice3A_441[0] : f32 from vector<1xf32>
          %max3A_443 = arith.maximumf %squeeze3A_440, %squeeze3A_442 : f32
          %slice3A_444 = vector.extract_strided_slice %max3A_438 {offsets = [2], sizes = [1], strides = [1]} : vector<16xf32> to vector<1xf32>
          %squeeze3A_445 = vector.extract %slice3A_444[0] : f32 from vector<1xf32>
          %max3A_446 = arith.maximumf %max3A_443, %squeeze3A_445 : f32
          %slice3A_447 = vector.extract_strided_slice %max3A_438 {offsets = [3], sizes = [1], strides = [1]} : vector<16xf32> to vector<1xf32>
          %squeeze3A_448 = vector.extract %slice3A_447[0] : f32 from vector<1xf32>
          %max3A_449 = arith.maximumf %max3A_446, %squeeze3A_448 : f32
          %slice3A_450 = vector.extract_strided_slice %max3A_438 {offsets = [4], sizes = [1], strides = [1]} : vector<16xf32> to vector<1xf32>
          %squeeze3A_451 = vector.extract %slice3A_450[0] : f32 from vector<1xf32>
          %max3A_452 = arith.maximumf %max3A_449, %squeeze3A_451 : f32
          %slice3A_453 = vector.extract_strided_slice %max3A_438 {offsets = [5], sizes = [1], strides = [1]} : vector<16xf32> to vector<1xf32>
          %squeeze3A_454 = vector.extract %slice3A_453[0] : f32 from vector<1xf32>
          %max3A_455 = arith.maximumf %max3A_452, %squeeze3A_454 : f32
          %slice3A_456 = vector.extract_strided_slice %max3A_438 {offsets = [6], sizes = [1], strides = [1]} : vector<16xf32> to vector<1xf32>
          %squeeze3A_457 = vector.extract %slice3A_456[0] : f32 from vector<1xf32>
          %max3A_458 = arith.maximumf %max3A_455, %squeeze3A_457 : f32
          %slice3A_459 = vector.extract_strided_slice %max3A_438 {offsets = [7], sizes = [1], strides = [1]} : vector<16xf32> to vector<1xf32>
          %squeeze3A_460 = vector.extract %slice3A_459[0] : f32 from vector<1xf32>
          %max3A_461 = arith.maximumf %max3A_458, %squeeze3A_460 : f32
          %slice3A_462 = vector.extract_strided_slice %max3A_438 {offsets = [8], sizes = [1], strides = [1]} : vector<16xf32> to vector<1xf32>
          %squeeze3A_463 = vector.extract %slice3A_462[0] : f32 from vector<1xf32>
          %max3A_464 = arith.maximumf %max3A_461, %squeeze3A_463 : f32
          %slice3A_465 = vector.extract_strided_slice %max3A_438 {offsets = [9], sizes = [1], strides = [1]} : vector<16xf32> to vector<1xf32>
          %squeeze3A_466 = vector.extract %slice3A_465[0] : f32 from vector<1xf32>
          %max3A_467 = arith.maximumf %max3A_464, %squeeze3A_466 : f32
          %slice3A_468 = vector.extract_strided_slice %max3A_438 {offsets = [10], sizes = [1], strides = [1]} : vector<16xf32> to vector<1xf32>
          %squeeze3A_469 = vector.extract %slice3A_468[0] : f32 from vector<1xf32>
          %max3A_470 = arith.maximumf %max3A_467, %squeeze3A_469 : f32
          %slice3A_471 = vector.extract_strided_slice %max3A_438 {offsets = [11], sizes = [1], strides = [1]} : vector<16xf32> to vector<1xf32>
          %squeeze3A_472 = vector.extract %slice3A_471[0] : f32 from vector<1xf32>
          %max3A_473 = arith.maximumf %max3A_470, %squeeze3A_472 : f32
          %slice3A_474 = vector.extract_strided_slice %max3A_438 {offsets = [12], sizes = [1], strides = [1]} : vector<16xf32> to vector<1xf32>
          %squeeze3A_475 = vector.extract %slice3A_474[0] : f32 from vector<1xf32>
          %max3A_476 = arith.maximumf %max3A_473, %squeeze3A_475 : f32
          %slice3A_477 = vector.extract_strided_slice %max3A_438 {offsets = [13], sizes = [1], strides = [1]} : vector<16xf32> to vector<1xf32>
          %squeeze3A_478 = vector.extract %slice3A_477[0] : f32 from vector<1xf32>
          %max3A_479 = arith.maximumf %max3A_476, %squeeze3A_478 : f32
          %slice3A_480 = vector.extract_strided_slice %max3A_438 {offsets = [14], sizes = [1], strides = [1]} : vector<16xf32> to vector<1xf32>
          %squeeze3A_481 = vector.extract %slice3A_480[0] : f32 from vector<1xf32>
          %max3A_482 = arith.maximumf %max3A_479, %squeeze3A_481 : f32
          %slice3A_483 = vector.extract_strided_slice %max3A_438 {offsets = [15], sizes = [1], strides = [1]} : vector<16xf32> to vector<1xf32>
          %squeeze3A_484 = vector.extract %slice3A_483[0] : f32 from vector<1xf32>
          %max3A_485 = arith.maximumf %max3A_482, %squeeze3A_484 : f32
          %broadcast_in_dim3A_486 = vector.broadcast %max3A_485 : f32 to vector<16xf32>
          %broadcast_in_dim3A_487 = arith.constant 2147483647 : i32
          %broadcast_in_dim3A_488 = vector.broadcast %broadcast_in_dim3A_487 : i32 to vector<16xi32>
          %get3A_489 = arith.constant 0 : index
          %get3A_490 = tpu.vector_load %arg8[%get3A_489] {strides = array<i32>} : memref<64xf32, #tpu.memory_space<vmem>>, vector<16xf32>,
          %get3A_491 = vector.shape_cast %get3A_490 : vector<16xf32> to vector<16xf32>
          %get3A_492 = arith.constant 0 : index
          %get3A_493 = tpu.vector_load %arg9[%get3A_492] {strides = array<i32>} : memref<64xi32, #tpu.memory_space<vmem>>, vector<16xi32>,
          %get3A_494 = vector.shape_cast %get3A_493 : vector<16xi32> to vector<16xi32>
          %eq3A = arith.cmpf oeq, %get3A_491, %broadcast_in_dim3A_486 : vector<16xf32>
          %jit3A_495 = arith.constant 2147483647 : i32
          %broadcast_in_dim3A_496 = vector.broadcast %jit3A_495 : i32 to vector<16xi32>
          %select_n3A_497 = arith.select %eq3A, %get3A_494, %broadcast_in_dim3A_496 : vector<16xi1>, vector<16xi32>
          %min3A_498 = arith.minsi %broadcast_in_dim3A_488, %select_n3A_497 : vector<16xi32>
          %get3A_499 = arith.constant 16 : index
          %get3A_500 = tpu.vector_load %arg8[%get3A_499] {strides = array<i32>} : memref<64xf32, #tpu.memory_space<vmem>>, vector<16xf32>,
          %get3A_501 = vector.shape_cast %get3A_500 : vector<16xf32> to vector<16xf32>
          %get3A_502 = arith.constant 16 : index
          %get3A_503 = tpu.vector_load %arg9[%get3A_502] {strides = array<i32>} : memref<64xi32, #tpu.memory_space<vmem>>, vector<16xi32>,
          %get3A_504 = vector.shape_cast %get3A_503 : vector<16xi32> to vector<16xi32>
          %eq3A_505 = arith.cmpf oeq, %get3A_501, %broadcast_in_dim3A_486 : vector<16xf32>
          %jit3A_506 = arith.constant 2147483647 : i32
          %broadcast_in_dim3A_507 = vector.broadcast %jit3A_506 : i32 to vector<16xi32>
          %select_n3A_508 = arith.select %eq3A_505, %get3A_504, %broadcast_in_dim3A_507 : vector<16xi1>, vector<16xi32>
          %min3A_509 = arith.minsi %min3A_498, %select_n3A_508 : vector<16xi32>
          %get3A_510 = arith.constant 32 : index
          %get3A_511 = tpu.vector_load %arg8[%get3A_510] {strides = array<i32>} : memref<64xf32, #tpu.memory_space<vmem>>, vector<16xf32>,
          %get3A_512 = vector.shape_cast %get3A_511 : vector<16xf32> to vector<16xf32>
          %get3A_513 = arith.constant 32 : index
          %get3A_514 = tpu.vector_load %arg9[%get3A_513] {strides = array<i32>} : memref<64xi32, #tpu.memory_space<vmem>>, vector<16xi32>,
          %get3A_515 = vector.shape_cast %get3A_514 : vector<16xi32> to vector<16xi32>
          %eq3A_516 = arith.cmpf oeq, %get3A_512, %broadcast_in_dim3A_486 : vector<16xf32>
          %jit3A_517 = arith.constant 2147483647 : i32
          %broadcast_in_dim3A_518 = vector.broadcast %jit3A_517 : i32 to vector<16xi32>
          %select_n3A_519 = arith.select %eq3A_516, %get3A_515, %broadcast_in_dim3A_518 : vector<16xi1>, vector<16xi32>
          %min3A_520 = arith.minsi %min3A_509, %select_n3A_519 : vector<16xi32>
          %get3A_521 = arith.constant 48 : index
          %get3A_522 = tpu.vector_load %arg8[%get3A_521] {strides = array<i32>} : memref<64xf32, #tpu.memory_space<vmem>>, vector<16xf32>,
          %get3A_523 = vector.shape_cast %get3A_522 : vector<16xf32> to vector<16xf32>
          %get3A_524 = arith.constant 48 : index
          %get3A_525 = tpu.vector_load %arg9[%get3A_524] {strides = array<i32>} : memref<64xi32, #tpu.memory_space<vmem>>, vector<16xi32>,
          %get3A_526 = vector.shape_cast %get3A_525 : vector<16xi32> to vector<16xi32>
          %eq3A_527 = arith.cmpf oeq, %get3A_523, %broadcast_in_dim3A_486 : vector<16xf32>
          %jit3A_528 = arith.constant 2147483647 : i32
          %broadcast_in_dim3A_529 = vector.broadcast %jit3A_528 : i32 to vector<16xi32>
          %select_n3A_530 = arith.select %eq3A_527, %get3A_526, %broadcast_in_dim3A_529 : vector<16xi1>, vector<16xi32>
          %min3A_531 = arith.minsi %min3A_520, %select_n3A_530 : vector<16xi32>
          %slice3A_532 = vector.extract_strided_slice %min3A_531 {offsets = [0], sizes = [1], strides = [1]} : vector<16xi32> to vector<1xi32>
          %squeeze3A_533 = vector.extract %slice3A_532[0] : i32 from vector<1xi32>
          %slice3A_534 = vector.extract_strided_slice %min3A_531 {offsets = [1], sizes = [1], strides = [1]} : vector<16xi32> to vector<1xi32>
          %squeeze3A_535 = vector.extract %slice3A_534[0] : i32 from vector<1xi32>
          %min3A_536 = arith.minsi %squeeze3A_533, %squeeze3A_535 : i32
          %slice3A_537 = vector.extract_strided_slice %min3A_531 {offsets = [2], sizes = [1], strides = [1]} : vector<16xi32> to vector<1xi32>
          %squeeze3A_538 = vector.extract %slice3A_537[0] : i32 from vector<1xi32>
          %min3A_539 = arith.minsi %min3A_536, %squeeze3A_538 : i32
          %slice3A_540 = vector.extract_strided_slice %min3A_531 {offsets = [3], sizes = [1], strides = [1]} : vector<16xi32> to vector<1xi32>
          %squeeze3A_541 = vector.extract %slice3A_540[0] : i32 from vector<1xi32>
          %min3A_542 = arith.minsi %min3A_539, %squeeze3A_541 : i32
          %slice3A_543 = vector.extract_strided_slice %min3A_531 {offsets = [4], sizes = [1], strides = [1]} : vector<16xi32> to vector<1xi32>
          %squeeze3A_544 = vector.extract %slice3A_543[0] : i32 from vector<1xi32>
          %min3A_545 = arith.minsi %min3A_542, %squeeze3A_544 : i32
          %slice3A_546 = vector.extract_strided_slice %min3A_531 {offsets = [5], sizes = [1], strides = [1]} : vector<16xi32> to vector<1xi32>
          %squeeze3A_547 = vector.extract %slice3A_546[0] : i32 from vector<1xi32>
          %min3A_548 = arith.minsi %min3A_545, %squeeze3A_547 : i32
          %slice3A_549 = vector.extract_strided_slice %min3A_531 {offsets = [6], sizes = [1], strides = [1]} : vector<16xi32> to vector<1xi32>
          %squeeze3A_550 = vector.extract %slice3A_549[0] : i32 from vector<1xi32>
          %min3A_551 = arith.minsi %min3A_548, %squeeze3A_550 : i32
          %slice3A_552 = vector.extract_strided_slice %min3A_531 {offsets = [7], sizes = [1], strides = [1]} : vector<16xi32> to vector<1xi32>
          %squeeze3A_553 = vector.extract %slice3A_552[0] : i32 from vector<1xi32>
          %min3A_554 = arith.minsi %min3A_551, %squeeze3A_553 : i32
          %slice3A_555 = vector.extract_strided_slice %min3A_531 {offsets = [8], sizes = [1], strides = [1]} : vector<16xi32> to vector<1xi32>
          %squeeze3A_556 = vector.extract %slice3A_555[0] : i32 from vector<1xi32>
          %min3A_557 = arith.minsi %min3A_554, %squeeze3A_556 : i32
          %slice3A_558 = vector.extract_strided_slice %min3A_531 {offsets = [9], sizes = [1], strides = [1]} : vector<16xi32> to vector<1xi32>
          %squeeze3A_559 = vector.extract %slice3A_558[0] : i32 from vector<1xi32>
          %min3A_560 = arith.minsi %min3A_557, %squeeze3A_559 : i32
          %slice3A_561 = vector.extract_strided_slice %min3A_531 {offsets = [10], sizes = [1], strides = [1]} : vector<16xi32> to vector<1xi32>
          %squeeze3A_562 = vector.extract %slice3A_561[0] : i32 from vector<1xi32>
          %min3A_563 = arith.minsi %min3A_560, %squeeze3A_562 : i32
          %slice3A_564 = vector.extract_strided_slice %min3A_531 {offsets = [11], sizes = [1], strides = [1]} : vector<16xi32> to vector<1xi32>
          %squeeze3A_565 = vector.extract %slice3A_564[0] : i32 from vector<1xi32>
          %min3A_566 = arith.minsi %min3A_563, %squeeze3A_565 : i32
          %slice3A_567 = vector.extract_strided_slice %min3A_531 {offsets = [12], sizes = [1], strides = [1]} : vector<16xi32> to vector<1xi32>
          %squeeze3A_568 = vector.extract %slice3A_567[0] : i32 from vector<1xi32>
          %min3A_569 = arith.minsi %min3A_566, %squeeze3A_568 : i32
          %slice3A_570 = vector.extract_strided_slice %min3A_531 {offsets = [13], sizes = [1], strides = [1]} : vector<16xi32> to vector<1xi32>
          %squeeze3A_571 = vector.extract %slice3A_570[0] : i32 from vector<1xi32>
          %min3A_572 = arith.minsi %min3A_569, %squeeze3A_571 : i32
          %slice3A_573 = vector.extract_strided_slice %min3A_531 {offsets = [14], sizes = [1], strides = [1]} : vector<16xi32> to vector<1xi32>
          %squeeze3A_574 = vector.extract %slice3A_573[0] : i32 from vector<1xi32>
          %min3A_575 = arith.minsi %min3A_572, %squeeze3A_574 : i32
          %slice3A_576 = vector.extract_strided_slice %min3A_531 {offsets = [15], sizes = [1], strides = [1]} : vector<16xi32> to vector<1xi32>
          %squeeze3A_577 = vector.extract %slice3A_576[0] : i32 from vector<1xi32>
          %min3A_578 = arith.minsi %min3A_575, %squeeze3A_577 : i32
          %broadcast_in_dim3A_579 = vector.broadcast %min3A_578 : i32 to vector<16xi32>
          %get3A_580 = arith.constant 0 : index
          %get3A_581 = tpu.vector_load %arg8[%get3A_580] {strides = array<i32>} : memref<64xf32, #tpu.memory_space<vmem>>, vector<16xf32>,
          %get3A_582 = vector.shape_cast %get3A_581 : vector<16xf32> to vector<16xf32>
          %get3A_583 = arith.constant 0 : index
          %get3A_584 = tpu.vector_load %arg9[%get3A_583] {strides = array<i32>} : memref<64xi32, #tpu.memory_space<vmem>>, vector<16xi32>,
          %get3A_585 = vector.shape_cast %get3A_584 : vector<16xi32> to vector<16xi32>
          %eq3A_586 = arith.cmpi eq, %get3A_585, %broadcast_in_dim3A_579 : vector<16xi32>
          %jit3A_587 = arith.constant -3.000000e+38 : f32
          %broadcast_in_dim3A_588 = vector.broadcast %jit3A_587 : f32 to vector<16xf32>
          %select_n3A_589 = arith.select %eq3A_586, %broadcast_in_dim3A_588, %get3A_582 : vector<16xi1>, vector<16xf32>
          %swap3A_590 = arith.constant 0 : index
          %swap3A_591 = tpu.vector_load %arg8[%swap3A_590] {strides = array<i32>} : memref<64xf32, #tpu.memory_space<vmem>>, vector<16xf32>,
          %swap3A_592 = vector.shape_cast %swap3A_591 : vector<16xf32> to vector<16xf32>
          %swap3A_593 = vector.shape_cast %select_n3A_589 : vector<16xf32> to vector<16xf32>
          tpu.vector_store %arg8[%swap3A_590], %swap3A_593 {strides = array<i32>} : memref<64xf32, #tpu.memory_space<vmem>>, vector<16xf32>,
          %get3A_594 = arith.constant 16 : index
          %get3A_595 = tpu.vector_load %arg8[%get3A_594] {strides = array<i32>} : memref<64xf32, #tpu.memory_space<vmem>>, vector<16xf32>,
          %get3A_596 = vector.shape_cast %get3A_595 : vector<16xf32> to vector<16xf32>
          %get3A_597 = arith.constant 16 : index
          %get3A_598 = tpu.vector_load %arg9[%get3A_597] {strides = array<i32>} : memref<64xi32, #tpu.memory_space<vmem>>, vector<16xi32>,
          %get3A_599 = vector.shape_cast %get3A_598 : vector<16xi32> to vector<16xi32>
          %eq3A_600 = arith.cmpi eq, %get3A_599, %broadcast_in_dim3A_579 : vector<16xi32>
          %jit3A_601 = arith.constant -3.000000e+38 : f32
          %broadcast_in_dim3A_602 = vector.broadcast %jit3A_601 : f32 to vector<16xf32>
          %select_n3A_603 = arith.select %eq3A_600, %broadcast_in_dim3A_602, %get3A_596 : vector<16xi1>, vector<16xf32>
          %swap3A_604 = arith.constant 16 : index
          %swap3A_605 = tpu.vector_load %arg8[%swap3A_604] {strides = array<i32>} : memref<64xf32, #tpu.memory_space<vmem>>, vector<16xf32>,
          %swap3A_606 = vector.shape_cast %swap3A_605 : vector<16xf32> to vector<16xf32>
          %swap3A_607 = vector.shape_cast %select_n3A_603 : vector<16xf32> to vector<16xf32>
          tpu.vector_store %arg8[%swap3A_604], %swap3A_607 {strides = array<i32>} : memref<64xf32, #tpu.memory_space<vmem>>, vector<16xf32>,
          %get3A_608 = arith.constant 32 : index
          %get3A_609 = tpu.vector_load %arg8[%get3A_608] {strides = array<i32>} : memref<64xf32, #tpu.memory_space<vmem>>, vector<16xf32>,
          %get3A_610 = vector.shape_cast %get3A_609 : vector<16xf32> to vector<16xf32>
          %get3A_611 = arith.constant 32 : index
          %get3A_612 = tpu.vector_load %arg9[%get3A_611] {strides = array<i32>} : memref<64xi32, #tpu.memory_space<vmem>>, vector<16xi32>,
          %get3A_613 = vector.shape_cast %get3A_612 : vector<16xi32> to vector<16xi32>
          %eq3A_614 = arith.cmpi eq, %get3A_613, %broadcast_in_dim3A_579 : vector<16xi32>
          %jit3A_615 = arith.constant -3.000000e+38 : f32
          %broadcast_in_dim3A_616 = vector.broadcast %jit3A_615 : f32 to vector<16xf32>
          %select_n3A_617 = arith.select %eq3A_614, %broadcast_in_dim3A_616, %get3A_610 : vector<16xi1>, vector<16xf32>
          %swap3A_618 = arith.constant 32 : index
          %swap3A_619 = tpu.vector_load %arg8[%swap3A_618] {strides = array<i32>} : memref<64xf32, #tpu.memory_space<vmem>>, vector<16xf32>,
          %swap3A_620 = vector.shape_cast %swap3A_619 : vector<16xf32> to vector<16xf32>
          %swap3A_621 = vector.shape_cast %select_n3A_617 : vector<16xf32> to vector<16xf32>
          tpu.vector_store %arg8[%swap3A_618], %swap3A_621 {strides = array<i32>} : memref<64xf32, #tpu.memory_space<vmem>>, vector<16xf32>,
          %get3A_622 = arith.constant 48 : index
          %get3A_623 = tpu.vector_load %arg8[%get3A_622] {strides = array<i32>} : memref<64xf32, #tpu.memory_space<vmem>>, vector<16xf32>,
          %get3A_624 = vector.shape_cast %get3A_623 : vector<16xf32> to vector<16xf32>
          %get3A_625 = arith.constant 48 : index
          %get3A_626 = tpu.vector_load %arg9[%get3A_625] {strides = array<i32>} : memref<64xi32, #tpu.memory_space<vmem>>, vector<16xi32>,
          %get3A_627 = vector.shape_cast %get3A_626 : vector<16xi32> to vector<16xi32>
          %eq3A_628 = arith.cmpi eq, %get3A_627, %broadcast_in_dim3A_579 : vector<16xi32>
          %jit3A_629 = arith.constant -3.000000e+38 : f32
          %broadcast_in_dim3A_630 = vector.broadcast %jit3A_629 : f32 to vector<16xf32>
          %select_n3A_631 = arith.select %eq3A_628, %broadcast_in_dim3A_630, %get3A_624 : vector<16xi1>, vector<16xf32>
          %swap3A_632 = arith.constant 48 : index
          %swap3A_633 = tpu.vector_load %arg8[%swap3A_632] {strides = array<i32>} : memref<64xf32, #tpu.memory_space<vmem>>, vector<16xf32>,
          %swap3A_634 = vector.shape_cast %swap3A_633 : vector<16xf32> to vector<16xf32>
          %swap3A_635 = vector.shape_cast %select_n3A_631 : vector<16xf32> to vector<16xf32>
          tpu.vector_store %arg8[%swap3A_632], %swap3A_635 {strides = array<i32>} : memref<64xf32, #tpu.memory_space<vmem>>, vector<16xf32>,
          %eq3A_636 = vector.broadcast %scan3A_416 : i32 to vector<16xi32>
          %eq3A_637 = arith.cmpi eq, %iota3A, %eq3A_636 : vector<16xi32>
          %select_n3A_638 = arith.select %eq3A_637, %broadcast_in_dim3A_486, %scan3A_417 : vector<16xi1>, vector<16xf32>
          %sub3A = arith.constant 16 : i32
          %sub3A_639 = arith.subi %scan3A_416, %sub3A : i32
          %eq3A_640 = vector.broadcast %sub3A_639 : i32 to vector<16xi32>
          %eq3A_641 = arith.cmpi eq, %iota3A, %eq3A_640 : vector<16xi32>
          %select_n3A_642 = arith.select %eq3A_641, %broadcast_in_dim3A_486, %scan3A_418 : vector<16xi1>, vector<16xf32>
          %eq3A_643 = vector.broadcast %scan3A_416 : i32 to vector<16xi32>
          %eq3A_644 = arith.cmpi eq, %iota3A, %eq3A_643 : vector<16xi32>
          %select_n3A_645 = arith.select %eq3A_644, %broadcast_in_dim3A_579, %scan3A_419 : vector<16xi1>, vector<16xi32>
          %sub3A_646 = arith.constant 16 : i32
          %sub3A_647 = arith.subi %scan3A_416, %sub3A_646 : i32
          %eq3A_648 = vector.broadcast %sub3A_647 : i32 to vector<16xi32>
          %eq3A_649 = arith.cmpi eq, %iota3A, %eq3A_648 : vector<16xi32>
          %select_n3A_650 = arith.select %eq3A_649, %broadcast_in_dim3A_579, %scan3A_420 : vector<16xi1>, vector<16xi32>
          scf.yield %select_n3A_638, %select_n3A_642, %select_n3A_645, %select_n3A_650 : vector<16xf32>, vector<16xf32>, vector<16xi32>, vector<16xi32>
        }
        %scan3A_312 = arith.constant 32 : i32
        %swap3A_313 = arith.constant 0 : index
        %swap3A_314 = tpu.vector_load %arg8[%swap3A_313] {strides = array<i32>} : memref<64xf32, #tpu.memory_space<vmem>>, vector<16xf32>,
        %swap3A_315 = vector.shape_cast %swap3A_314 : vector<16xf32> to vector<16xf32>
        %swap3A_316 = vector.shape_cast %scan3A_311#0 : vector<16xf32> to vector<16xf32>
        tpu.vector_store %arg8[%swap3A_313], %swap3A_316 {strides = array<i32>} : memref<64xf32, #tpu.memory_space<vmem>>, vector<16xf32>,
        %swap3A_317 = arith.constant 16 : index
        %swap3A_318 = tpu.vector_load %arg8[%swap3A_317] {strides = array<i32>} : memref<64xf32, #tpu.memory_space<vmem>>, vector<16xf32>,
        %swap3A_319 = vector.shape_cast %swap3A_318 : vector<16xf32> to vector<16xf32>
        %swap3A_320 = vector.shape_cast %scan3A_311#1 : vector<16xf32> to vector<16xf32>
        tpu.vector_store %arg8[%swap3A_317], %swap3A_320 {strides = array<i32>} : memref<64xf32, #tpu.memory_space<vmem>>, vector<16xf32>,
        %swap3A_321 = arith.constant 0 : index
        %swap3A_322 = tpu.vector_load %arg9[%swap3A_321] {strides = array<i32>} : memref<64xi32, #tpu.memory_space<vmem>>, vector<16xi32>,
        %swap3A_323 = vector.shape_cast %swap3A_322 : vector<16xi32> to vector<16xi32>
        %swap3A_324 = vector.shape_cast %scan3A_311#2 : vector<16xi32> to vector<16xi32>
        tpu.vector_store %arg9[%swap3A_321], %swap3A_324 {strides = array<i32>} : memref<64xi32, #tpu.memory_space<vmem>>, vector<16xi32>,
        %swap3A_325 = arith.constant 16 : index
        %swap3A_326 = tpu.vector_load %arg9[%swap3A_325] {strides = array<i32>} : memref<64xi32, #tpu.memory_space<vmem>>, vector<16xi32>,
        %swap3A_327 = vector.shape_cast %swap3A_326 : vector<16xi32> to vector<16xi32>
        %swap3A_328 = vector.shape_cast %scan3A_311#3 : vector<16xi32> to vector<16xi32>
        tpu.vector_store %arg9[%swap3A_325], %swap3A_328 {strides = array<i32>} : memref<64xi32, #tpu.memory_space<vmem>>, vector<16xi32>,
        %broadcast_in_dim3A_329 = arith.constant -3.000000e+38 : f32
        %broadcast_in_dim3A_330 = vector.broadcast %broadcast_in_dim3A_329 : f32 to vector<16xf32>
        %swap3A_331 = arith.constant 32 : index
        %swap3A_332 = tpu.vector_load %arg8[%swap3A_331] {strides = array<i32>} : memref<64xf32, #tpu.memory_space<vmem>>, vector<16xf32>,
        %swap3A_333 = vector.shape_cast %swap3A_332 : vector<16xf32> to vector<16xf32>
        %swap3A_334 = vector.shape_cast %broadcast_in_dim3A_330 : vector<16xf32> to vector<16xf32>
        tpu.vector_store %arg8[%swap3A_331], %swap3A_334 {strides = array<i32>} : memref<64xf32, #tpu.memory_space<vmem>>, vector<16xf32>,
        %broadcast_in_dim3A_335 = arith.constant 2147483647 : i32
        %broadcast_in_dim3A_336 = vector.broadcast %broadcast_in_dim3A_335 : i32 to vector<16xi32>
        %swap3A_337 = arith.constant 32 : index
        %swap3A_338 = tpu.vector_load %arg9[%swap3A_337] {strides = array<i32>} : memref<64xi32, #tpu.memory_space<vmem>>, vector<16xi32>,
        %swap3A_339 = vector.shape_cast %swap3A_338 : vector<16xi32> to vector<16xi32>
        %swap3A_340 = vector.shape_cast %broadcast_in_dim3A_336 : vector<16xi32> to vector<16xi32>
        tpu.vector_store %arg9[%swap3A_337], %swap3A_340 {strides = array<i32>} : memref<64xi32, #tpu.memory_space<vmem>>, vector<16xi32>,
        %broadcast_in_dim3A_341 = arith.constant -3.000000e+38 : f32
        %broadcast_in_dim3A_342 = vector.broadcast %broadcast_in_dim3A_341 : f32 to vector<16xf32>
        %swap3A_343 = arith.constant 48 : index
        %swap3A_344 = tpu.vector_load %arg8[%swap3A_343] {strides = array<i32>} : memref<64xf32, #tpu.memory_space<vmem>>, vector<16xf32>,
        %swap3A_345 = vector.shape_cast %swap3A_344 : vector<16xf32> to vector<16xf32>
        %swap3A_346 = vector.shape_cast %broadcast_in_dim3A_342 : vector<16xf32> to vector<16xf32>
        tpu.vector_store %arg8[%swap3A_343], %swap3A_346 {strides = array<i32>} : memref<64xf32, #tpu.memory_space<vmem>>, vector<16xf32>,
        %broadcast_in_dim3A_347 = arith.constant 2147483647 : i32
        %broadcast_in_dim3A_348 = vector.broadcast %broadcast_in_dim3A_347 : i32 to vector<16xi32>
        %swap3A_349 = arith.constant 48 : index
        %swap3A_350 = tpu.vector_load %arg9[%swap3A_349] {strides = array<i32>} : memref<64xi32, #tpu.memory_space<vmem>>, vector<16xi32>,
        %swap3A_351 = vector.shape_cast %swap3A_350 : vector<16xi32> to vector<16xi32>
        %swap3A_352 = vector.shape_cast %broadcast_in_dim3A_348 : vector<16xi32> to vector<16xi32>
        tpu.vector_store %arg9[%swap3A_349], %swap3A_352 {strides = array<i32>} : memref<64xi32, #tpu.memory_space<vmem>>, vector<16xi32>,
        %swap3A_353 = arith.constant 0 : index
        %swap3A_354 = tpu.vector_load %arg10[%swap3A_353] {strides = array<i32>} : memref<32xf32, #tpu.memory_space<vmem>>, vector<16xf32>,
        %swap3A_355 = vector.shape_cast %swap3A_354 : vector<16xf32> to vector<16xf32>
        %swap3A_356 = vector.shape_cast %scan3A_311#0 : vector<16xf32> to vector<16xf32>
        tpu.vector_store %arg10[%swap3A_353], %swap3A_356 {strides = array<i32>} : memref<32xf32, #tpu.memory_space<vmem>>, vector<16xf32>,
        %swap3A_357 = arith.constant 16 : index
        %swap3A_358 = tpu.vector_load %arg10[%swap3A_357] {strides = array<i32>} : memref<32xf32, #tpu.memory_space<vmem>>, vector<16xf32>,
        %swap3A_359 = vector.shape_cast %swap3A_358 : vector<16xf32> to vector<16xf32>
        %swap3A_360 = vector.shape_cast %scan3A_311#1 : vector<16xf32> to vector<16xf32>
        tpu.vector_store %arg10[%swap3A_357], %swap3A_360 {strides = array<i32>} : memref<32xf32, #tpu.memory_space<vmem>>, vector<16xf32>,
        %swap3A_361 = arith.constant 0 : index
        %swap3A_362 = tpu.vector_load %arg11[%swap3A_361] {strides = array<i32>} : memref<32xi32, #tpu.memory_space<vmem>>, vector<16xi32>,
        %swap3A_363 = vector.shape_cast %swap3A_362 : vector<16xi32> to vector<16xi32>
        %swap3A_364 = vector.shape_cast %scan3A_311#2 : vector<16xi32> to vector<16xi32>
        tpu.vector_store %arg11[%swap3A_361], %swap3A_364 {strides = array<i32>} : memref<32xi32, #tpu.memory_space<vmem>>, vector<16xi32>,
        %swap3A_365 = arith.constant 16 : index
        %swap3A_366 = tpu.vector_load %arg11[%swap3A_365] {strides = array<i32>} : memref<32xi32, #tpu.memory_space<vmem>>, vector<16xi32>,
        %swap3A_367 = vector.shape_cast %swap3A_366 : vector<16xi32> to vector<16xi32>
        %swap3A_368 = vector.shape_cast %scan3A_311#3 : vector<16xi32> to vector<16xi32>
        tpu.vector_store %arg11[%swap3A_365], %swap3A_368 {strides = array<i32>} : memref<32xi32, #tpu.memory_space<vmem>>, vector<16xi32>,
        %slice3A_369 = vector.extract_strided_slice %scan3A_311#1 {offsets = [0], sizes = [1], strides = [1]} : vector<16xf32> to vector<1xf32>
        %squeeze3A_370 = vector.extract %slice3A_369[0] : f32 from vector<1xf32>
        %slice3A_371 = vector.extract_strided_slice %scan3A_311#1 {offsets = [1], sizes = [1], strides = [1]} : vector<16xf32> to vector<1xf32>
        %squeeze3A_372 = vector.extract %slice3A_371[0] : f32 from vector<1xf32>
        %min3A_373 = arith.minimumf %squeeze3A_370, %squeeze3A_372 : f32
        %slice3A_374 = vector.extract_strided_slice %scan3A_311#1 {offsets = [2], sizes = [1], strides = [1]} : vector<16xf32> to vector<1xf32>
        %squeeze3A_375 = vector.extract %slice3A_374[0] : f32 from vector<1xf32>
        %min3A_376 = arith.minimumf %min3A_373, %squeeze3A_375 : f32
        %slice3A_377 = vector.extract_strided_slice %scan3A_311#1 {offsets = [3], sizes = [1], strides = [1]} : vector<16xf32> to vector<1xf32>
        %squeeze3A_378 = vector.extract %slice3A_377[0] : f32 from vector<1xf32>
        %min3A_379 = arith.minimumf %min3A_376, %squeeze3A_378 : f32
        %slice3A_380 = vector.extract_strided_slice %scan3A_311#1 {offsets = [4], sizes = [1], strides = [1]} : vector<16xf32> to vector<1xf32>
        %squeeze3A_381 = vector.extract %slice3A_380[0] : f32 from vector<1xf32>
        %min3A_382 = arith.minimumf %min3A_379, %squeeze3A_381 : f32
        %slice3A_383 = vector.extract_strided_slice %scan3A_311#1 {offsets = [5], sizes = [1], strides = [1]} : vector<16xf32> to vector<1xf32>
        %squeeze3A_384 = vector.extract %slice3A_383[0] : f32 from vector<1xf32>
        %min3A_385 = arith.minimumf %min3A_382, %squeeze3A_384 : f32
        %slice3A_386 = vector.extract_strided_slice %scan3A_311#1 {offsets = [6], sizes = [1], strides = [1]} : vector<16xf32> to vector<1xf32>
        %squeeze3A_387 = vector.extract %slice3A_386[0] : f32 from vector<1xf32>
        %min3A_388 = arith.minimumf %min3A_385, %squeeze3A_387 : f32
        %slice3A_389 = vector.extract_strided_slice %scan3A_311#1 {offsets = [7], sizes = [1], strides = [1]} : vector<16xf32> to vector<1xf32>
        %squeeze3A_390 = vector.extract %slice3A_389[0] : f32 from vector<1xf32>
        %min3A_391 = arith.minimumf %min3A_388, %squeeze3A_390 : f32
        %slice3A_392 = vector.extract_strided_slice %scan3A_311#1 {offsets = [8], sizes = [1], strides = [1]} : vector<16xf32> to vector<1xf32>
        %squeeze3A_393 = vector.extract %slice3A_392[0] : f32 from vector<1xf32>
        %min3A_394 = arith.minimumf %min3A_391, %squeeze3A_393 : f32
        %slice3A_395 = vector.extract_strided_slice %scan3A_311#1 {offsets = [9], sizes = [1], strides = [1]} : vector<16xf32> to vector<1xf32>
        %squeeze3A_396 = vector.extract %slice3A_395[0] : f32 from vector<1xf32>
        %min3A_397 = arith.minimumf %min3A_394, %squeeze3A_396 : f32
        %slice3A_398 = vector.extract_strided_slice %scan3A_311#1 {offsets = [10], sizes = [1], strides = [1]} : vector<16xf32> to vector<1xf32>
        %squeeze3A_399 = vector.extract %slice3A_398[0] : f32 from vector<1xf32>
        %min3A_400 = arith.minimumf %min3A_397, %squeeze3A_399 : f32
        %slice3A_401 = vector.extract_strided_slice %scan3A_311#1 {offsets = [11], sizes = [1], strides = [1]} : vector<16xf32> to vector<1xf32>
        %squeeze3A_402 = vector.extract %slice3A_401[0] : f32 from vector<1xf32>
        %min3A_403 = arith.minimumf %min3A_400, %squeeze3A_402 : f32
        %slice3A_404 = vector.extract_strided_slice %scan3A_311#1 {offsets = [12], sizes = [1], strides = [1]} : vector<16xf32> to vector<1xf32>
        %squeeze3A_405 = vector.extract %slice3A_404[0] : f32 from vector<1xf32>
        %min3A_406 = arith.minimumf %min3A_403, %squeeze3A_405 : f32
        %slice3A_407 = vector.extract_strided_slice %scan3A_311#1 {offsets = [13], sizes = [1], strides = [1]} : vector<16xf32> to vector<1xf32>
        %squeeze3A_408 = vector.extract %slice3A_407[0] : f32 from vector<1xf32>
        %min3A_409 = arith.minimumf %min3A_406, %squeeze3A_408 : f32
        %slice3A_410 = vector.extract_strided_slice %scan3A_311#1 {offsets = [14], sizes = [1], strides = [1]} : vector<16xf32> to vector<1xf32>
        %squeeze3A_411 = vector.extract %slice3A_410[0] : f32 from vector<1xf32>
        %min3A_412 = arith.minimumf %min3A_409, %squeeze3A_411 : f32
        %slice3A_413 = vector.extract_strided_slice %scan3A_311#1 {offsets = [15], sizes = [1], strides = [1]} : vector<16xf32> to vector<1xf32>
        %squeeze3A_414 = vector.extract %slice3A_413[0] : f32 from vector<1xf32>
        %min3A_415 = arith.minimumf %min3A_412, %squeeze3A_414 : f32
        scf.yield %min3A_415 : f32
      }
      %while3A_174 = arith.constant 1 : i32
      %while3A_175 = scf.for %while3A_297 = %while3A_171 to %while3A_167 step %while3A_174 iter_args(%while3A_298 = %while3A_173) -> (f32)  : i32 {
        %broadcast_in_dim3A_299 = arith.constant -3.000000e+38 : f32
        %broadcast_in_dim3A_300 = vector.broadcast %broadcast_in_dim3A_299 : f32 to vector<16xf32>
        %broadcast_in_dim3A_301 = arith.constant -3.000000e+38 : f32
        %broadcast_in_dim3A_302 = vector.broadcast %broadcast_in_dim3A_301 : f32 to vector<16xf32>
        %broadcast_in_dim3A_303 = arith.constant 2147483647 : i32
        %broadcast_in_dim3A_304 = vector.broadcast %broadcast_in_dim3A_303 : i32 to vector<16xi32>
        %broadcast_in_dim3A_305 = arith.constant 2147483647 : i32
        %broadcast_in_dim3A_306 = vector.broadcast %broadcast_in_dim3A_305 : i32 to vector<16xi32>
        %scan3A_307 = arith.constant 0 : i32
        %scan3A_308 = arith.constant 32 : i32
        %scan3A_309 = arith.addi %scan3A_307, %scan3A_308 : i32
        %scan3A_310 = arith.constant 1 : i32
        %scan3A_311:4 = scf.for %scan3A_416 = %scan3A_307 to %scan3A_309 step %scan3A_310 iter_args(%scan3A_417 = %broadcast_in_dim3A_300, %scan3A_418 = %broadcast_in_dim3A_302, %scan3A_419 = %broadcast_in_dim3A_304, %scan3A_420 = %broadcast_in_dim3A_306) -> (vector<16xf32>, vector<16xf32>, vector<16xi32>, vector<16xi32>)  : i32 {
          %broadcast_in_dim3A_421 = arith.constant -3.000000e+38 : f32
          %broadcast_in_dim3A_422 = vector.broadcast %broadcast_in_dim3A_421 : f32 to vector<16xf32>
          %get3A_423 = arith.constant 0 : index
          %get3A_424 = tpu.vector_load %arg8[%get3A_423] {strides = array<i32>} : memref<64xf32, #tpu.memory_space<vmem>>, vector<16xf32>,
          %get3A_425 = vector.shape_cast %get3A_424 : vector<16xf32> to vector<16xf32>
          %max3A_426 = arith.maximumf %broadcast_in_dim3A_422, %get3A_425 : vector<16xf32>
          %get3A_427 = arith.constant 16 : index
          %get3A_428 = tpu.vector_load %arg8[%get3A_427] {strides = array<i32>} : memref<64xf32, #tpu.memory_space<vmem>>, vector<16xf32>,
          %get3A_429 = vector.shape_cast %get3A_428 : vector<16xf32> to vector<16xf32>
          %max3A_430 = arith.maximumf %max3A_426, %get3A_429 : vector<16xf32>
          %get3A_431 = arith.constant 32 : index
          %get3A_432 = tpu.vector_load %arg8[%get3A_431] {strides = array<i32>} : memref<64xf32, #tpu.memory_space<vmem>>, vector<16xf32>,
          %get3A_433 = vector.shape_cast %get3A_432 : vector<16xf32> to vector<16xf32>
          %max3A_434 = arith.maximumf %max3A_430, %get3A_433 : vector<16xf32>
          %get3A_435 = arith.constant 48 : index
          %get3A_436 = tpu.vector_load %arg8[%get3A_435] {strides = array<i32>} : memref<64xf32, #tpu.memory_space<vmem>>, vector<16xf32>,
          %get3A_437 = vector.shape_cast %get3A_436 : vector<16xf32> to vector<16xf32>
          %max3A_438 = arith.maximumf %max3A_434, %get3A_437 : vector<16xf32>
          %slice3A_439 = vector.extract_strided_slice %max3A_438 {offsets = [0], sizes = [1], strides = [1]} : vector<16xf32> to vector<1xf32>
          %squeeze3A_440 = vector.extract %slice3A_439[0] : f32 from vector<1xf32>
          %slice3A_441 = vector.extract_strided_slice %max3A_438 {offsets = [1], sizes = [1], strides = [1]} : vector<16xf32> to vector<1xf32>
          %squeeze3A_442 = vector.extract %slice3A_441[0] : f32 from vector<1xf32>
          %max3A_443 = arith.maximumf %squeeze3A_440, %squeeze3A_442 : f32
          %slice3A_444 = vector.extract_strided_slice %max3A_438 {offsets = [2], sizes = [1], strides = [1]} : vector<16xf32> to vector<1xf32>
          %squeeze3A_445 = vector.extract %slice3A_444[0] : f32 from vector<1xf32>
          %max3A_446 = arith.maximumf %max3A_443, %squeeze3A_445 : f32
          %slice3A_447 = vector.extract_strided_slice %max3A_438 {offsets = [3], sizes = [1], strides = [1]} : vector<16xf32> to vector<1xf32>
          %squeeze3A_448 = vector.extract %slice3A_447[0] : f32 from vector<1xf32>
          %max3A_449 = arith.maximumf %max3A_446, %squeeze3A_448 : f32
          %slice3A_450 = vector.extract_strided_slice %max3A_438 {offsets = [4], sizes = [1], strides = [1]} : vector<16xf32> to vector<1xf32>
          %squeeze3A_451 = vector.extract %slice3A_450[0] : f32 from vector<1xf32>
          %max3A_452 = arith.maximumf %max3A_449, %squeeze3A_451 : f32
          %slice3A_453 = vector.extract_strided_slice %max3A_438 {offsets = [5], sizes = [1], strides = [1]} : vector<16xf32> to vector<1xf32>
          %squeeze3A_454 = vector.extract %slice3A_453[0] : f32 from vector<1xf32>
          %max3A_455 = arith.maximumf %max3A_452, %squeeze3A_454 : f32
          %slice3A_456 = vector.extract_strided_slice %max3A_438 {offsets = [6], sizes = [1], strides = [1]} : vector<16xf32> to vector<1xf32>
          %squeeze3A_457 = vector.extract %slice3A_456[0] : f32 from vector<1xf32>
          %max3A_458 = arith.maximumf %max3A_455, %squeeze3A_457 : f32
          %slice3A_459 = vector.extract_strided_slice %max3A_438 {offsets = [7], sizes = [1], strides = [1]} : vector<16xf32> to vector<1xf32>
          %squeeze3A_460 = vector.extract %slice3A_459[0] : f32 from vector<1xf32>
          %max3A_461 = arith.maximumf %max3A_458, %squeeze3A_460 : f32
          %slice3A_462 = vector.extract_strided_slice %max3A_438 {offsets = [8], sizes = [1], strides = [1]} : vector<16xf32> to vector<1xf32>
          %squeeze3A_463 = vector.extract %slice3A_462[0] : f32 from vector<1xf32>
          %max3A_464 = arith.maximumf %max3A_461, %squeeze3A_463 : f32
          %slice3A_465 = vector.extract_strided_slice %max3A_438 {offsets = [9], sizes = [1], strides = [1]} : vector<16xf32> to vector<1xf32>
          %squeeze3A_466 = vector.extract %slice3A_465[0] : f32 from vector<1xf32>
          %max3A_467 = arith.maximumf %max3A_464, %squeeze3A_466 : f32
          %slice3A_468 = vector.extract_strided_slice %max3A_438 {offsets = [10], sizes = [1], strides = [1]} : vector<16xf32> to vector<1xf32>
          %squeeze3A_469 = vector.extract %slice3A_468[0] : f32 from vector<1xf32>
          %max3A_470 = arith.maximumf %max3A_467, %squeeze3A_469 : f32
          %slice3A_471 = vector.extract_strided_slice %max3A_438 {offsets = [11], sizes = [1], strides = [1]} : vector<16xf32> to vector<1xf32>
          %squeeze3A_472 = vector.extract %slice3A_471[0] : f32 from vector<1xf32>
          %max3A_473 = arith.maximumf %max3A_470, %squeeze3A_472 : f32
          %slice3A_474 = vector.extract_strided_slice %max3A_438 {offsets = [12], sizes = [1], strides = [1]} : vector<16xf32> to vector<1xf32>
          %squeeze3A_475 = vector.extract %slice3A_474[0] : f32 from vector<1xf32>
          %max3A_476 = arith.maximumf %max3A_473, %squeeze3A_475 : f32
          %slice3A_477 = vector.extract_strided_slice %max3A_438 {offsets = [13], sizes = [1], strides = [1]} : vector<16xf32> to vector<1xf32>
          %squeeze3A_478 = vector.extract %slice3A_477[0] : f32 from vector<1xf32>
          %max3A_479 = arith.maximumf %max3A_476, %squeeze3A_478 : f32
          %slice3A_480 = vector.extract_strided_slice %max3A_438 {offsets = [14], sizes = [1], strides = [1]} : vector<16xf32> to vector<1xf32>
          %squeeze3A_481 = vector.extract %slice3A_480[0] : f32 from vector<1xf32>
          %max3A_482 = arith.maximumf %max3A_479, %squeeze3A_481 : f32
          %slice3A_483 = vector.extract_strided_slice %max3A_438 {offsets = [15], sizes = [1], strides = [1]} : vector<16xf32> to vector<1xf32>
          %squeeze3A_484 = vector.extract %slice3A_483[0] : f32 from vector<1xf32>
          %max3A_485 = arith.maximumf %max3A_482, %squeeze3A_484 : f32
          %broadcast_in_dim3A_486 = vector.broadcast %max3A_485 : f32 to vector<16xf32>
          %broadcast_in_dim3A_487 = arith.constant 2147483647 : i32
          %broadcast_in_dim3A_488 = vector.broadcast %broadcast_in_dim3A_487 : i32 to vector<16xi32>
          %get3A_489 = arith.constant 0 : index
          %get3A_490 = tpu.vector_load %arg8[%get3A_489] {strides = array<i32>} : memref<64xf32, #tpu.memory_space<vmem>>, vector<16xf32>,
          %get3A_491 = vector.shape_cast %get3A_490 : vector<16xf32> to vector<16xf32>
          %get3A_492 = arith.constant 0 : index
          %get3A_493 = tpu.vector_load %arg9[%get3A_492] {strides = array<i32>} : memref<64xi32, #tpu.memory_space<vmem>>, vector<16xi32>,
          %get3A_494 = vector.shape_cast %get3A_493 : vector<16xi32> to vector<16xi32>
          %eq3A = arith.cmpf oeq, %get3A_491, %broadcast_in_dim3A_486 : vector<16xf32>
          %jit3A_495 = arith.constant 2147483647 : i32
          %broadcast_in_dim3A_496 = vector.broadcast %jit3A_495 : i32 to vector<16xi32>
          %select_n3A_497 = arith.select %eq3A, %get3A_494, %broadcast_in_dim3A_496 : vector<16xi1>, vector<16xi32>
          %min3A_498 = arith.minsi %broadcast_in_dim3A_488, %select_n3A_497 : vector<16xi32>
          %get3A_499 = arith.constant 16 : index
          %get3A_500 = tpu.vector_load %arg8[%get3A_499] {strides = array<i32>} : memref<64xf32, #tpu.memory_space<vmem>>, vector<16xf32>,
          %get3A_501 = vector.shape_cast %get3A_500 : vector<16xf32> to vector<16xf32>
          %get3A_502 = arith.constant 16 : index
          %get3A_503 = tpu.vector_load %arg9[%get3A_502] {strides = array<i32>} : memref<64xi32, #tpu.memory_space<vmem>>, vector<16xi32>,
          %get3A_504 = vector.shape_cast %get3A_503 : vector<16xi32> to vector<16xi32>
          %eq3A_505 = arith.cmpf oeq, %get3A_501, %broadcast_in_dim3A_486 : vector<16xf32>
          %jit3A_506 = arith.constant 2147483647 : i32
          %broadcast_in_dim3A_507 = vector.broadcast %jit3A_506 : i32 to vector<16xi32>
          %select_n3A_508 = arith.select %eq3A_505, %get3A_504, %broadcast_in_dim3A_507 : vector<16xi1>, vector<16xi32>
          %min3A_509 = arith.minsi %min3A_498, %select_n3A_508 : vector<16xi32>
          %get3A_510 = arith.constant 32 : index
          %get3A_511 = tpu.vector_load %arg8[%get3A_510] {strides = array<i32>} : memref<64xf32, #tpu.memory_space<vmem>>, vector<16xf32>,
          %get3A_512 = vector.shape_cast %get3A_511 : vector<16xf32> to vector<16xf32>
          %get3A_513 = arith.constant 32 : index
          %get3A_514 = tpu.vector_load %arg9[%get3A_513] {strides = array<i32>} : memref<64xi32, #tpu.memory_space<vmem>>, vector<16xi32>,
          %get3A_515 = vector.shape_cast %get3A_514 : vector<16xi32> to vector<16xi32>
          %eq3A_516 = arith.cmpf oeq, %get3A_512, %broadcast_in_dim3A_486 : vector<16xf32>
          %jit3A_517 = arith.constant 2147483647 : i32
          %broadcast_in_dim3A_518 = vector.broadcast %jit3A_517 : i32 to vector<16xi32>
          %select_n3A_519 = arith.select %eq3A_516, %get3A_515, %broadcast_in_dim3A_518 : vector<16xi1>, vector<16xi32>
          %min3A_520 = arith.minsi %min3A_509, %select_n3A_519 : vector<16xi32>
          %get3A_521 = arith.constant 48 : index
          %get3A_522 = tpu.vector_load %arg8[%get3A_521] {strides = array<i32>} : memref<64xf32, #tpu.memory_space<vmem>>, vector<16xf32>,
          %get3A_523 = vector.shape_cast %get3A_522 : vector<16xf32> to vector<16xf32>
          %get3A_524 = arith.constant 48 : index
          %get3A_525 = tpu.vector_load %arg9[%get3A_524] {strides = array<i32>} : memref<64xi32, #tpu.memory_space<vmem>>, vector<16xi32>,
          %get3A_526 = vector.shape_cast %get3A_525 : vector<16xi32> to vector<16xi32>
          %eq3A_527 = arith.cmpf oeq, %get3A_523, %broadcast_in_dim3A_486 : vector<16xf32>
          %jit3A_528 = arith.constant 2147483647 : i32
          %broadcast_in_dim3A_529 = vector.broadcast %jit3A_528 : i32 to vector<16xi32>
          %select_n3A_530 = arith.select %eq3A_527, %get3A_526, %broadcast_in_dim3A_529 : vector<16xi1>, vector<16xi32>
          %min3A_531 = arith.minsi %min3A_520, %select_n3A_530 : vector<16xi32>
          %slice3A_532 = vector.extract_strided_slice %min3A_531 {offsets = [0], sizes = [1], strides = [1]} : vector<16xi32> to vector<1xi32>
          %squeeze3A_533 = vector.extract %slice3A_532[0] : i32 from vector<1xi32>
          %slice3A_534 = vector.extract_strided_slice %min3A_531 {offsets = [1], sizes = [1], strides = [1]} : vector<16xi32> to vector<1xi32>
          %squeeze3A_535 = vector.extract %slice3A_534[0] : i32 from vector<1xi32>
          %min3A_536 = arith.minsi %squeeze3A_533, %squeeze3A_535 : i32
          %slice3A_537 = vector.extract_strided_slice %min3A_531 {offsets = [2], sizes = [1], strides = [1]} : vector<16xi32> to vector<1xi32>
          %squeeze3A_538 = vector.extract %slice3A_537[0] : i32 from vector<1xi32>
          %min3A_539 = arith.minsi %min3A_536, %squeeze3A_538 : i32
          %slice3A_540 = vector.extract_strided_slice %min3A_531 {offsets = [3], sizes = [1], strides = [1]} : vector<16xi32> to vector<1xi32>
          %squeeze3A_541 = vector.extract %slice3A_540[0] : i32 from vector<1xi32>
          %min3A_542 = arith.minsi %min3A_539, %squeeze3A_541 : i32
          %slice3A_543 = vector.extract_strided_slice %min3A_531 {offsets = [4], sizes = [1], strides = [1]} : vector<16xi32> to vector<1xi32>
          %squeeze3A_544 = vector.extract %slice3A_543[0] : i32 from vector<1xi32>
          %min3A_545 = arith.minsi %min3A_542, %squeeze3A_544 : i32
          %slice3A_546 = vector.extract_strided_slice %min3A_531 {offsets = [5], sizes = [1], strides = [1]} : vector<16xi32> to vector<1xi32>
          %squeeze3A_547 = vector.extract %slice3A_546[0] : i32 from vector<1xi32>
          %min3A_548 = arith.minsi %min3A_545, %squeeze3A_547 : i32
          %slice3A_549 = vector.extract_strided_slice %min3A_531 {offsets = [6], sizes = [1], strides = [1]} : vector<16xi32> to vector<1xi32>
          %squeeze3A_550 = vector.extract %slice3A_549[0] : i32 from vector<1xi32>
          %min3A_551 = arith.minsi %min3A_548, %squeeze3A_550 : i32
          %slice3A_552 = vector.extract_strided_slice %min3A_531 {offsets = [7], sizes = [1], strides = [1]} : vector<16xi32> to vector<1xi32>
          %squeeze3A_553 = vector.extract %slice3A_552[0] : i32 from vector<1xi32>
          %min3A_554 = arith.minsi %min3A_551, %squeeze3A_553 : i32
          %slice3A_555 = vector.extract_strided_slice %min3A_531 {offsets = [8], sizes = [1], strides = [1]} : vector<16xi32> to vector<1xi32>
          %squeeze3A_556 = vector.extract %slice3A_555[0] : i32 from vector<1xi32>
          %min3A_557 = arith.minsi %min3A_554, %squeeze3A_556 : i32
          %slice3A_558 = vector.extract_strided_slice %min3A_531 {offsets = [9], sizes = [1], strides = [1]} : vector<16xi32> to vector<1xi32>
          %squeeze3A_559 = vector.extract %slice3A_558[0] : i32 from vector<1xi32>
          %min3A_560 = arith.minsi %min3A_557, %squeeze3A_559 : i32
          %slice3A_561 = vector.extract_strided_slice %min3A_531 {offsets = [10], sizes = [1], strides = [1]} : vector<16xi32> to vector<1xi32>
          %squeeze3A_562 = vector.extract %slice3A_561[0] : i32 from vector<1xi32>
          %min3A_563 = arith.minsi %min3A_560, %squeeze3A_562 : i32
          %slice3A_564 = vector.extract_strided_slice %min3A_531 {offsets = [11], sizes = [1], strides = [1]} : vector<16xi32> to vector<1xi32>
          %squeeze3A_565 = vector.extract %slice3A_564[0] : i32 from vector<1xi32>
          %min3A_566 = arith.minsi %min3A_563, %squeeze3A_565 : i32
          %slice3A_567 = vector.extract_strided_slice %min3A_531 {offsets = [12], sizes = [1], strides = [1]} : vector<16xi32> to vector<1xi32>
          %squeeze3A_568 = vector.extract %slice3A_567[0] : i32 from vector<1xi32>
          %min3A_569 = arith.minsi %min3A_566, %squeeze3A_568 : i32
          %slice3A_570 = vector.extract_strided_slice %min3A_531 {offsets = [13], sizes = [1], strides = [1]} : vector<16xi32> to vector<1xi32>
          %squeeze3A_571 = vector.extract %slice3A_570[0] : i32 from vector<1xi32>
          %min3A_572 = arith.minsi %min3A_569, %squeeze3A_571 : i32
          %slice3A_573 = vector.extract_strided_slice %min3A_531 {offsets = [14], sizes = [1], strides = [1]} : vector<16xi32> to vector<1xi32>
          %squeeze3A_574 = vector.extract %slice3A_573[0] : i32 from vector<1xi32>
          %min3A_575 = arith.minsi %min3A_572, %squeeze3A_574 : i32
          %slice3A_576 = vector.extract_strided_slice %min3A_531 {offsets = [15], sizes = [1], strides = [1]} : vector<16xi32> to vector<1xi32>
          %squeeze3A_577 = vector.extract %slice3A_576[0] : i32 from vector<1xi32>
          %min3A_578 = arith.minsi %min3A_575, %squeeze3A_577 : i32
          %broadcast_in_dim3A_579 = vector.broadcast %min3A_578 : i32 to vector<16xi32>
          %get3A_580 = arith.constant 0 : index
          %get3A_581 = tpu.vector_load %arg8[%get3A_580] {strides = array<i32>} : memref<64xf32, #tpu.memory_space<vmem>>, vector<16xf32>,
          %get3A_582 = vector.shape_cast %get3A_581 : vector<16xf32> to vector<16xf32>
          %get3A_583 = arith.constant 0 : index
          %get3A_584 = tpu.vector_load %arg9[%get3A_583] {strides = array<i32>} : memref<64xi32, #tpu.memory_space<vmem>>, vector<16xi32>,
          %get3A_585 = vector.shape_cast %get3A_584 : vector<16xi32> to vector<16xi32>
          %eq3A_586 = arith.cmpi eq, %get3A_585, %broadcast_in_dim3A_579 : vector<16xi32>
          %jit3A_587 = arith.constant -3.000000e+38 : f32
          %broadcast_in_dim3A_588 = vector.broadcast %jit3A_587 : f32 to vector<16xf32>
          %select_n3A_589 = arith.select %eq3A_586, %broadcast_in_dim3A_588, %get3A_582 : vector<16xi1>, vector<16xf32>
          %swap3A_590 = arith.constant 0 : index
          %swap3A_591 = tpu.vector_load %arg8[%swap3A_590] {strides = array<i32>} : memref<64xf32, #tpu.memory_space<vmem>>, vector<16xf32>,
          %swap3A_592 = vector.shape_cast %swap3A_591 : vector<16xf32> to vector<16xf32>
          %swap3A_593 = vector.shape_cast %select_n3A_589 : vector<16xf32> to vector<16xf32>
          tpu.vector_store %arg8[%swap3A_590], %swap3A_593 {strides = array<i32>} : memref<64xf32, #tpu.memory_space<vmem>>, vector<16xf32>,
          %get3A_594 = arith.constant 16 : index
          %get3A_595 = tpu.vector_load %arg8[%get3A_594] {strides = array<i32>} : memref<64xf32, #tpu.memory_space<vmem>>, vector<16xf32>,
          %get3A_596 = vector.shape_cast %get3A_595 : vector<16xf32> to vector<16xf32>
          %get3A_597 = arith.constant 16 : index
          %get3A_598 = tpu.vector_load %arg9[%get3A_597] {strides = array<i32>} : memref<64xi32, #tpu.memory_space<vmem>>, vector<16xi32>,
          %get3A_599 = vector.shape_cast %get3A_598 : vector<16xi32> to vector<16xi32>
          %eq3A_600 = arith.cmpi eq, %get3A_599, %broadcast_in_dim3A_579 : vector<16xi32>
          %jit3A_601 = arith.constant -3.000000e+38 : f32
          %broadcast_in_dim3A_602 = vector.broadcast %jit3A_601 : f32 to vector<16xf32>
          %select_n3A_603 = arith.select %eq3A_600, %broadcast_in_dim3A_602, %get3A_596 : vector<16xi1>, vector<16xf32>
          %swap3A_604 = arith.constant 16 : index
          %swap3A_605 = tpu.vector_load %arg8[%swap3A_604] {strides = array<i32>} : memref<64xf32, #tpu.memory_space<vmem>>, vector<16xf32>,
          %swap3A_606 = vector.shape_cast %swap3A_605 : vector<16xf32> to vector<16xf32>
          %swap3A_607 = vector.shape_cast %select_n3A_603 : vector<16xf32> to vector<16xf32>
          tpu.vector_store %arg8[%swap3A_604], %swap3A_607 {strides = array<i32>} : memref<64xf32, #tpu.memory_space<vmem>>, vector<16xf32>,
          %get3A_608 = arith.constant 32 : index
          %get3A_609 = tpu.vector_load %arg8[%get3A_608] {strides = array<i32>} : memref<64xf32, #tpu.memory_space<vmem>>, vector<16xf32>,
          %get3A_610 = vector.shape_cast %get3A_609 : vector<16xf32> to vector<16xf32>
          %get3A_611 = arith.constant 32 : index
          %get3A_612 = tpu.vector_load %arg9[%get3A_611] {strides = array<i32>} : memref<64xi32, #tpu.memory_space<vmem>>, vector<16xi32>,
          %get3A_613 = vector.shape_cast %get3A_612 : vector<16xi32> to vector<16xi32>
          %eq3A_614 = arith.cmpi eq, %get3A_613, %broadcast_in_dim3A_579 : vector<16xi32>
          %jit3A_615 = arith.constant -3.000000e+38 : f32
          %broadcast_in_dim3A_616 = vector.broadcast %jit3A_615 : f32 to vector<16xf32>
          %select_n3A_617 = arith.select %eq3A_614, %broadcast_in_dim3A_616, %get3A_610 : vector<16xi1>, vector<16xf32>
          %swap3A_618 = arith.constant 32 : index
          %swap3A_619 = tpu.vector_load %arg8[%swap3A_618] {strides = array<i32>} : memref<64xf32, #tpu.memory_space<vmem>>, vector<16xf32>,
          %swap3A_620 = vector.shape_cast %swap3A_619 : vector<16xf32> to vector<16xf32>
          %swap3A_621 = vector.shape_cast %select_n3A_617 : vector<16xf32> to vector<16xf32>
          tpu.vector_store %arg8[%swap3A_618], %swap3A_621 {strides = array<i32>} : memref<64xf32, #tpu.memory_space<vmem>>, vector<16xf32>,
          %get3A_622 = arith.constant 48 : index
          %get3A_623 = tpu.vector_load %arg8[%get3A_622] {strides = array<i32>} : memref<64xf32, #tpu.memory_space<vmem>>, vector<16xf32>,
          %get3A_624 = vector.shape_cast %get3A_623 : vector<16xf32> to vector<16xf32>
          %get3A_625 = arith.constant 48 : index
          %get3A_626 = tpu.vector_load %arg9[%get3A_625] {strides = array<i32>} : memref<64xi32, #tpu.memory_space<vmem>>, vector<16xi32>,
          %get3A_627 = vector.shape_cast %get3A_626 : vector<16xi32> to vector<16xi32>
          %eq3A_628 = arith.cmpi eq, %get3A_627, %broadcast_in_dim3A_579 : vector<16xi32>
          %jit3A_629 = arith.constant -3.000000e+38 : f32
          %broadcast_in_dim3A_630 = vector.broadcast %jit3A_629 : f32 to vector<16xf32>
          %select_n3A_631 = arith.select %eq3A_628, %broadcast_in_dim3A_630, %get3A_624 : vector<16xi1>, vector<16xf32>
          %swap3A_632 = arith.constant 48 : index
          %swap3A_633 = tpu.vector_load %arg8[%swap3A_632] {strides = array<i32>} : memref<64xf32, #tpu.memory_space<vmem>>, vector<16xf32>,
          %swap3A_634 = vector.shape_cast %swap3A_633 : vector<16xf32> to vector<16xf32>
          %swap3A_635 = vector.shape_cast %select_n3A_631 : vector<16xf32> to vector<16xf32>
          tpu.vector_store %arg8[%swap3A_632], %swap3A_635 {strides = array<i32>} : memref<64xf32, #tpu.memory_space<vmem>>, vector<16xf32>,
          %eq3A_636 = vector.broadcast %scan3A_416 : i32 to vector<16xi32>
          %eq3A_637 = arith.cmpi eq, %iota3A, %eq3A_636 : vector<16xi32>
          %select_n3A_638 = arith.select %eq3A_637, %broadcast_in_dim3A_486, %scan3A_417 : vector<16xi1>, vector<16xf32>
          %sub3A = arith.constant 16 : i32
          %sub3A_639 = arith.subi %scan3A_416, %sub3A : i32
          %eq3A_640 = vector.broadcast %sub3A_639 : i32 to vector<16xi32>
          %eq3A_641 = arith.cmpi eq, %iota3A, %eq3A_640 : vector<16xi32>
          %select_n3A_642 = arith.select %eq3A_641, %broadcast_in_dim3A_486, %scan3A_418 : vector<16xi1>, vector<16xf32>
          %eq3A_643 = vector.broadcast %scan3A_416 : i32 to vector<16xi32>
          %eq3A_644 = arith.cmpi eq, %iota3A, %eq3A_643 : vector<16xi32>
          %select_n3A_645 = arith.select %eq3A_644, %broadcast_in_dim3A_579, %scan3A_419 : vector<16xi1>, vector<16xi32>
          %sub3A_646 = arith.constant 16 : i32
          %sub3A_647 = arith.subi %scan3A_416, %sub3A_646 : i32
          %eq3A_648 = vector.broadcast %sub3A_647 : i32 to vector<16xi32>
          %eq3A_649 = arith.cmpi eq, %iota3A, %eq3A_648 : vector<16xi32>
          %select_n3A_650 = arith.select %eq3A_649, %broadcast_in_dim3A_579, %scan3A_420 : vector<16xi1>, vector<16xi32>
          scf.yield %select_n3A_638, %select_n3A_642, %select_n3A_645, %select_n3A_650 : vector<16xf32>, vector<16xf32>, vector<16xi32>, vector<16xi32>
        }
        %scan3A_312 = arith.constant 32 : i32
        %swap3A_313 = arith.constant 0 : index
        %swap3A_314 = tpu.vector_load %arg8[%swap3A_313] {strides = array<i32>} : memref<64xf32, #tpu.memory_space<vmem>>, vector<16xf32>,
        %swap3A_315 = vector.shape_cast %swap3A_314 : vector<16xf32> to vector<16xf32>
        %swap3A_316 = vector.shape_cast %scan3A_311#0 : vector<16xf32> to vector<16xf32>
        tpu.vector_store %arg8[%swap3A_313], %swap3A_316 {strides = array<i32>} : memref<64xf32, #tpu.memory_space<vmem>>, vector<16xf32>,
        %swap3A_317 = arith.constant 16 : index
        %swap3A_318 = tpu.vector_load %arg8[%swap3A_317] {strides = array<i32>} : memref<64xf32, #tpu.memory_space<vmem>>, vector<16xf32>,
        %swap3A_319 = vector.shape_cast %swap3A_318 : vector<16xf32> to vector<16xf32>
        %swap3A_320 = vector.shape_cast %scan3A_311#1 : vector<16xf32> to vector<16xf32>
        tpu.vector_store %arg8[%swap3A_317], %swap3A_320 {strides = array<i32>} : memref<64xf32, #tpu.memory_space<vmem>>, vector<16xf32>,
        %swap3A_321 = arith.constant 0 : index
        %swap3A_322 = tpu.vector_load %arg9[%swap3A_321] {strides = array<i32>} : memref<64xi32, #tpu.memory_space<vmem>>, vector<16xi32>,
        %swap3A_323 = vector.shape_cast %swap3A_322 : vector<16xi32> to vector<16xi32>
        %swap3A_324 = vector.shape_cast %scan3A_311#2 : vector<16xi32> to vector<16xi32>
        tpu.vector_store %arg9[%swap3A_321], %swap3A_324 {strides = array<i32>} : memref<64xi32, #tpu.memory_space<vmem>>, vector<16xi32>,
        %swap3A_325 = arith.constant 16 : index
        %swap3A_326 = tpu.vector_load %arg9[%swap3A_325] {strides = array<i32>} : memref<64xi32, #tpu.memory_space<vmem>>, vector<16xi32>,
        %swap3A_327 = vector.shape_cast %swap3A_326 : vector<16xi32> to vector<16xi32>
        %swap3A_328 = vector.shape_cast %scan3A_311#3 : vector<16xi32> to vector<16xi32>
        tpu.vector_store %arg9[%swap3A_325], %swap3A_328 {strides = array<i32>} : memref<64xi32, #tpu.memory_space<vmem>>, vector<16xi32>,
        %broadcast_in_dim3A_329 = arith.constant -3.000000e+38 : f32
        %broadcast_in_dim3A_330 = vector.broadcast %broadcast_in_dim3A_329 : f32 to vector<16xf32>
        %swap3A_331 = arith.constant 32 : index
        %swap3A_332 = tpu.vector_load %arg8[%swap3A_331] {strides = array<i32>} : memref<64xf32, #tpu.memory_space<vmem>>, vector<16xf32>,
        %swap3A_333 = vector.shape_cast %swap3A_332 : vector<16xf32> to vector<16xf32>
        %swap3A_334 = vector.shape_cast %broadcast_in_dim3A_330 : vector<16xf32> to vector<16xf32>
        tpu.vector_store %arg8[%swap3A_331], %swap3A_334 {strides = array<i32>} : memref<64xf32, #tpu.memory_space<vmem>>, vector<16xf32>,
        %broadcast_in_dim3A_335 = arith.constant 2147483647 : i32
        %broadcast_in_dim3A_336 = vector.broadcast %broadcast_in_dim3A_335 : i32 to vector<16xi32>
        %swap3A_337 = arith.constant 32 : index
        %swap3A_338 = tpu.vector_load %arg9[%swap3A_337] {strides = array<i32>} : memref<64xi32, #tpu.memory_space<vmem>>, vector<16xi32>,
        %swap3A_339 = vector.shape_cast %swap3A_338 : vector<16xi32> to vector<16xi32>
        %swap3A_340 = vector.shape_cast %broadcast_in_dim3A_336 : vector<16xi32> to vector<16xi32>
        tpu.vector_store %arg9[%swap3A_337], %swap3A_340 {strides = array<i32>} : memref<64xi32, #tpu.memory_space<vmem>>, vector<16xi32>,
        %broadcast_in_dim3A_341 = arith.constant -3.000000e+38 : f32
        %broadcast_in_dim3A_342 = vector.broadcast %broadcast_in_dim3A_341 : f32 to vector<16xf32>
        %swap3A_343 = arith.constant 48 : index
        %swap3A_344 = tpu.vector_load %arg8[%swap3A_343] {strides = array<i32>} : memref<64xf32, #tpu.memory_space<vmem>>, vector<16xf32>,
        %swap3A_345 = vector.shape_cast %swap3A_344 : vector<16xf32> to vector<16xf32>
        %swap3A_346 = vector.shape_cast %broadcast_in_dim3A_342 : vector<16xf32> to vector<16xf32>
        tpu.vector_store %arg8[%swap3A_343], %swap3A_346 {strides = array<i32>} : memref<64xf32, #tpu.memory_space<vmem>>, vector<16xf32>,
        %broadcast_in_dim3A_347 = arith.constant 2147483647 : i32
        %broadcast_in_dim3A_348 = vector.broadcast %broadcast_in_dim3A_347 : i32 to vector<16xi32>
        %swap3A_349 = arith.constant 48 : index
        %swap3A_350 = tpu.vector_load %arg9[%swap3A_349] {strides = array<i32>} : memref<64xi32, #tpu.memory_space<vmem>>, vector<16xi32>,
        %swap3A_351 = vector.shape_cast %swap3A_350 : vector<16xi32> to vector<16xi32>
        %swap3A_352 = vector.shape_cast %broadcast_in_dim3A_348 : vector<16xi32> to vector<16xi32>
        tpu.vector_store %arg9[%swap3A_349], %swap3A_352 {strides = array<i32>} : memref<64xi32, #tpu.memory_space<vmem>>, vector<16xi32>,
        %swap3A_353 = arith.constant 0 : index
        %swap3A_354 = tpu.vector_load %arg10[%swap3A_353] {strides = array<i32>} : memref<32xf32, #tpu.memory_space<vmem>>, vector<16xf32>,
        %swap3A_355 = vector.shape_cast %swap3A_354 : vector<16xf32> to vector<16xf32>
        %swap3A_356 = vector.shape_cast %scan3A_311#0 : vector<16xf32> to vector<16xf32>
        tpu.vector_store %arg10[%swap3A_353], %swap3A_356 {strides = array<i32>} : memref<32xf32, #tpu.memory_space<vmem>>, vector<16xf32>,
        %swap3A_357 = arith.constant 16 : index
        %swap3A_358 = tpu.vector_load %arg10[%swap3A_357] {strides = array<i32>} : memref<32xf32, #tpu.memory_space<vmem>>, vector<16xf32>,
        %swap3A_359 = vector.shape_cast %swap3A_358 : vector<16xf32> to vector<16xf32>
        %swap3A_360 = vector.shape_cast %scan3A_311#1 : vector<16xf32> to vector<16xf32>
        tpu.vector_store %arg10[%swap3A_357], %swap3A_360 {strides = array<i32>} : memref<32xf32, #tpu.memory_space<vmem>>, vector<16xf32>,
        %swap3A_361 = arith.constant 0 : index
        %swap3A_362 = tpu.vector_load %arg11[%swap3A_361] {strides = array<i32>} : memref<32xi32, #tpu.memory_space<vmem>>, vector<16xi32>,
        %swap3A_363 = vector.shape_cast %swap3A_362 : vector<16xi32> to vector<16xi32>
        %swap3A_364 = vector.shape_cast %scan3A_311#2 : vector<16xi32> to vector<16xi32>
        tpu.vector_store %arg11[%swap3A_361], %swap3A_364 {strides = array<i32>} : memref<32xi32, #tpu.memory_space<vmem>>, vector<16xi32>,
        %swap3A_365 = arith.constant 16 : index
        %swap3A_366 = tpu.vector_load %arg11[%swap3A_365] {strides = array<i32>} : memref<32xi32, #tpu.memory_space<vmem>>, vector<16xi32>,
        %swap3A_367 = vector.shape_cast %swap3A_366 : vector<16xi32> to vector<16xi32>
        %swap3A_368 = vector.shape_cast %scan3A_311#3 : vector<16xi32> to vector<16xi32>
        tpu.vector_store %arg11[%swap3A_365], %swap3A_368 {strides = array<i32>} : memref<32xi32, #tpu.memory_space<vmem>>, vector<16xi32>,
        %slice3A_369 = vector.extract_strided_slice %scan3A_311#1 {offsets = [0], sizes = [1], strides = [1]} : vector<16xf32> to vector<1xf32>
        %squeeze3A_370 = vector.extract %slice3A_369[0] : f32 from vector<1xf32>
        %slice3A_371 = vector.extract_strided_slice %scan3A_311#1 {offsets = [1], sizes = [1], strides = [1]} : vector<16xf32> to vector<1xf32>
        %squeeze3A_372 = vector.extract %slice3A_371[0] : f32 from vector<1xf32>
        %min3A_373 = arith.minimumf %squeeze3A_370, %squeeze3A_372 : f32
        %slice3A_374 = vector.extract_strided_slice %scan3A_311#1 {offsets = [2], sizes = [1], strides = [1]} : vector<16xf32> to vector<1xf32>
        %squeeze3A_375 = vector.extract %slice3A_374[0] : f32 from vector<1xf32>
        %min3A_376 = arith.minimumf %min3A_373, %squeeze3A_375 : f32
        %slice3A_377 = vector.extract_strided_slice %scan3A_311#1 {offsets = [3], sizes = [1], strides = [1]} : vector<16xf32> to vector<1xf32>
        %squeeze3A_378 = vector.extract %slice3A_377[0] : f32 from vector<1xf32>
        %min3A_379 = arith.minimumf %min3A_376, %squeeze3A_378 : f32
        %slice3A_380 = vector.extract_strided_slice %scan3A_311#1 {offsets = [4], sizes = [1], strides = [1]} : vector<16xf32> to vector<1xf32>
        %squeeze3A_381 = vector.extract %slice3A_380[0] : f32 from vector<1xf32>
        %min3A_382 = arith.minimumf %min3A_379, %squeeze3A_381 : f32
        %slice3A_383 = vector.extract_strided_slice %scan3A_311#1 {offsets = [5], sizes = [1], strides = [1]} : vector<16xf32> to vector<1xf32>
        %squeeze3A_384 = vector.extract %slice3A_383[0] : f32 from vector<1xf32>
        %min3A_385 = arith.minimumf %min3A_382, %squeeze3A_384 : f32
        %slice3A_386 = vector.extract_strided_slice %scan3A_311#1 {offsets = [6], sizes = [1], strides = [1]} : vector<16xf32> to vector<1xf32>
        %squeeze3A_387 = vector.extract %slice3A_386[0] : f32 from vector<1xf32>
        %min3A_388 = arith.minimumf %min3A_385, %squeeze3A_387 : f32
        %slice3A_389 = vector.extract_strided_slice %scan3A_311#1 {offsets = [7], sizes = [1], strides = [1]} : vector<16xf32> to vector<1xf32>
        %squeeze3A_390 = vector.extract %slice3A_389[0] : f32 from vector<1xf32>
        %min3A_391 = arith.minimumf %min3A_388, %squeeze3A_390 : f32
        %slice3A_392 = vector.extract_strided_slice %scan3A_311#1 {offsets = [8], sizes = [1], strides = [1]} : vector<16xf32> to vector<1xf32>
        %squeeze3A_393 = vector.extract %slice3A_392[0] : f32 from vector<1xf32>
        %min3A_394 = arith.minimumf %min3A_391, %squeeze3A_393 : f32
        %slice3A_395 = vector.extract_strided_slice %scan3A_311#1 {offsets = [9], sizes = [1], strides = [1]} : vector<16xf32> to vector<1xf32>
        %squeeze3A_396 = vector.extract %slice3A_395[0] : f32 from vector<1xf32>
        %min3A_397 = arith.minimumf %min3A_394, %squeeze3A_396 : f32
        %slice3A_398 = vector.extract_strided_slice %scan3A_311#1 {offsets = [10], sizes = [1], strides = [1]} : vector<16xf32> to vector<1xf32>
        %squeeze3A_399 = vector.extract %slice3A_398[0] : f32 from vector<1xf32>
        %min3A_400 = arith.minimumf %min3A_397, %squeeze3A_399 : f32
        %slice3A_401 = vector.extract_strided_slice %scan3A_311#1 {offsets = [11], sizes = [1], strides = [1]} : vector<16xf32> to vector<1xf32>
        %squeeze3A_402 = vector.extract %slice3A_401[0] : f32 from vector<1xf32>
        %min3A_403 = arith.minimumf %min3A_400, %squeeze3A_402 : f32
        %slice3A_404 = vector.extract_strided_slice %scan3A_311#1 {offsets = [12], sizes = [1], strides = [1]} : vector<16xf32> to vector<1xf32>
        %squeeze3A_405 = vector.extract %slice3A_404[0] : f32 from vector<1xf32>
        %min3A_406 = arith.minimumf %min3A_403, %squeeze3A_405 : f32
        %slice3A_407 = vector.extract_strided_slice %scan3A_311#1 {offsets = [13], sizes = [1], strides = [1]} : vector<16xf32> to vector<1xf32>
        %squeeze3A_408 = vector.extract %slice3A_407[0] : f32 from vector<1xf32>
        %min3A_409 = arith.minimumf %min3A_406, %squeeze3A_408 : f32
        %slice3A_410 = vector.extract_strided_slice %scan3A_311#1 {offsets = [14], sizes = [1], strides = [1]} : vector<16xf32> to vector<1xf32>
        %squeeze3A_411 = vector.extract %slice3A_410[0] : f32 from vector<1xf32>
        %min3A_412 = arith.minimumf %min3A_409, %squeeze3A_411 : f32
        %slice3A_413 = vector.extract_strided_slice %scan3A_311#1 {offsets = [15], sizes = [1], strides = [1]} : vector<16xf32> to vector<1xf32>
        %squeeze3A_414 = vector.extract %slice3A_413[0] : f32 from vector<1xf32>
        %min3A_415 = arith.minimumf %min3A_412, %squeeze3A_414 : f32
        scf.yield %min3A_415 : f32
      }
      %add3A_176 = arith.constant 2 : i32
      %add3A_177 = arith.addi %mul3A_70, %add3A_176 : i32
      %min3A = arith.constant 19 : i32
      %min3A_178 = arith.minsi %add3A_177, %min3A : i32
      %mul3A_179 = arith.constant 1000000 : i32
      %mul3A_180 = arith.muli %add3A, %mul3A_179 : i32
      %mul3A_181 = arith.constant 50000 : i32
      %mul3A_182 = arith.muli %min3A_178, %mul3A_181 : i32
      %add3A_183 = arith.addi %mul3A_180, %mul3A_182 : i32
      %dma_start3A_184 = tpu.memref_slice %arg2[%add3A_183] : memref<32000000xf32, #tpu.memory_space<hbm>> -> memref<50000xf32, #tpu.memory_space<hbm>>
      %dma_start3A_185 = tpu.memref_slice %arg2[%add3A_183] : memref<32000000xf32, #tpu.memory_space<hbm>> -> memref<50000xf32, #tpu.memory_space<hbm>>
      tpu.enqueue_dma source(%dma_start3A_185 : memref<50000xf32, #tpu.memory_space<hbm>>) target(%arg5 : memref<50000xf32, #tpu.memory_space<vmem>>) target_semaphore(%arg12 : memref<!tpu.dma_semaphore, #tpu.memory_space<semaphore_mem>>)
      %add3A_186 = arith.constant 1 : i32
      %add3A_187 = arith.addi %mul3A_70, %add3A_186 : i32
      %mul3A_188 = arith.constant 1000000 : i32
      %mul3A_189 = arith.muli %add3A, %mul3A_188 : i32
      %mul3A_190 = arith.constant 50000 : i32
      %mul3A_191 = arith.muli %add3A_187, %mul3A_190 : i32
      %add3A_192 = arith.addi %mul3A_189, %mul3A_191 : i32
      %dma_wait3A_193 = tpu.memref_slice %arg2[%add3A_192] : memref<32000000xf32, #tpu.memory_space<hbm>> -> memref<50000xf32, #tpu.memory_space<hbm>>
      %dma_wait3A_194 = tpu.memref_slice %arg2[%add3A_192] : memref<32000000xf32, #tpu.memory_space<hbm>> -> memref<50000xf32, #tpu.memory_space<hbm>>
      tpu.wait_dma2 semaphore(%arg13 : memref<!tpu.dma_semaphore, #tpu.memory_space<semaphore_mem>>) src(%dma_wait3A_194 : memref<50000xf32, #tpu.memory_space<hbm>>) dst(%arg6 : memref<50000xf32, #tpu.memory_space<vmem>>)
      %add3A_195 = arith.constant 1 : i32
      %add3A_196 = arith.addi %mul3A_70, %add3A_195 : i32
      %get3A_197 = arith.constant 0 : index
      %get3A_198 = tpu.vector_load %arg6[%get3A_197] {strides = array<i32>} : memref<50000xf32, #tpu.memory_space<vmem>>, vector<16xf32>,
      %get3A_199 = vector.shape_cast %get3A_198 : vector<16xf32> to vector<16xf32>
      %mul3A_200 = arith.constant 50000 : i32
      %mul3A_201 = arith.muli %add3A_196, %mul3A_200 : i32
      %add3A_202 = vector.broadcast %mul3A_201 : i32 to vector<16xi32>
      %add3A_203 = arith.addi %add3A_202, %iota3A : vector<16xi32>
      %ge3A_204 = arith.constant 2 : i32
      %ge3A_205 = vector.broadcast %ge3A_204 : i32 to vector<16xi32>
      %ge3A_206 = arith.cmpi sge, %add3A_203, %ge3A_205 : vector<16xi32>
      %jit3A_207 = arith.constant -3.000000e+38 : f32
      %broadcast_in_dim3A_208 = vector.broadcast %jit3A_207 : f32 to vector<16xf32>
      %select_n3A_209 = arith.select %ge3A_206, %get3A_199, %broadcast_in_dim3A_208 : vector<16xi1>, vector<16xf32>
      %swap3A_210 = arith.constant 0 : index
      %swap3A_211 = tpu.vector_load %arg6[%swap3A_210] {strides = array<i32>} : memref<50000xf32, #tpu.memory_space<vmem>>, vector<16xf32>,
      %swap3A_212 = vector.shape_cast %swap3A_211 : vector<16xf32> to vector<16xf32>
      %swap3A_213 = vector.shape_cast %select_n3A_209 : vector<16xf32> to vector<16xf32>
      tpu.vector_store %arg6[%swap3A_210], %swap3A_213 {strides = array<i32>} : memref<50000xf32, #tpu.memory_space<vmem>>, vector<16xf32>,
      %parallel_loop3A_214 = arith.constant 0 : i32
      %parallel_loop3A_215 = arith.constant 125 : i32
      %parallel_loop3A_216 = arith.constant 1 : i32
      scf.for %parallel_loop3A_297 = %parallel_loop3A_214 to %parallel_loop3A_215 step %parallel_loop3A_216  : i32 {
        %parallel_loop3A_298 = arith.constant 400 : i32
        %parallel_loop3A_299 = arith.muli %parallel_loop3A_297, %parallel_loop3A_298 : i32
        %parallel_loop3A_300 = arith.constant 0 : i32
        %parallel_loop3A_301 = arith.addi %parallel_loop3A_299, %parallel_loop3A_300 : i32
        %parallel_loop3A_302 = arith.index_cast %parallel_loop3A_301 : i32 to index
        %parallel_loop3A_303 = tpu.vector_load %arg6[%parallel_loop3A_302] {strides = array<i32>} : memref<50000xf32, #tpu.memory_space<vmem>>, vector<16xf32>,
        %parallel_loop3A_304 = vector.shape_cast %parallel_loop3A_303 : vector<16xf32> to vector<16xf32>
        %parallel_loop3A_305 = arith.constant 16 : i32
        %parallel_loop3A_306 = arith.addi %parallel_loop3A_299, %parallel_loop3A_305 : i32
        %parallel_loop3A_307 = arith.index_cast %parallel_loop3A_306 : i32 to index
        %parallel_loop3A_308 = tpu.vector_load %arg6[%parallel_loop3A_307] {strides = array<i32>} : memref<50000xf32, #tpu.memory_space<vmem>>, vector<16xf32>,
        %parallel_loop3A_309 = vector.shape_cast %parallel_loop3A_308 : vector<16xf32> to vector<16xf32>
        %parallel_loop3A_310 = arith.constant 32 : i32
        %parallel_loop3A_311 = arith.addi %parallel_loop3A_299, %parallel_loop3A_310 : i32
        %parallel_loop3A_312 = arith.index_cast %parallel_loop3A_311 : i32 to index
        %parallel_loop3A_313 = tpu.vector_load %arg6[%parallel_loop3A_312] {strides = array<i32>} : memref<50000xf32, #tpu.memory_space<vmem>>, vector<16xf32>,
        %parallel_loop3A_314 = vector.shape_cast %parallel_loop3A_313 : vector<16xf32> to vector<16xf32>
        %parallel_loop3A_315 = arith.constant 48 : i32
        %parallel_loop3A_316 = arith.addi %parallel_loop3A_299, %parallel_loop3A_315 : i32
        %parallel_loop3A_317 = arith.index_cast %parallel_loop3A_316 : i32 to index
        %parallel_loop3A_318 = tpu.vector_load %arg6[%parallel_loop3A_317] {strides = array<i32>} : memref<50000xf32, #tpu.memory_space<vmem>>, vector<16xf32>,
        %parallel_loop3A_319 = vector.shape_cast %parallel_loop3A_318 : vector<16xf32> to vector<16xf32>
        %parallel_loop3A_320 = arith.constant 64 : i32
        %parallel_loop3A_321 = arith.addi %parallel_loop3A_299, %parallel_loop3A_320 : i32
        %parallel_loop3A_322 = arith.index_cast %parallel_loop3A_321 : i32 to index
        %parallel_loop3A_323 = tpu.vector_load %arg6[%parallel_loop3A_322] {strides = array<i32>} : memref<50000xf32, #tpu.memory_space<vmem>>, vector<16xf32>,
        %parallel_loop3A_324 = vector.shape_cast %parallel_loop3A_323 : vector<16xf32> to vector<16xf32>
        %parallel_loop3A_325 = arith.constant 80 : i32
        %parallel_loop3A_326 = arith.addi %parallel_loop3A_299, %parallel_loop3A_325 : i32
        %parallel_loop3A_327 = arith.index_cast %parallel_loop3A_326 : i32 to index
        %parallel_loop3A_328 = tpu.vector_load %arg6[%parallel_loop3A_327] {strides = array<i32>} : memref<50000xf32, #tpu.memory_space<vmem>>, vector<16xf32>,
        %parallel_loop3A_329 = vector.shape_cast %parallel_loop3A_328 : vector<16xf32> to vector<16xf32>
        %parallel_loop3A_330 = arith.constant 96 : i32
        %parallel_loop3A_331 = arith.addi %parallel_loop3A_299, %parallel_loop3A_330 : i32
        %parallel_loop3A_332 = arith.index_cast %parallel_loop3A_331 : i32 to index
        %parallel_loop3A_333 = tpu.vector_load %arg6[%parallel_loop3A_332] {strides = array<i32>} : memref<50000xf32, #tpu.memory_space<vmem>>, vector<16xf32>,
        %parallel_loop3A_334 = vector.shape_cast %parallel_loop3A_333 : vector<16xf32> to vector<16xf32>
        %parallel_loop3A_335 = arith.constant 112 : i32
        %parallel_loop3A_336 = arith.addi %parallel_loop3A_299, %parallel_loop3A_335 : i32
        %parallel_loop3A_337 = arith.index_cast %parallel_loop3A_336 : i32 to index
        %parallel_loop3A_338 = tpu.vector_load %arg6[%parallel_loop3A_337] {strides = array<i32>} : memref<50000xf32, #tpu.memory_space<vmem>>, vector<16xf32>,
        %parallel_loop3A_339 = vector.shape_cast %parallel_loop3A_338 : vector<16xf32> to vector<16xf32>
        %parallel_loop3A_340 = arith.constant 128 : i32
        %parallel_loop3A_341 = arith.addi %parallel_loop3A_299, %parallel_loop3A_340 : i32
        %parallel_loop3A_342 = arith.index_cast %parallel_loop3A_341 : i32 to index
        %parallel_loop3A_343 = tpu.vector_load %arg6[%parallel_loop3A_342] {strides = array<i32>} : memref<50000xf32, #tpu.memory_space<vmem>>, vector<16xf32>,
        %parallel_loop3A_344 = vector.shape_cast %parallel_loop3A_343 : vector<16xf32> to vector<16xf32>
        %parallel_loop3A_345 = arith.constant 144 : i32
        %parallel_loop3A_346 = arith.addi %parallel_loop3A_299, %parallel_loop3A_345 : i32
        %parallel_loop3A_347 = arith.index_cast %parallel_loop3A_346 : i32 to index
        %parallel_loop3A_348 = tpu.vector_load %arg6[%parallel_loop3A_347] {strides = array<i32>} : memref<50000xf32, #tpu.memory_space<vmem>>, vector<16xf32>,
        %parallel_loop3A_349 = vector.shape_cast %parallel_loop3A_348 : vector<16xf32> to vector<16xf32>
        %parallel_loop3A_350 = arith.constant 160 : i32
        %parallel_loop3A_351 = arith.addi %parallel_loop3A_299, %parallel_loop3A_350 : i32
        %parallel_loop3A_352 = arith.index_cast %parallel_loop3A_351 : i32 to index
        %parallel_loop3A_353 = tpu.vector_load %arg6[%parallel_loop3A_352] {strides = array<i32>} : memref<50000xf32, #tpu.memory_space<vmem>>, vector<16xf32>,
        %parallel_loop3A_354 = vector.shape_cast %parallel_loop3A_353 : vector<16xf32> to vector<16xf32>
        %parallel_loop3A_355 = arith.constant 176 : i32
        %parallel_loop3A_356 = arith.addi %parallel_loop3A_299, %parallel_loop3A_355 : i32
        %parallel_loop3A_357 = arith.index_cast %parallel_loop3A_356 : i32 to index
        %parallel_loop3A_358 = tpu.vector_load %arg6[%parallel_loop3A_357] {strides = array<i32>} : memref<50000xf32, #tpu.memory_space<vmem>>, vector<16xf32>,
        %parallel_loop3A_359 = vector.shape_cast %parallel_loop3A_358 : vector<16xf32> to vector<16xf32>
        %parallel_loop3A_360 = arith.constant 192 : i32
        %parallel_loop3A_361 = arith.addi %parallel_loop3A_299, %parallel_loop3A_360 : i32
        %parallel_loop3A_362 = arith.index_cast %parallel_loop3A_361 : i32 to index
        %parallel_loop3A_363 = tpu.vector_load %arg6[%parallel_loop3A_362] {strides = array<i32>} : memref<50000xf32, #tpu.memory_space<vmem>>, vector<16xf32>,
        %parallel_loop3A_364 = vector.shape_cast %parallel_loop3A_363 : vector<16xf32> to vector<16xf32>
        %parallel_loop3A_365 = arith.constant 208 : i32
        %parallel_loop3A_366 = arith.addi %parallel_loop3A_299, %parallel_loop3A_365 : i32
        %parallel_loop3A_367 = arith.index_cast %parallel_loop3A_366 : i32 to index
        %parallel_loop3A_368 = tpu.vector_load %arg6[%parallel_loop3A_367] {strides = array<i32>} : memref<50000xf32, #tpu.memory_space<vmem>>, vector<16xf32>,
        %parallel_loop3A_369 = vector.shape_cast %parallel_loop3A_368 : vector<16xf32> to vector<16xf32>
        %parallel_loop3A_370 = arith.constant 224 : i32
        %parallel_loop3A_371 = arith.addi %parallel_loop3A_299, %parallel_loop3A_370 : i32
        %parallel_loop3A_372 = arith.index_cast %parallel_loop3A_371 : i32 to index
        %parallel_loop3A_373 = tpu.vector_load %arg6[%parallel_loop3A_372] {strides = array<i32>} : memref<50000xf32, #tpu.memory_space<vmem>>, vector<16xf32>,
        %parallel_loop3A_374 = vector.shape_cast %parallel_loop3A_373 : vector<16xf32> to vector<16xf32>
        %parallel_loop3A_375 = arith.constant 240 : i32
        %parallel_loop3A_376 = arith.addi %parallel_loop3A_299, %parallel_loop3A_375 : i32
        %parallel_loop3A_377 = arith.index_cast %parallel_loop3A_376 : i32 to index
        %parallel_loop3A_378 = tpu.vector_load %arg6[%parallel_loop3A_377] {strides = array<i32>} : memref<50000xf32, #tpu.memory_space<vmem>>, vector<16xf32>,
        %parallel_loop3A_379 = vector.shape_cast %parallel_loop3A_378 : vector<16xf32> to vector<16xf32>
        %parallel_loop3A_380 = arith.constant 256 : i32
        %parallel_loop3A_381 = arith.addi %parallel_loop3A_299, %parallel_loop3A_380 : i32
        %parallel_loop3A_382 = arith.index_cast %parallel_loop3A_381 : i32 to index
        %parallel_loop3A_383 = tpu.vector_load %arg6[%parallel_loop3A_382] {strides = array<i32>} : memref<50000xf32, #tpu.memory_space<vmem>>, vector<16xf32>,
        %parallel_loop3A_384 = vector.shape_cast %parallel_loop3A_383 : vector<16xf32> to vector<16xf32>
        %parallel_loop3A_385 = arith.constant 272 : i32
        %parallel_loop3A_386 = arith.addi %parallel_loop3A_299, %parallel_loop3A_385 : i32
        %parallel_loop3A_387 = arith.index_cast %parallel_loop3A_386 : i32 to index
        %parallel_loop3A_388 = tpu.vector_load %arg6[%parallel_loop3A_387] {strides = array<i32>} : memref<50000xf32, #tpu.memory_space<vmem>>, vector<16xf32>,
        %parallel_loop3A_389 = vector.shape_cast %parallel_loop3A_388 : vector<16xf32> to vector<16xf32>
        %parallel_loop3A_390 = arith.constant 288 : i32
        %parallel_loop3A_391 = arith.addi %parallel_loop3A_299, %parallel_loop3A_390 : i32
        %parallel_loop3A_392 = arith.index_cast %parallel_loop3A_391 : i32 to index
        %parallel_loop3A_393 = tpu.vector_load %arg6[%parallel_loop3A_392] {strides = array<i32>} : memref<50000xf32, #tpu.memory_space<vmem>>, vector<16xf32>,
        %parallel_loop3A_394 = vector.shape_cast %parallel_loop3A_393 : vector<16xf32> to vector<16xf32>
        %parallel_loop3A_395 = arith.constant 304 : i32
        %parallel_loop3A_396 = arith.addi %parallel_loop3A_299, %parallel_loop3A_395 : i32
        %parallel_loop3A_397 = arith.index_cast %parallel_loop3A_396 : i32 to index
        %parallel_loop3A_398 = tpu.vector_load %arg6[%parallel_loop3A_397] {strides = array<i32>} : memref<50000xf32, #tpu.memory_space<vmem>>, vector<16xf32>,
        %parallel_loop3A_399 = vector.shape_cast %parallel_loop3A_398 : vector<16xf32> to vector<16xf32>
        %parallel_loop3A_400 = arith.constant 320 : i32
        %parallel_loop3A_401 = arith.addi %parallel_loop3A_299, %parallel_loop3A_400 : i32
        %parallel_loop3A_402 = arith.index_cast %parallel_loop3A_401 : i32 to index
        %parallel_loop3A_403 = tpu.vector_load %arg6[%parallel_loop3A_402] {strides = array<i32>} : memref<50000xf32, #tpu.memory_space<vmem>>, vector<16xf32>,
        %parallel_loop3A_404 = vector.shape_cast %parallel_loop3A_403 : vector<16xf32> to vector<16xf32>
        %parallel_loop3A_405 = arith.constant 336 : i32
        %parallel_loop3A_406 = arith.addi %parallel_loop3A_299, %parallel_loop3A_405 : i32
        %parallel_loop3A_407 = arith.index_cast %parallel_loop3A_406 : i32 to index
        %parallel_loop3A_408 = tpu.vector_load %arg6[%parallel_loop3A_407] {strides = array<i32>} : memref<50000xf32, #tpu.memory_space<vmem>>, vector<16xf32>,
        %parallel_loop3A_409 = vector.shape_cast %parallel_loop3A_408 : vector<16xf32> to vector<16xf32>
        %parallel_loop3A_410 = arith.constant 352 : i32
        %parallel_loop3A_411 = arith.addi %parallel_loop3A_299, %parallel_loop3A_410 : i32
        %parallel_loop3A_412 = arith.index_cast %parallel_loop3A_411 : i32 to index
        %parallel_loop3A_413 = tpu.vector_load %arg6[%parallel_loop3A_412] {strides = array<i32>} : memref<50000xf32, #tpu.memory_space<vmem>>, vector<16xf32>,
        %parallel_loop3A_414 = vector.shape_cast %parallel_loop3A_413 : vector<16xf32> to vector<16xf32>
        %parallel_loop3A_415 = arith.constant 368 : i32
        %parallel_loop3A_416 = arith.addi %parallel_loop3A_299, %parallel_loop3A_415 : i32
        %parallel_loop3A_417 = arith.index_cast %parallel_loop3A_416 : i32 to index
        %parallel_loop3A_418 = tpu.vector_load %arg6[%parallel_loop3A_417] {strides = array<i32>} : memref<50000xf32, #tpu.memory_space<vmem>>, vector<16xf32>,
        %parallel_loop3A_419 = vector.shape_cast %parallel_loop3A_418 : vector<16xf32> to vector<16xf32>
        %parallel_loop3A_420 = arith.constant 384 : i32
        %parallel_loop3A_421 = arith.addi %parallel_loop3A_299, %parallel_loop3A_420 : i32
        %parallel_loop3A_422 = arith.index_cast %parallel_loop3A_421 : i32 to index
        %parallel_loop3A_423 = tpu.vector_load %arg6[%parallel_loop3A_422] {strides = array<i32>} : memref<50000xf32, #tpu.memory_space<vmem>>, vector<16xf32>,
        %parallel_loop3A_424 = vector.shape_cast %parallel_loop3A_423 : vector<16xf32> to vector<16xf32>
        %parallel_loop3A_425 = arith.maximumf %parallel_loop3A_304, %parallel_loop3A_309 : vector<16xf32>
        %parallel_loop3A_426 = arith.maximumf %parallel_loop3A_314, %parallel_loop3A_319 : vector<16xf32>
        %parallel_loop3A_427 = arith.maximumf %parallel_loop3A_324, %parallel_loop3A_329 : vector<16xf32>
        %parallel_loop3A_428 = arith.maximumf %parallel_loop3A_334, %parallel_loop3A_339 : vector<16xf32>
        %parallel_loop3A_429 = arith.maximumf %parallel_loop3A_344, %parallel_loop3A_349 : vector<16xf32>
        %parallel_loop3A_430 = arith.maximumf %parallel_loop3A_354, %parallel_loop3A_359 : vector<16xf32>
        %parallel_loop3A_431 = arith.maximumf %parallel_loop3A_364, %parallel_loop3A_369 : vector<16xf32>
        %parallel_loop3A_432 = arith.maximumf %parallel_loop3A_374, %parallel_loop3A_379 : vector<16xf32>
        %parallel_loop3A_433 = arith.maximumf %parallel_loop3A_384, %parallel_loop3A_389 : vector<16xf32>
        %parallel_loop3A_434 = arith.maximumf %parallel_loop3A_394, %parallel_loop3A_399 : vector<16xf32>
        %parallel_loop3A_435 = arith.maximumf %parallel_loop3A_404, %parallel_loop3A_409 : vector<16xf32>
        %parallel_loop3A_436 = arith.maximumf %parallel_loop3A_414, %parallel_loop3A_419 : vector<16xf32>
        %parallel_loop3A_437 = arith.maximumf %parallel_loop3A_425, %parallel_loop3A_426 : vector<16xf32>
        %parallel_loop3A_438 = arith.maximumf %parallel_loop3A_427, %parallel_loop3A_428 : vector<16xf32>
        %parallel_loop3A_439 = arith.maximumf %parallel_loop3A_429, %parallel_loop3A_430 : vector<16xf32>
        %parallel_loop3A_440 = arith.maximumf %parallel_loop3A_431, %parallel_loop3A_432 : vector<16xf32>
        %parallel_loop3A_441 = arith.maximumf %parallel_loop3A_433, %parallel_loop3A_434 : vector<16xf32>
        %parallel_loop3A_442 = arith.maximumf %parallel_loop3A_435, %parallel_loop3A_436 : vector<16xf32>
        %parallel_loop3A_443 = arith.maximumf %parallel_loop3A_437, %parallel_loop3A_438 : vector<16xf32>
        %parallel_loop3A_444 = arith.maximumf %parallel_loop3A_439, %parallel_loop3A_440 : vector<16xf32>
        %parallel_loop3A_445 = arith.maximumf %parallel_loop3A_441, %parallel_loop3A_442 : vector<16xf32>
        %parallel_loop3A_446 = arith.maximumf %parallel_loop3A_443, %parallel_loop3A_444 : vector<16xf32>
        %parallel_loop3A_447 = arith.maximumf %parallel_loop3A_445, %parallel_loop3A_424 : vector<16xf32>
        %parallel_loop3A_448 = arith.maximumf %parallel_loop3A_446, %parallel_loop3A_447 : vector<16xf32>
        %parallel_loop3A_449 = arith.constant 16 : i32
        %parallel_loop3A_450 = arith.muli %parallel_loop3A_297, %parallel_loop3A_449 : i32
        %parallel_loop3A_451 = arith.index_cast %parallel_loop3A_450 : i32 to index
        %parallel_loop3A_452 = tpu.vector_load %arg7[%parallel_loop3A_451] {strides = array<i32>} : memref<2000xf32, #tpu.memory_space<vmem>>, vector<16xf32>,
        %parallel_loop3A_453 = vector.shape_cast %parallel_loop3A_452 : vector<16xf32> to vector<16xf32>
        %parallel_loop3A_454 = vector.shape_cast %parallel_loop3A_448 : vector<16xf32> to vector<16xf32>
        tpu.vector_store %arg7[%parallel_loop3A_451], %parallel_loop3A_454 {strides = array<i32>} : memref<2000xf32, #tpu.memory_space<vmem>>, vector<16xf32>,
      } {sc.loop_unroll_factor = 4 : i64, sc.parallel_access}
      %broadcast_in_dim3A_217 = arith.constant -3.000000e+38 : f32
      %broadcast_in_dim3A_218 = vector.broadcast %broadcast_in_dim3A_217 : f32 to vector<16xf32>
      %scan3A_219 = arith.constant 0 : i32
      %scan3A_220 = arith.constant 125 : i32
      %scan3A_221 = arith.addi %scan3A_219, %scan3A_220 : i32
      %scan3A_222 = arith.constant 1 : i32
      %scan3A_223 = scf.for %scan3A_297 = %scan3A_219 to %scan3A_221 step %scan3A_222 iter_args(%scan3A_298 = %broadcast_in_dim3A_218) -> (vector<16xf32>)  : i32 {
        %mul3A_299 = arith.constant 16 : i32
        %mul3A_300 = arith.muli %scan3A_297, %mul3A_299 : i32
        %get3A_301 = arith.index_cast %mul3A_300 : i32 to index
        %get3A_302 = tpu.vector_load %arg7[%get3A_301] {strides = array<i32>} : memref<2000xf32, #tpu.memory_space<vmem>>, vector<16xf32>,
        %get3A_303 = vector.shape_cast %get3A_302 : vector<16xf32> to vector<16xf32>
        %max3A_304 = arith.maximumf %scan3A_298, %get3A_303 : vector<16xf32>
        scf.yield %max3A_304 : vector<16xf32>
      }
      %scan3A_224 = arith.constant 125 : i32
      %slice3A_225 = vector.extract_strided_slice %scan3A_223 {offsets = [0], sizes = [1], strides = [1]} : vector<16xf32> to vector<1xf32>
      %squeeze3A_226 = vector.extract %slice3A_225[0] : f32 from vector<1xf32>
      %slice3A_227 = vector.extract_strided_slice %scan3A_223 {offsets = [1], sizes = [1], strides = [1]} : vector<16xf32> to vector<1xf32>
      %squeeze3A_228 = vector.extract %slice3A_227[0] : f32 from vector<1xf32>
      %max3A_229 = arith.maximumf %squeeze3A_226, %squeeze3A_228 : f32
      %slice3A_230 = vector.extract_strided_slice %scan3A_223 {offsets = [2], sizes = [1], strides = [1]} : vector<16xf32> to vector<1xf32>
      %squeeze3A_231 = vector.extract %slice3A_230[0] : f32 from vector<1xf32>
      %max3A_232 = arith.maximumf %max3A_229, %squeeze3A_231 : f32
      %slice3A_233 = vector.extract_strided_slice %scan3A_223 {offsets = [3], sizes = [1], strides = [1]} : vector<16xf32> to vector<1xf32>
      %squeeze3A_234 = vector.extract %slice3A_233[0] : f32 from vector<1xf32>
      %max3A_235 = arith.maximumf %max3A_232, %squeeze3A_234 : f32
      %slice3A_236 = vector.extract_strided_slice %scan3A_223 {offsets = [4], sizes = [1], strides = [1]} : vector<16xf32> to vector<1xf32>
      %squeeze3A_237 = vector.extract %slice3A_236[0] : f32 from vector<1xf32>
      %max3A_238 = arith.maximumf %max3A_235, %squeeze3A_237 : f32
      %slice3A_239 = vector.extract_strided_slice %scan3A_223 {offsets = [5], sizes = [1], strides = [1]} : vector<16xf32> to vector<1xf32>
      %squeeze3A_240 = vector.extract %slice3A_239[0] : f32 from vector<1xf32>
      %max3A_241 = arith.maximumf %max3A_238, %squeeze3A_240 : f32
      %slice3A_242 = vector.extract_strided_slice %scan3A_223 {offsets = [6], sizes = [1], strides = [1]} : vector<16xf32> to vector<1xf32>
      %squeeze3A_243 = vector.extract %slice3A_242[0] : f32 from vector<1xf32>
      %max3A_244 = arith.maximumf %max3A_241, %squeeze3A_243 : f32
      %slice3A_245 = vector.extract_strided_slice %scan3A_223 {offsets = [7], sizes = [1], strides = [1]} : vector<16xf32> to vector<1xf32>
      %squeeze3A_246 = vector.extract %slice3A_245[0] : f32 from vector<1xf32>
      %max3A_247 = arith.maximumf %max3A_244, %squeeze3A_246 : f32
      %slice3A_248 = vector.extract_strided_slice %scan3A_223 {offsets = [8], sizes = [1], strides = [1]} : vector<16xf32> to vector<1xf32>
      %squeeze3A_249 = vector.extract %slice3A_248[0] : f32 from vector<1xf32>
      %max3A_250 = arith.maximumf %max3A_247, %squeeze3A_249 : f32
      %slice3A_251 = vector.extract_strided_slice %scan3A_223 {offsets = [9], sizes = [1], strides = [1]} : vector<16xf32> to vector<1xf32>
      %squeeze3A_252 = vector.extract %slice3A_251[0] : f32 from vector<1xf32>
      %max3A_253 = arith.maximumf %max3A_250, %squeeze3A_252 : f32
      %slice3A_254 = vector.extract_strided_slice %scan3A_223 {offsets = [10], sizes = [1], strides = [1]} : vector<16xf32> to vector<1xf32>
      %squeeze3A_255 = vector.extract %slice3A_254[0] : f32 from vector<1xf32>
      %max3A_256 = arith.maximumf %max3A_253, %squeeze3A_255 : f32
      %slice3A_257 = vector.extract_strided_slice %scan3A_223 {offsets = [11], sizes = [1], strides = [1]} : vector<16xf32> to vector<1xf32>
      %squeeze3A_258 = vector.extract %slice3A_257[0] : f32 from vector<1xf32>
      %max3A_259 = arith.maximumf %max3A_256, %squeeze3A_258 : f32
      %slice3A_260 = vector.extract_strided_slice %scan3A_223 {offsets = [12], sizes = [1], strides = [1]} : vector<16xf32> to vector<1xf32>
      %squeeze3A_261 = vector.extract %slice3A_260[0] : f32 from vector<1xf32>
      %max3A_262 = arith.maximumf %max3A_259, %squeeze3A_261 : f32
      %slice3A_263 = vector.extract_strided_slice %scan3A_223 {offsets = [13], sizes = [1], strides = [1]} : vector<16xf32> to vector<1xf32>
      %squeeze3A_264 = vector.extract %slice3A_263[0] : f32 from vector<1xf32>
      %max3A_265 = arith.maximumf %max3A_262, %squeeze3A_264 : f32
      %slice3A_266 = vector.extract_strided_slice %scan3A_223 {offsets = [14], sizes = [1], strides = [1]} : vector<16xf32> to vector<1xf32>
      %squeeze3A_267 = vector.extract %slice3A_266[0] : f32 from vector<1xf32>
      %max3A_268 = arith.maximumf %max3A_265, %squeeze3A_267 : f32
      %slice3A_269 = vector.extract_strided_slice %scan3A_223 {offsets = [15], sizes = [1], strides = [1]} : vector<16xf32> to vector<1xf32>
      %squeeze3A_270 = vector.extract %slice3A_269[0] : f32 from vector<1xf32>
      %max3A_271 = arith.maximumf %max3A_268, %squeeze3A_270 : f32
      %gt3A_272 = arith.cmpf ogt, %max3A_271, %while3A_175 : f32
      %convert_element_type3A_273 = arith.extui %gt3A_272 : i1 to i32
      %scan3A_274 = arith.constant 0 : i32
      %scan3A_275 = arith.constant 3.000000e+38 : f32
      %scan3A_276 = arith.constant -1 : i32
      %scan3A_277 = arith.constant 0 : i32
      %scan3A_278 = arith.constant 32 : i32
      %scan3A_279 = arith.addi %scan3A_277, %scan3A_278 : i32
      %scan3A_280 = arith.constant 1 : i32
      %scan3A_281:5 = scf.for %scan3A_297 = %scan3A_277 to %scan3A_279 step %scan3A_280 iter_args(%scan3A_298 = %convert_element_type3A_273, %scan3A_299 = %scan3A_274, %scan3A_300 = %max3A_271, %scan3A_301 = %scan3A_275, %scan3A_302 = %scan3A_276) -> (i32, i32, f32, f32, i32)  : i32 {
        %while3A_303 = arith.constant 0 : i32
        %while3A_304 = arith.subi %scan3A_298, %while3A_303 : i32
        %while3A_305 = arith.addi %while3A_303, %while3A_304 : i32
        %while3A_306 = arith.constant 1 : i32
        %while3A_307 = arith.divsi %while3A_304, %while3A_306 : i32
        %while3A_308 = arith.muli %while3A_307, %while3A_306 : i32
        %while3A_309 = arith.addi %while3A_303, %while3A_308 : i32
        %while3A_310 = arith.constant 1 : i32
        %while3A_311:4 = scf.for %while3A_317 = %while3A_303 to %while3A_309 step %while3A_310 iter_args(%while3A_318 = %scan3A_299, %while3A_319 = %scan3A_300, %while3A_320 = %scan3A_301, %while3A_321 = %scan3A_302) -> (i32, f32, f32, i32)  : i32 {
          %broadcast_in_dim3A_322 = vector.broadcast %while3A_319 : f32 to vector<16xf32>
          %broadcast_in_dim3A_323 = arith.constant 2147483647 : i32
          %broadcast_in_dim3A_324 = vector.broadcast %broadcast_in_dim3A_323 : i32 to vector<16xi32>
          %scan3A_325 = arith.constant 0 : i32
          %scan3A_326 = arith.constant 125 : i32
          %scan3A_327 = arith.addi %scan3A_325, %scan3A_326 : i32
          %scan3A_328 = arith.constant 1 : i32
          %scan3A_329 = scf.for %scan3A_572 = %scan3A_325 to %scan3A_327 step %scan3A_328 iter_args(%scan3A_573 = %broadcast_in_dim3A_324) -> (vector<16xi32>)  : i32 {
            %mul3A_574 = arith.constant 16 : i32
            %mul3A_575 = arith.muli %scan3A_572, %mul3A_574 : i32
            %get3A_576 = arith.index_cast %mul3A_575 : i32 to index
            %get3A_577 = tpu.vector_load %arg7[%get3A_576] {strides = array<i32>} : memref<2000xf32, #tpu.memory_space<vmem>>, vector<16xf32>,
            %get3A_578 = vector.shape_cast %get3A_577 : vector<16xf32> to vector<16xf32>
            %eq3A_579 = arith.cmpf oeq, %get3A_578, %broadcast_in_dim3A_322 : vector<16xf32>
            %jit3A_580 = arith.constant 2147483647 : i32
            %broadcast_in_dim3A_581 = vector.broadcast %scan3A_572 : i32 to vector<16xi32>
            %broadcast_in_dim3A_582 = vector.broadcast %jit3A_580 : i32 to vector<16xi32>
            %select_n3A_583 = arith.select %eq3A_579, %broadcast_in_dim3A_581, %broadcast_in_dim3A_582 : vector<16xi1>, vector<16xi32>
            %min3A_584 = arith.minsi %scan3A_573, %select_n3A_583 : vector<16xi32>
            scf.yield %min3A_584 : vector<16xi32>
          }
          %scan3A_330 = arith.constant 125 : i32
          %slice3A_331 = vector.extract_strided_slice %scan3A_329 {offsets = [0], sizes = [1], strides = [1]} : vector<16xi32> to vector<1xi32>
          %squeeze3A_332 = vector.extract %slice3A_331[0] : i32 from vector<1xi32>
          %slice3A_333 = vector.extract_strided_slice %scan3A_329 {offsets = [1], sizes = [1], strides = [1]} : vector<16xi32> to vector<1xi32>
          %squeeze3A_334 = vector.extract %slice3A_333[0] : i32 from vector<1xi32>
          %min3A_335 = arith.minsi %squeeze3A_332, %squeeze3A_334 : i32
          %slice3A_336 = vector.extract_strided_slice %scan3A_329 {offsets = [2], sizes = [1], strides = [1]} : vector<16xi32> to vector<1xi32>
          %squeeze3A_337 = vector.extract %slice3A_336[0] : i32 from vector<1xi32>
          %min3A_338 = arith.minsi %min3A_335, %squeeze3A_337 : i32
          %slice3A_339 = vector.extract_strided_slice %scan3A_329 {offsets = [3], sizes = [1], strides = [1]} : vector<16xi32> to vector<1xi32>
          %squeeze3A_340 = vector.extract %slice3A_339[0] : i32 from vector<1xi32>
          %min3A_341 = arith.minsi %min3A_338, %squeeze3A_340 : i32
          %slice3A_342 = vector.extract_strided_slice %scan3A_329 {offsets = [4], sizes = [1], strides = [1]} : vector<16xi32> to vector<1xi32>
          %squeeze3A_343 = vector.extract %slice3A_342[0] : i32 from vector<1xi32>
          %min3A_344 = arith.minsi %min3A_341, %squeeze3A_343 : i32
          %slice3A_345 = vector.extract_strided_slice %scan3A_329 {offsets = [5], sizes = [1], strides = [1]} : vector<16xi32> to vector<1xi32>
          %squeeze3A_346 = vector.extract %slice3A_345[0] : i32 from vector<1xi32>
          %min3A_347 = arith.minsi %min3A_344, %squeeze3A_346 : i32
          %slice3A_348 = vector.extract_strided_slice %scan3A_329 {offsets = [6], sizes = [1], strides = [1]} : vector<16xi32> to vector<1xi32>
          %squeeze3A_349 = vector.extract %slice3A_348[0] : i32 from vector<1xi32>
          %min3A_350 = arith.minsi %min3A_347, %squeeze3A_349 : i32
          %slice3A_351 = vector.extract_strided_slice %scan3A_329 {offsets = [7], sizes = [1], strides = [1]} : vector<16xi32> to vector<1xi32>
          %squeeze3A_352 = vector.extract %slice3A_351[0] : i32 from vector<1xi32>
          %min3A_353 = arith.minsi %min3A_350, %squeeze3A_352 : i32
          %slice3A_354 = vector.extract_strided_slice %scan3A_329 {offsets = [8], sizes = [1], strides = [1]} : vector<16xi32> to vector<1xi32>
          %squeeze3A_355 = vector.extract %slice3A_354[0] : i32 from vector<1xi32>
          %min3A_356 = arith.minsi %min3A_353, %squeeze3A_355 : i32
          %slice3A_357 = vector.extract_strided_slice %scan3A_329 {offsets = [9], sizes = [1], strides = [1]} : vector<16xi32> to vector<1xi32>
          %squeeze3A_358 = vector.extract %slice3A_357[0] : i32 from vector<1xi32>
          %min3A_359 = arith.minsi %min3A_356, %squeeze3A_358 : i32
          %slice3A_360 = vector.extract_strided_slice %scan3A_329 {offsets = [10], sizes = [1], strides = [1]} : vector<16xi32> to vector<1xi32>
          %squeeze3A_361 = vector.extract %slice3A_360[0] : i32 from vector<1xi32>
          %min3A_362 = arith.minsi %min3A_359, %squeeze3A_361 : i32
          %slice3A_363 = vector.extract_strided_slice %scan3A_329 {offsets = [11], sizes = [1], strides = [1]} : vector<16xi32> to vector<1xi32>
          %squeeze3A_364 = vector.extract %slice3A_363[0] : i32 from vector<1xi32>
          %min3A_365 = arith.minsi %min3A_362, %squeeze3A_364 : i32
          %slice3A_366 = vector.extract_strided_slice %scan3A_329 {offsets = [12], sizes = [1], strides = [1]} : vector<16xi32> to vector<1xi32>
          %squeeze3A_367 = vector.extract %slice3A_366[0] : i32 from vector<1xi32>
          %min3A_368 = arith.minsi %min3A_365, %squeeze3A_367 : i32
          %slice3A_369 = vector.extract_strided_slice %scan3A_329 {offsets = [13], sizes = [1], strides = [1]} : vector<16xi32> to vector<1xi32>
          %squeeze3A_370 = vector.extract %slice3A_369[0] : i32 from vector<1xi32>
          %min3A_371 = arith.minsi %min3A_368, %squeeze3A_370 : i32
          %slice3A_372 = vector.extract_strided_slice %scan3A_329 {offsets = [14], sizes = [1], strides = [1]} : vector<16xi32> to vector<1xi32>
          %squeeze3A_373 = vector.extract %slice3A_372[0] : i32 from vector<1xi32>
          %min3A_374 = arith.minsi %min3A_371, %squeeze3A_373 : i32
          %slice3A_375 = vector.extract_strided_slice %scan3A_329 {offsets = [15], sizes = [1], strides = [1]} : vector<16xi32> to vector<1xi32>
          %squeeze3A_376 = vector.extract %slice3A_375[0] : i32 from vector<1xi32>
          %min3A_377 = arith.minsi %min3A_374, %squeeze3A_376 : i32
          %mul3A_378 = arith.constant 400 : i32
          %mul3A_379 = arith.muli %min3A_377, %mul3A_378 : i32
          %mul3A_380 = arith.constant 50000 : i32
          %mul3A_381 = arith.muli %add3A_196, %mul3A_380 : i32
          %add3A_382 = arith.addi %mul3A_381, %mul3A_379 : i32
          %eq3A = arith.cmpf oeq, %while3A_319, %while3A_320 : f32
          %jit3A_383 = arith.constant -1 : i32
          %select_n3A_384 = arith.select %eq3A, %while3A_321, %jit3A_383 : i32
          %broadcast_in_dim3A_385 = vector.broadcast %select_n3A_384 : i32 to vector<16xi32>
          %broadcast_in_dim3A_386 = arith.constant 2147483647 : i32
          %broadcast_in_dim3A_387 = vector.broadcast %broadcast_in_dim3A_386 : i32 to vector<16xi32>
          %scan3A_388 = arith.constant 0 : i32
          %scan3A_389 = arith.constant 25 : i32
          %scan3A_390 = arith.addi %scan3A_388, %scan3A_389 : i32
          %scan3A_391 = arith.constant 1 : i32
          %scan3A_392 = scf.for %scan3A_572 = %scan3A_388 to %scan3A_390 step %scan3A_391 iter_args(%scan3A_573 = %broadcast_in_dim3A_387) -> (vector<16xi32>)  : i32 {
            %mul3A_574 = arith.constant 16 : i32
            %mul3A_575 = arith.muli %scan3A_572, %mul3A_574 : i32
            %add3A_576 = arith.addi %mul3A_379, %mul3A_575 : i32
            %get3A_577 = arith.index_cast %add3A_576 : i32 to index
            %get3A_578 = tpu.vector_load %arg6[%get3A_577] {strides = array<i32>} : memref<50000xf32, #tpu.memory_space<vmem>>, vector<16xf32>,
            %get3A_579 = vector.shape_cast %get3A_578 : vector<16xf32> to vector<16xf32>
            %mul3A_580 = arith.constant 16 : i32
            %mul3A_581 = arith.muli %scan3A_572, %mul3A_580 : i32
            %add3A_582 = arith.addi %add3A_382, %mul3A_581 : i32
            %add3A_583 = vector.broadcast %add3A_582 : i32 to vector<16xi32>
            %add3A_584 = arith.addi %iota3A, %add3A_583 : vector<16xi32>
            %eq3A_585 = arith.cmpf oeq, %get3A_579, %broadcast_in_dim3A_322 : vector<16xf32>
            %gt3A_586 = arith.cmpi sgt, %add3A_584, %broadcast_in_dim3A_385 : vector<16xi32>
            %and3A_587 = arith.andi %eq3A_585, %gt3A_586 : vector<16xi1>
            %jit3A_588 = arith.constant 2147483647 : i32
            %broadcast_in_dim3A_589 = vector.broadcast %jit3A_588 : i32 to vector<16xi32>
            %select_n3A_590 = arith.select %and3A_587, %add3A_584, %broadcast_in_dim3A_589 : vector<16xi1>, vector<16xi32>
            %min3A_591 = arith.minsi %scan3A_573, %select_n3A_590 : vector<16xi32>
            scf.yield %min3A_591 : vector<16xi32>
          }
          %scan3A_393 = arith.constant 25 : i32
          %slice3A_394 = vector.extract_strided_slice %scan3A_392 {offsets = [0], sizes = [1], strides = [1]} : vector<16xi32> to vector<1xi32>
          %squeeze3A_395 = vector.extract %slice3A_394[0] : i32 from vector<1xi32>
          %slice3A_396 = vector.extract_strided_slice %scan3A_392 {offsets = [1], sizes = [1], strides = [1]} : vector<16xi32> to vector<1xi32>
          %squeeze3A_397 = vector.extract %slice3A_396[0] : i32 from vector<1xi32>
          %min3A_398 = arith.minsi %squeeze3A_395, %squeeze3A_397 : i32
          %slice3A_399 = vector.extract_strided_slice %scan3A_392 {offsets = [2], sizes = [1], strides = [1]} : vector<16xi32> to vector<1xi32>
          %squeeze3A_400 = vector.extract %slice3A_399[0] : i32 from vector<1xi32>
          %min3A_401 = arith.minsi %min3A_398, %squeeze3A_400 : i32
          %slice3A_402 = vector.extract_strided_slice %scan3A_392 {offsets = [3], sizes = [1], strides = [1]} : vector<16xi32> to vector<1xi32>
          %squeeze3A_403 = vector.extract %slice3A_402[0] : i32 from vector<1xi32>
          %min3A_404 = arith.minsi %min3A_401, %squeeze3A_403 : i32
          %slice3A_405 = vector.extract_strided_slice %scan3A_392 {offsets = [4], sizes = [1], strides = [1]} : vector<16xi32> to vector<1xi32>
          %squeeze3A_406 = vector.extract %slice3A_405[0] : i32 from vector<1xi32>
          %min3A_407 = arith.minsi %min3A_404, %squeeze3A_406 : i32
          %slice3A_408 = vector.extract_strided_slice %scan3A_392 {offsets = [5], sizes = [1], strides = [1]} : vector<16xi32> to vector<1xi32>
          %squeeze3A_409 = vector.extract %slice3A_408[0] : i32 from vector<1xi32>
          %min3A_410 = arith.minsi %min3A_407, %squeeze3A_409 : i32
          %slice3A_411 = vector.extract_strided_slice %scan3A_392 {offsets = [6], sizes = [1], strides = [1]} : vector<16xi32> to vector<1xi32>
          %squeeze3A_412 = vector.extract %slice3A_411[0] : i32 from vector<1xi32>
          %min3A_413 = arith.minsi %min3A_410, %squeeze3A_412 : i32
          %slice3A_414 = vector.extract_strided_slice %scan3A_392 {offsets = [7], sizes = [1], strides = [1]} : vector<16xi32> to vector<1xi32>
          %squeeze3A_415 = vector.extract %slice3A_414[0] : i32 from vector<1xi32>
          %min3A_416 = arith.minsi %min3A_413, %squeeze3A_415 : i32
          %slice3A_417 = vector.extract_strided_slice %scan3A_392 {offsets = [8], sizes = [1], strides = [1]} : vector<16xi32> to vector<1xi32>
          %squeeze3A_418 = vector.extract %slice3A_417[0] : i32 from vector<1xi32>
          %min3A_419 = arith.minsi %min3A_416, %squeeze3A_418 : i32
          %slice3A_420 = vector.extract_strided_slice %scan3A_392 {offsets = [9], sizes = [1], strides = [1]} : vector<16xi32> to vector<1xi32>
          %squeeze3A_421 = vector.extract %slice3A_420[0] : i32 from vector<1xi32>
          %min3A_422 = arith.minsi %min3A_419, %squeeze3A_421 : i32
          %slice3A_423 = vector.extract_strided_slice %scan3A_392 {offsets = [10], sizes = [1], strides = [1]} : vector<16xi32> to vector<1xi32>
          %squeeze3A_424 = vector.extract %slice3A_423[0] : i32 from vector<1xi32>
          %min3A_425 = arith.minsi %min3A_422, %squeeze3A_424 : i32
          %slice3A_426 = vector.extract_strided_slice %scan3A_392 {offsets = [11], sizes = [1], strides = [1]} : vector<16xi32> to vector<1xi32>
          %squeeze3A_427 = vector.extract %slice3A_426[0] : i32 from vector<1xi32>
          %min3A_428 = arith.minsi %min3A_425, %squeeze3A_427 : i32
          %slice3A_429 = vector.extract_strided_slice %scan3A_392 {offsets = [12], sizes = [1], strides = [1]} : vector<16xi32> to vector<1xi32>
          %squeeze3A_430 = vector.extract %slice3A_429[0] : i32 from vector<1xi32>
          %min3A_431 = arith.minsi %min3A_428, %squeeze3A_430 : i32
          %slice3A_432 = vector.extract_strided_slice %scan3A_392 {offsets = [13], sizes = [1], strides = [1]} : vector<16xi32> to vector<1xi32>
          %squeeze3A_433 = vector.extract %slice3A_432[0] : i32 from vector<1xi32>
          %min3A_434 = arith.minsi %min3A_431, %squeeze3A_433 : i32
          %slice3A_435 = vector.extract_strided_slice %scan3A_392 {offsets = [14], sizes = [1], strides = [1]} : vector<16xi32> to vector<1xi32>
          %squeeze3A_436 = vector.extract %slice3A_435[0] : i32 from vector<1xi32>
          %min3A_437 = arith.minsi %min3A_434, %squeeze3A_436 : i32
          %slice3A_438 = vector.extract_strided_slice %scan3A_392 {offsets = [15], sizes = [1], strides = [1]} : vector<16xi32> to vector<1xi32>
          %squeeze3A_439 = vector.extract %slice3A_438[0] : i32 from vector<1xi32>
          %min3A_440 = arith.minsi %min3A_437, %squeeze3A_439 : i32
          %broadcast_in_dim3A_441 = vector.broadcast %min3A_440 : i32 to vector<16xi32>
          %jit3A_442 = arith.constant 16 : i32
          %div3A = arith.divsi %while3A_318, %jit3A_442 : i32
          %sign3A = arith.constant 0 : i32
          %sign3A_443 = arith.cmpi sgt, %while3A_318, %sign3A : i32
          %sign3A_444 = arith.extui %sign3A_443 : i1 to i32
          %sign3A_445 = arith.constant 0 : i32
          %sign3A_446 = arith.cmpi slt, %while3A_318, %sign3A_445 : i32
          %sign3A_447 = arith.extui %sign3A_446 : i1 to i32
          %sign3A_448 = arith.subi %sign3A_444, %sign3A_447 : i32
          %sign3A_449 = arith.constant 0 : i32
          %sign3A_450 = arith.cmpi sgt, %jit3A_442, %sign3A_449 : i32
          %sign3A_451 = arith.extui %sign3A_450 : i1 to i32
          %sign3A_452 = arith.constant 0 : i32
          %sign3A_453 = arith.cmpi slt, %jit3A_442, %sign3A_452 : i32
          %sign3A_454 = arith.extui %sign3A_453 : i1 to i32
          %sign3A_455 = arith.subi %sign3A_451, %sign3A_454 : i32
          %ne3A = arith.cmpi ne, %sign3A_448, %sign3A_455 : i32
          %rem3A = arith.remsi %while3A_318, %jit3A_442 : i32
          %ne3A_456 = arith.constant 0 : i32
          %ne3A_457 = arith.cmpi ne, %rem3A, %ne3A_456 : i32
          %and3A_458 = arith.andi %ne3A, %ne3A_457 : i1
          %sub3A = arith.constant 1 : i32
          %sub3A_459 = arith.subi %div3A, %sub3A : i32
          %select_n3A_460 = arith.select %and3A_458, %sub3A_459, %div3A : i32
          %mul3A_461 = arith.constant 16 : i32
          %mul3A_462 = arith.muli %select_n3A_460, %mul3A_461 : i32
          %add3A_463 = arith.constant 32 : i32
          %add3A_464 = arith.addi %add3A_463, %mul3A_462 : i32
          %jit3A_465 = arith.constant 16 : i32
          %eq3A_466 = arith.constant 0 : i32
          %eq3A_467 = arith.cmpi eq, %jit3A_465, %eq3A_466 : i32
          %jit3A_468 = arith.constant 1 : i32
          %select_n3A_469 = arith.select %eq3A_467, %jit3A_468, %jit3A_465 : i32
          %rem3A_470 = arith.remsi %while3A_318, %select_n3A_469 : i32
          %ne3A_471 = arith.constant 0 : i32
          %ne3A_472 = arith.cmpi ne, %rem3A_470, %ne3A_471 : i32
          %lt3A_473 = arith.constant 0 : i32
          %lt3A_474 = arith.cmpi slt, %rem3A_470, %lt3A_473 : i32
          %lt3A_475 = arith.constant 0 : i32
          %lt3A_476 = arith.cmpi slt, %select_n3A_469, %lt3A_475 : i32
          %ne3A_477 = arith.xori %lt3A_474, %lt3A_476 : i1
          %and3A_478 = arith.andi %ne3A_477, %ne3A_472 : i1
          %add3A_479 = arith.addi %rem3A_470, %select_n3A_469 : i32
          %select_n3A_480 = arith.select %and3A_478, %add3A_479, %rem3A_470 : i32
          %get3A_481 = arith.index_cast %add3A_464 : i32 to index
          %get3A_482 = tpu.vector_load %arg8[%get3A_481] {strides = array<i32>} : memref<64xf32, #tpu.memory_space<vmem>>, vector<16xf32>,
          %get3A_483 = vector.shape_cast %get3A_482 : vector<16xf32> to vector<16xf32>
          %get3A_484 = arith.index_cast %add3A_464 : i32 to index
          %get3A_485 = tpu.vector_load %arg9[%get3A_484] {strides = array<i32>} : memref<64xi32, #tpu.memory_space<vmem>>, vector<16xi32>,
          %get3A_486 = vector.shape_cast %get3A_485 : vector<16xi32> to vector<16xi32>
          %eq3A_487 = vector.broadcast %select_n3A_480 : i32 to vector<16xi32>
          %eq3A_488 = arith.cmpi eq, %iota3A, %eq3A_487 : vector<16xi32>
          %select_n3A_489 = arith.select %eq3A_488, %broadcast_in_dim3A_322, %get3A_483 : vector<16xi1>, vector<16xf32>
          %swap3A_490 = arith.index_cast %add3A_464 : i32 to index
          %swap3A_491 = tpu.vector_load %arg8[%swap3A_490] {strides = array<i32>} : memref<64xf32, #tpu.memory_space<vmem>>, vector<16xf32>,
          %swap3A_492 = vector.shape_cast %swap3A_491 : vector<16xf32> to vector<16xf32>
          %swap3A_493 = vector.shape_cast %select_n3A_489 : vector<16xf32> to vector<16xf32>
          tpu.vector_store %arg8[%swap3A_490], %swap3A_493 {strides = array<i32>} : memref<64xf32, #tpu.memory_space<vmem>>, vector<16xf32>,
          %eq3A_494 = vector.broadcast %select_n3A_480 : i32 to vector<16xi32>
          %eq3A_495 = arith.cmpi eq, %iota3A, %eq3A_494 : vector<16xi32>
          %select_n3A_496 = arith.select %eq3A_495, %broadcast_in_dim3A_441, %get3A_486 : vector<16xi1>, vector<16xi32>
          %swap3A_497 = arith.index_cast %add3A_464 : i32 to index
          %swap3A_498 = tpu.vector_load %arg9[%swap3A_497] {strides = array<i32>} : memref<64xi32, #tpu.memory_space<vmem>>, vector<16xi32>,
          %swap3A_499 = vector.shape_cast %swap3A_498 : vector<16xi32> to vector<16xi32>
          %swap3A_500 = vector.shape_cast %select_n3A_496 : vector<16xi32> to vector<16xi32>
          tpu.vector_store %arg9[%swap3A_497], %swap3A_500 {strides = array<i32>} : memref<64xi32, #tpu.memory_space<vmem>>, vector<16xi32>,
          %broadcast_in_dim3A_501 = arith.constant -3.000000e+38 : f32
          %broadcast_in_dim3A_502 = vector.broadcast %broadcast_in_dim3A_501 : f32 to vector<16xf32>
          %scan3A_503 = arith.constant 0 : i32
          %scan3A_504 = arith.constant 25 : i32
          %scan3A_505 = arith.addi %scan3A_503, %scan3A_504 : i32
          %scan3A_506 = arith.constant 1 : i32
          %scan3A_507 = scf.for %scan3A_572 = %scan3A_503 to %scan3A_505 step %scan3A_506 iter_args(%scan3A_573 = %broadcast_in_dim3A_502) -> (vector<16xf32>)  : i32 {
            %mul3A_574 = arith.constant 16 : i32
            %mul3A_575 = arith.muli %scan3A_572, %mul3A_574 : i32
            %add3A_576 = arith.addi %mul3A_379, %mul3A_575 : i32
            %get3A_577 = arith.index_cast %add3A_576 : i32 to index
            %get3A_578 = tpu.vector_load %arg6[%get3A_577] {strides = array<i32>} : memref<50000xf32, #tpu.memory_space<vmem>>, vector<16xf32>,
            %get3A_579 = vector.shape_cast %get3A_578 : vector<16xf32> to vector<16xf32>
            %mul3A_580 = arith.constant 16 : i32
            %mul3A_581 = arith.muli %scan3A_572, %mul3A_580 : i32
            %add3A_582 = arith.addi %add3A_382, %mul3A_581 : i32
            %add3A_583 = vector.broadcast %add3A_582 : i32 to vector<16xi32>
            %add3A_584 = arith.addi %iota3A, %add3A_583 : vector<16xi32>
            %gt3A_585 = arith.cmpf ogt, %get3A_579, %broadcast_in_dim3A_322 : vector<16xf32>
            %eq3A_586 = arith.cmpf oeq, %get3A_579, %broadcast_in_dim3A_322 : vector<16xf32>
            %le3A = arith.cmpi sle, %add3A_584, %broadcast_in_dim3A_441 : vector<16xi32>
            %and3A_587 = arith.andi %eq3A_586, %le3A : vector<16xi1>
            %or3A = arith.ori %gt3A_585, %and3A_587 : vector<16xi1>
            %jit3A_588 = arith.constant -3.000000e+38 : f32
            %broadcast_in_dim3A_589 = vector.broadcast %jit3A_588 : f32 to vector<16xf32>
            %select_n3A_590 = arith.select %or3A, %broadcast_in_dim3A_589, %get3A_579 : vector<16xi1>, vector<16xf32>
            %max3A_591 = arith.maximumf %scan3A_573, %select_n3A_590 : vector<16xf32>
            scf.yield %max3A_591 : vector<16xf32>
          }
          %scan3A_508 = arith.constant 25 : i32
          %mul3A_509 = arith.constant 16 : i32
          %mul3A_510 = arith.muli %min3A_377, %mul3A_509 : i32
          %swap3A_511 = arith.index_cast %mul3A_510 : i32 to index
          %swap3A_512 = tpu.vector_load %arg7[%swap3A_511] {strides = array<i32>} : memref<2000xf32, #tpu.memory_space<vmem>>, vector<16xf32>,
          %swap3A_513 = vector.shape_cast %swap3A_512 : vector<16xf32> to vector<16xf32>
          %swap3A_514 = vector.shape_cast %scan3A_507 : vector<16xf32> to vector<16xf32>
          tpu.vector_store %arg7[%swap3A_511], %swap3A_514 {strides = array<i32>} : memref<2000xf32, #tpu.memory_space<vmem>>, vector<16xf32>,
          %broadcast_in_dim3A_515 = arith.constant -3.000000e+38 : f32
          %broadcast_in_dim3A_516 = vector.broadcast %broadcast_in_dim3A_515 : f32 to vector<16xf32>
          %scan3A_517 = arith.constant 0 : i32
          %scan3A_518 = arith.constant 125 : i32
          %scan3A_519 = arith.addi %scan3A_517, %scan3A_518 : i32
          %scan3A_520 = arith.constant 1 : i32
          %scan3A_521 = scf.for %scan3A_572 = %scan3A_517 to %scan3A_519 step %scan3A_520 iter_args(%scan3A_573 = %broadcast_in_dim3A_516) -> (vector<16xf32>)  : i32 {
            %mul3A_574 = arith.constant 16 : i32
            %mul3A_575 = arith.muli %scan3A_572, %mul3A_574 : i32
            %get3A_576 = arith.index_cast %mul3A_575 : i32 to index
            %get3A_577 = tpu.vector_load %arg7[%get3A_576] {strides = array<i32>} : memref<2000xf32, #tpu.memory_space<vmem>>, vector<16xf32>,
            %get3A_578 = vector.shape_cast %get3A_577 : vector<16xf32> to vector<16xf32>
            %max3A_579 = arith.maximumf %scan3A_573, %get3A_578 : vector<16xf32>
            scf.yield %max3A_579 : vector<16xf32>
          }
          %scan3A_522 = arith.constant 125 : i32
          %slice3A_523 = vector.extract_strided_slice %scan3A_521 {offsets = [0], sizes = [1], strides = [1]} : vector<16xf32> to vector<1xf32>
          %squeeze3A_524 = vector.extract %slice3A_523[0] : f32 from vector<1xf32>
          %slice3A_525 = vector.extract_strided_slice %scan3A_521 {offsets = [1], sizes = [1], strides = [1]} : vector<16xf32> to vector<1xf32>
          %squeeze3A_526 = vector.extract %slice3A_525[0] : f32 from vector<1xf32>
          %max3A_527 = arith.maximumf %squeeze3A_524, %squeeze3A_526 : f32
          %slice3A_528 = vector.extract_strided_slice %scan3A_521 {offsets = [2], sizes = [1], strides = [1]} : vector<16xf32> to vector<1xf32>
          %squeeze3A_529 = vector.extract %slice3A_528[0] : f32 from vector<1xf32>
          %max3A_530 = arith.maximumf %max3A_527, %squeeze3A_529 : f32
          %slice3A_531 = vector.extract_strided_slice %scan3A_521 {offsets = [3], sizes = [1], strides = [1]} : vector<16xf32> to vector<1xf32>
          %squeeze3A_532 = vector.extract %slice3A_531[0] : f32 from vector<1xf32>
          %max3A_533 = arith.maximumf %max3A_530, %squeeze3A_532 : f32
          %slice3A_534 = vector.extract_strided_slice %scan3A_521 {offsets = [4], sizes = [1], strides = [1]} : vector<16xf32> to vector<1xf32>
          %squeeze3A_535 = vector.extract %slice3A_534[0] : f32 from vector<1xf32>
          %max3A_536 = arith.maximumf %max3A_533, %squeeze3A_535 : f32
          %slice3A_537 = vector.extract_strided_slice %scan3A_521 {offsets = [5], sizes = [1], strides = [1]} : vector<16xf32> to vector<1xf32>
          %squeeze3A_538 = vector.extract %slice3A_537[0] : f32 from vector<1xf32>
          %max3A_539 = arith.maximumf %max3A_536, %squeeze3A_538 : f32
          %slice3A_540 = vector.extract_strided_slice %scan3A_521 {offsets = [6], sizes = [1], strides = [1]} : vector<16xf32> to vector<1xf32>
          %squeeze3A_541 = vector.extract %slice3A_540[0] : f32 from vector<1xf32>
          %max3A_542 = arith.maximumf %max3A_539, %squeeze3A_541 : f32
          %slice3A_543 = vector.extract_strided_slice %scan3A_521 {offsets = [7], sizes = [1], strides = [1]} : vector<16xf32> to vector<1xf32>
          %squeeze3A_544 = vector.extract %slice3A_543[0] : f32 from vector<1xf32>
          %max3A_545 = arith.maximumf %max3A_542, %squeeze3A_544 : f32
          %slice3A_546 = vector.extract_strided_slice %scan3A_521 {offsets = [8], sizes = [1], strides = [1]} : vector<16xf32> to vector<1xf32>
          %squeeze3A_547 = vector.extract %slice3A_546[0] : f32 from vector<1xf32>
          %max3A_548 = arith.maximumf %max3A_545, %squeeze3A_547 : f32
          %slice3A_549 = vector.extract_strided_slice %scan3A_521 {offsets = [9], sizes = [1], strides = [1]} : vector<16xf32> to vector<1xf32>
          %squeeze3A_550 = vector.extract %slice3A_549[0] : f32 from vector<1xf32>
          %max3A_551 = arith.maximumf %max3A_548, %squeeze3A_550 : f32
          %slice3A_552 = vector.extract_strided_slice %scan3A_521 {offsets = [10], sizes = [1], strides = [1]} : vector<16xf32> to vector<1xf32>
          %squeeze3A_553 = vector.extract %slice3A_552[0] : f32 from vector<1xf32>
          %max3A_554 = arith.maximumf %max3A_551, %squeeze3A_553 : f32
          %slice3A_555 = vector.extract_strided_slice %scan3A_521 {offsets = [11], sizes = [1], strides = [1]} : vector<16xf32> to vector<1xf32>
          %squeeze3A_556 = vector.extract %slice3A_555[0] : f32 from vector<1xf32>
          %max3A_557 = arith.maximumf %max3A_554, %squeeze3A_556 : f32
          %slice3A_558 = vector.extract_strided_slice %scan3A_521 {offsets = [12], sizes = [1], strides = [1]} : vector<16xf32> to vector<1xf32>
          %squeeze3A_559 = vector.extract %slice3A_558[0] : f32 from vector<1xf32>
          %max3A_560 = arith.maximumf %max3A_557, %squeeze3A_559 : f32
          %slice3A_561 = vector.extract_strided_slice %scan3A_521 {offsets = [13], sizes = [1], strides = [1]} : vector<16xf32> to vector<1xf32>
          %squeeze3A_562 = vector.extract %slice3A_561[0] : f32 from vector<1xf32>
          %max3A_563 = arith.maximumf %max3A_560, %squeeze3A_562 : f32
          %slice3A_564 = vector.extract_strided_slice %scan3A_521 {offsets = [14], sizes = [1], strides = [1]} : vector<16xf32> to vector<1xf32>
          %squeeze3A_565 = vector.extract %slice3A_564[0] : f32 from vector<1xf32>
          %max3A_566 = arith.maximumf %max3A_563, %squeeze3A_565 : f32
          %slice3A_567 = vector.extract_strided_slice %scan3A_521 {offsets = [15], sizes = [1], strides = [1]} : vector<16xf32> to vector<1xf32>
          %squeeze3A_568 = vector.extract %slice3A_567[0] : f32 from vector<1xf32>
          %max3A_569 = arith.maximumf %max3A_566, %squeeze3A_568 : f32
          %add3A_570 = arith.constant 1 : i32
          %add3A_571 = arith.addi %while3A_318, %add3A_570 : i32
          scf.yield %add3A_571, %max3A_569, %while3A_319, %min3A_440 : i32, f32, f32, i32
        }
        %while3A_312 = arith.constant 1 : i32
        %while3A_313:4 = scf.for %while3A_317 = %while3A_309 to %while3A_305 step %while3A_312 iter_args(%while3A_318 = %while3A_311#0, %while3A_319 = %while3A_311#1, %while3A_320 = %while3A_311#2, %while3A_321 = %while3A_311#3) -> (i32, f32, f32, i32)  : i32 {
          %broadcast_in_dim3A_322 = vector.broadcast %while3A_319 : f32 to vector<16xf32>
          %broadcast_in_dim3A_323 = arith.constant 2147483647 : i32
          %broadcast_in_dim3A_324 = vector.broadcast %broadcast_in_dim3A_323 : i32 to vector<16xi32>
          %scan3A_325 = arith.constant 0 : i32
          %scan3A_326 = arith.constant 125 : i32
          %scan3A_327 = arith.addi %scan3A_325, %scan3A_326 : i32
          %scan3A_328 = arith.constant 1 : i32
          %scan3A_329 = scf.for %scan3A_572 = %scan3A_325 to %scan3A_327 step %scan3A_328 iter_args(%scan3A_573 = %broadcast_in_dim3A_324) -> (vector<16xi32>)  : i32 {
            %mul3A_574 = arith.constant 16 : i32
            %mul3A_575 = arith.muli %scan3A_572, %mul3A_574 : i32
            %get3A_576 = arith.index_cast %mul3A_575 : i32 to index
            %get3A_577 = tpu.vector_load %arg7[%get3A_576] {strides = array<i32>} : memref<2000xf32, #tpu.memory_space<vmem>>, vector<16xf32>,
            %get3A_578 = vector.shape_cast %get3A_577 : vector<16xf32> to vector<16xf32>
            %eq3A_579 = arith.cmpf oeq, %get3A_578, %broadcast_in_dim3A_322 : vector<16xf32>
            %jit3A_580 = arith.constant 2147483647 : i32
            %broadcast_in_dim3A_581 = vector.broadcast %scan3A_572 : i32 to vector<16xi32>
            %broadcast_in_dim3A_582 = vector.broadcast %jit3A_580 : i32 to vector<16xi32>
            %select_n3A_583 = arith.select %eq3A_579, %broadcast_in_dim3A_581, %broadcast_in_dim3A_582 : vector<16xi1>, vector<16xi32>
            %min3A_584 = arith.minsi %scan3A_573, %select_n3A_583 : vector<16xi32>
            scf.yield %min3A_584 : vector<16xi32>
          }
          %scan3A_330 = arith.constant 125 : i32
          %slice3A_331 = vector.extract_strided_slice %scan3A_329 {offsets = [0], sizes = [1], strides = [1]} : vector<16xi32> to vector<1xi32>
          %squeeze3A_332 = vector.extract %slice3A_331[0] : i32 from vector<1xi32>
          %slice3A_333 = vector.extract_strided_slice %scan3A_329 {offsets = [1], sizes = [1], strides = [1]} : vector<16xi32> to vector<1xi32>
          %squeeze3A_334 = vector.extract %slice3A_333[0] : i32 from vector<1xi32>
          %min3A_335 = arith.minsi %squeeze3A_332, %squeeze3A_334 : i32
          %slice3A_336 = vector.extract_strided_slice %scan3A_329 {offsets = [2], sizes = [1], strides = [1]} : vector<16xi32> to vector<1xi32>
          %squeeze3A_337 = vector.extract %slice3A_336[0] : i32 from vector<1xi32>
          %min3A_338 = arith.minsi %min3A_335, %squeeze3A_337 : i32
          %slice3A_339 = vector.extract_strided_slice %scan3A_329 {offsets = [3], sizes = [1], strides = [1]} : vector<16xi32> to vector<1xi32>
          %squeeze3A_340 = vector.extract %slice3A_339[0] : i32 from vector<1xi32>
          %min3A_341 = arith.minsi %min3A_338, %squeeze3A_340 : i32
          %slice3A_342 = vector.extract_strided_slice %scan3A_329 {offsets = [4], sizes = [1], strides = [1]} : vector<16xi32> to vector<1xi32>
          %squeeze3A_343 = vector.extract %slice3A_342[0] : i32 from vector<1xi32>
          %min3A_344 = arith.minsi %min3A_341, %squeeze3A_343 : i32
          %slice3A_345 = vector.extract_strided_slice %scan3A_329 {offsets = [5], sizes = [1], strides = [1]} : vector<16xi32> to vector<1xi32>
          %squeeze3A_346 = vector.extract %slice3A_345[0] : i32 from vector<1xi32>
          %min3A_347 = arith.minsi %min3A_344, %squeeze3A_346 : i32
          %slice3A_348 = vector.extract_strided_slice %scan3A_329 {offsets = [6], sizes = [1], strides = [1]} : vector<16xi32> to vector<1xi32>
          %squeeze3A_349 = vector.extract %slice3A_348[0] : i32 from vector<1xi32>
          %min3A_350 = arith.minsi %min3A_347, %squeeze3A_349 : i32
          %slice3A_351 = vector.extract_strided_slice %scan3A_329 {offsets = [7], sizes = [1], strides = [1]} : vector<16xi32> to vector<1xi32>
          %squeeze3A_352 = vector.extract %slice3A_351[0] : i32 from vector<1xi32>
          %min3A_353 = arith.minsi %min3A_350, %squeeze3A_352 : i32
          %slice3A_354 = vector.extract_strided_slice %scan3A_329 {offsets = [8], sizes = [1], strides = [1]} : vector<16xi32> to vector<1xi32>
          %squeeze3A_355 = vector.extract %slice3A_354[0] : i32 from vector<1xi32>
          %min3A_356 = arith.minsi %min3A_353, %squeeze3A_355 : i32
          %slice3A_357 = vector.extract_strided_slice %scan3A_329 {offsets = [9], sizes = [1], strides = [1]} : vector<16xi32> to vector<1xi32>
          %squeeze3A_358 = vector.extract %slice3A_357[0] : i32 from vector<1xi32>
          %min3A_359 = arith.minsi %min3A_356, %squeeze3A_358 : i32
          %slice3A_360 = vector.extract_strided_slice %scan3A_329 {offsets = [10], sizes = [1], strides = [1]} : vector<16xi32> to vector<1xi32>
          %squeeze3A_361 = vector.extract %slice3A_360[0] : i32 from vector<1xi32>
          %min3A_362 = arith.minsi %min3A_359, %squeeze3A_361 : i32
          %slice3A_363 = vector.extract_strided_slice %scan3A_329 {offsets = [11], sizes = [1], strides = [1]} : vector<16xi32> to vector<1xi32>
          %squeeze3A_364 = vector.extract %slice3A_363[0] : i32 from vector<1xi32>
          %min3A_365 = arith.minsi %min3A_362, %squeeze3A_364 : i32
          %slice3A_366 = vector.extract_strided_slice %scan3A_329 {offsets = [12], sizes = [1], strides = [1]} : vector<16xi32> to vector<1xi32>
          %squeeze3A_367 = vector.extract %slice3A_366[0] : i32 from vector<1xi32>
          %min3A_368 = arith.minsi %min3A_365, %squeeze3A_367 : i32
          %slice3A_369 = vector.extract_strided_slice %scan3A_329 {offsets = [13], sizes = [1], strides = [1]} : vector<16xi32> to vector<1xi32>
          %squeeze3A_370 = vector.extract %slice3A_369[0] : i32 from vector<1xi32>
          %min3A_371 = arith.minsi %min3A_368, %squeeze3A_370 : i32
          %slice3A_372 = vector.extract_strided_slice %scan3A_329 {offsets = [14], sizes = [1], strides = [1]} : vector<16xi32> to vector<1xi32>
          %squeeze3A_373 = vector.extract %slice3A_372[0] : i32 from vector<1xi32>
          %min3A_374 = arith.minsi %min3A_371, %squeeze3A_373 : i32
          %slice3A_375 = vector.extract_strided_slice %scan3A_329 {offsets = [15], sizes = [1], strides = [1]} : vector<16xi32> to vector<1xi32>
          %squeeze3A_376 = vector.extract %slice3A_375[0] : i32 from vector<1xi32>
          %min3A_377 = arith.minsi %min3A_374, %squeeze3A_376 : i32
          %mul3A_378 = arith.constant 400 : i32
          %mul3A_379 = arith.muli %min3A_377, %mul3A_378 : i32
          %mul3A_380 = arith.constant 50000 : i32
          %mul3A_381 = arith.muli %add3A_196, %mul3A_380 : i32
          %add3A_382 = arith.addi %mul3A_381, %mul3A_379 : i32
          %eq3A = arith.cmpf oeq, %while3A_319, %while3A_320 : f32
          %jit3A_383 = arith.constant -1 : i32
          %select_n3A_384 = arith.select %eq3A, %while3A_321, %jit3A_383 : i32
          %broadcast_in_dim3A_385 = vector.broadcast %select_n3A_384 : i32 to vector<16xi32>
          %broadcast_in_dim3A_386 = arith.constant 2147483647 : i32
          %broadcast_in_dim3A_387 = vector.broadcast %broadcast_in_dim3A_386 : i32 to vector<16xi32>
          %scan3A_388 = arith.constant 0 : i32
          %scan3A_389 = arith.constant 25 : i32
          %scan3A_390 = arith.addi %scan3A_388, %scan3A_389 : i32
          %scan3A_391 = arith.constant 1 : i32
          %scan3A_392 = scf.for %scan3A_572 = %scan3A_388 to %scan3A_390 step %scan3A_391 iter_args(%scan3A_573 = %broadcast_in_dim3A_387) -> (vector<16xi32>)  : i32 {
            %mul3A_574 = arith.constant 16 : i32
            %mul3A_575 = arith.muli %scan3A_572, %mul3A_574 : i32
            %add3A_576 = arith.addi %mul3A_379, %mul3A_575 : i32
            %get3A_577 = arith.index_cast %add3A_576 : i32 to index
            %get3A_578 = tpu.vector_load %arg6[%get3A_577] {strides = array<i32>} : memref<50000xf32, #tpu.memory_space<vmem>>, vector<16xf32>,
            %get3A_579 = vector.shape_cast %get3A_578 : vector<16xf32> to vector<16xf32>
            %mul3A_580 = arith.constant 16 : i32
            %mul3A_581 = arith.muli %scan3A_572, %mul3A_580 : i32
            %add3A_582 = arith.addi %add3A_382, %mul3A_581 : i32
            %add3A_583 = vector.broadcast %add3A_582 : i32 to vector<16xi32>
            %add3A_584 = arith.addi %iota3A, %add3A_583 : vector<16xi32>
            %eq3A_585 = arith.cmpf oeq, %get3A_579, %broadcast_in_dim3A_322 : vector<16xf32>
            %gt3A_586 = arith.cmpi sgt, %add3A_584, %broadcast_in_dim3A_385 : vector<16xi32>
            %and3A_587 = arith.andi %eq3A_585, %gt3A_586 : vector<16xi1>
            %jit3A_588 = arith.constant 2147483647 : i32
            %broadcast_in_dim3A_589 = vector.broadcast %jit3A_588 : i32 to vector<16xi32>
            %select_n3A_590 = arith.select %and3A_587, %add3A_584, %broadcast_in_dim3A_589 : vector<16xi1>, vector<16xi32>
            %min3A_591 = arith.minsi %scan3A_573, %select_n3A_590 : vector<16xi32>
            scf.yield %min3A_591 : vector<16xi32>
          }
          %scan3A_393 = arith.constant 25 : i32
          %slice3A_394 = vector.extract_strided_slice %scan3A_392 {offsets = [0], sizes = [1], strides = [1]} : vector<16xi32> to vector<1xi32>
          %squeeze3A_395 = vector.extract %slice3A_394[0] : i32 from vector<1xi32>
          %slice3A_396 = vector.extract_strided_slice %scan3A_392 {offsets = [1], sizes = [1], strides = [1]} : vector<16xi32> to vector<1xi32>
          %squeeze3A_397 = vector.extract %slice3A_396[0] : i32 from vector<1xi32>
          %min3A_398 = arith.minsi %squeeze3A_395, %squeeze3A_397 : i32
          %slice3A_399 = vector.extract_strided_slice %scan3A_392 {offsets = [2], sizes = [1], strides = [1]} : vector<16xi32> to vector<1xi32>
          %squeeze3A_400 = vector.extract %slice3A_399[0] : i32 from vector<1xi32>
          %min3A_401 = arith.minsi %min3A_398, %squeeze3A_400 : i32
          %slice3A_402 = vector.extract_strided_slice %scan3A_392 {offsets = [3], sizes = [1], strides = [1]} : vector<16xi32> to vector<1xi32>
          %squeeze3A_403 = vector.extract %slice3A_402[0] : i32 from vector<1xi32>
          %min3A_404 = arith.minsi %min3A_401, %squeeze3A_403 : i32
          %slice3A_405 = vector.extract_strided_slice %scan3A_392 {offsets = [4], sizes = [1], strides = [1]} : vector<16xi32> to vector<1xi32>
          %squeeze3A_406 = vector.extract %slice3A_405[0] : i32 from vector<1xi32>
          %min3A_407 = arith.minsi %min3A_404, %squeeze3A_406 : i32
          %slice3A_408 = vector.extract_strided_slice %scan3A_392 {offsets = [5], sizes = [1], strides = [1]} : vector<16xi32> to vector<1xi32>
          %squeeze3A_409 = vector.extract %slice3A_408[0] : i32 from vector<1xi32>
          %min3A_410 = arith.minsi %min3A_407, %squeeze3A_409 : i32
          %slice3A_411 = vector.extract_strided_slice %scan3A_392 {offsets = [6], sizes = [1], strides = [1]} : vector<16xi32> to vector<1xi32>
          %squeeze3A_412 = vector.extract %slice3A_411[0] : i32 from vector<1xi32>
          %min3A_413 = arith.minsi %min3A_410, %squeeze3A_412 : i32
          %slice3A_414 = vector.extract_strided_slice %scan3A_392 {offsets = [7], sizes = [1], strides = [1]} : vector<16xi32> to vector<1xi32>
          %squeeze3A_415 = vector.extract %slice3A_414[0] : i32 from vector<1xi32>
          %min3A_416 = arith.minsi %min3A_413, %squeeze3A_415 : i32
          %slice3A_417 = vector.extract_strided_slice %scan3A_392 {offsets = [8], sizes = [1], strides = [1]} : vector<16xi32> to vector<1xi32>
          %squeeze3A_418 = vector.extract %slice3A_417[0] : i32 from vector<1xi32>
          %min3A_419 = arith.minsi %min3A_416, %squeeze3A_418 : i32
          %slice3A_420 = vector.extract_strided_slice %scan3A_392 {offsets = [9], sizes = [1], strides = [1]} : vector<16xi32> to vector<1xi32>
          %squeeze3A_421 = vector.extract %slice3A_420[0] : i32 from vector<1xi32>
          %min3A_422 = arith.minsi %min3A_419, %squeeze3A_421 : i32
          %slice3A_423 = vector.extract_strided_slice %scan3A_392 {offsets = [10], sizes = [1], strides = [1]} : vector<16xi32> to vector<1xi32>
          %squeeze3A_424 = vector.extract %slice3A_423[0] : i32 from vector<1xi32>
          %min3A_425 = arith.minsi %min3A_422, %squeeze3A_424 : i32
          %slice3A_426 = vector.extract_strided_slice %scan3A_392 {offsets = [11], sizes = [1], strides = [1]} : vector<16xi32> to vector<1xi32>
          %squeeze3A_427 = vector.extract %slice3A_426[0] : i32 from vector<1xi32>
          %min3A_428 = arith.minsi %min3A_425, %squeeze3A_427 : i32
          %slice3A_429 = vector.extract_strided_slice %scan3A_392 {offsets = [12], sizes = [1], strides = [1]} : vector<16xi32> to vector<1xi32>
          %squeeze3A_430 = vector.extract %slice3A_429[0] : i32 from vector<1xi32>
          %min3A_431 = arith.minsi %min3A_428, %squeeze3A_430 : i32
          %slice3A_432 = vector.extract_strided_slice %scan3A_392 {offsets = [13], sizes = [1], strides = [1]} : vector<16xi32> to vector<1xi32>
          %squeeze3A_433 = vector.extract %slice3A_432[0] : i32 from vector<1xi32>
          %min3A_434 = arith.minsi %min3A_431, %squeeze3A_433 : i32
          %slice3A_435 = vector.extract_strided_slice %scan3A_392 {offsets = [14], sizes = [1], strides = [1]} : vector<16xi32> to vector<1xi32>
          %squeeze3A_436 = vector.extract %slice3A_435[0] : i32 from vector<1xi32>
          %min3A_437 = arith.minsi %min3A_434, %squeeze3A_436 : i32
          %slice3A_438 = vector.extract_strided_slice %scan3A_392 {offsets = [15], sizes = [1], strides = [1]} : vector<16xi32> to vector<1xi32>
          %squeeze3A_439 = vector.extract %slice3A_438[0] : i32 from vector<1xi32>
          %min3A_440 = arith.minsi %min3A_437, %squeeze3A_439 : i32
          %broadcast_in_dim3A_441 = vector.broadcast %min3A_440 : i32 to vector<16xi32>
          %jit3A_442 = arith.constant 16 : i32
          %div3A = arith.divsi %while3A_318, %jit3A_442 : i32
          %sign3A = arith.constant 0 : i32
          %sign3A_443 = arith.cmpi sgt, %while3A_318, %sign3A : i32
          %sign3A_444 = arith.extui %sign3A_443 : i1 to i32
          %sign3A_445 = arith.constant 0 : i32
          %sign3A_446 = arith.cmpi slt, %while3A_318, %sign3A_445 : i32
          %sign3A_447 = arith.extui %sign3A_446 : i1 to i32
          %sign3A_448 = arith.subi %sign3A_444, %sign3A_447 : i32
          %sign3A_449 = arith.constant 0 : i32
          %sign3A_450 = arith.cmpi sgt, %jit3A_442, %sign3A_449 : i32
          %sign3A_451 = arith.extui %sign3A_450 : i1 to i32
          %sign3A_452 = arith.constant 0 : i32
          %sign3A_453 = arith.cmpi slt, %jit3A_442, %sign3A_452 : i32
          %sign3A_454 = arith.extui %sign3A_453 : i1 to i32
          %sign3A_455 = arith.subi %sign3A_451, %sign3A_454 : i32
          %ne3A = arith.cmpi ne, %sign3A_448, %sign3A_455 : i32
          %rem3A = arith.remsi %while3A_318, %jit3A_442 : i32
          %ne3A_456 = arith.constant 0 : i32
          %ne3A_457 = arith.cmpi ne, %rem3A, %ne3A_456 : i32
          %and3A_458 = arith.andi %ne3A, %ne3A_457 : i1
          %sub3A = arith.constant 1 : i32
          %sub3A_459 = arith.subi %div3A, %sub3A : i32
          %select_n3A_460 = arith.select %and3A_458, %sub3A_459, %div3A : i32
          %mul3A_461 = arith.constant 16 : i32
          %mul3A_462 = arith.muli %select_n3A_460, %mul3A_461 : i32
          %add3A_463 = arith.constant 32 : i32
          %add3A_464 = arith.addi %add3A_463, %mul3A_462 : i32
          %jit3A_465 = arith.constant 16 : i32
          %eq3A_466 = arith.constant 0 : i32
          %eq3A_467 = arith.cmpi eq, %jit3A_465, %eq3A_466 : i32
          %jit3A_468 = arith.constant 1 : i32
          %select_n3A_469 = arith.select %eq3A_467, %jit3A_468, %jit3A_465 : i32
          %rem3A_470 = arith.remsi %while3A_318, %select_n3A_469 : i32
          %ne3A_471 = arith.constant 0 : i32
          %ne3A_472 = arith.cmpi ne, %rem3A_470, %ne3A_471 : i32
          %lt3A_473 = arith.constant 0 : i32
          %lt3A_474 = arith.cmpi slt, %rem3A_470, %lt3A_473 : i32
          %lt3A_475 = arith.constant 0 : i32
          %lt3A_476 = arith.cmpi slt, %select_n3A_469, %lt3A_475 : i32
          %ne3A_477 = arith.xori %lt3A_474, %lt3A_476 : i1
          %and3A_478 = arith.andi %ne3A_477, %ne3A_472 : i1
          %add3A_479 = arith.addi %rem3A_470, %select_n3A_469 : i32
          %select_n3A_480 = arith.select %and3A_478, %add3A_479, %rem3A_470 : i32
          %get3A_481 = arith.index_cast %add3A_464 : i32 to index
          %get3A_482 = tpu.vector_load %arg8[%get3A_481] {strides = array<i32>} : memref<64xf32, #tpu.memory_space<vmem>>, vector<16xf32>,
          %get3A_483 = vector.shape_cast %get3A_482 : vector<16xf32> to vector<16xf32>
          %get3A_484 = arith.index_cast %add3A_464 : i32 to index
          %get3A_485 = tpu.vector_load %arg9[%get3A_484] {strides = array<i32>} : memref<64xi32, #tpu.memory_space<vmem>>, vector<16xi32>,
          %get3A_486 = vector.shape_cast %get3A_485 : vector<16xi32> to vector<16xi32>
          %eq3A_487 = vector.broadcast %select_n3A_480 : i32 to vector<16xi32>
          %eq3A_488 = arith.cmpi eq, %iota3A, %eq3A_487 : vector<16xi32>
          %select_n3A_489 = arith.select %eq3A_488, %broadcast_in_dim3A_322, %get3A_483 : vector<16xi1>, vector<16xf32>
          %swap3A_490 = arith.index_cast %add3A_464 : i32 to index
          %swap3A_491 = tpu.vector_load %arg8[%swap3A_490] {strides = array<i32>} : memref<64xf32, #tpu.memory_space<vmem>>, vector<16xf32>,
          %swap3A_492 = vector.shape_cast %swap3A_491 : vector<16xf32> to vector<16xf32>
          %swap3A_493 = vector.shape_cast %select_n3A_489 : vector<16xf32> to vector<16xf32>
          tpu.vector_store %arg8[%swap3A_490], %swap3A_493 {strides = array<i32>} : memref<64xf32, #tpu.memory_space<vmem>>, vector<16xf32>,
          %eq3A_494 = vector.broadcast %select_n3A_480 : i32 to vector<16xi32>
          %eq3A_495 = arith.cmpi eq, %iota3A, %eq3A_494 : vector<16xi32>
          %select_n3A_496 = arith.select %eq3A_495, %broadcast_in_dim3A_441, %get3A_486 : vector<16xi1>, vector<16xi32>
          %swap3A_497 = arith.index_cast %add3A_464 : i32 to index
          %swap3A_498 = tpu.vector_load %arg9[%swap3A_497] {strides = array<i32>} : memref<64xi32, #tpu.memory_space<vmem>>, vector<16xi32>,
          %swap3A_499 = vector.shape_cast %swap3A_498 : vector<16xi32> to vector<16xi32>
          %swap3A_500 = vector.shape_cast %select_n3A_496 : vector<16xi32> to vector<16xi32>
          tpu.vector_store %arg9[%swap3A_497], %swap3A_500 {strides = array<i32>} : memref<64xi32, #tpu.memory_space<vmem>>, vector<16xi32>,
          %broadcast_in_dim3A_501 = arith.constant -3.000000e+38 : f32
          %broadcast_in_dim3A_502 = vector.broadcast %broadcast_in_dim3A_501 : f32 to vector<16xf32>
          %scan3A_503 = arith.constant 0 : i32
          %scan3A_504 = arith.constant 25 : i32
          %scan3A_505 = arith.addi %scan3A_503, %scan3A_504 : i32
          %scan3A_506 = arith.constant 1 : i32
          %scan3A_507 = scf.for %scan3A_572 = %scan3A_503 to %scan3A_505 step %scan3A_506 iter_args(%scan3A_573 = %broadcast_in_dim3A_502) -> (vector<16xf32>)  : i32 {
            %mul3A_574 = arith.constant 16 : i32
            %mul3A_575 = arith.muli %scan3A_572, %mul3A_574 : i32
            %add3A_576 = arith.addi %mul3A_379, %mul3A_575 : i32
            %get3A_577 = arith.index_cast %add3A_576 : i32 to index
            %get3A_578 = tpu.vector_load %arg6[%get3A_577] {strides = array<i32>} : memref<50000xf32, #tpu.memory_space<vmem>>, vector<16xf32>,
            %get3A_579 = vector.shape_cast %get3A_578 : vector<16xf32> to vector<16xf32>
            %mul3A_580 = arith.constant 16 : i32
            %mul3A_581 = arith.muli %scan3A_572, %mul3A_580 : i32
            %add3A_582 = arith.addi %add3A_382, %mul3A_581 : i32
            %add3A_583 = vector.broadcast %add3A_582 : i32 to vector<16xi32>
            %add3A_584 = arith.addi %iota3A, %add3A_583 : vector<16xi32>
            %gt3A_585 = arith.cmpf ogt, %get3A_579, %broadcast_in_dim3A_322 : vector<16xf32>
            %eq3A_586 = arith.cmpf oeq, %get3A_579, %broadcast_in_dim3A_322 : vector<16xf32>
            %le3A = arith.cmpi sle, %add3A_584, %broadcast_in_dim3A_441 : vector<16xi32>
            %and3A_587 = arith.andi %eq3A_586, %le3A : vector<16xi1>
            %or3A = arith.ori %gt3A_585, %and3A_587 : vector<16xi1>
            %jit3A_588 = arith.constant -3.000000e+38 : f32
            %broadcast_in_dim3A_589 = vector.broadcast %jit3A_588 : f32 to vector<16xf32>
            %select_n3A_590 = arith.select %or3A, %broadcast_in_dim3A_589, %get3A_579 : vector<16xi1>, vector<16xf32>
            %max3A_591 = arith.maximumf %scan3A_573, %select_n3A_590 : vector<16xf32>
            scf.yield %max3A_591 : vector<16xf32>
          }
          %scan3A_508 = arith.constant 25 : i32
          %mul3A_509 = arith.constant 16 : i32
          %mul3A_510 = arith.muli %min3A_377, %mul3A_509 : i32
          %swap3A_511 = arith.index_cast %mul3A_510 : i32 to index
          %swap3A_512 = tpu.vector_load %arg7[%swap3A_511] {strides = array<i32>} : memref<2000xf32, #tpu.memory_space<vmem>>, vector<16xf32>,
          %swap3A_513 = vector.shape_cast %swap3A_512 : vector<16xf32> to vector<16xf32>
          %swap3A_514 = vector.shape_cast %scan3A_507 : vector<16xf32> to vector<16xf32>
          tpu.vector_store %arg7[%swap3A_511], %swap3A_514 {strides = array<i32>} : memref<2000xf32, #tpu.memory_space<vmem>>, vector<16xf32>,
          %broadcast_in_dim3A_515 = arith.constant -3.000000e+38 : f32
          %broadcast_in_dim3A_516 = vector.broadcast %broadcast_in_dim3A_515 : f32 to vector<16xf32>
          %scan3A_517 = arith.constant 0 : i32
          %scan3A_518 = arith.constant 125 : i32
          %scan3A_519 = arith.addi %scan3A_517, %scan3A_518 : i32
          %scan3A_520 = arith.constant 1 : i32
          %scan3A_521 = scf.for %scan3A_572 = %scan3A_517 to %scan3A_519 step %scan3A_520 iter_args(%scan3A_573 = %broadcast_in_dim3A_516) -> (vector<16xf32>)  : i32 {
            %mul3A_574 = arith.constant 16 : i32
            %mul3A_575 = arith.muli %scan3A_572, %mul3A_574 : i32
            %get3A_576 = arith.index_cast %mul3A_575 : i32 to index
            %get3A_577 = tpu.vector_load %arg7[%get3A_576] {strides = array<i32>} : memref<2000xf32, #tpu.memory_space<vmem>>, vector<16xf32>,
            %get3A_578 = vector.shape_cast %get3A_577 : vector<16xf32> to vector<16xf32>
            %max3A_579 = arith.maximumf %scan3A_573, %get3A_578 : vector<16xf32>
            scf.yield %max3A_579 : vector<16xf32>
          }
          %scan3A_522 = arith.constant 125 : i32
          %slice3A_523 = vector.extract_strided_slice %scan3A_521 {offsets = [0], sizes = [1], strides = [1]} : vector<16xf32> to vector<1xf32>
          %squeeze3A_524 = vector.extract %slice3A_523[0] : f32 from vector<1xf32>
          %slice3A_525 = vector.extract_strided_slice %scan3A_521 {offsets = [1], sizes = [1], strides = [1]} : vector<16xf32> to vector<1xf32>
          %squeeze3A_526 = vector.extract %slice3A_525[0] : f32 from vector<1xf32>
          %max3A_527 = arith.maximumf %squeeze3A_524, %squeeze3A_526 : f32
          %slice3A_528 = vector.extract_strided_slice %scan3A_521 {offsets = [2], sizes = [1], strides = [1]} : vector<16xf32> to vector<1xf32>
          %squeeze3A_529 = vector.extract %slice3A_528[0] : f32 from vector<1xf32>
          %max3A_530 = arith.maximumf %max3A_527, %squeeze3A_529 : f32
          %slice3A_531 = vector.extract_strided_slice %scan3A_521 {offsets = [3], sizes = [1], strides = [1]} : vector<16xf32> to vector<1xf32>
          %squeeze3A_532 = vector.extract %slice3A_531[0] : f32 from vector<1xf32>
          %max3A_533 = arith.maximumf %max3A_530, %squeeze3A_532 : f32
          %slice3A_534 = vector.extract_strided_slice %scan3A_521 {offsets = [4], sizes = [1], strides = [1]} : vector<16xf32> to vector<1xf32>
          %squeeze3A_535 = vector.extract %slice3A_534[0] : f32 from vector<1xf32>
          %max3A_536 = arith.maximumf %max3A_533, %squeeze3A_535 : f32
          %slice3A_537 = vector.extract_strided_slice %scan3A_521 {offsets = [5], sizes = [1], strides = [1]} : vector<16xf32> to vector<1xf32>
          %squeeze3A_538 = vector.extract %slice3A_537[0] : f32 from vector<1xf32>
          %max3A_539 = arith.maximumf %max3A_536, %squeeze3A_538 : f32
          %slice3A_540 = vector.extract_strided_slice %scan3A_521 {offsets = [6], sizes = [1], strides = [1]} : vector<16xf32> to vector<1xf32>
          %squeeze3A_541 = vector.extract %slice3A_540[0] : f32 from vector<1xf32>
          %max3A_542 = arith.maximumf %max3A_539, %squeeze3A_541 : f32
          %slice3A_543 = vector.extract_strided_slice %scan3A_521 {offsets = [7], sizes = [1], strides = [1]} : vector<16xf32> to vector<1xf32>
          %squeeze3A_544 = vector.extract %slice3A_543[0] : f32 from vector<1xf32>
          %max3A_545 = arith.maximumf %max3A_542, %squeeze3A_544 : f32
          %slice3A_546 = vector.extract_strided_slice %scan3A_521 {offsets = [8], sizes = [1], strides = [1]} : vector<16xf32> to vector<1xf32>
          %squeeze3A_547 = vector.extract %slice3A_546[0] : f32 from vector<1xf32>
          %max3A_548 = arith.maximumf %max3A_545, %squeeze3A_547 : f32
          %slice3A_549 = vector.extract_strided_slice %scan3A_521 {offsets = [9], sizes = [1], strides = [1]} : vector<16xf32> to vector<1xf32>
          %squeeze3A_550 = vector.extract %slice3A_549[0] : f32 from vector<1xf32>
          %max3A_551 = arith.maximumf %max3A_548, %squeeze3A_550 : f32
          %slice3A_552 = vector.extract_strided_slice %scan3A_521 {offsets = [10], sizes = [1], strides = [1]} : vector<16xf32> to vector<1xf32>
          %squeeze3A_553 = vector.extract %slice3A_552[0] : f32 from vector<1xf32>
          %max3A_554 = arith.maximumf %max3A_551, %squeeze3A_553 : f32
          %slice3A_555 = vector.extract_strided_slice %scan3A_521 {offsets = [11], sizes = [1], strides = [1]} : vector<16xf32> to vector<1xf32>
          %squeeze3A_556 = vector.extract %slice3A_555[0] : f32 from vector<1xf32>
          %max3A_557 = arith.maximumf %max3A_554, %squeeze3A_556 : f32
          %slice3A_558 = vector.extract_strided_slice %scan3A_521 {offsets = [12], sizes = [1], strides = [1]} : vector<16xf32> to vector<1xf32>
          %squeeze3A_559 = vector.extract %slice3A_558[0] : f32 from vector<1xf32>
          %max3A_560 = arith.maximumf %max3A_557, %squeeze3A_559 : f32
          %slice3A_561 = vector.extract_strided_slice %scan3A_521 {offsets = [13], sizes = [1], strides = [1]} : vector<16xf32> to vector<1xf32>
          %squeeze3A_562 = vector.extract %slice3A_561[0] : f32 from vector<1xf32>
          %max3A_563 = arith.maximumf %max3A_560, %squeeze3A_562 : f32
          %slice3A_564 = vector.extract_strided_slice %scan3A_521 {offsets = [14], sizes = [1], strides = [1]} : vector<16xf32> to vector<1xf32>
          %squeeze3A_565 = vector.extract %slice3A_564[0] : f32 from vector<1xf32>
          %max3A_566 = arith.maximumf %max3A_563, %squeeze3A_565 : f32
          %slice3A_567 = vector.extract_strided_slice %scan3A_521 {offsets = [15], sizes = [1], strides = [1]} : vector<16xf32> to vector<1xf32>
          %squeeze3A_568 = vector.extract %slice3A_567[0] : f32 from vector<1xf32>
          %max3A_569 = arith.maximumf %max3A_566, %squeeze3A_568 : f32
          %add3A_570 = arith.constant 1 : i32
          %add3A_571 = arith.addi %while3A_318, %add3A_570 : i32
          scf.yield %add3A_571, %max3A_569, %while3A_319, %min3A_440 : i32, f32, f32, i32
        }
        %gt3A_314 = arith.cmpf ogt, %while3A_313#1, %while3A_175 : f32
        %lt3A = arith.constant 32 : i32
        %lt3A_315 = arith.cmpi slt, %while3A_313#0, %lt3A : i32
        %and3A = arith.andi %gt3A_314, %lt3A_315 : i1
        %convert_element_type3A_316 = arith.extui %and3A : i1 to i32
        scf.yield %convert_element_type3A_316, %while3A_313#0, %while3A_313#1, %while3A_313#2, %while3A_313#3 : i32, i32, f32, f32, i32
      }
      %scan3A_282 = arith.constant 32 : i32
      %gt3A_283 = arith.constant 0 : i32
      %gt3A_284 = arith.cmpi sgt, %scan3A_281#1, %gt3A_283 : i32
      %convert_element_type3A_285 = arith.extui %gt3A_284 : i1 to i32
      %while3A_286 = arith.constant 0 : i32
      %while3A_287 = arith.subi %convert_element_type3A_285, %while3A_286 : i32
      %while3A_288 = arith.addi %while3A_286, %while3A_287 : i32
      %while3A_289 = arith.constant 1 : i32
      %while3A_290 = arith.divsi %while3A_287, %while3A_289 : i32
      %while3A_291 = arith.muli %while3A_290, %while3A_289 : i32
      %while3A_292 = arith.addi %while3A_286, %while3A_291 : i32
      %while3A_293 = arith.constant 1 : i32
      %while3A_294 = scf.for %while3A_297 = %while3A_286 to %while3A_292 step %while3A_293 iter_args(%while3A_298 = %while3A_175) -> (f32)  : i32 {
        %broadcast_in_dim3A_299 = arith.constant -3.000000e+38 : f32
        %broadcast_in_dim3A_300 = vector.broadcast %broadcast_in_dim3A_299 : f32 to vector<16xf32>
        %broadcast_in_dim3A_301 = arith.constant -3.000000e+38 : f32
        %broadcast_in_dim3A_302 = vector.broadcast %broadcast_in_dim3A_301 : f32 to vector<16xf32>
        %broadcast_in_dim3A_303 = arith.constant 2147483647 : i32
        %broadcast_in_dim3A_304 = vector.broadcast %broadcast_in_dim3A_303 : i32 to vector<16xi32>
        %broadcast_in_dim3A_305 = arith.constant 2147483647 : i32
        %broadcast_in_dim3A_306 = vector.broadcast %broadcast_in_dim3A_305 : i32 to vector<16xi32>
        %scan3A_307 = arith.constant 0 : i32
        %scan3A_308 = arith.constant 32 : i32
        %scan3A_309 = arith.addi %scan3A_307, %scan3A_308 : i32
        %scan3A_310 = arith.constant 1 : i32
        %scan3A_311:4 = scf.for %scan3A_416 = %scan3A_307 to %scan3A_309 step %scan3A_310 iter_args(%scan3A_417 = %broadcast_in_dim3A_300, %scan3A_418 = %broadcast_in_dim3A_302, %scan3A_419 = %broadcast_in_dim3A_304, %scan3A_420 = %broadcast_in_dim3A_306) -> (vector<16xf32>, vector<16xf32>, vector<16xi32>, vector<16xi32>)  : i32 {
          %broadcast_in_dim3A_421 = arith.constant -3.000000e+38 : f32
          %broadcast_in_dim3A_422 = vector.broadcast %broadcast_in_dim3A_421 : f32 to vector<16xf32>
          %get3A_423 = arith.constant 0 : index
          %get3A_424 = tpu.vector_load %arg8[%get3A_423] {strides = array<i32>} : memref<64xf32, #tpu.memory_space<vmem>>, vector<16xf32>,
          %get3A_425 = vector.shape_cast %get3A_424 : vector<16xf32> to vector<16xf32>
          %max3A_426 = arith.maximumf %broadcast_in_dim3A_422, %get3A_425 : vector<16xf32>
          %get3A_427 = arith.constant 16 : index
          %get3A_428 = tpu.vector_load %arg8[%get3A_427] {strides = array<i32>} : memref<64xf32, #tpu.memory_space<vmem>>, vector<16xf32>,
          %get3A_429 = vector.shape_cast %get3A_428 : vector<16xf32> to vector<16xf32>
          %max3A_430 = arith.maximumf %max3A_426, %get3A_429 : vector<16xf32>
          %get3A_431 = arith.constant 32 : index
          %get3A_432 = tpu.vector_load %arg8[%get3A_431] {strides = array<i32>} : memref<64xf32, #tpu.memory_space<vmem>>, vector<16xf32>,
          %get3A_433 = vector.shape_cast %get3A_432 : vector<16xf32> to vector<16xf32>
          %max3A_434 = arith.maximumf %max3A_430, %get3A_433 : vector<16xf32>
          %get3A_435 = arith.constant 48 : index
          %get3A_436 = tpu.vector_load %arg8[%get3A_435] {strides = array<i32>} : memref<64xf32, #tpu.memory_space<vmem>>, vector<16xf32>,
          %get3A_437 = vector.shape_cast %get3A_436 : vector<16xf32> to vector<16xf32>
          %max3A_438 = arith.maximumf %max3A_434, %get3A_437 : vector<16xf32>
          %slice3A_439 = vector.extract_strided_slice %max3A_438 {offsets = [0], sizes = [1], strides = [1]} : vector<16xf32> to vector<1xf32>
          %squeeze3A_440 = vector.extract %slice3A_439[0] : f32 from vector<1xf32>
          %slice3A_441 = vector.extract_strided_slice %max3A_438 {offsets = [1], sizes = [1], strides = [1]} : vector<16xf32> to vector<1xf32>
          %squeeze3A_442 = vector.extract %slice3A_441[0] : f32 from vector<1xf32>
          %max3A_443 = arith.maximumf %squeeze3A_440, %squeeze3A_442 : f32
          %slice3A_444 = vector.extract_strided_slice %max3A_438 {offsets = [2], sizes = [1], strides = [1]} : vector<16xf32> to vector<1xf32>
          %squeeze3A_445 = vector.extract %slice3A_444[0] : f32 from vector<1xf32>
          %max3A_446 = arith.maximumf %max3A_443, %squeeze3A_445 : f32
          %slice3A_447 = vector.extract_strided_slice %max3A_438 {offsets = [3], sizes = [1], strides = [1]} : vector<16xf32> to vector<1xf32>
          %squeeze3A_448 = vector.extract %slice3A_447[0] : f32 from vector<1xf32>
          %max3A_449 = arith.maximumf %max3A_446, %squeeze3A_448 : f32
          %slice3A_450 = vector.extract_strided_slice %max3A_438 {offsets = [4], sizes = [1], strides = [1]} : vector<16xf32> to vector<1xf32>
          %squeeze3A_451 = vector.extract %slice3A_450[0] : f32 from vector<1xf32>
          %max3A_452 = arith.maximumf %max3A_449, %squeeze3A_451 : f32
          %slice3A_453 = vector.extract_strided_slice %max3A_438 {offsets = [5], sizes = [1], strides = [1]} : vector<16xf32> to vector<1xf32>
          %squeeze3A_454 = vector.extract %slice3A_453[0] : f32 from vector<1xf32>
          %max3A_455 = arith.maximumf %max3A_452, %squeeze3A_454 : f32
          %slice3A_456 = vector.extract_strided_slice %max3A_438 {offsets = [6], sizes = [1], strides = [1]} : vector<16xf32> to vector<1xf32>
          %squeeze3A_457 = vector.extract %slice3A_456[0] : f32 from vector<1xf32>
          %max3A_458 = arith.maximumf %max3A_455, %squeeze3A_457 : f32
          %slice3A_459 = vector.extract_strided_slice %max3A_438 {offsets = [7], sizes = [1], strides = [1]} : vector<16xf32> to vector<1xf32>
          %squeeze3A_460 = vector.extract %slice3A_459[0] : f32 from vector<1xf32>
          %max3A_461 = arith.maximumf %max3A_458, %squeeze3A_460 : f32
          %slice3A_462 = vector.extract_strided_slice %max3A_438 {offsets = [8], sizes = [1], strides = [1]} : vector<16xf32> to vector<1xf32>
          %squeeze3A_463 = vector.extract %slice3A_462[0] : f32 from vector<1xf32>
          %max3A_464 = arith.maximumf %max3A_461, %squeeze3A_463 : f32
          %slice3A_465 = vector.extract_strided_slice %max3A_438 {offsets = [9], sizes = [1], strides = [1]} : vector<16xf32> to vector<1xf32>
          %squeeze3A_466 = vector.extract %slice3A_465[0] : f32 from vector<1xf32>
          %max3A_467 = arith.maximumf %max3A_464, %squeeze3A_466 : f32
          %slice3A_468 = vector.extract_strided_slice %max3A_438 {offsets = [10], sizes = [1], strides = [1]} : vector<16xf32> to vector<1xf32>
          %squeeze3A_469 = vector.extract %slice3A_468[0] : f32 from vector<1xf32>
          %max3A_470 = arith.maximumf %max3A_467, %squeeze3A_469 : f32
          %slice3A_471 = vector.extract_strided_slice %max3A_438 {offsets = [11], sizes = [1], strides = [1]} : vector<16xf32> to vector<1xf32>
          %squeeze3A_472 = vector.extract %slice3A_471[0] : f32 from vector<1xf32>
          %max3A_473 = arith.maximumf %max3A_470, %squeeze3A_472 : f32
          %slice3A_474 = vector.extract_strided_slice %max3A_438 {offsets = [12], sizes = [1], strides = [1]} : vector<16xf32> to vector<1xf32>
          %squeeze3A_475 = vector.extract %slice3A_474[0] : f32 from vector<1xf32>
          %max3A_476 = arith.maximumf %max3A_473, %squeeze3A_475 : f32
          %slice3A_477 = vector.extract_strided_slice %max3A_438 {offsets = [13], sizes = [1], strides = [1]} : vector<16xf32> to vector<1xf32>
          %squeeze3A_478 = vector.extract %slice3A_477[0] : f32 from vector<1xf32>
          %max3A_479 = arith.maximumf %max3A_476, %squeeze3A_478 : f32
          %slice3A_480 = vector.extract_strided_slice %max3A_438 {offsets = [14], sizes = [1], strides = [1]} : vector<16xf32> to vector<1xf32>
          %squeeze3A_481 = vector.extract %slice3A_480[0] : f32 from vector<1xf32>
          %max3A_482 = arith.maximumf %max3A_479, %squeeze3A_481 : f32
          %slice3A_483 = vector.extract_strided_slice %max3A_438 {offsets = [15], sizes = [1], strides = [1]} : vector<16xf32> to vector<1xf32>
          %squeeze3A_484 = vector.extract %slice3A_483[0] : f32 from vector<1xf32>
          %max3A_485 = arith.maximumf %max3A_482, %squeeze3A_484 : f32
          %broadcast_in_dim3A_486 = vector.broadcast %max3A_485 : f32 to vector<16xf32>
          %broadcast_in_dim3A_487 = arith.constant 2147483647 : i32
          %broadcast_in_dim3A_488 = vector.broadcast %broadcast_in_dim3A_487 : i32 to vector<16xi32>
          %get3A_489 = arith.constant 0 : index
          %get3A_490 = tpu.vector_load %arg8[%get3A_489] {strides = array<i32>} : memref<64xf32, #tpu.memory_space<vmem>>, vector<16xf32>,
          %get3A_491 = vector.shape_cast %get3A_490 : vector<16xf32> to vector<16xf32>
          %get3A_492 = arith.constant 0 : index
          %get3A_493 = tpu.vector_load %arg9[%get3A_492] {strides = array<i32>} : memref<64xi32, #tpu.memory_space<vmem>>, vector<16xi32>,
          %get3A_494 = vector.shape_cast %get3A_493 : vector<16xi32> to vector<16xi32>
          %eq3A = arith.cmpf oeq, %get3A_491, %broadcast_in_dim3A_486 : vector<16xf32>
          %jit3A_495 = arith.constant 2147483647 : i32
          %broadcast_in_dim3A_496 = vector.broadcast %jit3A_495 : i32 to vector<16xi32>
          %select_n3A_497 = arith.select %eq3A, %get3A_494, %broadcast_in_dim3A_496 : vector<16xi1>, vector<16xi32>
          %min3A_498 = arith.minsi %broadcast_in_dim3A_488, %select_n3A_497 : vector<16xi32>
          %get3A_499 = arith.constant 16 : index
          %get3A_500 = tpu.vector_load %arg8[%get3A_499] {strides = array<i32>} : memref<64xf32, #tpu.memory_space<vmem>>, vector<16xf32>,
          %get3A_501 = vector.shape_cast %get3A_500 : vector<16xf32> to vector<16xf32>
          %get3A_502 = arith.constant 16 : index
          %get3A_503 = tpu.vector_load %arg9[%get3A_502] {strides = array<i32>} : memref<64xi32, #tpu.memory_space<vmem>>, vector<16xi32>,
          %get3A_504 = vector.shape_cast %get3A_503 : vector<16xi32> to vector<16xi32>
          %eq3A_505 = arith.cmpf oeq, %get3A_501, %broadcast_in_dim3A_486 : vector<16xf32>
          %jit3A_506 = arith.constant 2147483647 : i32
          %broadcast_in_dim3A_507 = vector.broadcast %jit3A_506 : i32 to vector<16xi32>
          %select_n3A_508 = arith.select %eq3A_505, %get3A_504, %broadcast_in_dim3A_507 : vector<16xi1>, vector<16xi32>
          %min3A_509 = arith.minsi %min3A_498, %select_n3A_508 : vector<16xi32>
          %get3A_510 = arith.constant 32 : index
          %get3A_511 = tpu.vector_load %arg8[%get3A_510] {strides = array<i32>} : memref<64xf32, #tpu.memory_space<vmem>>, vector<16xf32>,
          %get3A_512 = vector.shape_cast %get3A_511 : vector<16xf32> to vector<16xf32>
          %get3A_513 = arith.constant 32 : index
          %get3A_514 = tpu.vector_load %arg9[%get3A_513] {strides = array<i32>} : memref<64xi32, #tpu.memory_space<vmem>>, vector<16xi32>,
          %get3A_515 = vector.shape_cast %get3A_514 : vector<16xi32> to vector<16xi32>
          %eq3A_516 = arith.cmpf oeq, %get3A_512, %broadcast_in_dim3A_486 : vector<16xf32>
          %jit3A_517 = arith.constant 2147483647 : i32
          %broadcast_in_dim3A_518 = vector.broadcast %jit3A_517 : i32 to vector<16xi32>
          %select_n3A_519 = arith.select %eq3A_516, %get3A_515, %broadcast_in_dim3A_518 : vector<16xi1>, vector<16xi32>
          %min3A_520 = arith.minsi %min3A_509, %select_n3A_519 : vector<16xi32>
          %get3A_521 = arith.constant 48 : index
          %get3A_522 = tpu.vector_load %arg8[%get3A_521] {strides = array<i32>} : memref<64xf32, #tpu.memory_space<vmem>>, vector<16xf32>,
          %get3A_523 = vector.shape_cast %get3A_522 : vector<16xf32> to vector<16xf32>
          %get3A_524 = arith.constant 48 : index
          %get3A_525 = tpu.vector_load %arg9[%get3A_524] {strides = array<i32>} : memref<64xi32, #tpu.memory_space<vmem>>, vector<16xi32>,
          %get3A_526 = vector.shape_cast %get3A_525 : vector<16xi32> to vector<16xi32>
          %eq3A_527 = arith.cmpf oeq, %get3A_523, %broadcast_in_dim3A_486 : vector<16xf32>
          %jit3A_528 = arith.constant 2147483647 : i32
          %broadcast_in_dim3A_529 = vector.broadcast %jit3A_528 : i32 to vector<16xi32>
          %select_n3A_530 = arith.select %eq3A_527, %get3A_526, %broadcast_in_dim3A_529 : vector<16xi1>, vector<16xi32>
          %min3A_531 = arith.minsi %min3A_520, %select_n3A_530 : vector<16xi32>
          %slice3A_532 = vector.extract_strided_slice %min3A_531 {offsets = [0], sizes = [1], strides = [1]} : vector<16xi32> to vector<1xi32>
          %squeeze3A_533 = vector.extract %slice3A_532[0] : i32 from vector<1xi32>
          %slice3A_534 = vector.extract_strided_slice %min3A_531 {offsets = [1], sizes = [1], strides = [1]} : vector<16xi32> to vector<1xi32>
          %squeeze3A_535 = vector.extract %slice3A_534[0] : i32 from vector<1xi32>
          %min3A_536 = arith.minsi %squeeze3A_533, %squeeze3A_535 : i32
          %slice3A_537 = vector.extract_strided_slice %min3A_531 {offsets = [2], sizes = [1], strides = [1]} : vector<16xi32> to vector<1xi32>
          %squeeze3A_538 = vector.extract %slice3A_537[0] : i32 from vector<1xi32>
          %min3A_539 = arith.minsi %min3A_536, %squeeze3A_538 : i32
          %slice3A_540 = vector.extract_strided_slice %min3A_531 {offsets = [3], sizes = [1], strides = [1]} : vector<16xi32> to vector<1xi32>
          %squeeze3A_541 = vector.extract %slice3A_540[0] : i32 from vector<1xi32>
          %min3A_542 = arith.minsi %min3A_539, %squeeze3A_541 : i32
          %slice3A_543 = vector.extract_strided_slice %min3A_531 {offsets = [4], sizes = [1], strides = [1]} : vector<16xi32> to vector<1xi32>
          %squeeze3A_544 = vector.extract %slice3A_543[0] : i32 from vector<1xi32>
          %min3A_545 = arith.minsi %min3A_542, %squeeze3A_544 : i32
          %slice3A_546 = vector.extract_strided_slice %min3A_531 {offsets = [5], sizes = [1], strides = [1]} : vector<16xi32> to vector<1xi32>
          %squeeze3A_547 = vector.extract %slice3A_546[0] : i32 from vector<1xi32>
          %min3A_548 = arith.minsi %min3A_545, %squeeze3A_547 : i32
          %slice3A_549 = vector.extract_strided_slice %min3A_531 {offsets = [6], sizes = [1], strides = [1]} : vector<16xi32> to vector<1xi32>
          %squeeze3A_550 = vector.extract %slice3A_549[0] : i32 from vector<1xi32>
          %min3A_551 = arith.minsi %min3A_548, %squeeze3A_550 : i32
          %slice3A_552 = vector.extract_strided_slice %min3A_531 {offsets = [7], sizes = [1], strides = [1]} : vector<16xi32> to vector<1xi32>
          %squeeze3A_553 = vector.extract %slice3A_552[0] : i32 from vector<1xi32>
          %min3A_554 = arith.minsi %min3A_551, %squeeze3A_553 : i32
          %slice3A_555 = vector.extract_strided_slice %min3A_531 {offsets = [8], sizes = [1], strides = [1]} : vector<16xi32> to vector<1xi32>
          %squeeze3A_556 = vector.extract %slice3A_555[0] : i32 from vector<1xi32>
          %min3A_557 = arith.minsi %min3A_554, %squeeze3A_556 : i32
          %slice3A_558 = vector.extract_strided_slice %min3A_531 {offsets = [9], sizes = [1], strides = [1]} : vector<16xi32> to vector<1xi32>
          %squeeze3A_559 = vector.extract %slice3A_558[0] : i32 from vector<1xi32>
          %min3A_560 = arith.minsi %min3A_557, %squeeze3A_559 : i32
          %slice3A_561 = vector.extract_strided_slice %min3A_531 {offsets = [10], sizes = [1], strides = [1]} : vector<16xi32> to vector<1xi32>
          %squeeze3A_562 = vector.extract %slice3A_561[0] : i32 from vector<1xi32>
          %min3A_563 = arith.minsi %min3A_560, %squeeze3A_562 : i32
          %slice3A_564 = vector.extract_strided_slice %min3A_531 {offsets = [11], sizes = [1], strides = [1]} : vector<16xi32> to vector<1xi32>
          %squeeze3A_565 = vector.extract %slice3A_564[0] : i32 from vector<1xi32>
          %min3A_566 = arith.minsi %min3A_563, %squeeze3A_565 : i32
          %slice3A_567 = vector.extract_strided_slice %min3A_531 {offsets = [12], sizes = [1], strides = [1]} : vector<16xi32> to vector<1xi32>
          %squeeze3A_568 = vector.extract %slice3A_567[0] : i32 from vector<1xi32>
          %min3A_569 = arith.minsi %min3A_566, %squeeze3A_568 : i32
          %slice3A_570 = vector.extract_strided_slice %min3A_531 {offsets = [13], sizes = [1], strides = [1]} : vector<16xi32> to vector<1xi32>
          %squeeze3A_571 = vector.extract %slice3A_570[0] : i32 from vector<1xi32>
          %min3A_572 = arith.minsi %min3A_569, %squeeze3A_571 : i32
          %slice3A_573 = vector.extract_strided_slice %min3A_531 {offsets = [14], sizes = [1], strides = [1]} : vector<16xi32> to vector<1xi32>
          %squeeze3A_574 = vector.extract %slice3A_573[0] : i32 from vector<1xi32>
          %min3A_575 = arith.minsi %min3A_572, %squeeze3A_574 : i32
          %slice3A_576 = vector.extract_strided_slice %min3A_531 {offsets = [15], sizes = [1], strides = [1]} : vector<16xi32> to vector<1xi32>
          %squeeze3A_577 = vector.extract %slice3A_576[0] : i32 from vector<1xi32>
          %min3A_578 = arith.minsi %min3A_575, %squeeze3A_577 : i32
          %broadcast_in_dim3A_579 = vector.broadcast %min3A_578 : i32 to vector<16xi32>
          %get3A_580 = arith.constant 0 : index
          %get3A_581 = tpu.vector_load %arg8[%get3A_580] {strides = array<i32>} : memref<64xf32, #tpu.memory_space<vmem>>, vector<16xf32>,
          %get3A_582 = vector.shape_cast %get3A_581 : vector<16xf32> to vector<16xf32>
          %get3A_583 = arith.constant 0 : index
          %get3A_584 = tpu.vector_load %arg9[%get3A_583] {strides = array<i32>} : memref<64xi32, #tpu.memory_space<vmem>>, vector<16xi32>,
          %get3A_585 = vector.shape_cast %get3A_584 : vector<16xi32> to vector<16xi32>
          %eq3A_586 = arith.cmpi eq, %get3A_585, %broadcast_in_dim3A_579 : vector<16xi32>
          %jit3A_587 = arith.constant -3.000000e+38 : f32
          %broadcast_in_dim3A_588 = vector.broadcast %jit3A_587 : f32 to vector<16xf32>
          %select_n3A_589 = arith.select %eq3A_586, %broadcast_in_dim3A_588, %get3A_582 : vector<16xi1>, vector<16xf32>
          %swap3A_590 = arith.constant 0 : index
          %swap3A_591 = tpu.vector_load %arg8[%swap3A_590] {strides = array<i32>} : memref<64xf32, #tpu.memory_space<vmem>>, vector<16xf32>,
          %swap3A_592 = vector.shape_cast %swap3A_591 : vector<16xf32> to vector<16xf32>
          %swap3A_593 = vector.shape_cast %select_n3A_589 : vector<16xf32> to vector<16xf32>
          tpu.vector_store %arg8[%swap3A_590], %swap3A_593 {strides = array<i32>} : memref<64xf32, #tpu.memory_space<vmem>>, vector<16xf32>,
          %get3A_594 = arith.constant 16 : index
          %get3A_595 = tpu.vector_load %arg8[%get3A_594] {strides = array<i32>} : memref<64xf32, #tpu.memory_space<vmem>>, vector<16xf32>,
          %get3A_596 = vector.shape_cast %get3A_595 : vector<16xf32> to vector<16xf32>
          %get3A_597 = arith.constant 16 : index
          %get3A_598 = tpu.vector_load %arg9[%get3A_597] {strides = array<i32>} : memref<64xi32, #tpu.memory_space<vmem>>, vector<16xi32>,
          %get3A_599 = vector.shape_cast %get3A_598 : vector<16xi32> to vector<16xi32>
          %eq3A_600 = arith.cmpi eq, %get3A_599, %broadcast_in_dim3A_579 : vector<16xi32>
          %jit3A_601 = arith.constant -3.000000e+38 : f32
          %broadcast_in_dim3A_602 = vector.broadcast %jit3A_601 : f32 to vector<16xf32>
          %select_n3A_603 = arith.select %eq3A_600, %broadcast_in_dim3A_602, %get3A_596 : vector<16xi1>, vector<16xf32>
          %swap3A_604 = arith.constant 16 : index
          %swap3A_605 = tpu.vector_load %arg8[%swap3A_604] {strides = array<i32>} : memref<64xf32, #tpu.memory_space<vmem>>, vector<16xf32>,
          %swap3A_606 = vector.shape_cast %swap3A_605 : vector<16xf32> to vector<16xf32>
          %swap3A_607 = vector.shape_cast %select_n3A_603 : vector<16xf32> to vector<16xf32>
          tpu.vector_store %arg8[%swap3A_604], %swap3A_607 {strides = array<i32>} : memref<64xf32, #tpu.memory_space<vmem>>, vector<16xf32>,
          %get3A_608 = arith.constant 32 : index
          %get3A_609 = tpu.vector_load %arg8[%get3A_608] {strides = array<i32>} : memref<64xf32, #tpu.memory_space<vmem>>, vector<16xf32>,
          %get3A_610 = vector.shape_cast %get3A_609 : vector<16xf32> to vector<16xf32>
          %get3A_611 = arith.constant 32 : index
          %get3A_612 = tpu.vector_load %arg9[%get3A_611] {strides = array<i32>} : memref<64xi32, #tpu.memory_space<vmem>>, vector<16xi32>,
          %get3A_613 = vector.shape_cast %get3A_612 : vector<16xi32> to vector<16xi32>
          %eq3A_614 = arith.cmpi eq, %get3A_613, %broadcast_in_dim3A_579 : vector<16xi32>
          %jit3A_615 = arith.constant -3.000000e+38 : f32
          %broadcast_in_dim3A_616 = vector.broadcast %jit3A_615 : f32 to vector<16xf32>
          %select_n3A_617 = arith.select %eq3A_614, %broadcast_in_dim3A_616, %get3A_610 : vector<16xi1>, vector<16xf32>
          %swap3A_618 = arith.constant 32 : index
          %swap3A_619 = tpu.vector_load %arg8[%swap3A_618] {strides = array<i32>} : memref<64xf32, #tpu.memory_space<vmem>>, vector<16xf32>,
          %swap3A_620 = vector.shape_cast %swap3A_619 : vector<16xf32> to vector<16xf32>
          %swap3A_621 = vector.shape_cast %select_n3A_617 : vector<16xf32> to vector<16xf32>
          tpu.vector_store %arg8[%swap3A_618], %swap3A_621 {strides = array<i32>} : memref<64xf32, #tpu.memory_space<vmem>>, vector<16xf32>,
          %get3A_622 = arith.constant 48 : index
          %get3A_623 = tpu.vector_load %arg8[%get3A_622] {strides = array<i32>} : memref<64xf32, #tpu.memory_space<vmem>>, vector<16xf32>,
          %get3A_624 = vector.shape_cast %get3A_623 : vector<16xf32> to vector<16xf32>
          %get3A_625 = arith.constant 48 : index
          %get3A_626 = tpu.vector_load %arg9[%get3A_625] {strides = array<i32>} : memref<64xi32, #tpu.memory_space<vmem>>, vector<16xi32>,
          %get3A_627 = vector.shape_cast %get3A_626 : vector<16xi32> to vector<16xi32>
          %eq3A_628 = arith.cmpi eq, %get3A_627, %broadcast_in_dim3A_579 : vector<16xi32>
          %jit3A_629 = arith.constant -3.000000e+38 : f32
          %broadcast_in_dim3A_630 = vector.broadcast %jit3A_629 : f32 to vector<16xf32>
          %select_n3A_631 = arith.select %eq3A_628, %broadcast_in_dim3A_630, %get3A_624 : vector<16xi1>, vector<16xf32>
          %swap3A_632 = arith.constant 48 : index
          %swap3A_633 = tpu.vector_load %arg8[%swap3A_632] {strides = array<i32>} : memref<64xf32, #tpu.memory_space<vmem>>, vector<16xf32>,
          %swap3A_634 = vector.shape_cast %swap3A_633 : vector<16xf32> to vector<16xf32>
          %swap3A_635 = vector.shape_cast %select_n3A_631 : vector<16xf32> to vector<16xf32>
          tpu.vector_store %arg8[%swap3A_632], %swap3A_635 {strides = array<i32>} : memref<64xf32, #tpu.memory_space<vmem>>, vector<16xf32>,
          %eq3A_636 = vector.broadcast %scan3A_416 : i32 to vector<16xi32>
          %eq3A_637 = arith.cmpi eq, %iota3A, %eq3A_636 : vector<16xi32>
          %select_n3A_638 = arith.select %eq3A_637, %broadcast_in_dim3A_486, %scan3A_417 : vector<16xi1>, vector<16xf32>
          %sub3A = arith.constant 16 : i32
          %sub3A_639 = arith.subi %scan3A_416, %sub3A : i32
          %eq3A_640 = vector.broadcast %sub3A_639 : i32 to vector<16xi32>
          %eq3A_641 = arith.cmpi eq, %iota3A, %eq3A_640 : vector<16xi32>
          %select_n3A_642 = arith.select %eq3A_641, %broadcast_in_dim3A_486, %scan3A_418 : vector<16xi1>, vector<16xf32>
          %eq3A_643 = vector.broadcast %scan3A_416 : i32 to vector<16xi32>
          %eq3A_644 = arith.cmpi eq, %iota3A, %eq3A_643 : vector<16xi32>
          %select_n3A_645 = arith.select %eq3A_644, %broadcast_in_dim3A_579, %scan3A_419 : vector<16xi1>, vector<16xi32>
          %sub3A_646 = arith.constant 16 : i32
          %sub3A_647 = arith.subi %scan3A_416, %sub3A_646 : i32
          %eq3A_648 = vector.broadcast %sub3A_647 : i32 to vector<16xi32>
          %eq3A_649 = arith.cmpi eq, %iota3A, %eq3A_648 : vector<16xi32>
          %select_n3A_650 = arith.select %eq3A_649, %broadcast_in_dim3A_579, %scan3A_420 : vector<16xi1>, vector<16xi32>
          scf.yield %select_n3A_638, %select_n3A_642, %select_n3A_645, %select_n3A_650 : vector<16xf32>, vector<16xf32>, vector<16xi32>, vector<16xi32>
        }
        %scan3A_312 = arith.constant 32 : i32
        %swap3A_313 = arith.constant 0 : index
        %swap3A_314 = tpu.vector_load %arg8[%swap3A_313] {strides = array<i32>} : memref<64xf32, #tpu.memory_space<vmem>>, vector<16xf32>,
        %swap3A_315 = vector.shape_cast %swap3A_314 : vector<16xf32> to vector<16xf32>
        %swap3A_316 = vector.shape_cast %scan3A_311#0 : vector<16xf32> to vector<16xf32>
        tpu.vector_store %arg8[%swap3A_313], %swap3A_316 {strides = array<i32>} : memref<64xf32, #tpu.memory_space<vmem>>, vector<16xf32>,
        %swap3A_317 = arith.constant 16 : index
        %swap3A_318 = tpu.vector_load %arg8[%swap3A_317] {strides = array<i32>} : memref<64xf32, #tpu.memory_space<vmem>>, vector<16xf32>,
        %swap3A_319 = vector.shape_cast %swap3A_318 : vector<16xf32> to vector<16xf32>
        %swap3A_320 = vector.shape_cast %scan3A_311#1 : vector<16xf32> to vector<16xf32>
        tpu.vector_store %arg8[%swap3A_317], %swap3A_320 {strides = array<i32>} : memref<64xf32, #tpu.memory_space<vmem>>, vector<16xf32>,
        %swap3A_321 = arith.constant 0 : index
        %swap3A_322 = tpu.vector_load %arg9[%swap3A_321] {strides = array<i32>} : memref<64xi32, #tpu.memory_space<vmem>>, vector<16xi32>,
        %swap3A_323 = vector.shape_cast %swap3A_322 : vector<16xi32> to vector<16xi32>
        %swap3A_324 = vector.shape_cast %scan3A_311#2 : vector<16xi32> to vector<16xi32>
        tpu.vector_store %arg9[%swap3A_321], %swap3A_324 {strides = array<i32>} : memref<64xi32, #tpu.memory_space<vmem>>, vector<16xi32>,
        %swap3A_325 = arith.constant 16 : index
        %swap3A_326 = tpu.vector_load %arg9[%swap3A_325] {strides = array<i32>} : memref<64xi32, #tpu.memory_space<vmem>>, vector<16xi32>,
        %swap3A_327 = vector.shape_cast %swap3A_326 : vector<16xi32> to vector<16xi32>
        %swap3A_328 = vector.shape_cast %scan3A_311#3 : vector<16xi32> to vector<16xi32>
        tpu.vector_store %arg9[%swap3A_325], %swap3A_328 {strides = array<i32>} : memref<64xi32, #tpu.memory_space<vmem>>, vector<16xi32>,
        %broadcast_in_dim3A_329 = arith.constant -3.000000e+38 : f32
        %broadcast_in_dim3A_330 = vector.broadcast %broadcast_in_dim3A_329 : f32 to vector<16xf32>
        %swap3A_331 = arith.constant 32 : index
        %swap3A_332 = tpu.vector_load %arg8[%swap3A_331] {strides = array<i32>} : memref<64xf32, #tpu.memory_space<vmem>>, vector<16xf32>,
        %swap3A_333 = vector.shape_cast %swap3A_332 : vector<16xf32> to vector<16xf32>
        %swap3A_334 = vector.shape_cast %broadcast_in_dim3A_330 : vector<16xf32> to vector<16xf32>
        tpu.vector_store %arg8[%swap3A_331], %swap3A_334 {strides = array<i32>} : memref<64xf32, #tpu.memory_space<vmem>>, vector<16xf32>,
        %broadcast_in_dim3A_335 = arith.constant 2147483647 : i32
        %broadcast_in_dim3A_336 = vector.broadcast %broadcast_in_dim3A_335 : i32 to vector<16xi32>
        %swap3A_337 = arith.constant 32 : index
        %swap3A_338 = tpu.vector_load %arg9[%swap3A_337] {strides = array<i32>} : memref<64xi32, #tpu.memory_space<vmem>>, vector<16xi32>,
        %swap3A_339 = vector.shape_cast %swap3A_338 : vector<16xi32> to vector<16xi32>
        %swap3A_340 = vector.shape_cast %broadcast_in_dim3A_336 : vector<16xi32> to vector<16xi32>
        tpu.vector_store %arg9[%swap3A_337], %swap3A_340 {strides = array<i32>} : memref<64xi32, #tpu.memory_space<vmem>>, vector<16xi32>,
        %broadcast_in_dim3A_341 = arith.constant -3.000000e+38 : f32
        %broadcast_in_dim3A_342 = vector.broadcast %broadcast_in_dim3A_341 : f32 to vector<16xf32>
        %swap3A_343 = arith.constant 48 : index
        %swap3A_344 = tpu.vector_load %arg8[%swap3A_343] {strides = array<i32>} : memref<64xf32, #tpu.memory_space<vmem>>, vector<16xf32>,
        %swap3A_345 = vector.shape_cast %swap3A_344 : vector<16xf32> to vector<16xf32>
        %swap3A_346 = vector.shape_cast %broadcast_in_dim3A_342 : vector<16xf32> to vector<16xf32>
        tpu.vector_store %arg8[%swap3A_343], %swap3A_346 {strides = array<i32>} : memref<64xf32, #tpu.memory_space<vmem>>, vector<16xf32>,
        %broadcast_in_dim3A_347 = arith.constant 2147483647 : i32
        %broadcast_in_dim3A_348 = vector.broadcast %broadcast_in_dim3A_347 : i32 to vector<16xi32>
        %swap3A_349 = arith.constant 48 : index
        %swap3A_350 = tpu.vector_load %arg9[%swap3A_349] {strides = array<i32>} : memref<64xi32, #tpu.memory_space<vmem>>, vector<16xi32>,
        %swap3A_351 = vector.shape_cast %swap3A_350 : vector<16xi32> to vector<16xi32>
        %swap3A_352 = vector.shape_cast %broadcast_in_dim3A_348 : vector<16xi32> to vector<16xi32>
        tpu.vector_store %arg9[%swap3A_349], %swap3A_352 {strides = array<i32>} : memref<64xi32, #tpu.memory_space<vmem>>, vector<16xi32>,
        %swap3A_353 = arith.constant 0 : index
        %swap3A_354 = tpu.vector_load %arg10[%swap3A_353] {strides = array<i32>} : memref<32xf32, #tpu.memory_space<vmem>>, vector<16xf32>,
        %swap3A_355 = vector.shape_cast %swap3A_354 : vector<16xf32> to vector<16xf32>
        %swap3A_356 = vector.shape_cast %scan3A_311#0 : vector<16xf32> to vector<16xf32>
        tpu.vector_store %arg10[%swap3A_353], %swap3A_356 {strides = array<i32>} : memref<32xf32, #tpu.memory_space<vmem>>, vector<16xf32>,
        %swap3A_357 = arith.constant 16 : index
        %swap3A_358 = tpu.vector_load %arg10[%swap3A_357] {strides = array<i32>} : memref<32xf32, #tpu.memory_space<vmem>>, vector<16xf32>,
        %swap3A_359 = vector.shape_cast %swap3A_358 : vector<16xf32> to vector<16xf32>
        %swap3A_360 = vector.shape_cast %scan3A_311#1 : vector<16xf32> to vector<16xf32>
        tpu.vector_store %arg10[%swap3A_357], %swap3A_360 {strides = array<i32>} : memref<32xf32, #tpu.memory_space<vmem>>, vector<16xf32>,
        %swap3A_361 = arith.constant 0 : index
        %swap3A_362 = tpu.vector_load %arg11[%swap3A_361] {strides = array<i32>} : memref<32xi32, #tpu.memory_space<vmem>>, vector<16xi32>,
        %swap3A_363 = vector.shape_cast %swap3A_362 : vector<16xi32> to vector<16xi32>
        %swap3A_364 = vector.shape_cast %scan3A_311#2 : vector<16xi32> to vector<16xi32>
        tpu.vector_store %arg11[%swap3A_361], %swap3A_364 {strides = array<i32>} : memref<32xi32, #tpu.memory_space<vmem>>, vector<16xi32>,
        %swap3A_365 = arith.constant 16 : index
        %swap3A_366 = tpu.vector_load %arg11[%swap3A_365] {strides = array<i32>} : memref<32xi32, #tpu.memory_space<vmem>>, vector<16xi32>,
        %swap3A_367 = vector.shape_cast %swap3A_366 : vector<16xi32> to vector<16xi32>
        %swap3A_368 = vector.shape_cast %scan3A_311#3 : vector<16xi32> to vector<16xi32>
        tpu.vector_store %arg11[%swap3A_365], %swap3A_368 {strides = array<i32>} : memref<32xi32, #tpu.memory_space<vmem>>, vector<16xi32>,
        %slice3A_369 = vector.extract_strided_slice %scan3A_311#1 {offsets = [0], sizes = [1], strides = [1]} : vector<16xf32> to vector<1xf32>
        %squeeze3A_370 = vector.extract %slice3A_369[0] : f32 from vector<1xf32>
        %slice3A_371 = vector.extract_strided_slice %scan3A_311#1 {offsets = [1], sizes = [1], strides = [1]} : vector<16xf32> to vector<1xf32>
        %squeeze3A_372 = vector.extract %slice3A_371[0] : f32 from vector<1xf32>
        %min3A_373 = arith.minimumf %squeeze3A_370, %squeeze3A_372 : f32
        %slice3A_374 = vector.extract_strided_slice %scan3A_311#1 {offsets = [2], sizes = [1], strides = [1]} : vector<16xf32> to vector<1xf32>
        %squeeze3A_375 = vector.extract %slice3A_374[0] : f32 from vector<1xf32>
        %min3A_376 = arith.minimumf %min3A_373, %squeeze3A_375 : f32
        %slice3A_377 = vector.extract_strided_slice %scan3A_311#1 {offsets = [3], sizes = [1], strides = [1]} : vector<16xf32> to vector<1xf32>
        %squeeze3A_378 = vector.extract %slice3A_377[0] : f32 from vector<1xf32>
        %min3A_379 = arith.minimumf %min3A_376, %squeeze3A_378 : f32
        %slice3A_380 = vector.extract_strided_slice %scan3A_311#1 {offsets = [4], sizes = [1], strides = [1]} : vector<16xf32> to vector<1xf32>
        %squeeze3A_381 = vector.extract %slice3A_380[0] : f32 from vector<1xf32>
        %min3A_382 = arith.minimumf %min3A_379, %squeeze3A_381 : f32
        %slice3A_383 = vector.extract_strided_slice %scan3A_311#1 {offsets = [5], sizes = [1], strides = [1]} : vector<16xf32> to vector<1xf32>
        %squeeze3A_384 = vector.extract %slice3A_383[0] : f32 from vector<1xf32>
        %min3A_385 = arith.minimumf %min3A_382, %squeeze3A_384 : f32
        %slice3A_386 = vector.extract_strided_slice %scan3A_311#1 {offsets = [6], sizes = [1], strides = [1]} : vector<16xf32> to vector<1xf32>
        %squeeze3A_387 = vector.extract %slice3A_386[0] : f32 from vector<1xf32>
        %min3A_388 = arith.minimumf %min3A_385, %squeeze3A_387 : f32
        %slice3A_389 = vector.extract_strided_slice %scan3A_311#1 {offsets = [7], sizes = [1], strides = [1]} : vector<16xf32> to vector<1xf32>
        %squeeze3A_390 = vector.extract %slice3A_389[0] : f32 from vector<1xf32>
        %min3A_391 = arith.minimumf %min3A_388, %squeeze3A_390 : f32
        %slice3A_392 = vector.extract_strided_slice %scan3A_311#1 {offsets = [8], sizes = [1], strides = [1]} : vector<16xf32> to vector<1xf32>
        %squeeze3A_393 = vector.extract %slice3A_392[0] : f32 from vector<1xf32>
        %min3A_394 = arith.minimumf %min3A_391, %squeeze3A_393 : f32
        %slice3A_395 = vector.extract_strided_slice %scan3A_311#1 {offsets = [9], sizes = [1], strides = [1]} : vector<16xf32> to vector<1xf32>
        %squeeze3A_396 = vector.extract %slice3A_395[0] : f32 from vector<1xf32>
        %min3A_397 = arith.minimumf %min3A_394, %squeeze3A_396 : f32
        %slice3A_398 = vector.extract_strided_slice %scan3A_311#1 {offsets = [10], sizes = [1], strides = [1]} : vector<16xf32> to vector<1xf32>
        %squeeze3A_399 = vector.extract %slice3A_398[0] : f32 from vector<1xf32>
        %min3A_400 = arith.minimumf %min3A_397, %squeeze3A_399 : f32
        %slice3A_401 = vector.extract_strided_slice %scan3A_311#1 {offsets = [11], sizes = [1], strides = [1]} : vector<16xf32> to vector<1xf32>
        %squeeze3A_402 = vector.extract %slice3A_401[0] : f32 from vector<1xf32>
        %min3A_403 = arith.minimumf %min3A_400, %squeeze3A_402 : f32
        %slice3A_404 = vector.extract_strided_slice %scan3A_311#1 {offsets = [12], sizes = [1], strides = [1]} : vector<16xf32> to vector<1xf32>
        %squeeze3A_405 = vector.extract %slice3A_404[0] : f32 from vector<1xf32>
        %min3A_406 = arith.minimumf %min3A_403, %squeeze3A_405 : f32
        %slice3A_407 = vector.extract_strided_slice %scan3A_311#1 {offsets = [13], sizes = [1], strides = [1]} : vector<16xf32> to vector<1xf32>
        %squeeze3A_408 = vector.extract %slice3A_407[0] : f32 from vector<1xf32>
        %min3A_409 = arith.minimumf %min3A_406, %squeeze3A_408 : f32
        %slice3A_410 = vector.extract_strided_slice %scan3A_311#1 {offsets = [14], sizes = [1], strides = [1]} : vector<16xf32> to vector<1xf32>
        %squeeze3A_411 = vector.extract %slice3A_410[0] : f32 from vector<1xf32>
        %min3A_412 = arith.minimumf %min3A_409, %squeeze3A_411 : f32
        %slice3A_413 = vector.extract_strided_slice %scan3A_311#1 {offsets = [15], sizes = [1], strides = [1]} : vector<16xf32> to vector<1xf32>
        %squeeze3A_414 = vector.extract %slice3A_413[0] : f32 from vector<1xf32>
        %min3A_415 = arith.minimumf %min3A_412, %squeeze3A_414 : f32
        scf.yield %min3A_415 : f32
      }
      %while3A_295 = arith.constant 1 : i32
      %while3A_296 = scf.for %while3A_297 = %while3A_292 to %while3A_288 step %while3A_295 iter_args(%while3A_298 = %while3A_294) -> (f32)  : i32 {
        %broadcast_in_dim3A_299 = arith.constant -3.000000e+38 : f32
        %broadcast_in_dim3A_300 = vector.broadcast %broadcast_in_dim3A_299 : f32 to vector<16xf32>
        %broadcast_in_dim3A_301 = arith.constant -3.000000e+38 : f32
        %broadcast_in_dim3A_302 = vector.broadcast %broadcast_in_dim3A_301 : f32 to vector<16xf32>
        %broadcast_in_dim3A_303 = arith.constant 2147483647 : i32
        %broadcast_in_dim3A_304 = vector.broadcast %broadcast_in_dim3A_303 : i32 to vector<16xi32>
        %broadcast_in_dim3A_305 = arith.constant 2147483647 : i32
        %broadcast_in_dim3A_306 = vector.broadcast %broadcast_in_dim3A_305 : i32 to vector<16xi32>
        %scan3A_307 = arith.constant 0 : i32
        %scan3A_308 = arith.constant 32 : i32
        %scan3A_309 = arith.addi %scan3A_307, %scan3A_308 : i32
        %scan3A_310 = arith.constant 1 : i32
        %scan3A_311:4 = scf.for %scan3A_416 = %scan3A_307 to %scan3A_309 step %scan3A_310 iter_args(%scan3A_417 = %broadcast_in_dim3A_300, %scan3A_418 = %broadcast_in_dim3A_302, %scan3A_419 = %broadcast_in_dim3A_304, %scan3A_420 = %broadcast_in_dim3A_306) -> (vector<16xf32>, vector<16xf32>, vector<16xi32>, vector<16xi32>)  : i32 {
          %broadcast_in_dim3A_421 = arith.constant -3.000000e+38 : f32
          %broadcast_in_dim3A_422 = vector.broadcast %broadcast_in_dim3A_421 : f32 to vector<16xf32>
          %get3A_423 = arith.constant 0 : index
          %get3A_424 = tpu.vector_load %arg8[%get3A_423] {strides = array<i32>} : memref<64xf32, #tpu.memory_space<vmem>>, vector<16xf32>,
          %get3A_425 = vector.shape_cast %get3A_424 : vector<16xf32> to vector<16xf32>
          %max3A_426 = arith.maximumf %broadcast_in_dim3A_422, %get3A_425 : vector<16xf32>
          %get3A_427 = arith.constant 16 : index
          %get3A_428 = tpu.vector_load %arg8[%get3A_427] {strides = array<i32>} : memref<64xf32, #tpu.memory_space<vmem>>, vector<16xf32>,
          %get3A_429 = vector.shape_cast %get3A_428 : vector<16xf32> to vector<16xf32>
          %max3A_430 = arith.maximumf %max3A_426, %get3A_429 : vector<16xf32>
          %get3A_431 = arith.constant 32 : index
          %get3A_432 = tpu.vector_load %arg8[%get3A_431] {strides = array<i32>} : memref<64xf32, #tpu.memory_space<vmem>>, vector<16xf32>,
          %get3A_433 = vector.shape_cast %get3A_432 : vector<16xf32> to vector<16xf32>
          %max3A_434 = arith.maximumf %max3A_430, %get3A_433 : vector<16xf32>
          %get3A_435 = arith.constant 48 : index
          %get3A_436 = tpu.vector_load %arg8[%get3A_435] {strides = array<i32>} : memref<64xf32, #tpu.memory_space<vmem>>, vector<16xf32>,
          %get3A_437 = vector.shape_cast %get3A_436 : vector<16xf32> to vector<16xf32>
          %max3A_438 = arith.maximumf %max3A_434, %get3A_437 : vector<16xf32>
          %slice3A_439 = vector.extract_strided_slice %max3A_438 {offsets = [0], sizes = [1], strides = [1]} : vector<16xf32> to vector<1xf32>
          %squeeze3A_440 = vector.extract %slice3A_439[0] : f32 from vector<1xf32>
          %slice3A_441 = vector.extract_strided_slice %max3A_438 {offsets = [1], sizes = [1], strides = [1]} : vector<16xf32> to vector<1xf32>
          %squeeze3A_442 = vector.extract %slice3A_441[0] : f32 from vector<1xf32>
          %max3A_443 = arith.maximumf %squeeze3A_440, %squeeze3A_442 : f32
          %slice3A_444 = vector.extract_strided_slice %max3A_438 {offsets = [2], sizes = [1], strides = [1]} : vector<16xf32> to vector<1xf32>
          %squeeze3A_445 = vector.extract %slice3A_444[0] : f32 from vector<1xf32>
          %max3A_446 = arith.maximumf %max3A_443, %squeeze3A_445 : f32
          %slice3A_447 = vector.extract_strided_slice %max3A_438 {offsets = [3], sizes = [1], strides = [1]} : vector<16xf32> to vector<1xf32>
          %squeeze3A_448 = vector.extract %slice3A_447[0] : f32 from vector<1xf32>
          %max3A_449 = arith.maximumf %max3A_446, %squeeze3A_448 : f32
          %slice3A_450 = vector.extract_strided_slice %max3A_438 {offsets = [4], sizes = [1], strides = [1]} : vector<16xf32> to vector<1xf32>
          %squeeze3A_451 = vector.extract %slice3A_450[0] : f32 from vector<1xf32>
          %max3A_452 = arith.maximumf %max3A_449, %squeeze3A_451 : f32
          %slice3A_453 = vector.extract_strided_slice %max3A_438 {offsets = [5], sizes = [1], strides = [1]} : vector<16xf32> to vector<1xf32>
          %squeeze3A_454 = vector.extract %slice3A_453[0] : f32 from vector<1xf32>
          %max3A_455 = arith.maximumf %max3A_452, %squeeze3A_454 : f32
          %slice3A_456 = vector.extract_strided_slice %max3A_438 {offsets = [6], sizes = [1], strides = [1]} : vector<16xf32> to vector<1xf32>
          %squeeze3A_457 = vector.extract %slice3A_456[0] : f32 from vector<1xf32>
          %max3A_458 = arith.maximumf %max3A_455, %squeeze3A_457 : f32
          %slice3A_459 = vector.extract_strided_slice %max3A_438 {offsets = [7], sizes = [1], strides = [1]} : vector<16xf32> to vector<1xf32>
          %squeeze3A_460 = vector.extract %slice3A_459[0] : f32 from vector<1xf32>
          %max3A_461 = arith.maximumf %max3A_458, %squeeze3A_460 : f32
          %slice3A_462 = vector.extract_strided_slice %max3A_438 {offsets = [8], sizes = [1], strides = [1]} : vector<16xf32> to vector<1xf32>
          %squeeze3A_463 = vector.extract %slice3A_462[0] : f32 from vector<1xf32>
          %max3A_464 = arith.maximumf %max3A_461, %squeeze3A_463 : f32
          %slice3A_465 = vector.extract_strided_slice %max3A_438 {offsets = [9], sizes = [1], strides = [1]} : vector<16xf32> to vector<1xf32>
          %squeeze3A_466 = vector.extract %slice3A_465[0] : f32 from vector<1xf32>
          %max3A_467 = arith.maximumf %max3A_464, %squeeze3A_466 : f32
          %slice3A_468 = vector.extract_strided_slice %max3A_438 {offsets = [10], sizes = [1], strides = [1]} : vector<16xf32> to vector<1xf32>
          %squeeze3A_469 = vector.extract %slice3A_468[0] : f32 from vector<1xf32>
          %max3A_470 = arith.maximumf %max3A_467, %squeeze3A_469 : f32
          %slice3A_471 = vector.extract_strided_slice %max3A_438 {offsets = [11], sizes = [1], strides = [1]} : vector<16xf32> to vector<1xf32>
          %squeeze3A_472 = vector.extract %slice3A_471[0] : f32 from vector<1xf32>
          %max3A_473 = arith.maximumf %max3A_470, %squeeze3A_472 : f32
          %slice3A_474 = vector.extract_strided_slice %max3A_438 {offsets = [12], sizes = [1], strides = [1]} : vector<16xf32> to vector<1xf32>
          %squeeze3A_475 = vector.extract %slice3A_474[0] : f32 from vector<1xf32>
          %max3A_476 = arith.maximumf %max3A_473, %squeeze3A_475 : f32
          %slice3A_477 = vector.extract_strided_slice %max3A_438 {offsets = [13], sizes = [1], strides = [1]} : vector<16xf32> to vector<1xf32>
          %squeeze3A_478 = vector.extract %slice3A_477[0] : f32 from vector<1xf32>
          %max3A_479 = arith.maximumf %max3A_476, %squeeze3A_478 : f32
          %slice3A_480 = vector.extract_strided_slice %max3A_438 {offsets = [14], sizes = [1], strides = [1]} : vector<16xf32> to vector<1xf32>
          %squeeze3A_481 = vector.extract %slice3A_480[0] : f32 from vector<1xf32>
          %max3A_482 = arith.maximumf %max3A_479, %squeeze3A_481 : f32
          %slice3A_483 = vector.extract_strided_slice %max3A_438 {offsets = [15], sizes = [1], strides = [1]} : vector<16xf32> to vector<1xf32>
          %squeeze3A_484 = vector.extract %slice3A_483[0] : f32 from vector<1xf32>
          %max3A_485 = arith.maximumf %max3A_482, %squeeze3A_484 : f32
          %broadcast_in_dim3A_486 = vector.broadcast %max3A_485 : f32 to vector<16xf32>
          %broadcast_in_dim3A_487 = arith.constant 2147483647 : i32
          %broadcast_in_dim3A_488 = vector.broadcast %broadcast_in_dim3A_487 : i32 to vector<16xi32>
          %get3A_489 = arith.constant 0 : index
          %get3A_490 = tpu.vector_load %arg8[%get3A_489] {strides = array<i32>} : memref<64xf32, #tpu.memory_space<vmem>>, vector<16xf32>,
          %get3A_491 = vector.shape_cast %get3A_490 : vector<16xf32> to vector<16xf32>
          %get3A_492 = arith.constant 0 : index
          %get3A_493 = tpu.vector_load %arg9[%get3A_492] {strides = array<i32>} : memref<64xi32, #tpu.memory_space<vmem>>, vector<16xi32>,
          %get3A_494 = vector.shape_cast %get3A_493 : vector<16xi32> to vector<16xi32>
          %eq3A = arith.cmpf oeq, %get3A_491, %broadcast_in_dim3A_486 : vector<16xf32>
          %jit3A_495 = arith.constant 2147483647 : i32
          %broadcast_in_dim3A_496 = vector.broadcast %jit3A_495 : i32 to vector<16xi32>
          %select_n3A_497 = arith.select %eq3A, %get3A_494, %broadcast_in_dim3A_496 : vector<16xi1>, vector<16xi32>
          %min3A_498 = arith.minsi %broadcast_in_dim3A_488, %select_n3A_497 : vector<16xi32>
          %get3A_499 = arith.constant 16 : index
          %get3A_500 = tpu.vector_load %arg8[%get3A_499] {strides = array<i32>} : memref<64xf32, #tpu.memory_space<vmem>>, vector<16xf32>,
          %get3A_501 = vector.shape_cast %get3A_500 : vector<16xf32> to vector<16xf32>
          %get3A_502 = arith.constant 16 : index
          %get3A_503 = tpu.vector_load %arg9[%get3A_502] {strides = array<i32>} : memref<64xi32, #tpu.memory_space<vmem>>, vector<16xi32>,
          %get3A_504 = vector.shape_cast %get3A_503 : vector<16xi32> to vector<16xi32>
          %eq3A_505 = arith.cmpf oeq, %get3A_501, %broadcast_in_dim3A_486 : vector<16xf32>
          %jit3A_506 = arith.constant 2147483647 : i32
          %broadcast_in_dim3A_507 = vector.broadcast %jit3A_506 : i32 to vector<16xi32>
          %select_n3A_508 = arith.select %eq3A_505, %get3A_504, %broadcast_in_dim3A_507 : vector<16xi1>, vector<16xi32>
          %min3A_509 = arith.minsi %min3A_498, %select_n3A_508 : vector<16xi32>
          %get3A_510 = arith.constant 32 : index
          %get3A_511 = tpu.vector_load %arg8[%get3A_510] {strides = array<i32>} : memref<64xf32, #tpu.memory_space<vmem>>, vector<16xf32>,
          %get3A_512 = vector.shape_cast %get3A_511 : vector<16xf32> to vector<16xf32>
          %get3A_513 = arith.constant 32 : index
          %get3A_514 = tpu.vector_load %arg9[%get3A_513] {strides = array<i32>} : memref<64xi32, #tpu.memory_space<vmem>>, vector<16xi32>,
          %get3A_515 = vector.shape_cast %get3A_514 : vector<16xi32> to vector<16xi32>
          %eq3A_516 = arith.cmpf oeq, %get3A_512, %broadcast_in_dim3A_486 : vector<16xf32>
          %jit3A_517 = arith.constant 2147483647 : i32
          %broadcast_in_dim3A_518 = vector.broadcast %jit3A_517 : i32 to vector<16xi32>
          %select_n3A_519 = arith.select %eq3A_516, %get3A_515, %broadcast_in_dim3A_518 : vector<16xi1>, vector<16xi32>
          %min3A_520 = arith.minsi %min3A_509, %select_n3A_519 : vector<16xi32>
          %get3A_521 = arith.constant 48 : index
          %get3A_522 = tpu.vector_load %arg8[%get3A_521] {strides = array<i32>} : memref<64xf32, #tpu.memory_space<vmem>>, vector<16xf32>,
          %get3A_523 = vector.shape_cast %get3A_522 : vector<16xf32> to vector<16xf32>
          %get3A_524 = arith.constant 48 : index
          %get3A_525 = tpu.vector_load %arg9[%get3A_524] {strides = array<i32>} : memref<64xi32, #tpu.memory_space<vmem>>, vector<16xi32>,
          %get3A_526 = vector.shape_cast %get3A_525 : vector<16xi32> to vector<16xi32>
          %eq3A_527 = arith.cmpf oeq, %get3A_523, %broadcast_in_dim3A_486 : vector<16xf32>
          %jit3A_528 = arith.constant 2147483647 : i32
          %broadcast_in_dim3A_529 = vector.broadcast %jit3A_528 : i32 to vector<16xi32>
          %select_n3A_530 = arith.select %eq3A_527, %get3A_526, %broadcast_in_dim3A_529 : vector<16xi1>, vector<16xi32>
          %min3A_531 = arith.minsi %min3A_520, %select_n3A_530 : vector<16xi32>
          %slice3A_532 = vector.extract_strided_slice %min3A_531 {offsets = [0], sizes = [1], strides = [1]} : vector<16xi32> to vector<1xi32>
          %squeeze3A_533 = vector.extract %slice3A_532[0] : i32 from vector<1xi32>
          %slice3A_534 = vector.extract_strided_slice %min3A_531 {offsets = [1], sizes = [1], strides = [1]} : vector<16xi32> to vector<1xi32>
          %squeeze3A_535 = vector.extract %slice3A_534[0] : i32 from vector<1xi32>
          %min3A_536 = arith.minsi %squeeze3A_533, %squeeze3A_535 : i32
          %slice3A_537 = vector.extract_strided_slice %min3A_531 {offsets = [2], sizes = [1], strides = [1]} : vector<16xi32> to vector<1xi32>
          %squeeze3A_538 = vector.extract %slice3A_537[0] : i32 from vector<1xi32>
          %min3A_539 = arith.minsi %min3A_536, %squeeze3A_538 : i32
          %slice3A_540 = vector.extract_strided_slice %min3A_531 {offsets = [3], sizes = [1], strides = [1]} : vector<16xi32> to vector<1xi32>
          %squeeze3A_541 = vector.extract %slice3A_540[0] : i32 from vector<1xi32>
          %min3A_542 = arith.minsi %min3A_539, %squeeze3A_541 : i32
          %slice3A_543 = vector.extract_strided_slice %min3A_531 {offsets = [4], sizes = [1], strides = [1]} : vector<16xi32> to vector<1xi32>
          %squeeze3A_544 = vector.extract %slice3A_543[0] : i32 from vector<1xi32>
          %min3A_545 = arith.minsi %min3A_542, %squeeze3A_544 : i32
          %slice3A_546 = vector.extract_strided_slice %min3A_531 {offsets = [5], sizes = [1], strides = [1]} : vector<16xi32> to vector<1xi32>
          %squeeze3A_547 = vector.extract %slice3A_546[0] : i32 from vector<1xi32>
          %min3A_548 = arith.minsi %min3A_545, %squeeze3A_547 : i32
          %slice3A_549 = vector.extract_strided_slice %min3A_531 {offsets = [6], sizes = [1], strides = [1]} : vector<16xi32> to vector<1xi32>
          %squeeze3A_550 = vector.extract %slice3A_549[0] : i32 from vector<1xi32>
          %min3A_551 = arith.minsi %min3A_548, %squeeze3A_550 : i32
          %slice3A_552 = vector.extract_strided_slice %min3A_531 {offsets = [7], sizes = [1], strides = [1]} : vector<16xi32> to vector<1xi32>
          %squeeze3A_553 = vector.extract %slice3A_552[0] : i32 from vector<1xi32>
          %min3A_554 = arith.minsi %min3A_551, %squeeze3A_553 : i32
          %slice3A_555 = vector.extract_strided_slice %min3A_531 {offsets = [8], sizes = [1], strides = [1]} : vector<16xi32> to vector<1xi32>
          %squeeze3A_556 = vector.extract %slice3A_555[0] : i32 from vector<1xi32>
          %min3A_557 = arith.minsi %min3A_554, %squeeze3A_556 : i32
          %slice3A_558 = vector.extract_strided_slice %min3A_531 {offsets = [9], sizes = [1], strides = [1]} : vector<16xi32> to vector<1xi32>
          %squeeze3A_559 = vector.extract %slice3A_558[0] : i32 from vector<1xi32>
          %min3A_560 = arith.minsi %min3A_557, %squeeze3A_559 : i32
          %slice3A_561 = vector.extract_strided_slice %min3A_531 {offsets = [10], sizes = [1], strides = [1]} : vector<16xi32> to vector<1xi32>
          %squeeze3A_562 = vector.extract %slice3A_561[0] : i32 from vector<1xi32>
          %min3A_563 = arith.minsi %min3A_560, %squeeze3A_562 : i32
          %slice3A_564 = vector.extract_strided_slice %min3A_531 {offsets = [11], sizes = [1], strides = [1]} : vector<16xi32> to vector<1xi32>
          %squeeze3A_565 = vector.extract %slice3A_564[0] : i32 from vector<1xi32>
          %min3A_566 = arith.minsi %min3A_563, %squeeze3A_565 : i32
          %slice3A_567 = vector.extract_strided_slice %min3A_531 {offsets = [12], sizes = [1], strides = [1]} : vector<16xi32> to vector<1xi32>
          %squeeze3A_568 = vector.extract %slice3A_567[0] : i32 from vector<1xi32>
          %min3A_569 = arith.minsi %min3A_566, %squeeze3A_568 : i32
          %slice3A_570 = vector.extract_strided_slice %min3A_531 {offsets = [13], sizes = [1], strides = [1]} : vector<16xi32> to vector<1xi32>
          %squeeze3A_571 = vector.extract %slice3A_570[0] : i32 from vector<1xi32>
          %min3A_572 = arith.minsi %min3A_569, %squeeze3A_571 : i32
          %slice3A_573 = vector.extract_strided_slice %min3A_531 {offsets = [14], sizes = [1], strides = [1]} : vector<16xi32> to vector<1xi32>
          %squeeze3A_574 = vector.extract %slice3A_573[0] : i32 from vector<1xi32>
          %min3A_575 = arith.minsi %min3A_572, %squeeze3A_574 : i32
          %slice3A_576 = vector.extract_strided_slice %min3A_531 {offsets = [15], sizes = [1], strides = [1]} : vector<16xi32> to vector<1xi32>
          %squeeze3A_577 = vector.extract %slice3A_576[0] : i32 from vector<1xi32>
          %min3A_578 = arith.minsi %min3A_575, %squeeze3A_577 : i32
          %broadcast_in_dim3A_579 = vector.broadcast %min3A_578 : i32 to vector<16xi32>
          %get3A_580 = arith.constant 0 : index
          %get3A_581 = tpu.vector_load %arg8[%get3A_580] {strides = array<i32>} : memref<64xf32, #tpu.memory_space<vmem>>, vector<16xf32>,
          %get3A_582 = vector.shape_cast %get3A_581 : vector<16xf32> to vector<16xf32>
          %get3A_583 = arith.constant 0 : index
          %get3A_584 = tpu.vector_load %arg9[%get3A_583] {strides = array<i32>} : memref<64xi32, #tpu.memory_space<vmem>>, vector<16xi32>,
          %get3A_585 = vector.shape_cast %get3A_584 : vector<16xi32> to vector<16xi32>
          %eq3A_586 = arith.cmpi eq, %get3A_585, %broadcast_in_dim3A_579 : vector<16xi32>
          %jit3A_587 = arith.constant -3.000000e+38 : f32
          %broadcast_in_dim3A_588 = vector.broadcast %jit3A_587 : f32 to vector<16xf32>
          %select_n3A_589 = arith.select %eq3A_586, %broadcast_in_dim3A_588, %get3A_582 : vector<16xi1>, vector<16xf32>
          %swap3A_590 = arith.constant 0 : index
          %swap3A_591 = tpu.vector_load %arg8[%swap3A_590] {strides = array<i32>} : memref<64xf32, #tpu.memory_space<vmem>>, vector<16xf32>,
          %swap3A_592 = vector.shape_cast %swap3A_591 : vector<16xf32> to vector<16xf32>
          %swap3A_593 = vector.shape_cast %select_n3A_589 : vector<16xf32> to vector<16xf32>
          tpu.vector_store %arg8[%swap3A_590], %swap3A_593 {strides = array<i32>} : memref<64xf32, #tpu.memory_space<vmem>>, vector<16xf32>,
          %get3A_594 = arith.constant 16 : index
          %get3A_595 = tpu.vector_load %arg8[%get3A_594] {strides = array<i32>} : memref<64xf32, #tpu.memory_space<vmem>>, vector<16xf32>,
          %get3A_596 = vector.shape_cast %get3A_595 : vector<16xf32> to vector<16xf32>
          %get3A_597 = arith.constant 16 : index
          %get3A_598 = tpu.vector_load %arg9[%get3A_597] {strides = array<i32>} : memref<64xi32, #tpu.memory_space<vmem>>, vector<16xi32>,
          %get3A_599 = vector.shape_cast %get3A_598 : vector<16xi32> to vector<16xi32>
          %eq3A_600 = arith.cmpi eq, %get3A_599, %broadcast_in_dim3A_579 : vector<16xi32>
          %jit3A_601 = arith.constant -3.000000e+38 : f32
          %broadcast_in_dim3A_602 = vector.broadcast %jit3A_601 : f32 to vector<16xf32>
          %select_n3A_603 = arith.select %eq3A_600, %broadcast_in_dim3A_602, %get3A_596 : vector<16xi1>, vector<16xf32>
          %swap3A_604 = arith.constant 16 : index
          %swap3A_605 = tpu.vector_load %arg8[%swap3A_604] {strides = array<i32>} : memref<64xf32, #tpu.memory_space<vmem>>, vector<16xf32>,
          %swap3A_606 = vector.shape_cast %swap3A_605 : vector<16xf32> to vector<16xf32>
          %swap3A_607 = vector.shape_cast %select_n3A_603 : vector<16xf32> to vector<16xf32>
          tpu.vector_store %arg8[%swap3A_604], %swap3A_607 {strides = array<i32>} : memref<64xf32, #tpu.memory_space<vmem>>, vector<16xf32>,
          %get3A_608 = arith.constant 32 : index
          %get3A_609 = tpu.vector_load %arg8[%get3A_608] {strides = array<i32>} : memref<64xf32, #tpu.memory_space<vmem>>, vector<16xf32>,
          %get3A_610 = vector.shape_cast %get3A_609 : vector<16xf32> to vector<16xf32>
          %get3A_611 = arith.constant 32 : index
          %get3A_612 = tpu.vector_load %arg9[%get3A_611] {strides = array<i32>} : memref<64xi32, #tpu.memory_space<vmem>>, vector<16xi32>,
          %get3A_613 = vector.shape_cast %get3A_612 : vector<16xi32> to vector<16xi32>
          %eq3A_614 = arith.cmpi eq, %get3A_613, %broadcast_in_dim3A_579 : vector<16xi32>
          %jit3A_615 = arith.constant -3.000000e+38 : f32
          %broadcast_in_dim3A_616 = vector.broadcast %jit3A_615 : f32 to vector<16xf32>
          %select_n3A_617 = arith.select %eq3A_614, %broadcast_in_dim3A_616, %get3A_610 : vector<16xi1>, vector<16xf32>
          %swap3A_618 = arith.constant 32 : index
          %swap3A_619 = tpu.vector_load %arg8[%swap3A_618] {strides = array<i32>} : memref<64xf32, #tpu.memory_space<vmem>>, vector<16xf32>,
          %swap3A_620 = vector.shape_cast %swap3A_619 : vector<16xf32> to vector<16xf32>
          %swap3A_621 = vector.shape_cast %select_n3A_617 : vector<16xf32> to vector<16xf32>
          tpu.vector_store %arg8[%swap3A_618], %swap3A_621 {strides = array<i32>} : memref<64xf32, #tpu.memory_space<vmem>>, vector<16xf32>,
          %get3A_622 = arith.constant 48 : index
          %get3A_623 = tpu.vector_load %arg8[%get3A_622] {strides = array<i32>} : memref<64xf32, #tpu.memory_space<vmem>>, vector<16xf32>,
          %get3A_624 = vector.shape_cast %get3A_623 : vector<16xf32> to vector<16xf32>
          %get3A_625 = arith.constant 48 : index
          %get3A_626 = tpu.vector_load %arg9[%get3A_625] {strides = array<i32>} : memref<64xi32, #tpu.memory_space<vmem>>, vector<16xi32>,
          %get3A_627 = vector.shape_cast %get3A_626 : vector<16xi32> to vector<16xi32>
          %eq3A_628 = arith.cmpi eq, %get3A_627, %broadcast_in_dim3A_579 : vector<16xi32>
          %jit3A_629 = arith.constant -3.000000e+38 : f32
          %broadcast_in_dim3A_630 = vector.broadcast %jit3A_629 : f32 to vector<16xf32>
          %select_n3A_631 = arith.select %eq3A_628, %broadcast_in_dim3A_630, %get3A_624 : vector<16xi1>, vector<16xf32>
          %swap3A_632 = arith.constant 48 : index
          %swap3A_633 = tpu.vector_load %arg8[%swap3A_632] {strides = array<i32>} : memref<64xf32, #tpu.memory_space<vmem>>, vector<16xf32>,
          %swap3A_634 = vector.shape_cast %swap3A_633 : vector<16xf32> to vector<16xf32>
          %swap3A_635 = vector.shape_cast %select_n3A_631 : vector<16xf32> to vector<16xf32>
          tpu.vector_store %arg8[%swap3A_632], %swap3A_635 {strides = array<i32>} : memref<64xf32, #tpu.memory_space<vmem>>, vector<16xf32>,
          %eq3A_636 = vector.broadcast %scan3A_416 : i32 to vector<16xi32>
          %eq3A_637 = arith.cmpi eq, %iota3A, %eq3A_636 : vector<16xi32>
          %select_n3A_638 = arith.select %eq3A_637, %broadcast_in_dim3A_486, %scan3A_417 : vector<16xi1>, vector<16xf32>
          %sub3A = arith.constant 16 : i32
          %sub3A_639 = arith.subi %scan3A_416, %sub3A : i32
          %eq3A_640 = vector.broadcast %sub3A_639 : i32 to vector<16xi32>
          %eq3A_641 = arith.cmpi eq, %iota3A, %eq3A_640 : vector<16xi32>
          %select_n3A_642 = arith.select %eq3A_641, %broadcast_in_dim3A_486, %scan3A_418 : vector<16xi1>, vector<16xf32>
          %eq3A_643 = vector.broadcast %scan3A_416 : i32 to vector<16xi32>
          %eq3A_644 = arith.cmpi eq, %iota3A, %eq3A_643 : vector<16xi32>
          %select_n3A_645 = arith.select %eq3A_644, %broadcast_in_dim3A_579, %scan3A_419 : vector<16xi1>, vector<16xi32>
          %sub3A_646 = arith.constant 16 : i32
          %sub3A_647 = arith.subi %scan3A_416, %sub3A_646 : i32
          %eq3A_648 = vector.broadcast %sub3A_647 : i32 to vector<16xi32>
          %eq3A_649 = arith.cmpi eq, %iota3A, %eq3A_648 : vector<16xi32>
          %select_n3A_650 = arith.select %eq3A_649, %broadcast_in_dim3A_579, %scan3A_420 : vector<16xi1>, vector<16xi32>
          scf.yield %select_n3A_638, %select_n3A_642, %select_n3A_645, %select_n3A_650 : vector<16xf32>, vector<16xf32>, vector<16xi32>, vector<16xi32>
        }
        %scan3A_312 = arith.constant 32 : i32
        %swap3A_313 = arith.constant 0 : index
        %swap3A_314 = tpu.vector_load %arg8[%swap3A_313] {strides = array<i32>} : memref<64xf32, #tpu.memory_space<vmem>>, vector<16xf32>,
        %swap3A_315 = vector.shape_cast %swap3A_314 : vector<16xf32> to vector<16xf32>
        %swap3A_316 = vector.shape_cast %scan3A_311#0 : vector<16xf32> to vector<16xf32>
        tpu.vector_store %arg8[%swap3A_313], %swap3A_316 {strides = array<i32>} : memref<64xf32, #tpu.memory_space<vmem>>, vector<16xf32>,
        %swap3A_317 = arith.constant 16 : index
        %swap3A_318 = tpu.vector_load %arg8[%swap3A_317] {strides = array<i32>} : memref<64xf32, #tpu.memory_space<vmem>>, vector<16xf32>,
        %swap3A_319 = vector.shape_cast %swap3A_318 : vector<16xf32> to vector<16xf32>
        %swap3A_320 = vector.shape_cast %scan3A_311#1 : vector<16xf32> to vector<16xf32>
        tpu.vector_store %arg8[%swap3A_317], %swap3A_320 {strides = array<i32>} : memref<64xf32, #tpu.memory_space<vmem>>, vector<16xf32>,
        %swap3A_321 = arith.constant 0 : index
        %swap3A_322 = tpu.vector_load %arg9[%swap3A_321] {strides = array<i32>} : memref<64xi32, #tpu.memory_space<vmem>>, vector<16xi32>,
        %swap3A_323 = vector.shape_cast %swap3A_322 : vector<16xi32> to vector<16xi32>
        %swap3A_324 = vector.shape_cast %scan3A_311#2 : vector<16xi32> to vector<16xi32>
        tpu.vector_store %arg9[%swap3A_321], %swap3A_324 {strides = array<i32>} : memref<64xi32, #tpu.memory_space<vmem>>, vector<16xi32>,
        %swap3A_325 = arith.constant 16 : index
        %swap3A_326 = tpu.vector_load %arg9[%swap3A_325] {strides = array<i32>} : memref<64xi32, #tpu.memory_space<vmem>>, vector<16xi32>,
        %swap3A_327 = vector.shape_cast %swap3A_326 : vector<16xi32> to vector<16xi32>
        %swap3A_328 = vector.shape_cast %scan3A_311#3 : vector<16xi32> to vector<16xi32>
        tpu.vector_store %arg9[%swap3A_325], %swap3A_328 {strides = array<i32>} : memref<64xi32, #tpu.memory_space<vmem>>, vector<16xi32>,
        %broadcast_in_dim3A_329 = arith.constant -3.000000e+38 : f32
        %broadcast_in_dim3A_330 = vector.broadcast %broadcast_in_dim3A_329 : f32 to vector<16xf32>
        %swap3A_331 = arith.constant 32 : index
        %swap3A_332 = tpu.vector_load %arg8[%swap3A_331] {strides = array<i32>} : memref<64xf32, #tpu.memory_space<vmem>>, vector<16xf32>,
        %swap3A_333 = vector.shape_cast %swap3A_332 : vector<16xf32> to vector<16xf32>
        %swap3A_334 = vector.shape_cast %broadcast_in_dim3A_330 : vector<16xf32> to vector<16xf32>
        tpu.vector_store %arg8[%swap3A_331], %swap3A_334 {strides = array<i32>} : memref<64xf32, #tpu.memory_space<vmem>>, vector<16xf32>,
        %broadcast_in_dim3A_335 = arith.constant 2147483647 : i32
        %broadcast_in_dim3A_336 = vector.broadcast %broadcast_in_dim3A_335 : i32 to vector<16xi32>
        %swap3A_337 = arith.constant 32 : index
        %swap3A_338 = tpu.vector_load %arg9[%swap3A_337] {strides = array<i32>} : memref<64xi32, #tpu.memory_space<vmem>>, vector<16xi32>,
        %swap3A_339 = vector.shape_cast %swap3A_338 : vector<16xi32> to vector<16xi32>
        %swap3A_340 = vector.shape_cast %broadcast_in_dim3A_336 : vector<16xi32> to vector<16xi32>
        tpu.vector_store %arg9[%swap3A_337], %swap3A_340 {strides = array<i32>} : memref<64xi32, #tpu.memory_space<vmem>>, vector<16xi32>,
        %broadcast_in_dim3A_341 = arith.constant -3.000000e+38 : f32
        %broadcast_in_dim3A_342 = vector.broadcast %broadcast_in_dim3A_341 : f32 to vector<16xf32>
        %swap3A_343 = arith.constant 48 : index
        %swap3A_344 = tpu.vector_load %arg8[%swap3A_343] {strides = array<i32>} : memref<64xf32, #tpu.memory_space<vmem>>, vector<16xf32>,
        %swap3A_345 = vector.shape_cast %swap3A_344 : vector<16xf32> to vector<16xf32>
        %swap3A_346 = vector.shape_cast %broadcast_in_dim3A_342 : vector<16xf32> to vector<16xf32>
        tpu.vector_store %arg8[%swap3A_343], %swap3A_346 {strides = array<i32>} : memref<64xf32, #tpu.memory_space<vmem>>, vector<16xf32>,
        %broadcast_in_dim3A_347 = arith.constant 2147483647 : i32
        %broadcast_in_dim3A_348 = vector.broadcast %broadcast_in_dim3A_347 : i32 to vector<16xi32>
        %swap3A_349 = arith.constant 48 : index
        %swap3A_350 = tpu.vector_load %arg9[%swap3A_349] {strides = array<i32>} : memref<64xi32, #tpu.memory_space<vmem>>, vector<16xi32>,
        %swap3A_351 = vector.shape_cast %swap3A_350 : vector<16xi32> to vector<16xi32>
        %swap3A_352 = vector.shape_cast %broadcast_in_dim3A_348 : vector<16xi32> to vector<16xi32>
        tpu.vector_store %arg9[%swap3A_349], %swap3A_352 {strides = array<i32>} : memref<64xi32, #tpu.memory_space<vmem>>, vector<16xi32>,
        %swap3A_353 = arith.constant 0 : index
        %swap3A_354 = tpu.vector_load %arg10[%swap3A_353] {strides = array<i32>} : memref<32xf32, #tpu.memory_space<vmem>>, vector<16xf32>,
        %swap3A_355 = vector.shape_cast %swap3A_354 : vector<16xf32> to vector<16xf32>
        %swap3A_356 = vector.shape_cast %scan3A_311#0 : vector<16xf32> to vector<16xf32>
        tpu.vector_store %arg10[%swap3A_353], %swap3A_356 {strides = array<i32>} : memref<32xf32, #tpu.memory_space<vmem>>, vector<16xf32>,
        %swap3A_357 = arith.constant 16 : index
        %swap3A_358 = tpu.vector_load %arg10[%swap3A_357] {strides = array<i32>} : memref<32xf32, #tpu.memory_space<vmem>>, vector<16xf32>,
        %swap3A_359 = vector.shape_cast %swap3A_358 : vector<16xf32> to vector<16xf32>
        %swap3A_360 = vector.shape_cast %scan3A_311#1 : vector<16xf32> to vector<16xf32>
        tpu.vector_store %arg10[%swap3A_357], %swap3A_360 {strides = array<i32>} : memref<32xf32, #tpu.memory_space<vmem>>, vector<16xf32>,
        %swap3A_361 = arith.constant 0 : index
        %swap3A_362 = tpu.vector_load %arg11[%swap3A_361] {strides = array<i32>} : memref<32xi32, #tpu.memory_space<vmem>>, vector<16xi32>,
        %swap3A_363 = vector.shape_cast %swap3A_362 : vector<16xi32> to vector<16xi32>
        %swap3A_364 = vector.shape_cast %scan3A_311#2 : vector<16xi32> to vector<16xi32>
        tpu.vector_store %arg11[%swap3A_361], %swap3A_364 {strides = array<i32>} : memref<32xi32, #tpu.memory_space<vmem>>, vector<16xi32>,
        %swap3A_365 = arith.constant 16 : index
        %swap3A_366 = tpu.vector_load %arg11[%swap3A_365] {strides = array<i32>} : memref<32xi32, #tpu.memory_space<vmem>>, vector<16xi32>,
        %swap3A_367 = vector.shape_cast %swap3A_366 : vector<16xi32> to vector<16xi32>
        %swap3A_368 = vector.shape_cast %scan3A_311#3 : vector<16xi32> to vector<16xi32>
        tpu.vector_store %arg11[%swap3A_365], %swap3A_368 {strides = array<i32>} : memref<32xi32, #tpu.memory_space<vmem>>, vector<16xi32>,
        %slice3A_369 = vector.extract_strided_slice %scan3A_311#1 {offsets = [0], sizes = [1], strides = [1]} : vector<16xf32> to vector<1xf32>
        %squeeze3A_370 = vector.extract %slice3A_369[0] : f32 from vector<1xf32>
        %slice3A_371 = vector.extract_strided_slice %scan3A_311#1 {offsets = [1], sizes = [1], strides = [1]} : vector<16xf32> to vector<1xf32>
        %squeeze3A_372 = vector.extract %slice3A_371[0] : f32 from vector<1xf32>
        %min3A_373 = arith.minimumf %squeeze3A_370, %squeeze3A_372 : f32
        %slice3A_374 = vector.extract_strided_slice %scan3A_311#1 {offsets = [2], sizes = [1], strides = [1]} : vector<16xf32> to vector<1xf32>
        %squeeze3A_375 = vector.extract %slice3A_374[0] : f32 from vector<1xf32>
        %min3A_376 = arith.minimumf %min3A_373, %squeeze3A_375 : f32
        %slice3A_377 = vector.extract_strided_slice %scan3A_311#1 {offsets = [3], sizes = [1], strides = [1]} : vector<16xf32> to vector<1xf32>
        %squeeze3A_378 = vector.extract %slice3A_377[0] : f32 from vector<1xf32>
        %min3A_379 = arith.minimumf %min3A_376, %squeeze3A_378 : f32
        %slice3A_380 = vector.extract_strided_slice %scan3A_311#1 {offsets = [4], sizes = [1], strides = [1]} : vector<16xf32> to vector<1xf32>
        %squeeze3A_381 = vector.extract %slice3A_380[0] : f32 from vector<1xf32>
        %min3A_382 = arith.minimumf %min3A_379, %squeeze3A_381 : f32
        %slice3A_383 = vector.extract_strided_slice %scan3A_311#1 {offsets = [5], sizes = [1], strides = [1]} : vector<16xf32> to vector<1xf32>
        %squeeze3A_384 = vector.extract %slice3A_383[0] : f32 from vector<1xf32>
        %min3A_385 = arith.minimumf %min3A_382, %squeeze3A_384 : f32
        %slice3A_386 = vector.extract_strided_slice %scan3A_311#1 {offsets = [6], sizes = [1], strides = [1]} : vector<16xf32> to vector<1xf32>
        %squeeze3A_387 = vector.extract %slice3A_386[0] : f32 from vector<1xf32>
        %min3A_388 = arith.minimumf %min3A_385, %squeeze3A_387 : f32
        %slice3A_389 = vector.extract_strided_slice %scan3A_311#1 {offsets = [7], sizes = [1], strides = [1]} : vector<16xf32> to vector<1xf32>
        %squeeze3A_390 = vector.extract %slice3A_389[0] : f32 from vector<1xf32>
        %min3A_391 = arith.minimumf %min3A_388, %squeeze3A_390 : f32
        %slice3A_392 = vector.extract_strided_slice %scan3A_311#1 {offsets = [8], sizes = [1], strides = [1]} : vector<16xf32> to vector<1xf32>
        %squeeze3A_393 = vector.extract %slice3A_392[0] : f32 from vector<1xf32>
        %min3A_394 = arith.minimumf %min3A_391, %squeeze3A_393 : f32
        %slice3A_395 = vector.extract_strided_slice %scan3A_311#1 {offsets = [9], sizes = [1], strides = [1]} : vector<16xf32> to vector<1xf32>
        %squeeze3A_396 = vector.extract %slice3A_395[0] : f32 from vector<1xf32>
        %min3A_397 = arith.minimumf %min3A_394, %squeeze3A_396 : f32
        %slice3A_398 = vector.extract_strided_slice %scan3A_311#1 {offsets = [10], sizes = [1], strides = [1]} : vector<16xf32> to vector<1xf32>
        %squeeze3A_399 = vector.extract %slice3A_398[0] : f32 from vector<1xf32>
        %min3A_400 = arith.minimumf %min3A_397, %squeeze3A_399 : f32
        %slice3A_401 = vector.extract_strided_slice %scan3A_311#1 {offsets = [11], sizes = [1], strides = [1]} : vector<16xf32> to vector<1xf32>
        %squeeze3A_402 = vector.extract %slice3A_401[0] : f32 from vector<1xf32>
        %min3A_403 = arith.minimumf %min3A_400, %squeeze3A_402 : f32
        %slice3A_404 = vector.extract_strided_slice %scan3A_311#1 {offsets = [12], sizes = [1], strides = [1]} : vector<16xf32> to vector<1xf32>
        %squeeze3A_405 = vector.extract %slice3A_404[0] : f32 from vector<1xf32>
        %min3A_406 = arith.minimumf %min3A_403, %squeeze3A_405 : f32
        %slice3A_407 = vector.extract_strided_slice %scan3A_311#1 {offsets = [13], sizes = [1], strides = [1]} : vector<16xf32> to vector<1xf32>
        %squeeze3A_408 = vector.extract %slice3A_407[0] : f32 from vector<1xf32>
        %min3A_409 = arith.minimumf %min3A_406, %squeeze3A_408 : f32
        %slice3A_410 = vector.extract_strided_slice %scan3A_311#1 {offsets = [14], sizes = [1], strides = [1]} : vector<16xf32> to vector<1xf32>
        %squeeze3A_411 = vector.extract %slice3A_410[0] : f32 from vector<1xf32>
        %min3A_412 = arith.minimumf %min3A_409, %squeeze3A_411 : f32
        %slice3A_413 = vector.extract_strided_slice %scan3A_311#1 {offsets = [15], sizes = [1], strides = [1]} : vector<16xf32> to vector<1xf32>
        %squeeze3A_414 = vector.extract %slice3A_413[0] : f32 from vector<1xf32>
        %min3A_415 = arith.minimumf %min3A_412, %squeeze3A_414 : f32
        scf.yield %min3A_415 : f32
      }
      scf.yield %while3A_296 : f32
    }
    %scan3A_57 = arith.constant 10 : i32
    %mul3A_58 = arith.constant 1000000 : i32
    %mul3A_59 = arith.muli %add3A, %mul3A_58 : i32
    %add3A_60 = arith.constant 950000 : i32
    %add3A_61 = arith.addi %mul3A_59, %add3A_60 : i32
    %dma_wait3A = tpu.memref_slice %arg2[%add3A_61] : memref<32000000xf32, #tpu.memory_space<hbm>> -> memref<50000xf32, #tpu.memory_space<hbm>>
    %dma_wait3A_62 = tpu.memref_slice %arg2[%add3A_61] : memref<32000000xf32, #tpu.memory_space<hbm>> -> memref<50000xf32, #tpu.memory_space<hbm>>
    tpu.wait_dma2 semaphore(%arg12 : memref<!tpu.dma_semaphore, #tpu.memory_space<semaphore_mem>>) src(%dma_wait3A_62 : memref<50000xf32, #tpu.memory_space<hbm>>) dst(%arg5 : memref<50000xf32, #tpu.memory_space<vmem>>)
    %mul3A_63 = arith.constant 32 : i32
    %mul3A_64 = arith.muli %add3A, %mul3A_63 : i32
    "tpu.region"() ({
      %run_scoped3A = tpu.sem_alloc : memref<!tpu.dma_semaphore, #tpu.memory_space<semaphore_mem>>
      %dma_start3A_67 = tpu.memref_slice %arg3[%mul3A_64] : memref<1024xf32, #tpu.memory_space<hbm>> -> memref<32xf32, #tpu.memory_space<hbm>>
      %dma_start3A_68 = tpu.memref_slice %arg3[%mul3A_64] : memref<1024xf32, #tpu.memory_space<hbm>> -> memref<32xf32, #tpu.memory_space<hbm>>
      tpu.enqueue_dma source(%arg10 : memref<32xf32, #tpu.memory_space<vmem>>) target(%dma_start3A_68 : memref<32xf32, #tpu.memory_space<hbm>>) target_semaphore(%run_scoped3A : memref<!tpu.dma_semaphore, #tpu.memory_space<semaphore_mem>>)
      %dma_wait3A_69 = tpu.memref_slice %arg3[%mul3A_64] : memref<1024xf32, #tpu.memory_space<hbm>> -> memref<32xf32, #tpu.memory_space<hbm>>
      %dma_wait3A_70 = tpu.memref_slice %arg3[%mul3A_64] : memref<1024xf32, #tpu.memory_space<hbm>> -> memref<32xf32, #tpu.memory_space<hbm>>
      tpu.wait_dma2 semaphore(%run_scoped3A : memref<!tpu.dma_semaphore, #tpu.memory_space<semaphore_mem>>) src(%arg10 : memref<32xf32, #tpu.memory_space<vmem>>) dst(%dma_wait3A_70 : memref<32xf32, #tpu.memory_space<hbm>>)
      tpu.yield
    }) : () -> ()
    %mul3A_65 = arith.constant 32 : i32
    %mul3A_66 = arith.muli %add3A, %mul3A_65 : i32
    "tpu.region"() ({
      %run_scoped3A = tpu.sem_alloc : memref<!tpu.dma_semaphore, #tpu.memory_space<semaphore_mem>>
      %dma_start3A_67 = tpu.memref_slice %arg4[%mul3A_66] : memref<1024xi32, #tpu.memory_space<hbm>> -> memref<32xi32, #tpu.memory_space<hbm>>
      %dma_start3A_68 = tpu.memref_slice %arg4[%mul3A_66] : memref<1024xi32, #tpu.memory_space<hbm>> -> memref<32xi32, #tpu.memory_space<hbm>>
      tpu.enqueue_dma source(%arg11 : memref<32xi32, #tpu.memory_space<vmem>>) target(%dma_start3A_68 : memref<32xi32, #tpu.memory_space<hbm>>) target_semaphore(%run_scoped3A : memref<!tpu.dma_semaphore, #tpu.memory_space<semaphore_mem>>)
      %dma_wait3A_69 = tpu.memref_slice %arg4[%mul3A_66] : memref<1024xi32, #tpu.memory_space<hbm>> -> memref<32xi32, #tpu.memory_space<hbm>>
      %dma_wait3A_70 = tpu.memref_slice %arg4[%mul3A_66] : memref<1024xi32, #tpu.memory_space<hbm>> -> memref<32xi32, #tpu.memory_space<hbm>>
      tpu.wait_dma2 semaphore(%run_scoped3A : memref<!tpu.dma_semaphore, #tpu.memory_space<semaphore_mem>>) src(%arg11 : memref<32xi32, #tpu.memory_space<vmem>>) dst(%dma_wait3A_70 : memref<32xi32, #tpu.memory_space<hbm>>)
      tpu.yield
    }) : () -> ()
    return
  }
}

module attributes {stable_mosaic.version = 14 : i64} {
  func.func @body(%arg0: memref<32x32xf32, #tpu.memory_space<vmem>>, %arg1: memref<32x32xi32, #tpu.memory_space<vmem>>, %arg2: memref<32x1xf32, #tpu.memory_space<vmem>>, %arg3: memref<1x32xf32, #tpu.memory_space<vmem>>, %arg4: memref<1x32xi32, #tpu.memory_space<vmem>>, %arg5: memref<1x32xi32, #tpu.memory_space<vmem>>, %arg6: memref<1x32xi32, #tpu.memory_space<vmem>>) attributes {dimension_semantics = [], scalar_prefetch = 0 : i64, scratch_operands = 0 : i64, tpu.core_type = #tpu.core_type<tc>} {
    %get3A = arith.constant 0 : index
    %get3A_0 = arith.constant 0 : index
    %get3A_1 = vector.load %arg0[%get3A, %get3A_0] : memref<32x32xf32, #tpu.memory_space<vmem>>, vector<32x32xf32>
    %get3A_2 = arith.constant 0 : index
    %get3A_3 = arith.constant 0 : index
    %get3A_4 = vector.load %arg1[%get3A_2, %get3A_3] : memref<32x32xi32, #tpu.memory_space<vmem>>, vector<32x32xi32>
    %get3A_5 = arith.constant 0 : index
    %get3A_6 = arith.constant 0 : index
    %get3A_7 = vector.load %arg2[%get3A_5, %get3A_6] : memref<32x1xf32, #tpu.memory_space<vmem>>, vector<32x1xf32>
    %gt3A = arith.constant 0.000000e+00 : f32
    %gt3A_8 = vector.broadcast %gt3A : f32 to vector<32x32xf32>
    %gt3A_9 = arith.cmpf ogt, %get3A_1, %gt3A_8 : vector<32x32xf32>
    %log3A = math.log %get3A_1 : vector<32x32xf32>
    %add3A = vector.broadcast %get3A_7 : vector<32x1xf32> to vector<32x32xf32>
    %add3A_10 = arith.addf %log3A, %add3A : vector<32x32xf32>
    %jit3A = arith.constant 0xFF800000 : f32
    %broadcast_in_dim3A = vector.broadcast %jit3A : f32 to vector<32x32xf32>
    %select_n3A = arith.select %gt3A_9, %add3A_10, %broadcast_in_dim3A : vector<32x32xi1>, vector<32x32xf32>
    %iota3A = tpu.iota {dimensions = array<i32: 0>} : vector<32x32xi32>
    %mul3A = arith.constant 1000000 : i32
    %mul3A_11 = vector.broadcast %mul3A : i32 to vector<32x32xi32>
    %mul3A_12 = arith.muli %iota3A, %mul3A_11 : vector<32x32xi32>
    %add3A_13 = arith.addi %mul3A_12, %get3A_4 : vector<32x32xi32>
    %jit3A_14 = arith.constant 2147483647 : i32
    %broadcast_in_dim3A_15 = vector.broadcast %jit3A_14 : i32 to vector<32x32xi32>
    %select_n3A_16 = arith.select %gt3A_9, %add3A_13, %broadcast_in_dim3A_15 : vector<32x32xi1>, vector<32x32xi32>
    %iota3A_17 = tpu.iota {dimensions = array<i32: 1>} : vector<1x32xi32>
    %broadcast_in_dim3A_18 = arith.constant 0.000000e+00 : f32
    %broadcast_in_dim3A_19 = vector.broadcast %broadcast_in_dim3A_18 : f32 to vector<1x32xf32>
    %broadcast_in_dim3A_20 = arith.constant 0 : i32
    %broadcast_in_dim3A_21 = vector.broadcast %broadcast_in_dim3A_20 : i32 to vector<1x32xi32>
    %reduce_max3A = vector.shape_cast %select_n3A : vector<32x32xf32> to vector<1x32x32xf32>
    %reduce_max3A_22 = arith.constant dense<0xFF800000> : vector<1xf32>
    %reduce_max3A_23 = vector.multi_reduction <maximumf>, %reduce_max3A, %reduce_max3A_22 [1, 2] : vector<1x32x32xf32> to vector<1xf32>
    %reduce_max3A_24 = vector.shape_cast %reduce_max3A_23 : vector<1xf32> to vector<1x1x1xf32>
    %reduce_max3A_25 = vector.extract %reduce_max3A_24[0, 0, 0] : f32 from vector<1x1x1xf32>
    %eq3A = vector.broadcast %reduce_max3A_25 : f32 to vector<32x32xf32>
    %eq3A_26 = arith.cmpf oeq, %select_n3A, %eq3A : vector<32x32xf32>
    %jit3A_27 = arith.constant 2147483647 : i32
    %broadcast_in_dim3A_28 = vector.broadcast %jit3A_27 : i32 to vector<32x32xi32>
    %select_n3A_29 = arith.select %eq3A_26, %select_n3A_16, %broadcast_in_dim3A_28 : vector<32x32xi1>, vector<32x32xi32>
    %reduce_min3A = vector.shape_cast %select_n3A_29 : vector<32x32xi32> to vector<1x32x32xi32>
    %reduce_min3A_30 = arith.constant dense<2147483647> : vector<1xi32>
    %reduce_min3A_31 = vector.multi_reduction <minsi>, %reduce_min3A, %reduce_min3A_30 [1, 2] : vector<1x32x32xi32> to vector<1xi32>
    %reduce_min3A_32 = vector.shape_cast %reduce_min3A_31 : vector<1xi32> to vector<1x1x1xi32>
    %reduce_min3A_33 = vector.extract %reduce_min3A_32[0, 0, 0] : i32 from vector<1x1x1xi32>
    %eq3A_34 = arith.constant 0 : i32
    %eq3A_35 = vector.broadcast %eq3A_34 : i32 to vector<1x32xi32>
    %eq3A_36 = arith.cmpi eq, %iota3A_17, %eq3A_35 : vector<1x32xi32>
    %broadcast_in_dim3A_37 = vector.broadcast %reduce_max3A_25 : f32 to vector<1x32xf32>
    %select_n3A_38 = arith.select %eq3A_36, %broadcast_in_dim3A_37, %broadcast_in_dim3A_19 : vector<1x32xi1>, vector<1x32xf32>
    %eq3A_39 = arith.constant 0 : i32
    %eq3A_40 = vector.broadcast %eq3A_39 : i32 to vector<1x32xi32>
    %eq3A_41 = arith.cmpi eq, %iota3A_17, %eq3A_40 : vector<1x32xi32>
    %broadcast_in_dim3A_42 = vector.broadcast %reduce_min3A_33 : i32 to vector<1x32xi32>
    %select_n3A_43 = arith.select %eq3A_41, %broadcast_in_dim3A_42, %broadcast_in_dim3A_21 : vector<1x32xi1>, vector<1x32xi32>
    %eq3A_44 = vector.broadcast %reduce_min3A_33 : i32 to vector<32x32xi32>
    %eq3A_45 = arith.cmpi eq, %select_n3A_16, %eq3A_44 : vector<32x32xi32>
    %jit3A_46 = arith.constant 0xFF800000 : f32
    %broadcast_in_dim3A_47 = vector.broadcast %jit3A_46 : f32 to vector<32x32xf32>
    %select_n3A_48 = arith.select %eq3A_45, %broadcast_in_dim3A_47, %select_n3A : vector<32x32xi1>, vector<32x32xf32>
    %reduce_max3A_49 = vector.shape_cast %select_n3A_48 : vector<32x32xf32> to vector<1x32x32xf32>
    %reduce_max3A_50 = arith.constant dense<0xFF800000> : vector<1xf32>
    %reduce_max3A_51 = vector.multi_reduction <maximumf>, %reduce_max3A_49, %reduce_max3A_50 [1, 2] : vector<1x32x32xf32> to vector<1xf32>
    %reduce_max3A_52 = vector.shape_cast %reduce_max3A_51 : vector<1xf32> to vector<1x1x1xf32>
    %reduce_max3A_53 = vector.extract %reduce_max3A_52[0, 0, 0] : f32 from vector<1x1x1xf32>
    %eq3A_54 = vector.broadcast %reduce_max3A_53 : f32 to vector<32x32xf32>
    %eq3A_55 = arith.cmpf oeq, %select_n3A_48, %eq3A_54 : vector<32x32xf32>
    %jit3A_56 = arith.constant 2147483647 : i32
    %broadcast_in_dim3A_57 = vector.broadcast %jit3A_56 : i32 to vector<32x32xi32>
    %select_n3A_58 = arith.select %eq3A_55, %select_n3A_16, %broadcast_in_dim3A_57 : vector<32x32xi1>, vector<32x32xi32>
    %reduce_min3A_59 = vector.shape_cast %select_n3A_58 : vector<32x32xi32> to vector<1x32x32xi32>
    %reduce_min3A_60 = arith.constant dense<2147483647> : vector<1xi32>
    %reduce_min3A_61 = vector.multi_reduction <minsi>, %reduce_min3A_59, %reduce_min3A_60 [1, 2] : vector<1x32x32xi32> to vector<1xi32>
    %reduce_min3A_62 = vector.shape_cast %reduce_min3A_61 : vector<1xi32> to vector<1x1x1xi32>
    %reduce_min3A_63 = vector.extract %reduce_min3A_62[0, 0, 0] : i32 from vector<1x1x1xi32>
    %eq3A_64 = arith.constant 1 : i32
    %eq3A_65 = vector.broadcast %eq3A_64 : i32 to vector<1x32xi32>
    %eq3A_66 = arith.cmpi eq, %iota3A_17, %eq3A_65 : vector<1x32xi32>
    %broadcast_in_dim3A_67 = vector.broadcast %reduce_max3A_53 : f32 to vector<1x32xf32>
    %select_n3A_68 = arith.select %eq3A_66, %broadcast_in_dim3A_67, %select_n3A_38 : vector<1x32xi1>, vector<1x32xf32>
    %eq3A_69 = arith.constant 1 : i32
    %eq3A_70 = vector.broadcast %eq3A_69 : i32 to vector<1x32xi32>
    %eq3A_71 = arith.cmpi eq, %iota3A_17, %eq3A_70 : vector<1x32xi32>
    %broadcast_in_dim3A_72 = vector.broadcast %reduce_min3A_63 : i32 to vector<1x32xi32>
    %select_n3A_73 = arith.select %eq3A_71, %broadcast_in_dim3A_72, %select_n3A_43 : vector<1x32xi1>, vector<1x32xi32>
    %eq3A_74 = vector.broadcast %reduce_min3A_63 : i32 to vector<32x32xi32>
    %eq3A_75 = arith.cmpi eq, %select_n3A_16, %eq3A_74 : vector<32x32xi32>
    %jit3A_76 = arith.constant 0xFF800000 : f32
    %broadcast_in_dim3A_77 = vector.broadcast %jit3A_76 : f32 to vector<32x32xf32>
    %select_n3A_78 = arith.select %eq3A_75, %broadcast_in_dim3A_77, %select_n3A_48 : vector<32x32xi1>, vector<32x32xf32>
    %reduce_max3A_79 = vector.shape_cast %select_n3A_78 : vector<32x32xf32> to vector<1x32x32xf32>
    %reduce_max3A_80 = arith.constant dense<0xFF800000> : vector<1xf32>
    %reduce_max3A_81 = vector.multi_reduction <maximumf>, %reduce_max3A_79, %reduce_max3A_80 [1, 2] : vector<1x32x32xf32> to vector<1xf32>
    %reduce_max3A_82 = vector.shape_cast %reduce_max3A_81 : vector<1xf32> to vector<1x1x1xf32>
    %reduce_max3A_83 = vector.extract %reduce_max3A_82[0, 0, 0] : f32 from vector<1x1x1xf32>
    %eq3A_84 = vector.broadcast %reduce_max3A_83 : f32 to vector<32x32xf32>
    %eq3A_85 = arith.cmpf oeq, %select_n3A_78, %eq3A_84 : vector<32x32xf32>
    %jit3A_86 = arith.constant 2147483647 : i32
    %broadcast_in_dim3A_87 = vector.broadcast %jit3A_86 : i32 to vector<32x32xi32>
    %select_n3A_88 = arith.select %eq3A_85, %select_n3A_16, %broadcast_in_dim3A_87 : vector<32x32xi1>, vector<32x32xi32>
    %reduce_min3A_89 = vector.shape_cast %select_n3A_88 : vector<32x32xi32> to vector<1x32x32xi32>
    %reduce_min3A_90 = arith.constant dense<2147483647> : vector<1xi32>
    %reduce_min3A_91 = vector.multi_reduction <minsi>, %reduce_min3A_89, %reduce_min3A_90 [1, 2] : vector<1x32x32xi32> to vector<1xi32>
    %reduce_min3A_92 = vector.shape_cast %reduce_min3A_91 : vector<1xi32> to vector<1x1x1xi32>
    %reduce_min3A_93 = vector.extract %reduce_min3A_92[0, 0, 0] : i32 from vector<1x1x1xi32>
    %eq3A_94 = arith.constant 2 : i32
    %eq3A_95 = vector.broadcast %eq3A_94 : i32 to vector<1x32xi32>
    %eq3A_96 = arith.cmpi eq, %iota3A_17, %eq3A_95 : vector<1x32xi32>
    %broadcast_in_dim3A_97 = vector.broadcast %reduce_max3A_83 : f32 to vector<1x32xf32>
    %select_n3A_98 = arith.select %eq3A_96, %broadcast_in_dim3A_97, %select_n3A_68 : vector<1x32xi1>, vector<1x32xf32>
    %eq3A_99 = arith.constant 2 : i32
    %eq3A_100 = vector.broadcast %eq3A_99 : i32 to vector<1x32xi32>
    %eq3A_101 = arith.cmpi eq, %iota3A_17, %eq3A_100 : vector<1x32xi32>
    %broadcast_in_dim3A_102 = vector.broadcast %reduce_min3A_93 : i32 to vector<1x32xi32>
    %select_n3A_103 = arith.select %eq3A_101, %broadcast_in_dim3A_102, %select_n3A_73 : vector<1x32xi1>, vector<1x32xi32>
    %eq3A_104 = vector.broadcast %reduce_min3A_93 : i32 to vector<32x32xi32>
    %eq3A_105 = arith.cmpi eq, %select_n3A_16, %eq3A_104 : vector<32x32xi32>
    %jit3A_106 = arith.constant 0xFF800000 : f32
    %broadcast_in_dim3A_107 = vector.broadcast %jit3A_106 : f32 to vector<32x32xf32>
    %select_n3A_108 = arith.select %eq3A_105, %broadcast_in_dim3A_107, %select_n3A_78 : vector<32x32xi1>, vector<32x32xf32>
    %reduce_max3A_109 = vector.shape_cast %select_n3A_108 : vector<32x32xf32> to vector<1x32x32xf32>
    %reduce_max3A_110 = arith.constant dense<0xFF800000> : vector<1xf32>
    %reduce_max3A_111 = vector.multi_reduction <maximumf>, %reduce_max3A_109, %reduce_max3A_110 [1, 2] : vector<1x32x32xf32> to vector<1xf32>
    %reduce_max3A_112 = vector.shape_cast %reduce_max3A_111 : vector<1xf32> to vector<1x1x1xf32>
    %reduce_max3A_113 = vector.extract %reduce_max3A_112[0, 0, 0] : f32 from vector<1x1x1xf32>
    %eq3A_114 = vector.broadcast %reduce_max3A_113 : f32 to vector<32x32xf32>
    %eq3A_115 = arith.cmpf oeq, %select_n3A_108, %eq3A_114 : vector<32x32xf32>
    %jit3A_116 = arith.constant 2147483647 : i32
    %broadcast_in_dim3A_117 = vector.broadcast %jit3A_116 : i32 to vector<32x32xi32>
    %select_n3A_118 = arith.select %eq3A_115, %select_n3A_16, %broadcast_in_dim3A_117 : vector<32x32xi1>, vector<32x32xi32>
    %reduce_min3A_119 = vector.shape_cast %select_n3A_118 : vector<32x32xi32> to vector<1x32x32xi32>
    %reduce_min3A_120 = arith.constant dense<2147483647> : vector<1xi32>
    %reduce_min3A_121 = vector.multi_reduction <minsi>, %reduce_min3A_119, %reduce_min3A_120 [1, 2] : vector<1x32x32xi32> to vector<1xi32>
    %reduce_min3A_122 = vector.shape_cast %reduce_min3A_121 : vector<1xi32> to vector<1x1x1xi32>
    %reduce_min3A_123 = vector.extract %reduce_min3A_122[0, 0, 0] : i32 from vector<1x1x1xi32>
    %eq3A_124 = arith.constant 3 : i32
    %eq3A_125 = vector.broadcast %eq3A_124 : i32 to vector<1x32xi32>
    %eq3A_126 = arith.cmpi eq, %iota3A_17, %eq3A_125 : vector<1x32xi32>
    %broadcast_in_dim3A_127 = vector.broadcast %reduce_max3A_113 : f32 to vector<1x32xf32>
    %select_n3A_128 = arith.select %eq3A_126, %broadcast_in_dim3A_127, %select_n3A_98 : vector<1x32xi1>, vector<1x32xf32>
    %eq3A_129 = arith.constant 3 : i32
    %eq3A_130 = vector.broadcast %eq3A_129 : i32 to vector<1x32xi32>
    %eq3A_131 = arith.cmpi eq, %iota3A_17, %eq3A_130 : vector<1x32xi32>
    %broadcast_in_dim3A_132 = vector.broadcast %reduce_min3A_123 : i32 to vector<1x32xi32>
    %select_n3A_133 = arith.select %eq3A_131, %broadcast_in_dim3A_132, %select_n3A_103 : vector<1x32xi1>, vector<1x32xi32>
    %eq3A_134 = vector.broadcast %reduce_min3A_123 : i32 to vector<32x32xi32>
    %eq3A_135 = arith.cmpi eq, %select_n3A_16, %eq3A_134 : vector<32x32xi32>
    %jit3A_136 = arith.constant 0xFF800000 : f32
    %broadcast_in_dim3A_137 = vector.broadcast %jit3A_136 : f32 to vector<32x32xf32>
    %select_n3A_138 = arith.select %eq3A_135, %broadcast_in_dim3A_137, %select_n3A_108 : vector<32x32xi1>, vector<32x32xf32>
    %reduce_max3A_139 = vector.shape_cast %select_n3A_138 : vector<32x32xf32> to vector<1x32x32xf32>
    %reduce_max3A_140 = arith.constant dense<0xFF800000> : vector<1xf32>
    %reduce_max3A_141 = vector.multi_reduction <maximumf>, %reduce_max3A_139, %reduce_max3A_140 [1, 2] : vector<1x32x32xf32> to vector<1xf32>
    %reduce_max3A_142 = vector.shape_cast %reduce_max3A_141 : vector<1xf32> to vector<1x1x1xf32>
    %reduce_max3A_143 = vector.extract %reduce_max3A_142[0, 0, 0] : f32 from vector<1x1x1xf32>
    %eq3A_144 = vector.broadcast %reduce_max3A_143 : f32 to vector<32x32xf32>
    %eq3A_145 = arith.cmpf oeq, %select_n3A_138, %eq3A_144 : vector<32x32xf32>
    %jit3A_146 = arith.constant 2147483647 : i32
    %broadcast_in_dim3A_147 = vector.broadcast %jit3A_146 : i32 to vector<32x32xi32>
    %select_n3A_148 = arith.select %eq3A_145, %select_n3A_16, %broadcast_in_dim3A_147 : vector<32x32xi1>, vector<32x32xi32>
    %reduce_min3A_149 = vector.shape_cast %select_n3A_148 : vector<32x32xi32> to vector<1x32x32xi32>
    %reduce_min3A_150 = arith.constant dense<2147483647> : vector<1xi32>
    %reduce_min3A_151 = vector.multi_reduction <minsi>, %reduce_min3A_149, %reduce_min3A_150 [1, 2] : vector<1x32x32xi32> to vector<1xi32>
    %reduce_min3A_152 = vector.shape_cast %reduce_min3A_151 : vector<1xi32> to vector<1x1x1xi32>
    %reduce_min3A_153 = vector.extract %reduce_min3A_152[0, 0, 0] : i32 from vector<1x1x1xi32>
    %eq3A_154 = arith.constant 4 : i32
    %eq3A_155 = vector.broadcast %eq3A_154 : i32 to vector<1x32xi32>
    %eq3A_156 = arith.cmpi eq, %iota3A_17, %eq3A_155 : vector<1x32xi32>
    %broadcast_in_dim3A_157 = vector.broadcast %reduce_max3A_143 : f32 to vector<1x32xf32>
    %select_n3A_158 = arith.select %eq3A_156, %broadcast_in_dim3A_157, %select_n3A_128 : vector<1x32xi1>, vector<1x32xf32>
    %eq3A_159 = arith.constant 4 : i32
    %eq3A_160 = vector.broadcast %eq3A_159 : i32 to vector<1x32xi32>
    %eq3A_161 = arith.cmpi eq, %iota3A_17, %eq3A_160 : vector<1x32xi32>
    %broadcast_in_dim3A_162 = vector.broadcast %reduce_min3A_153 : i32 to vector<1x32xi32>
    %select_n3A_163 = arith.select %eq3A_161, %broadcast_in_dim3A_162, %select_n3A_133 : vector<1x32xi1>, vector<1x32xi32>
    %eq3A_164 = vector.broadcast %reduce_min3A_153 : i32 to vector<32x32xi32>
    %eq3A_165 = arith.cmpi eq, %select_n3A_16, %eq3A_164 : vector<32x32xi32>
    %jit3A_166 = arith.constant 0xFF800000 : f32
    %broadcast_in_dim3A_167 = vector.broadcast %jit3A_166 : f32 to vector<32x32xf32>
    %select_n3A_168 = arith.select %eq3A_165, %broadcast_in_dim3A_167, %select_n3A_138 : vector<32x32xi1>, vector<32x32xf32>
    %reduce_max3A_169 = vector.shape_cast %select_n3A_168 : vector<32x32xf32> to vector<1x32x32xf32>
    %reduce_max3A_170 = arith.constant dense<0xFF800000> : vector<1xf32>
    %reduce_max3A_171 = vector.multi_reduction <maximumf>, %reduce_max3A_169, %reduce_max3A_170 [1, 2] : vector<1x32x32xf32> to vector<1xf32>
    %reduce_max3A_172 = vector.shape_cast %reduce_max3A_171 : vector<1xf32> to vector<1x1x1xf32>
    %reduce_max3A_173 = vector.extract %reduce_max3A_172[0, 0, 0] : f32 from vector<1x1x1xf32>
    %eq3A_174 = vector.broadcast %reduce_max3A_173 : f32 to vector<32x32xf32>
    %eq3A_175 = arith.cmpf oeq, %select_n3A_168, %eq3A_174 : vector<32x32xf32>
    %jit3A_176 = arith.constant 2147483647 : i32
    %broadcast_in_dim3A_177 = vector.broadcast %jit3A_176 : i32 to vector<32x32xi32>
    %select_n3A_178 = arith.select %eq3A_175, %select_n3A_16, %broadcast_in_dim3A_177 : vector<32x32xi1>, vector<32x32xi32>
    %reduce_min3A_179 = vector.shape_cast %select_n3A_178 : vector<32x32xi32> to vector<1x32x32xi32>
    %reduce_min3A_180 = arith.constant dense<2147483647> : vector<1xi32>
    %reduce_min3A_181 = vector.multi_reduction <minsi>, %reduce_min3A_179, %reduce_min3A_180 [1, 2] : vector<1x32x32xi32> to vector<1xi32>
    %reduce_min3A_182 = vector.shape_cast %reduce_min3A_181 : vector<1xi32> to vector<1x1x1xi32>
    %reduce_min3A_183 = vector.extract %reduce_min3A_182[0, 0, 0] : i32 from vector<1x1x1xi32>
    %eq3A_184 = arith.constant 5 : i32
    %eq3A_185 = vector.broadcast %eq3A_184 : i32 to vector<1x32xi32>
    %eq3A_186 = arith.cmpi eq, %iota3A_17, %eq3A_185 : vector<1x32xi32>
    %broadcast_in_dim3A_187 = vector.broadcast %reduce_max3A_173 : f32 to vector<1x32xf32>
    %select_n3A_188 = arith.select %eq3A_186, %broadcast_in_dim3A_187, %select_n3A_158 : vector<1x32xi1>, vector<1x32xf32>
    %eq3A_189 = arith.constant 5 : i32
    %eq3A_190 = vector.broadcast %eq3A_189 : i32 to vector<1x32xi32>
    %eq3A_191 = arith.cmpi eq, %iota3A_17, %eq3A_190 : vector<1x32xi32>
    %broadcast_in_dim3A_192 = vector.broadcast %reduce_min3A_183 : i32 to vector<1x32xi32>
    %select_n3A_193 = arith.select %eq3A_191, %broadcast_in_dim3A_192, %select_n3A_163 : vector<1x32xi1>, vector<1x32xi32>
    %eq3A_194 = vector.broadcast %reduce_min3A_183 : i32 to vector<32x32xi32>
    %eq3A_195 = arith.cmpi eq, %select_n3A_16, %eq3A_194 : vector<32x32xi32>
    %jit3A_196 = arith.constant 0xFF800000 : f32
    %broadcast_in_dim3A_197 = vector.broadcast %jit3A_196 : f32 to vector<32x32xf32>
    %select_n3A_198 = arith.select %eq3A_195, %broadcast_in_dim3A_197, %select_n3A_168 : vector<32x32xi1>, vector<32x32xf32>
    %reduce_max3A_199 = vector.shape_cast %select_n3A_198 : vector<32x32xf32> to vector<1x32x32xf32>
    %reduce_max3A_200 = arith.constant dense<0xFF800000> : vector<1xf32>
    %reduce_max3A_201 = vector.multi_reduction <maximumf>, %reduce_max3A_199, %reduce_max3A_200 [1, 2] : vector<1x32x32xf32> to vector<1xf32>
    %reduce_max3A_202 = vector.shape_cast %reduce_max3A_201 : vector<1xf32> to vector<1x1x1xf32>
    %reduce_max3A_203 = vector.extract %reduce_max3A_202[0, 0, 0] : f32 from vector<1x1x1xf32>
    %eq3A_204 = vector.broadcast %reduce_max3A_203 : f32 to vector<32x32xf32>
    %eq3A_205 = arith.cmpf oeq, %select_n3A_198, %eq3A_204 : vector<32x32xf32>
    %jit3A_206 = arith.constant 2147483647 : i32
    %broadcast_in_dim3A_207 = vector.broadcast %jit3A_206 : i32 to vector<32x32xi32>
    %select_n3A_208 = arith.select %eq3A_205, %select_n3A_16, %broadcast_in_dim3A_207 : vector<32x32xi1>, vector<32x32xi32>
    %reduce_min3A_209 = vector.shape_cast %select_n3A_208 : vector<32x32xi32> to vector<1x32x32xi32>
    %reduce_min3A_210 = arith.constant dense<2147483647> : vector<1xi32>
    %reduce_min3A_211 = vector.multi_reduction <minsi>, %reduce_min3A_209, %reduce_min3A_210 [1, 2] : vector<1x32x32xi32> to vector<1xi32>
    %reduce_min3A_212 = vector.shape_cast %reduce_min3A_211 : vector<1xi32> to vector<1x1x1xi32>
    %reduce_min3A_213 = vector.extract %reduce_min3A_212[0, 0, 0] : i32 from vector<1x1x1xi32>
    %eq3A_214 = arith.constant 6 : i32
    %eq3A_215 = vector.broadcast %eq3A_214 : i32 to vector<1x32xi32>
    %eq3A_216 = arith.cmpi eq, %iota3A_17, %eq3A_215 : vector<1x32xi32>
    %broadcast_in_dim3A_217 = vector.broadcast %reduce_max3A_203 : f32 to vector<1x32xf32>
    %select_n3A_218 = arith.select %eq3A_216, %broadcast_in_dim3A_217, %select_n3A_188 : vector<1x32xi1>, vector<1x32xf32>
    %eq3A_219 = arith.constant 6 : i32
    %eq3A_220 = vector.broadcast %eq3A_219 : i32 to vector<1x32xi32>
    %eq3A_221 = arith.cmpi eq, %iota3A_17, %eq3A_220 : vector<1x32xi32>
    %broadcast_in_dim3A_222 = vector.broadcast %reduce_min3A_213 : i32 to vector<1x32xi32>
    %select_n3A_223 = arith.select %eq3A_221, %broadcast_in_dim3A_222, %select_n3A_193 : vector<1x32xi1>, vector<1x32xi32>
    %eq3A_224 = vector.broadcast %reduce_min3A_213 : i32 to vector<32x32xi32>
    %eq3A_225 = arith.cmpi eq, %select_n3A_16, %eq3A_224 : vector<32x32xi32>
    %jit3A_226 = arith.constant 0xFF800000 : f32
    %broadcast_in_dim3A_227 = vector.broadcast %jit3A_226 : f32 to vector<32x32xf32>
    %select_n3A_228 = arith.select %eq3A_225, %broadcast_in_dim3A_227, %select_n3A_198 : vector<32x32xi1>, vector<32x32xf32>
    %reduce_max3A_229 = vector.shape_cast %select_n3A_228 : vector<32x32xf32> to vector<1x32x32xf32>
    %reduce_max3A_230 = arith.constant dense<0xFF800000> : vector<1xf32>
    %reduce_max3A_231 = vector.multi_reduction <maximumf>, %reduce_max3A_229, %reduce_max3A_230 [1, 2] : vector<1x32x32xf32> to vector<1xf32>
    %reduce_max3A_232 = vector.shape_cast %reduce_max3A_231 : vector<1xf32> to vector<1x1x1xf32>
    %reduce_max3A_233 = vector.extract %reduce_max3A_232[0, 0, 0] : f32 from vector<1x1x1xf32>
    %eq3A_234 = vector.broadcast %reduce_max3A_233 : f32 to vector<32x32xf32>
    %eq3A_235 = arith.cmpf oeq, %select_n3A_228, %eq3A_234 : vector<32x32xf32>
    %jit3A_236 = arith.constant 2147483647 : i32
    %broadcast_in_dim3A_237 = vector.broadcast %jit3A_236 : i32 to vector<32x32xi32>
    %select_n3A_238 = arith.select %eq3A_235, %select_n3A_16, %broadcast_in_dim3A_237 : vector<32x32xi1>, vector<32x32xi32>
    %reduce_min3A_239 = vector.shape_cast %select_n3A_238 : vector<32x32xi32> to vector<1x32x32xi32>
    %reduce_min3A_240 = arith.constant dense<2147483647> : vector<1xi32>
    %reduce_min3A_241 = vector.multi_reduction <minsi>, %reduce_min3A_239, %reduce_min3A_240 [1, 2] : vector<1x32x32xi32> to vector<1xi32>
    %reduce_min3A_242 = vector.shape_cast %reduce_min3A_241 : vector<1xi32> to vector<1x1x1xi32>
    %reduce_min3A_243 = vector.extract %reduce_min3A_242[0, 0, 0] : i32 from vector<1x1x1xi32>
    %eq3A_244 = arith.constant 7 : i32
    %eq3A_245 = vector.broadcast %eq3A_244 : i32 to vector<1x32xi32>
    %eq3A_246 = arith.cmpi eq, %iota3A_17, %eq3A_245 : vector<1x32xi32>
    %broadcast_in_dim3A_247 = vector.broadcast %reduce_max3A_233 : f32 to vector<1x32xf32>
    %select_n3A_248 = arith.select %eq3A_246, %broadcast_in_dim3A_247, %select_n3A_218 : vector<1x32xi1>, vector<1x32xf32>
    %eq3A_249 = arith.constant 7 : i32
    %eq3A_250 = vector.broadcast %eq3A_249 : i32 to vector<1x32xi32>
    %eq3A_251 = arith.cmpi eq, %iota3A_17, %eq3A_250 : vector<1x32xi32>
    %broadcast_in_dim3A_252 = vector.broadcast %reduce_min3A_243 : i32 to vector<1x32xi32>
    %select_n3A_253 = arith.select %eq3A_251, %broadcast_in_dim3A_252, %select_n3A_223 : vector<1x32xi1>, vector<1x32xi32>
    %eq3A_254 = vector.broadcast %reduce_min3A_243 : i32 to vector<32x32xi32>
    %eq3A_255 = arith.cmpi eq, %select_n3A_16, %eq3A_254 : vector<32x32xi32>
    %jit3A_256 = arith.constant 0xFF800000 : f32
    %broadcast_in_dim3A_257 = vector.broadcast %jit3A_256 : f32 to vector<32x32xf32>
    %select_n3A_258 = arith.select %eq3A_255, %broadcast_in_dim3A_257, %select_n3A_228 : vector<32x32xi1>, vector<32x32xf32>
    %reduce_max3A_259 = vector.shape_cast %select_n3A_258 : vector<32x32xf32> to vector<1x32x32xf32>
    %reduce_max3A_260 = arith.constant dense<0xFF800000> : vector<1xf32>
    %reduce_max3A_261 = vector.multi_reduction <maximumf>, %reduce_max3A_259, %reduce_max3A_260 [1, 2] : vector<1x32x32xf32> to vector<1xf32>
    %reduce_max3A_262 = vector.shape_cast %reduce_max3A_261 : vector<1xf32> to vector<1x1x1xf32>
    %reduce_max3A_263 = vector.extract %reduce_max3A_262[0, 0, 0] : f32 from vector<1x1x1xf32>
    %eq3A_264 = vector.broadcast %reduce_max3A_263 : f32 to vector<32x32xf32>
    %eq3A_265 = arith.cmpf oeq, %select_n3A_258, %eq3A_264 : vector<32x32xf32>
    %jit3A_266 = arith.constant 2147483647 : i32
    %broadcast_in_dim3A_267 = vector.broadcast %jit3A_266 : i32 to vector<32x32xi32>
    %select_n3A_268 = arith.select %eq3A_265, %select_n3A_16, %broadcast_in_dim3A_267 : vector<32x32xi1>, vector<32x32xi32>
    %reduce_min3A_269 = vector.shape_cast %select_n3A_268 : vector<32x32xi32> to vector<1x32x32xi32>
    %reduce_min3A_270 = arith.constant dense<2147483647> : vector<1xi32>
    %reduce_min3A_271 = vector.multi_reduction <minsi>, %reduce_min3A_269, %reduce_min3A_270 [1, 2] : vector<1x32x32xi32> to vector<1xi32>
    %reduce_min3A_272 = vector.shape_cast %reduce_min3A_271 : vector<1xi32> to vector<1x1x1xi32>
    %reduce_min3A_273 = vector.extract %reduce_min3A_272[0, 0, 0] : i32 from vector<1x1x1xi32>
    %eq3A_274 = arith.constant 8 : i32
    %eq3A_275 = vector.broadcast %eq3A_274 : i32 to vector<1x32xi32>
    %eq3A_276 = arith.cmpi eq, %iota3A_17, %eq3A_275 : vector<1x32xi32>
    %broadcast_in_dim3A_277 = vector.broadcast %reduce_max3A_263 : f32 to vector<1x32xf32>
    %select_n3A_278 = arith.select %eq3A_276, %broadcast_in_dim3A_277, %select_n3A_248 : vector<1x32xi1>, vector<1x32xf32>
    %eq3A_279 = arith.constant 8 : i32
    %eq3A_280 = vector.broadcast %eq3A_279 : i32 to vector<1x32xi32>
    %eq3A_281 = arith.cmpi eq, %iota3A_17, %eq3A_280 : vector<1x32xi32>
    %broadcast_in_dim3A_282 = vector.broadcast %reduce_min3A_273 : i32 to vector<1x32xi32>
    %select_n3A_283 = arith.select %eq3A_281, %broadcast_in_dim3A_282, %select_n3A_253 : vector<1x32xi1>, vector<1x32xi32>
    %eq3A_284 = vector.broadcast %reduce_min3A_273 : i32 to vector<32x32xi32>
    %eq3A_285 = arith.cmpi eq, %select_n3A_16, %eq3A_284 : vector<32x32xi32>
    %jit3A_286 = arith.constant 0xFF800000 : f32
    %broadcast_in_dim3A_287 = vector.broadcast %jit3A_286 : f32 to vector<32x32xf32>
    %select_n3A_288 = arith.select %eq3A_285, %broadcast_in_dim3A_287, %select_n3A_258 : vector<32x32xi1>, vector<32x32xf32>
    %reduce_max3A_289 = vector.shape_cast %select_n3A_288 : vector<32x32xf32> to vector<1x32x32xf32>
    %reduce_max3A_290 = arith.constant dense<0xFF800000> : vector<1xf32>
    %reduce_max3A_291 = vector.multi_reduction <maximumf>, %reduce_max3A_289, %reduce_max3A_290 [1, 2] : vector<1x32x32xf32> to vector<1xf32>
    %reduce_max3A_292 = vector.shape_cast %reduce_max3A_291 : vector<1xf32> to vector<1x1x1xf32>
    %reduce_max3A_293 = vector.extract %reduce_max3A_292[0, 0, 0] : f32 from vector<1x1x1xf32>
    %eq3A_294 = vector.broadcast %reduce_max3A_293 : f32 to vector<32x32xf32>
    %eq3A_295 = arith.cmpf oeq, %select_n3A_288, %eq3A_294 : vector<32x32xf32>
    %jit3A_296 = arith.constant 2147483647 : i32
    %broadcast_in_dim3A_297 = vector.broadcast %jit3A_296 : i32 to vector<32x32xi32>
    %select_n3A_298 = arith.select %eq3A_295, %select_n3A_16, %broadcast_in_dim3A_297 : vector<32x32xi1>, vector<32x32xi32>
    %reduce_min3A_299 = vector.shape_cast %select_n3A_298 : vector<32x32xi32> to vector<1x32x32xi32>
    %reduce_min3A_300 = arith.constant dense<2147483647> : vector<1xi32>
    %reduce_min3A_301 = vector.multi_reduction <minsi>, %reduce_min3A_299, %reduce_min3A_300 [1, 2] : vector<1x32x32xi32> to vector<1xi32>
    %reduce_min3A_302 = vector.shape_cast %reduce_min3A_301 : vector<1xi32> to vector<1x1x1xi32>
    %reduce_min3A_303 = vector.extract %reduce_min3A_302[0, 0, 0] : i32 from vector<1x1x1xi32>
    %eq3A_304 = arith.constant 9 : i32
    %eq3A_305 = vector.broadcast %eq3A_304 : i32 to vector<1x32xi32>
    %eq3A_306 = arith.cmpi eq, %iota3A_17, %eq3A_305 : vector<1x32xi32>
    %broadcast_in_dim3A_307 = vector.broadcast %reduce_max3A_293 : f32 to vector<1x32xf32>
    %select_n3A_308 = arith.select %eq3A_306, %broadcast_in_dim3A_307, %select_n3A_278 : vector<1x32xi1>, vector<1x32xf32>
    %eq3A_309 = arith.constant 9 : i32
    %eq3A_310 = vector.broadcast %eq3A_309 : i32 to vector<1x32xi32>
    %eq3A_311 = arith.cmpi eq, %iota3A_17, %eq3A_310 : vector<1x32xi32>
    %broadcast_in_dim3A_312 = vector.broadcast %reduce_min3A_303 : i32 to vector<1x32xi32>
    %select_n3A_313 = arith.select %eq3A_311, %broadcast_in_dim3A_312, %select_n3A_283 : vector<1x32xi1>, vector<1x32xi32>
    %eq3A_314 = vector.broadcast %reduce_min3A_303 : i32 to vector<32x32xi32>
    %eq3A_315 = arith.cmpi eq, %select_n3A_16, %eq3A_314 : vector<32x32xi32>
    %jit3A_316 = arith.constant 0xFF800000 : f32
    %broadcast_in_dim3A_317 = vector.broadcast %jit3A_316 : f32 to vector<32x32xf32>
    %select_n3A_318 = arith.select %eq3A_315, %broadcast_in_dim3A_317, %select_n3A_288 : vector<32x32xi1>, vector<32x32xf32>
    %reduce_max3A_319 = vector.shape_cast %select_n3A_318 : vector<32x32xf32> to vector<1x32x32xf32>
    %reduce_max3A_320 = arith.constant dense<0xFF800000> : vector<1xf32>
    %reduce_max3A_321 = vector.multi_reduction <maximumf>, %reduce_max3A_319, %reduce_max3A_320 [1, 2] : vector<1x32x32xf32> to vector<1xf32>
    %reduce_max3A_322 = vector.shape_cast %reduce_max3A_321 : vector<1xf32> to vector<1x1x1xf32>
    %reduce_max3A_323 = vector.extract %reduce_max3A_322[0, 0, 0] : f32 from vector<1x1x1xf32>
    %eq3A_324 = vector.broadcast %reduce_max3A_323 : f32 to vector<32x32xf32>
    %eq3A_325 = arith.cmpf oeq, %select_n3A_318, %eq3A_324 : vector<32x32xf32>
    %jit3A_326 = arith.constant 2147483647 : i32
    %broadcast_in_dim3A_327 = vector.broadcast %jit3A_326 : i32 to vector<32x32xi32>
    %select_n3A_328 = arith.select %eq3A_325, %select_n3A_16, %broadcast_in_dim3A_327 : vector<32x32xi1>, vector<32x32xi32>
    %reduce_min3A_329 = vector.shape_cast %select_n3A_328 : vector<32x32xi32> to vector<1x32x32xi32>
    %reduce_min3A_330 = arith.constant dense<2147483647> : vector<1xi32>
    %reduce_min3A_331 = vector.multi_reduction <minsi>, %reduce_min3A_329, %reduce_min3A_330 [1, 2] : vector<1x32x32xi32> to vector<1xi32>
    %reduce_min3A_332 = vector.shape_cast %reduce_min3A_331 : vector<1xi32> to vector<1x1x1xi32>
    %reduce_min3A_333 = vector.extract %reduce_min3A_332[0, 0, 0] : i32 from vector<1x1x1xi32>
    %eq3A_334 = arith.constant 10 : i32
    %eq3A_335 = vector.broadcast %eq3A_334 : i32 to vector<1x32xi32>
    %eq3A_336 = arith.cmpi eq, %iota3A_17, %eq3A_335 : vector<1x32xi32>
    %broadcast_in_dim3A_337 = vector.broadcast %reduce_max3A_323 : f32 to vector<1x32xf32>
    %select_n3A_338 = arith.select %eq3A_336, %broadcast_in_dim3A_337, %select_n3A_308 : vector<1x32xi1>, vector<1x32xf32>
    %eq3A_339 = arith.constant 10 : i32
    %eq3A_340 = vector.broadcast %eq3A_339 : i32 to vector<1x32xi32>
    %eq3A_341 = arith.cmpi eq, %iota3A_17, %eq3A_340 : vector<1x32xi32>
    %broadcast_in_dim3A_342 = vector.broadcast %reduce_min3A_333 : i32 to vector<1x32xi32>
    %select_n3A_343 = arith.select %eq3A_341, %broadcast_in_dim3A_342, %select_n3A_313 : vector<1x32xi1>, vector<1x32xi32>
    %eq3A_344 = vector.broadcast %reduce_min3A_333 : i32 to vector<32x32xi32>
    %eq3A_345 = arith.cmpi eq, %select_n3A_16, %eq3A_344 : vector<32x32xi32>
    %jit3A_346 = arith.constant 0xFF800000 : f32
    %broadcast_in_dim3A_347 = vector.broadcast %jit3A_346 : f32 to vector<32x32xf32>
    %select_n3A_348 = arith.select %eq3A_345, %broadcast_in_dim3A_347, %select_n3A_318 : vector<32x32xi1>, vector<32x32xf32>
    %reduce_max3A_349 = vector.shape_cast %select_n3A_348 : vector<32x32xf32> to vector<1x32x32xf32>
    %reduce_max3A_350 = arith.constant dense<0xFF800000> : vector<1xf32>
    %reduce_max3A_351 = vector.multi_reduction <maximumf>, %reduce_max3A_349, %reduce_max3A_350 [1, 2] : vector<1x32x32xf32> to vector<1xf32>
    %reduce_max3A_352 = vector.shape_cast %reduce_max3A_351 : vector<1xf32> to vector<1x1x1xf32>
    %reduce_max3A_353 = vector.extract %reduce_max3A_352[0, 0, 0] : f32 from vector<1x1x1xf32>
    %eq3A_354 = vector.broadcast %reduce_max3A_353 : f32 to vector<32x32xf32>
    %eq3A_355 = arith.cmpf oeq, %select_n3A_348, %eq3A_354 : vector<32x32xf32>
    %jit3A_356 = arith.constant 2147483647 : i32
    %broadcast_in_dim3A_357 = vector.broadcast %jit3A_356 : i32 to vector<32x32xi32>
    %select_n3A_358 = arith.select %eq3A_355, %select_n3A_16, %broadcast_in_dim3A_357 : vector<32x32xi1>, vector<32x32xi32>
    %reduce_min3A_359 = vector.shape_cast %select_n3A_358 : vector<32x32xi32> to vector<1x32x32xi32>
    %reduce_min3A_360 = arith.constant dense<2147483647> : vector<1xi32>
    %reduce_min3A_361 = vector.multi_reduction <minsi>, %reduce_min3A_359, %reduce_min3A_360 [1, 2] : vector<1x32x32xi32> to vector<1xi32>
    %reduce_min3A_362 = vector.shape_cast %reduce_min3A_361 : vector<1xi32> to vector<1x1x1xi32>
    %reduce_min3A_363 = vector.extract %reduce_min3A_362[0, 0, 0] : i32 from vector<1x1x1xi32>
    %eq3A_364 = arith.constant 11 : i32
    %eq3A_365 = vector.broadcast %eq3A_364 : i32 to vector<1x32xi32>
    %eq3A_366 = arith.cmpi eq, %iota3A_17, %eq3A_365 : vector<1x32xi32>
    %broadcast_in_dim3A_367 = vector.broadcast %reduce_max3A_353 : f32 to vector<1x32xf32>
    %select_n3A_368 = arith.select %eq3A_366, %broadcast_in_dim3A_367, %select_n3A_338 : vector<1x32xi1>, vector<1x32xf32>
    %eq3A_369 = arith.constant 11 : i32
    %eq3A_370 = vector.broadcast %eq3A_369 : i32 to vector<1x32xi32>
    %eq3A_371 = arith.cmpi eq, %iota3A_17, %eq3A_370 : vector<1x32xi32>
    %broadcast_in_dim3A_372 = vector.broadcast %reduce_min3A_363 : i32 to vector<1x32xi32>
    %select_n3A_373 = arith.select %eq3A_371, %broadcast_in_dim3A_372, %select_n3A_343 : vector<1x32xi1>, vector<1x32xi32>
    %eq3A_374 = vector.broadcast %reduce_min3A_363 : i32 to vector<32x32xi32>
    %eq3A_375 = arith.cmpi eq, %select_n3A_16, %eq3A_374 : vector<32x32xi32>
    %jit3A_376 = arith.constant 0xFF800000 : f32
    %broadcast_in_dim3A_377 = vector.broadcast %jit3A_376 : f32 to vector<32x32xf32>
    %select_n3A_378 = arith.select %eq3A_375, %broadcast_in_dim3A_377, %select_n3A_348 : vector<32x32xi1>, vector<32x32xf32>
    %reduce_max3A_379 = vector.shape_cast %select_n3A_378 : vector<32x32xf32> to vector<1x32x32xf32>
    %reduce_max3A_380 = arith.constant dense<0xFF800000> : vector<1xf32>
    %reduce_max3A_381 = vector.multi_reduction <maximumf>, %reduce_max3A_379, %reduce_max3A_380 [1, 2] : vector<1x32x32xf32> to vector<1xf32>
    %reduce_max3A_382 = vector.shape_cast %reduce_max3A_381 : vector<1xf32> to vector<1x1x1xf32>
    %reduce_max3A_383 = vector.extract %reduce_max3A_382[0, 0, 0] : f32 from vector<1x1x1xf32>
    %eq3A_384 = vector.broadcast %reduce_max3A_383 : f32 to vector<32x32xf32>
    %eq3A_385 = arith.cmpf oeq, %select_n3A_378, %eq3A_384 : vector<32x32xf32>
    %jit3A_386 = arith.constant 2147483647 : i32
    %broadcast_in_dim3A_387 = vector.broadcast %jit3A_386 : i32 to vector<32x32xi32>
    %select_n3A_388 = arith.select %eq3A_385, %select_n3A_16, %broadcast_in_dim3A_387 : vector<32x32xi1>, vector<32x32xi32>
    %reduce_min3A_389 = vector.shape_cast %select_n3A_388 : vector<32x32xi32> to vector<1x32x32xi32>
    %reduce_min3A_390 = arith.constant dense<2147483647> : vector<1xi32>
    %reduce_min3A_391 = vector.multi_reduction <minsi>, %reduce_min3A_389, %reduce_min3A_390 [1, 2] : vector<1x32x32xi32> to vector<1xi32>
    %reduce_min3A_392 = vector.shape_cast %reduce_min3A_391 : vector<1xi32> to vector<1x1x1xi32>
    %reduce_min3A_393 = vector.extract %reduce_min3A_392[0, 0, 0] : i32 from vector<1x1x1xi32>
    %eq3A_394 = arith.constant 12 : i32
    %eq3A_395 = vector.broadcast %eq3A_394 : i32 to vector<1x32xi32>
    %eq3A_396 = arith.cmpi eq, %iota3A_17, %eq3A_395 : vector<1x32xi32>
    %broadcast_in_dim3A_397 = vector.broadcast %reduce_max3A_383 : f32 to vector<1x32xf32>
    %select_n3A_398 = arith.select %eq3A_396, %broadcast_in_dim3A_397, %select_n3A_368 : vector<1x32xi1>, vector<1x32xf32>
    %eq3A_399 = arith.constant 12 : i32
    %eq3A_400 = vector.broadcast %eq3A_399 : i32 to vector<1x32xi32>
    %eq3A_401 = arith.cmpi eq, %iota3A_17, %eq3A_400 : vector<1x32xi32>
    %broadcast_in_dim3A_402 = vector.broadcast %reduce_min3A_393 : i32 to vector<1x32xi32>
    %select_n3A_403 = arith.select %eq3A_401, %broadcast_in_dim3A_402, %select_n3A_373 : vector<1x32xi1>, vector<1x32xi32>
    %eq3A_404 = vector.broadcast %reduce_min3A_393 : i32 to vector<32x32xi32>
    %eq3A_405 = arith.cmpi eq, %select_n3A_16, %eq3A_404 : vector<32x32xi32>
    %jit3A_406 = arith.constant 0xFF800000 : f32
    %broadcast_in_dim3A_407 = vector.broadcast %jit3A_406 : f32 to vector<32x32xf32>
    %select_n3A_408 = arith.select %eq3A_405, %broadcast_in_dim3A_407, %select_n3A_378 : vector<32x32xi1>, vector<32x32xf32>
    %reduce_max3A_409 = vector.shape_cast %select_n3A_408 : vector<32x32xf32> to vector<1x32x32xf32>
    %reduce_max3A_410 = arith.constant dense<0xFF800000> : vector<1xf32>
    %reduce_max3A_411 = vector.multi_reduction <maximumf>, %reduce_max3A_409, %reduce_max3A_410 [1, 2] : vector<1x32x32xf32> to vector<1xf32>
    %reduce_max3A_412 = vector.shape_cast %reduce_max3A_411 : vector<1xf32> to vector<1x1x1xf32>
    %reduce_max3A_413 = vector.extract %reduce_max3A_412[0, 0, 0] : f32 from vector<1x1x1xf32>
    %eq3A_414 = vector.broadcast %reduce_max3A_413 : f32 to vector<32x32xf32>
    %eq3A_415 = arith.cmpf oeq, %select_n3A_408, %eq3A_414 : vector<32x32xf32>
    %jit3A_416 = arith.constant 2147483647 : i32
    %broadcast_in_dim3A_417 = vector.broadcast %jit3A_416 : i32 to vector<32x32xi32>
    %select_n3A_418 = arith.select %eq3A_415, %select_n3A_16, %broadcast_in_dim3A_417 : vector<32x32xi1>, vector<32x32xi32>
    %reduce_min3A_419 = vector.shape_cast %select_n3A_418 : vector<32x32xi32> to vector<1x32x32xi32>
    %reduce_min3A_420 = arith.constant dense<2147483647> : vector<1xi32>
    %reduce_min3A_421 = vector.multi_reduction <minsi>, %reduce_min3A_419, %reduce_min3A_420 [1, 2] : vector<1x32x32xi32> to vector<1xi32>
    %reduce_min3A_422 = vector.shape_cast %reduce_min3A_421 : vector<1xi32> to vector<1x1x1xi32>
    %reduce_min3A_423 = vector.extract %reduce_min3A_422[0, 0, 0] : i32 from vector<1x1x1xi32>
    %eq3A_424 = arith.constant 13 : i32
    %eq3A_425 = vector.broadcast %eq3A_424 : i32 to vector<1x32xi32>
    %eq3A_426 = arith.cmpi eq, %iota3A_17, %eq3A_425 : vector<1x32xi32>
    %broadcast_in_dim3A_427 = vector.broadcast %reduce_max3A_413 : f32 to vector<1x32xf32>
    %select_n3A_428 = arith.select %eq3A_426, %broadcast_in_dim3A_427, %select_n3A_398 : vector<1x32xi1>, vector<1x32xf32>
    %eq3A_429 = arith.constant 13 : i32
    %eq3A_430 = vector.broadcast %eq3A_429 : i32 to vector<1x32xi32>
    %eq3A_431 = arith.cmpi eq, %iota3A_17, %eq3A_430 : vector<1x32xi32>
    %broadcast_in_dim3A_432 = vector.broadcast %reduce_min3A_423 : i32 to vector<1x32xi32>
    %select_n3A_433 = arith.select %eq3A_431, %broadcast_in_dim3A_432, %select_n3A_403 : vector<1x32xi1>, vector<1x32xi32>
    %eq3A_434 = vector.broadcast %reduce_min3A_423 : i32 to vector<32x32xi32>
    %eq3A_435 = arith.cmpi eq, %select_n3A_16, %eq3A_434 : vector<32x32xi32>
    %jit3A_436 = arith.constant 0xFF800000 : f32
    %broadcast_in_dim3A_437 = vector.broadcast %jit3A_436 : f32 to vector<32x32xf32>
    %select_n3A_438 = arith.select %eq3A_435, %broadcast_in_dim3A_437, %select_n3A_408 : vector<32x32xi1>, vector<32x32xf32>
    %reduce_max3A_439 = vector.shape_cast %select_n3A_438 : vector<32x32xf32> to vector<1x32x32xf32>
    %reduce_max3A_440 = arith.constant dense<0xFF800000> : vector<1xf32>
    %reduce_max3A_441 = vector.multi_reduction <maximumf>, %reduce_max3A_439, %reduce_max3A_440 [1, 2] : vector<1x32x32xf32> to vector<1xf32>
    %reduce_max3A_442 = vector.shape_cast %reduce_max3A_441 : vector<1xf32> to vector<1x1x1xf32>
    %reduce_max3A_443 = vector.extract %reduce_max3A_442[0, 0, 0] : f32 from vector<1x1x1xf32>
    %eq3A_444 = vector.broadcast %reduce_max3A_443 : f32 to vector<32x32xf32>
    %eq3A_445 = arith.cmpf oeq, %select_n3A_438, %eq3A_444 : vector<32x32xf32>
    %jit3A_446 = arith.constant 2147483647 : i32
    %broadcast_in_dim3A_447 = vector.broadcast %jit3A_446 : i32 to vector<32x32xi32>
    %select_n3A_448 = arith.select %eq3A_445, %select_n3A_16, %broadcast_in_dim3A_447 : vector<32x32xi1>, vector<32x32xi32>
    %reduce_min3A_449 = vector.shape_cast %select_n3A_448 : vector<32x32xi32> to vector<1x32x32xi32>
    %reduce_min3A_450 = arith.constant dense<2147483647> : vector<1xi32>
    %reduce_min3A_451 = vector.multi_reduction <minsi>, %reduce_min3A_449, %reduce_min3A_450 [1, 2] : vector<1x32x32xi32> to vector<1xi32>
    %reduce_min3A_452 = vector.shape_cast %reduce_min3A_451 : vector<1xi32> to vector<1x1x1xi32>
    %reduce_min3A_453 = vector.extract %reduce_min3A_452[0, 0, 0] : i32 from vector<1x1x1xi32>
    %eq3A_454 = arith.constant 14 : i32
    %eq3A_455 = vector.broadcast %eq3A_454 : i32 to vector<1x32xi32>
    %eq3A_456 = arith.cmpi eq, %iota3A_17, %eq3A_455 : vector<1x32xi32>
    %broadcast_in_dim3A_457 = vector.broadcast %reduce_max3A_443 : f32 to vector<1x32xf32>
    %select_n3A_458 = arith.select %eq3A_456, %broadcast_in_dim3A_457, %select_n3A_428 : vector<1x32xi1>, vector<1x32xf32>
    %eq3A_459 = arith.constant 14 : i32
    %eq3A_460 = vector.broadcast %eq3A_459 : i32 to vector<1x32xi32>
    %eq3A_461 = arith.cmpi eq, %iota3A_17, %eq3A_460 : vector<1x32xi32>
    %broadcast_in_dim3A_462 = vector.broadcast %reduce_min3A_453 : i32 to vector<1x32xi32>
    %select_n3A_463 = arith.select %eq3A_461, %broadcast_in_dim3A_462, %select_n3A_433 : vector<1x32xi1>, vector<1x32xi32>
    %eq3A_464 = vector.broadcast %reduce_min3A_453 : i32 to vector<32x32xi32>
    %eq3A_465 = arith.cmpi eq, %select_n3A_16, %eq3A_464 : vector<32x32xi32>
    %jit3A_466 = arith.constant 0xFF800000 : f32
    %broadcast_in_dim3A_467 = vector.broadcast %jit3A_466 : f32 to vector<32x32xf32>
    %select_n3A_468 = arith.select %eq3A_465, %broadcast_in_dim3A_467, %select_n3A_438 : vector<32x32xi1>, vector<32x32xf32>
    %reduce_max3A_469 = vector.shape_cast %select_n3A_468 : vector<32x32xf32> to vector<1x32x32xf32>
    %reduce_max3A_470 = arith.constant dense<0xFF800000> : vector<1xf32>
    %reduce_max3A_471 = vector.multi_reduction <maximumf>, %reduce_max3A_469, %reduce_max3A_470 [1, 2] : vector<1x32x32xf32> to vector<1xf32>
    %reduce_max3A_472 = vector.shape_cast %reduce_max3A_471 : vector<1xf32> to vector<1x1x1xf32>
    %reduce_max3A_473 = vector.extract %reduce_max3A_472[0, 0, 0] : f32 from vector<1x1x1xf32>
    %eq3A_474 = vector.broadcast %reduce_max3A_473 : f32 to vector<32x32xf32>
    %eq3A_475 = arith.cmpf oeq, %select_n3A_468, %eq3A_474 : vector<32x32xf32>
    %jit3A_476 = arith.constant 2147483647 : i32
    %broadcast_in_dim3A_477 = vector.broadcast %jit3A_476 : i32 to vector<32x32xi32>
    %select_n3A_478 = arith.select %eq3A_475, %select_n3A_16, %broadcast_in_dim3A_477 : vector<32x32xi1>, vector<32x32xi32>
    %reduce_min3A_479 = vector.shape_cast %select_n3A_478 : vector<32x32xi32> to vector<1x32x32xi32>
    %reduce_min3A_480 = arith.constant dense<2147483647> : vector<1xi32>
    %reduce_min3A_481 = vector.multi_reduction <minsi>, %reduce_min3A_479, %reduce_min3A_480 [1, 2] : vector<1x32x32xi32> to vector<1xi32>
    %reduce_min3A_482 = vector.shape_cast %reduce_min3A_481 : vector<1xi32> to vector<1x1x1xi32>
    %reduce_min3A_483 = vector.extract %reduce_min3A_482[0, 0, 0] : i32 from vector<1x1x1xi32>
    %eq3A_484 = arith.constant 15 : i32
    %eq3A_485 = vector.broadcast %eq3A_484 : i32 to vector<1x32xi32>
    %eq3A_486 = arith.cmpi eq, %iota3A_17, %eq3A_485 : vector<1x32xi32>
    %broadcast_in_dim3A_487 = vector.broadcast %reduce_max3A_473 : f32 to vector<1x32xf32>
    %select_n3A_488 = arith.select %eq3A_486, %broadcast_in_dim3A_487, %select_n3A_458 : vector<1x32xi1>, vector<1x32xf32>
    %eq3A_489 = arith.constant 15 : i32
    %eq3A_490 = vector.broadcast %eq3A_489 : i32 to vector<1x32xi32>
    %eq3A_491 = arith.cmpi eq, %iota3A_17, %eq3A_490 : vector<1x32xi32>
    %broadcast_in_dim3A_492 = vector.broadcast %reduce_min3A_483 : i32 to vector<1x32xi32>
    %select_n3A_493 = arith.select %eq3A_491, %broadcast_in_dim3A_492, %select_n3A_463 : vector<1x32xi1>, vector<1x32xi32>
    %eq3A_494 = vector.broadcast %reduce_min3A_483 : i32 to vector<32x32xi32>
    %eq3A_495 = arith.cmpi eq, %select_n3A_16, %eq3A_494 : vector<32x32xi32>
    %jit3A_496 = arith.constant 0xFF800000 : f32
    %broadcast_in_dim3A_497 = vector.broadcast %jit3A_496 : f32 to vector<32x32xf32>
    %select_n3A_498 = arith.select %eq3A_495, %broadcast_in_dim3A_497, %select_n3A_468 : vector<32x32xi1>, vector<32x32xf32>
    %reduce_max3A_499 = vector.shape_cast %select_n3A_498 : vector<32x32xf32> to vector<1x32x32xf32>
    %reduce_max3A_500 = arith.constant dense<0xFF800000> : vector<1xf32>
    %reduce_max3A_501 = vector.multi_reduction <maximumf>, %reduce_max3A_499, %reduce_max3A_500 [1, 2] : vector<1x32x32xf32> to vector<1xf32>
    %reduce_max3A_502 = vector.shape_cast %reduce_max3A_501 : vector<1xf32> to vector<1x1x1xf32>
    %reduce_max3A_503 = vector.extract %reduce_max3A_502[0, 0, 0] : f32 from vector<1x1x1xf32>
    %eq3A_504 = vector.broadcast %reduce_max3A_503 : f32 to vector<32x32xf32>
    %eq3A_505 = arith.cmpf oeq, %select_n3A_498, %eq3A_504 : vector<32x32xf32>
    %jit3A_506 = arith.constant 2147483647 : i32
    %broadcast_in_dim3A_507 = vector.broadcast %jit3A_506 : i32 to vector<32x32xi32>
    %select_n3A_508 = arith.select %eq3A_505, %select_n3A_16, %broadcast_in_dim3A_507 : vector<32x32xi1>, vector<32x32xi32>
    %reduce_min3A_509 = vector.shape_cast %select_n3A_508 : vector<32x32xi32> to vector<1x32x32xi32>
    %reduce_min3A_510 = arith.constant dense<2147483647> : vector<1xi32>
    %reduce_min3A_511 = vector.multi_reduction <minsi>, %reduce_min3A_509, %reduce_min3A_510 [1, 2] : vector<1x32x32xi32> to vector<1xi32>
    %reduce_min3A_512 = vector.shape_cast %reduce_min3A_511 : vector<1xi32> to vector<1x1x1xi32>
    %reduce_min3A_513 = vector.extract %reduce_min3A_512[0, 0, 0] : i32 from vector<1x1x1xi32>
    %eq3A_514 = arith.constant 16 : i32
    %eq3A_515 = vector.broadcast %eq3A_514 : i32 to vector<1x32xi32>
    %eq3A_516 = arith.cmpi eq, %iota3A_17, %eq3A_515 : vector<1x32xi32>
    %broadcast_in_dim3A_517 = vector.broadcast %reduce_max3A_503 : f32 to vector<1x32xf32>
    %select_n3A_518 = arith.select %eq3A_516, %broadcast_in_dim3A_517, %select_n3A_488 : vector<1x32xi1>, vector<1x32xf32>
    %eq3A_519 = arith.constant 16 : i32
    %eq3A_520 = vector.broadcast %eq3A_519 : i32 to vector<1x32xi32>
    %eq3A_521 = arith.cmpi eq, %iota3A_17, %eq3A_520 : vector<1x32xi32>
    %broadcast_in_dim3A_522 = vector.broadcast %reduce_min3A_513 : i32 to vector<1x32xi32>
    %select_n3A_523 = arith.select %eq3A_521, %broadcast_in_dim3A_522, %select_n3A_493 : vector<1x32xi1>, vector<1x32xi32>
    %eq3A_524 = vector.broadcast %reduce_min3A_513 : i32 to vector<32x32xi32>
    %eq3A_525 = arith.cmpi eq, %select_n3A_16, %eq3A_524 : vector<32x32xi32>
    %jit3A_526 = arith.constant 0xFF800000 : f32
    %broadcast_in_dim3A_527 = vector.broadcast %jit3A_526 : f32 to vector<32x32xf32>
    %select_n3A_528 = arith.select %eq3A_525, %broadcast_in_dim3A_527, %select_n3A_498 : vector<32x32xi1>, vector<32x32xf32>
    %reduce_max3A_529 = vector.shape_cast %select_n3A_528 : vector<32x32xf32> to vector<1x32x32xf32>
    %reduce_max3A_530 = arith.constant dense<0xFF800000> : vector<1xf32>
    %reduce_max3A_531 = vector.multi_reduction <maximumf>, %reduce_max3A_529, %reduce_max3A_530 [1, 2] : vector<1x32x32xf32> to vector<1xf32>
    %reduce_max3A_532 = vector.shape_cast %reduce_max3A_531 : vector<1xf32> to vector<1x1x1xf32>
    %reduce_max3A_533 = vector.extract %reduce_max3A_532[0, 0, 0] : f32 from vector<1x1x1xf32>
    %eq3A_534 = vector.broadcast %reduce_max3A_533 : f32 to vector<32x32xf32>
    %eq3A_535 = arith.cmpf oeq, %select_n3A_528, %eq3A_534 : vector<32x32xf32>
    %jit3A_536 = arith.constant 2147483647 : i32
    %broadcast_in_dim3A_537 = vector.broadcast %jit3A_536 : i32 to vector<32x32xi32>
    %select_n3A_538 = arith.select %eq3A_535, %select_n3A_16, %broadcast_in_dim3A_537 : vector<32x32xi1>, vector<32x32xi32>
    %reduce_min3A_539 = vector.shape_cast %select_n3A_538 : vector<32x32xi32> to vector<1x32x32xi32>
    %reduce_min3A_540 = arith.constant dense<2147483647> : vector<1xi32>
    %reduce_min3A_541 = vector.multi_reduction <minsi>, %reduce_min3A_539, %reduce_min3A_540 [1, 2] : vector<1x32x32xi32> to vector<1xi32>
    %reduce_min3A_542 = vector.shape_cast %reduce_min3A_541 : vector<1xi32> to vector<1x1x1xi32>
    %reduce_min3A_543 = vector.extract %reduce_min3A_542[0, 0, 0] : i32 from vector<1x1x1xi32>
    %eq3A_544 = arith.constant 17 : i32
    %eq3A_545 = vector.broadcast %eq3A_544 : i32 to vector<1x32xi32>
    %eq3A_546 = arith.cmpi eq, %iota3A_17, %eq3A_545 : vector<1x32xi32>
    %broadcast_in_dim3A_547 = vector.broadcast %reduce_max3A_533 : f32 to vector<1x32xf32>
    %select_n3A_548 = arith.select %eq3A_546, %broadcast_in_dim3A_547, %select_n3A_518 : vector<1x32xi1>, vector<1x32xf32>
    %eq3A_549 = arith.constant 17 : i32
    %eq3A_550 = vector.broadcast %eq3A_549 : i32 to vector<1x32xi32>
    %eq3A_551 = arith.cmpi eq, %iota3A_17, %eq3A_550 : vector<1x32xi32>
    %broadcast_in_dim3A_552 = vector.broadcast %reduce_min3A_543 : i32 to vector<1x32xi32>
    %select_n3A_553 = arith.select %eq3A_551, %broadcast_in_dim3A_552, %select_n3A_523 : vector<1x32xi1>, vector<1x32xi32>
    %eq3A_554 = vector.broadcast %reduce_min3A_543 : i32 to vector<32x32xi32>
    %eq3A_555 = arith.cmpi eq, %select_n3A_16, %eq3A_554 : vector<32x32xi32>
    %jit3A_556 = arith.constant 0xFF800000 : f32
    %broadcast_in_dim3A_557 = vector.broadcast %jit3A_556 : f32 to vector<32x32xf32>
    %select_n3A_558 = arith.select %eq3A_555, %broadcast_in_dim3A_557, %select_n3A_528 : vector<32x32xi1>, vector<32x32xf32>
    %reduce_max3A_559 = vector.shape_cast %select_n3A_558 : vector<32x32xf32> to vector<1x32x32xf32>
    %reduce_max3A_560 = arith.constant dense<0xFF800000> : vector<1xf32>
    %reduce_max3A_561 = vector.multi_reduction <maximumf>, %reduce_max3A_559, %reduce_max3A_560 [1, 2] : vector<1x32x32xf32> to vector<1xf32>
    %reduce_max3A_562 = vector.shape_cast %reduce_max3A_561 : vector<1xf32> to vector<1x1x1xf32>
    %reduce_max3A_563 = vector.extract %reduce_max3A_562[0, 0, 0] : f32 from vector<1x1x1xf32>
    %eq3A_564 = vector.broadcast %reduce_max3A_563 : f32 to vector<32x32xf32>
    %eq3A_565 = arith.cmpf oeq, %select_n3A_558, %eq3A_564 : vector<32x32xf32>
    %jit3A_566 = arith.constant 2147483647 : i32
    %broadcast_in_dim3A_567 = vector.broadcast %jit3A_566 : i32 to vector<32x32xi32>
    %select_n3A_568 = arith.select %eq3A_565, %select_n3A_16, %broadcast_in_dim3A_567 : vector<32x32xi1>, vector<32x32xi32>
    %reduce_min3A_569 = vector.shape_cast %select_n3A_568 : vector<32x32xi32> to vector<1x32x32xi32>
    %reduce_min3A_570 = arith.constant dense<2147483647> : vector<1xi32>
    %reduce_min3A_571 = vector.multi_reduction <minsi>, %reduce_min3A_569, %reduce_min3A_570 [1, 2] : vector<1x32x32xi32> to vector<1xi32>
    %reduce_min3A_572 = vector.shape_cast %reduce_min3A_571 : vector<1xi32> to vector<1x1x1xi32>
    %reduce_min3A_573 = vector.extract %reduce_min3A_572[0, 0, 0] : i32 from vector<1x1x1xi32>
    %eq3A_574 = arith.constant 18 : i32
    %eq3A_575 = vector.broadcast %eq3A_574 : i32 to vector<1x32xi32>
    %eq3A_576 = arith.cmpi eq, %iota3A_17, %eq3A_575 : vector<1x32xi32>
    %broadcast_in_dim3A_577 = vector.broadcast %reduce_max3A_563 : f32 to vector<1x32xf32>
    %select_n3A_578 = arith.select %eq3A_576, %broadcast_in_dim3A_577, %select_n3A_548 : vector<1x32xi1>, vector<1x32xf32>
    %eq3A_579 = arith.constant 18 : i32
    %eq3A_580 = vector.broadcast %eq3A_579 : i32 to vector<1x32xi32>
    %eq3A_581 = arith.cmpi eq, %iota3A_17, %eq3A_580 : vector<1x32xi32>
    %broadcast_in_dim3A_582 = vector.broadcast %reduce_min3A_573 : i32 to vector<1x32xi32>
    %select_n3A_583 = arith.select %eq3A_581, %broadcast_in_dim3A_582, %select_n3A_553 : vector<1x32xi1>, vector<1x32xi32>
    %eq3A_584 = vector.broadcast %reduce_min3A_573 : i32 to vector<32x32xi32>
    %eq3A_585 = arith.cmpi eq, %select_n3A_16, %eq3A_584 : vector<32x32xi32>
    %jit3A_586 = arith.constant 0xFF800000 : f32
    %broadcast_in_dim3A_587 = vector.broadcast %jit3A_586 : f32 to vector<32x32xf32>
    %select_n3A_588 = arith.select %eq3A_585, %broadcast_in_dim3A_587, %select_n3A_558 : vector<32x32xi1>, vector<32x32xf32>
    %reduce_max3A_589 = vector.shape_cast %select_n3A_588 : vector<32x32xf32> to vector<1x32x32xf32>
    %reduce_max3A_590 = arith.constant dense<0xFF800000> : vector<1xf32>
    %reduce_max3A_591 = vector.multi_reduction <maximumf>, %reduce_max3A_589, %reduce_max3A_590 [1, 2] : vector<1x32x32xf32> to vector<1xf32>
    %reduce_max3A_592 = vector.shape_cast %reduce_max3A_591 : vector<1xf32> to vector<1x1x1xf32>
    %reduce_max3A_593 = vector.extract %reduce_max3A_592[0, 0, 0] : f32 from vector<1x1x1xf32>
    %eq3A_594 = vector.broadcast %reduce_max3A_593 : f32 to vector<32x32xf32>
    %eq3A_595 = arith.cmpf oeq, %select_n3A_588, %eq3A_594 : vector<32x32xf32>
    %jit3A_596 = arith.constant 2147483647 : i32
    %broadcast_in_dim3A_597 = vector.broadcast %jit3A_596 : i32 to vector<32x32xi32>
    %select_n3A_598 = arith.select %eq3A_595, %select_n3A_16, %broadcast_in_dim3A_597 : vector<32x32xi1>, vector<32x32xi32>
    %reduce_min3A_599 = vector.shape_cast %select_n3A_598 : vector<32x32xi32> to vector<1x32x32xi32>
    %reduce_min3A_600 = arith.constant dense<2147483647> : vector<1xi32>
    %reduce_min3A_601 = vector.multi_reduction <minsi>, %reduce_min3A_599, %reduce_min3A_600 [1, 2] : vector<1x32x32xi32> to vector<1xi32>
    %reduce_min3A_602 = vector.shape_cast %reduce_min3A_601 : vector<1xi32> to vector<1x1x1xi32>
    %reduce_min3A_603 = vector.extract %reduce_min3A_602[0, 0, 0] : i32 from vector<1x1x1xi32>
    %eq3A_604 = arith.constant 19 : i32
    %eq3A_605 = vector.broadcast %eq3A_604 : i32 to vector<1x32xi32>
    %eq3A_606 = arith.cmpi eq, %iota3A_17, %eq3A_605 : vector<1x32xi32>
    %broadcast_in_dim3A_607 = vector.broadcast %reduce_max3A_593 : f32 to vector<1x32xf32>
    %select_n3A_608 = arith.select %eq3A_606, %broadcast_in_dim3A_607, %select_n3A_578 : vector<1x32xi1>, vector<1x32xf32>
    %eq3A_609 = arith.constant 19 : i32
    %eq3A_610 = vector.broadcast %eq3A_609 : i32 to vector<1x32xi32>
    %eq3A_611 = arith.cmpi eq, %iota3A_17, %eq3A_610 : vector<1x32xi32>
    %broadcast_in_dim3A_612 = vector.broadcast %reduce_min3A_603 : i32 to vector<1x32xi32>
    %select_n3A_613 = arith.select %eq3A_611, %broadcast_in_dim3A_612, %select_n3A_583 : vector<1x32xi1>, vector<1x32xi32>
    %eq3A_614 = vector.broadcast %reduce_min3A_603 : i32 to vector<32x32xi32>
    %eq3A_615 = arith.cmpi eq, %select_n3A_16, %eq3A_614 : vector<32x32xi32>
    %jit3A_616 = arith.constant 0xFF800000 : f32
    %broadcast_in_dim3A_617 = vector.broadcast %jit3A_616 : f32 to vector<32x32xf32>
    %select_n3A_618 = arith.select %eq3A_615, %broadcast_in_dim3A_617, %select_n3A_588 : vector<32x32xi1>, vector<32x32xf32>
    %reduce_max3A_619 = vector.shape_cast %select_n3A_618 : vector<32x32xf32> to vector<1x32x32xf32>
    %reduce_max3A_620 = arith.constant dense<0xFF800000> : vector<1xf32>
    %reduce_max3A_621 = vector.multi_reduction <maximumf>, %reduce_max3A_619, %reduce_max3A_620 [1, 2] : vector<1x32x32xf32> to vector<1xf32>
    %reduce_max3A_622 = vector.shape_cast %reduce_max3A_621 : vector<1xf32> to vector<1x1x1xf32>
    %reduce_max3A_623 = vector.extract %reduce_max3A_622[0, 0, 0] : f32 from vector<1x1x1xf32>
    %eq3A_624 = vector.broadcast %reduce_max3A_623 : f32 to vector<32x32xf32>
    %eq3A_625 = arith.cmpf oeq, %select_n3A_618, %eq3A_624 : vector<32x32xf32>
    %jit3A_626 = arith.constant 2147483647 : i32
    %broadcast_in_dim3A_627 = vector.broadcast %jit3A_626 : i32 to vector<32x32xi32>
    %select_n3A_628 = arith.select %eq3A_625, %select_n3A_16, %broadcast_in_dim3A_627 : vector<32x32xi1>, vector<32x32xi32>
    %reduce_min3A_629 = vector.shape_cast %select_n3A_628 : vector<32x32xi32> to vector<1x32x32xi32>
    %reduce_min3A_630 = arith.constant dense<2147483647> : vector<1xi32>
    %reduce_min3A_631 = vector.multi_reduction <minsi>, %reduce_min3A_629, %reduce_min3A_630 [1, 2] : vector<1x32x32xi32> to vector<1xi32>
    %reduce_min3A_632 = vector.shape_cast %reduce_min3A_631 : vector<1xi32> to vector<1x1x1xi32>
    %reduce_min3A_633 = vector.extract %reduce_min3A_632[0, 0, 0] : i32 from vector<1x1x1xi32>
    %eq3A_634 = arith.constant 20 : i32
    %eq3A_635 = vector.broadcast %eq3A_634 : i32 to vector<1x32xi32>
    %eq3A_636 = arith.cmpi eq, %iota3A_17, %eq3A_635 : vector<1x32xi32>
    %broadcast_in_dim3A_637 = vector.broadcast %reduce_max3A_623 : f32 to vector<1x32xf32>
    %select_n3A_638 = arith.select %eq3A_636, %broadcast_in_dim3A_637, %select_n3A_608 : vector<1x32xi1>, vector<1x32xf32>
    %eq3A_639 = arith.constant 20 : i32
    %eq3A_640 = vector.broadcast %eq3A_639 : i32 to vector<1x32xi32>
    %eq3A_641 = arith.cmpi eq, %iota3A_17, %eq3A_640 : vector<1x32xi32>
    %broadcast_in_dim3A_642 = vector.broadcast %reduce_min3A_633 : i32 to vector<1x32xi32>
    %select_n3A_643 = arith.select %eq3A_641, %broadcast_in_dim3A_642, %select_n3A_613 : vector<1x32xi1>, vector<1x32xi32>
    %eq3A_644 = vector.broadcast %reduce_min3A_633 : i32 to vector<32x32xi32>
    %eq3A_645 = arith.cmpi eq, %select_n3A_16, %eq3A_644 : vector<32x32xi32>
    %jit3A_646 = arith.constant 0xFF800000 : f32
    %broadcast_in_dim3A_647 = vector.broadcast %jit3A_646 : f32 to vector<32x32xf32>
    %select_n3A_648 = arith.select %eq3A_645, %broadcast_in_dim3A_647, %select_n3A_618 : vector<32x32xi1>, vector<32x32xf32>
    %reduce_max3A_649 = vector.shape_cast %select_n3A_648 : vector<32x32xf32> to vector<1x32x32xf32>
    %reduce_max3A_650 = arith.constant dense<0xFF800000> : vector<1xf32>
    %reduce_max3A_651 = vector.multi_reduction <maximumf>, %reduce_max3A_649, %reduce_max3A_650 [1, 2] : vector<1x32x32xf32> to vector<1xf32>
    %reduce_max3A_652 = vector.shape_cast %reduce_max3A_651 : vector<1xf32> to vector<1x1x1xf32>
    %reduce_max3A_653 = vector.extract %reduce_max3A_652[0, 0, 0] : f32 from vector<1x1x1xf32>
    %eq3A_654 = vector.broadcast %reduce_max3A_653 : f32 to vector<32x32xf32>
    %eq3A_655 = arith.cmpf oeq, %select_n3A_648, %eq3A_654 : vector<32x32xf32>
    %jit3A_656 = arith.constant 2147483647 : i32
    %broadcast_in_dim3A_657 = vector.broadcast %jit3A_656 : i32 to vector<32x32xi32>
    %select_n3A_658 = arith.select %eq3A_655, %select_n3A_16, %broadcast_in_dim3A_657 : vector<32x32xi1>, vector<32x32xi32>
    %reduce_min3A_659 = vector.shape_cast %select_n3A_658 : vector<32x32xi32> to vector<1x32x32xi32>
    %reduce_min3A_660 = arith.constant dense<2147483647> : vector<1xi32>
    %reduce_min3A_661 = vector.multi_reduction <minsi>, %reduce_min3A_659, %reduce_min3A_660 [1, 2] : vector<1x32x32xi32> to vector<1xi32>
    %reduce_min3A_662 = vector.shape_cast %reduce_min3A_661 : vector<1xi32> to vector<1x1x1xi32>
    %reduce_min3A_663 = vector.extract %reduce_min3A_662[0, 0, 0] : i32 from vector<1x1x1xi32>
    %eq3A_664 = arith.constant 21 : i32
    %eq3A_665 = vector.broadcast %eq3A_664 : i32 to vector<1x32xi32>
    %eq3A_666 = arith.cmpi eq, %iota3A_17, %eq3A_665 : vector<1x32xi32>
    %broadcast_in_dim3A_667 = vector.broadcast %reduce_max3A_653 : f32 to vector<1x32xf32>
    %select_n3A_668 = arith.select %eq3A_666, %broadcast_in_dim3A_667, %select_n3A_638 : vector<1x32xi1>, vector<1x32xf32>
    %eq3A_669 = arith.constant 21 : i32
    %eq3A_670 = vector.broadcast %eq3A_669 : i32 to vector<1x32xi32>
    %eq3A_671 = arith.cmpi eq, %iota3A_17, %eq3A_670 : vector<1x32xi32>
    %broadcast_in_dim3A_672 = vector.broadcast %reduce_min3A_663 : i32 to vector<1x32xi32>
    %select_n3A_673 = arith.select %eq3A_671, %broadcast_in_dim3A_672, %select_n3A_643 : vector<1x32xi1>, vector<1x32xi32>
    %eq3A_674 = vector.broadcast %reduce_min3A_663 : i32 to vector<32x32xi32>
    %eq3A_675 = arith.cmpi eq, %select_n3A_16, %eq3A_674 : vector<32x32xi32>
    %jit3A_676 = arith.constant 0xFF800000 : f32
    %broadcast_in_dim3A_677 = vector.broadcast %jit3A_676 : f32 to vector<32x32xf32>
    %select_n3A_678 = arith.select %eq3A_675, %broadcast_in_dim3A_677, %select_n3A_648 : vector<32x32xi1>, vector<32x32xf32>
    %reduce_max3A_679 = vector.shape_cast %select_n3A_678 : vector<32x32xf32> to vector<1x32x32xf32>
    %reduce_max3A_680 = arith.constant dense<0xFF800000> : vector<1xf32>
    %reduce_max3A_681 = vector.multi_reduction <maximumf>, %reduce_max3A_679, %reduce_max3A_680 [1, 2] : vector<1x32x32xf32> to vector<1xf32>
    %reduce_max3A_682 = vector.shape_cast %reduce_max3A_681 : vector<1xf32> to vector<1x1x1xf32>
    %reduce_max3A_683 = vector.extract %reduce_max3A_682[0, 0, 0] : f32 from vector<1x1x1xf32>
    %eq3A_684 = vector.broadcast %reduce_max3A_683 : f32 to vector<32x32xf32>
    %eq3A_685 = arith.cmpf oeq, %select_n3A_678, %eq3A_684 : vector<32x32xf32>
    %jit3A_686 = arith.constant 2147483647 : i32
    %broadcast_in_dim3A_687 = vector.broadcast %jit3A_686 : i32 to vector<32x32xi32>
    %select_n3A_688 = arith.select %eq3A_685, %select_n3A_16, %broadcast_in_dim3A_687 : vector<32x32xi1>, vector<32x32xi32>
    %reduce_min3A_689 = vector.shape_cast %select_n3A_688 : vector<32x32xi32> to vector<1x32x32xi32>
    %reduce_min3A_690 = arith.constant dense<2147483647> : vector<1xi32>
    %reduce_min3A_691 = vector.multi_reduction <minsi>, %reduce_min3A_689, %reduce_min3A_690 [1, 2] : vector<1x32x32xi32> to vector<1xi32>
    %reduce_min3A_692 = vector.shape_cast %reduce_min3A_691 : vector<1xi32> to vector<1x1x1xi32>
    %reduce_min3A_693 = vector.extract %reduce_min3A_692[0, 0, 0] : i32 from vector<1x1x1xi32>
    %eq3A_694 = arith.constant 22 : i32
    %eq3A_695 = vector.broadcast %eq3A_694 : i32 to vector<1x32xi32>
    %eq3A_696 = arith.cmpi eq, %iota3A_17, %eq3A_695 : vector<1x32xi32>
    %broadcast_in_dim3A_697 = vector.broadcast %reduce_max3A_683 : f32 to vector<1x32xf32>
    %select_n3A_698 = arith.select %eq3A_696, %broadcast_in_dim3A_697, %select_n3A_668 : vector<1x32xi1>, vector<1x32xf32>
    %eq3A_699 = arith.constant 22 : i32
    %eq3A_700 = vector.broadcast %eq3A_699 : i32 to vector<1x32xi32>
    %eq3A_701 = arith.cmpi eq, %iota3A_17, %eq3A_700 : vector<1x32xi32>
    %broadcast_in_dim3A_702 = vector.broadcast %reduce_min3A_693 : i32 to vector<1x32xi32>
    %select_n3A_703 = arith.select %eq3A_701, %broadcast_in_dim3A_702, %select_n3A_673 : vector<1x32xi1>, vector<1x32xi32>
    %eq3A_704 = vector.broadcast %reduce_min3A_693 : i32 to vector<32x32xi32>
    %eq3A_705 = arith.cmpi eq, %select_n3A_16, %eq3A_704 : vector<32x32xi32>
    %jit3A_706 = arith.constant 0xFF800000 : f32
    %broadcast_in_dim3A_707 = vector.broadcast %jit3A_706 : f32 to vector<32x32xf32>
    %select_n3A_708 = arith.select %eq3A_705, %broadcast_in_dim3A_707, %select_n3A_678 : vector<32x32xi1>, vector<32x32xf32>
    %reduce_max3A_709 = vector.shape_cast %select_n3A_708 : vector<32x32xf32> to vector<1x32x32xf32>
    %reduce_max3A_710 = arith.constant dense<0xFF800000> : vector<1xf32>
    %reduce_max3A_711 = vector.multi_reduction <maximumf>, %reduce_max3A_709, %reduce_max3A_710 [1, 2] : vector<1x32x32xf32> to vector<1xf32>
    %reduce_max3A_712 = vector.shape_cast %reduce_max3A_711 : vector<1xf32> to vector<1x1x1xf32>
    %reduce_max3A_713 = vector.extract %reduce_max3A_712[0, 0, 0] : f32 from vector<1x1x1xf32>
    %eq3A_714 = vector.broadcast %reduce_max3A_713 : f32 to vector<32x32xf32>
    %eq3A_715 = arith.cmpf oeq, %select_n3A_708, %eq3A_714 : vector<32x32xf32>
    %jit3A_716 = arith.constant 2147483647 : i32
    %broadcast_in_dim3A_717 = vector.broadcast %jit3A_716 : i32 to vector<32x32xi32>
    %select_n3A_718 = arith.select %eq3A_715, %select_n3A_16, %broadcast_in_dim3A_717 : vector<32x32xi1>, vector<32x32xi32>
    %reduce_min3A_719 = vector.shape_cast %select_n3A_718 : vector<32x32xi32> to vector<1x32x32xi32>
    %reduce_min3A_720 = arith.constant dense<2147483647> : vector<1xi32>
    %reduce_min3A_721 = vector.multi_reduction <minsi>, %reduce_min3A_719, %reduce_min3A_720 [1, 2] : vector<1x32x32xi32> to vector<1xi32>
    %reduce_min3A_722 = vector.shape_cast %reduce_min3A_721 : vector<1xi32> to vector<1x1x1xi32>
    %reduce_min3A_723 = vector.extract %reduce_min3A_722[0, 0, 0] : i32 from vector<1x1x1xi32>
    %eq3A_724 = arith.constant 23 : i32
    %eq3A_725 = vector.broadcast %eq3A_724 : i32 to vector<1x32xi32>
    %eq3A_726 = arith.cmpi eq, %iota3A_17, %eq3A_725 : vector<1x32xi32>
    %broadcast_in_dim3A_727 = vector.broadcast %reduce_max3A_713 : f32 to vector<1x32xf32>
    %select_n3A_728 = arith.select %eq3A_726, %broadcast_in_dim3A_727, %select_n3A_698 : vector<1x32xi1>, vector<1x32xf32>
    %eq3A_729 = arith.constant 23 : i32
    %eq3A_730 = vector.broadcast %eq3A_729 : i32 to vector<1x32xi32>
    %eq3A_731 = arith.cmpi eq, %iota3A_17, %eq3A_730 : vector<1x32xi32>
    %broadcast_in_dim3A_732 = vector.broadcast %reduce_min3A_723 : i32 to vector<1x32xi32>
    %select_n3A_733 = arith.select %eq3A_731, %broadcast_in_dim3A_732, %select_n3A_703 : vector<1x32xi1>, vector<1x32xi32>
    %eq3A_734 = vector.broadcast %reduce_min3A_723 : i32 to vector<32x32xi32>
    %eq3A_735 = arith.cmpi eq, %select_n3A_16, %eq3A_734 : vector<32x32xi32>
    %jit3A_736 = arith.constant 0xFF800000 : f32
    %broadcast_in_dim3A_737 = vector.broadcast %jit3A_736 : f32 to vector<32x32xf32>
    %select_n3A_738 = arith.select %eq3A_735, %broadcast_in_dim3A_737, %select_n3A_708 : vector<32x32xi1>, vector<32x32xf32>
    %reduce_max3A_739 = vector.shape_cast %select_n3A_738 : vector<32x32xf32> to vector<1x32x32xf32>
    %reduce_max3A_740 = arith.constant dense<0xFF800000> : vector<1xf32>
    %reduce_max3A_741 = vector.multi_reduction <maximumf>, %reduce_max3A_739, %reduce_max3A_740 [1, 2] : vector<1x32x32xf32> to vector<1xf32>
    %reduce_max3A_742 = vector.shape_cast %reduce_max3A_741 : vector<1xf32> to vector<1x1x1xf32>
    %reduce_max3A_743 = vector.extract %reduce_max3A_742[0, 0, 0] : f32 from vector<1x1x1xf32>
    %eq3A_744 = vector.broadcast %reduce_max3A_743 : f32 to vector<32x32xf32>
    %eq3A_745 = arith.cmpf oeq, %select_n3A_738, %eq3A_744 : vector<32x32xf32>
    %jit3A_746 = arith.constant 2147483647 : i32
    %broadcast_in_dim3A_747 = vector.broadcast %jit3A_746 : i32 to vector<32x32xi32>
    %select_n3A_748 = arith.select %eq3A_745, %select_n3A_16, %broadcast_in_dim3A_747 : vector<32x32xi1>, vector<32x32xi32>
    %reduce_min3A_749 = vector.shape_cast %select_n3A_748 : vector<32x32xi32> to vector<1x32x32xi32>
    %reduce_min3A_750 = arith.constant dense<2147483647> : vector<1xi32>
    %reduce_min3A_751 = vector.multi_reduction <minsi>, %reduce_min3A_749, %reduce_min3A_750 [1, 2] : vector<1x32x32xi32> to vector<1xi32>
    %reduce_min3A_752 = vector.shape_cast %reduce_min3A_751 : vector<1xi32> to vector<1x1x1xi32>
    %reduce_min3A_753 = vector.extract %reduce_min3A_752[0, 0, 0] : i32 from vector<1x1x1xi32>
    %eq3A_754 = arith.constant 24 : i32
    %eq3A_755 = vector.broadcast %eq3A_754 : i32 to vector<1x32xi32>
    %eq3A_756 = arith.cmpi eq, %iota3A_17, %eq3A_755 : vector<1x32xi32>
    %broadcast_in_dim3A_757 = vector.broadcast %reduce_max3A_743 : f32 to vector<1x32xf32>
    %select_n3A_758 = arith.select %eq3A_756, %broadcast_in_dim3A_757, %select_n3A_728 : vector<1x32xi1>, vector<1x32xf32>
    %eq3A_759 = arith.constant 24 : i32
    %eq3A_760 = vector.broadcast %eq3A_759 : i32 to vector<1x32xi32>
    %eq3A_761 = arith.cmpi eq, %iota3A_17, %eq3A_760 : vector<1x32xi32>
    %broadcast_in_dim3A_762 = vector.broadcast %reduce_min3A_753 : i32 to vector<1x32xi32>
    %select_n3A_763 = arith.select %eq3A_761, %broadcast_in_dim3A_762, %select_n3A_733 : vector<1x32xi1>, vector<1x32xi32>
    %eq3A_764 = vector.broadcast %reduce_min3A_753 : i32 to vector<32x32xi32>
    %eq3A_765 = arith.cmpi eq, %select_n3A_16, %eq3A_764 : vector<32x32xi32>
    %jit3A_766 = arith.constant 0xFF800000 : f32
    %broadcast_in_dim3A_767 = vector.broadcast %jit3A_766 : f32 to vector<32x32xf32>
    %select_n3A_768 = arith.select %eq3A_765, %broadcast_in_dim3A_767, %select_n3A_738 : vector<32x32xi1>, vector<32x32xf32>
    %reduce_max3A_769 = vector.shape_cast %select_n3A_768 : vector<32x32xf32> to vector<1x32x32xf32>
    %reduce_max3A_770 = arith.constant dense<0xFF800000> : vector<1xf32>
    %reduce_max3A_771 = vector.multi_reduction <maximumf>, %reduce_max3A_769, %reduce_max3A_770 [1, 2] : vector<1x32x32xf32> to vector<1xf32>
    %reduce_max3A_772 = vector.shape_cast %reduce_max3A_771 : vector<1xf32> to vector<1x1x1xf32>
    %reduce_max3A_773 = vector.extract %reduce_max3A_772[0, 0, 0] : f32 from vector<1x1x1xf32>
    %eq3A_774 = vector.broadcast %reduce_max3A_773 : f32 to vector<32x32xf32>
    %eq3A_775 = arith.cmpf oeq, %select_n3A_768, %eq3A_774 : vector<32x32xf32>
    %jit3A_776 = arith.constant 2147483647 : i32
    %broadcast_in_dim3A_777 = vector.broadcast %jit3A_776 : i32 to vector<32x32xi32>
    %select_n3A_778 = arith.select %eq3A_775, %select_n3A_16, %broadcast_in_dim3A_777 : vector<32x32xi1>, vector<32x32xi32>
    %reduce_min3A_779 = vector.shape_cast %select_n3A_778 : vector<32x32xi32> to vector<1x32x32xi32>
    %reduce_min3A_780 = arith.constant dense<2147483647> : vector<1xi32>
    %reduce_min3A_781 = vector.multi_reduction <minsi>, %reduce_min3A_779, %reduce_min3A_780 [1, 2] : vector<1x32x32xi32> to vector<1xi32>
    %reduce_min3A_782 = vector.shape_cast %reduce_min3A_781 : vector<1xi32> to vector<1x1x1xi32>
    %reduce_min3A_783 = vector.extract %reduce_min3A_782[0, 0, 0] : i32 from vector<1x1x1xi32>
    %eq3A_784 = arith.constant 25 : i32
    %eq3A_785 = vector.broadcast %eq3A_784 : i32 to vector<1x32xi32>
    %eq3A_786 = arith.cmpi eq, %iota3A_17, %eq3A_785 : vector<1x32xi32>
    %broadcast_in_dim3A_787 = vector.broadcast %reduce_max3A_773 : f32 to vector<1x32xf32>
    %select_n3A_788 = arith.select %eq3A_786, %broadcast_in_dim3A_787, %select_n3A_758 : vector<1x32xi1>, vector<1x32xf32>
    %eq3A_789 = arith.constant 25 : i32
    %eq3A_790 = vector.broadcast %eq3A_789 : i32 to vector<1x32xi32>
    %eq3A_791 = arith.cmpi eq, %iota3A_17, %eq3A_790 : vector<1x32xi32>
    %broadcast_in_dim3A_792 = vector.broadcast %reduce_min3A_783 : i32 to vector<1x32xi32>
    %select_n3A_793 = arith.select %eq3A_791, %broadcast_in_dim3A_792, %select_n3A_763 : vector<1x32xi1>, vector<1x32xi32>
    %eq3A_794 = vector.broadcast %reduce_min3A_783 : i32 to vector<32x32xi32>
    %eq3A_795 = arith.cmpi eq, %select_n3A_16, %eq3A_794 : vector<32x32xi32>
    %jit3A_796 = arith.constant 0xFF800000 : f32
    %broadcast_in_dim3A_797 = vector.broadcast %jit3A_796 : f32 to vector<32x32xf32>
    %select_n3A_798 = arith.select %eq3A_795, %broadcast_in_dim3A_797, %select_n3A_768 : vector<32x32xi1>, vector<32x32xf32>
    %reduce_max3A_799 = vector.shape_cast %select_n3A_798 : vector<32x32xf32> to vector<1x32x32xf32>
    %reduce_max3A_800 = arith.constant dense<0xFF800000> : vector<1xf32>
    %reduce_max3A_801 = vector.multi_reduction <maximumf>, %reduce_max3A_799, %reduce_max3A_800 [1, 2] : vector<1x32x32xf32> to vector<1xf32>
    %reduce_max3A_802 = vector.shape_cast %reduce_max3A_801 : vector<1xf32> to vector<1x1x1xf32>
    %reduce_max3A_803 = vector.extract %reduce_max3A_802[0, 0, 0] : f32 from vector<1x1x1xf32>
    %eq3A_804 = vector.broadcast %reduce_max3A_803 : f32 to vector<32x32xf32>
    %eq3A_805 = arith.cmpf oeq, %select_n3A_798, %eq3A_804 : vector<32x32xf32>
    %jit3A_806 = arith.constant 2147483647 : i32
    %broadcast_in_dim3A_807 = vector.broadcast %jit3A_806 : i32 to vector<32x32xi32>
    %select_n3A_808 = arith.select %eq3A_805, %select_n3A_16, %broadcast_in_dim3A_807 : vector<32x32xi1>, vector<32x32xi32>
    %reduce_min3A_809 = vector.shape_cast %select_n3A_808 : vector<32x32xi32> to vector<1x32x32xi32>
    %reduce_min3A_810 = arith.constant dense<2147483647> : vector<1xi32>
    %reduce_min3A_811 = vector.multi_reduction <minsi>, %reduce_min3A_809, %reduce_min3A_810 [1, 2] : vector<1x32x32xi32> to vector<1xi32>
    %reduce_min3A_812 = vector.shape_cast %reduce_min3A_811 : vector<1xi32> to vector<1x1x1xi32>
    %reduce_min3A_813 = vector.extract %reduce_min3A_812[0, 0, 0] : i32 from vector<1x1x1xi32>
    %eq3A_814 = arith.constant 26 : i32
    %eq3A_815 = vector.broadcast %eq3A_814 : i32 to vector<1x32xi32>
    %eq3A_816 = arith.cmpi eq, %iota3A_17, %eq3A_815 : vector<1x32xi32>
    %broadcast_in_dim3A_817 = vector.broadcast %reduce_max3A_803 : f32 to vector<1x32xf32>
    %select_n3A_818 = arith.select %eq3A_816, %broadcast_in_dim3A_817, %select_n3A_788 : vector<1x32xi1>, vector<1x32xf32>
    %eq3A_819 = arith.constant 26 : i32
    %eq3A_820 = vector.broadcast %eq3A_819 : i32 to vector<1x32xi32>
    %eq3A_821 = arith.cmpi eq, %iota3A_17, %eq3A_820 : vector<1x32xi32>
    %broadcast_in_dim3A_822 = vector.broadcast %reduce_min3A_813 : i32 to vector<1x32xi32>
    %select_n3A_823 = arith.select %eq3A_821, %broadcast_in_dim3A_822, %select_n3A_793 : vector<1x32xi1>, vector<1x32xi32>
    %eq3A_824 = vector.broadcast %reduce_min3A_813 : i32 to vector<32x32xi32>
    %eq3A_825 = arith.cmpi eq, %select_n3A_16, %eq3A_824 : vector<32x32xi32>
    %jit3A_826 = arith.constant 0xFF800000 : f32
    %broadcast_in_dim3A_827 = vector.broadcast %jit3A_826 : f32 to vector<32x32xf32>
    %select_n3A_828 = arith.select %eq3A_825, %broadcast_in_dim3A_827, %select_n3A_798 : vector<32x32xi1>, vector<32x32xf32>
    %reduce_max3A_829 = vector.shape_cast %select_n3A_828 : vector<32x32xf32> to vector<1x32x32xf32>
    %reduce_max3A_830 = arith.constant dense<0xFF800000> : vector<1xf32>
    %reduce_max3A_831 = vector.multi_reduction <maximumf>, %reduce_max3A_829, %reduce_max3A_830 [1, 2] : vector<1x32x32xf32> to vector<1xf32>
    %reduce_max3A_832 = vector.shape_cast %reduce_max3A_831 : vector<1xf32> to vector<1x1x1xf32>
    %reduce_max3A_833 = vector.extract %reduce_max3A_832[0, 0, 0] : f32 from vector<1x1x1xf32>
    %eq3A_834 = vector.broadcast %reduce_max3A_833 : f32 to vector<32x32xf32>
    %eq3A_835 = arith.cmpf oeq, %select_n3A_828, %eq3A_834 : vector<32x32xf32>
    %jit3A_836 = arith.constant 2147483647 : i32
    %broadcast_in_dim3A_837 = vector.broadcast %jit3A_836 : i32 to vector<32x32xi32>
    %select_n3A_838 = arith.select %eq3A_835, %select_n3A_16, %broadcast_in_dim3A_837 : vector<32x32xi1>, vector<32x32xi32>
    %reduce_min3A_839 = vector.shape_cast %select_n3A_838 : vector<32x32xi32> to vector<1x32x32xi32>
    %reduce_min3A_840 = arith.constant dense<2147483647> : vector<1xi32>
    %reduce_min3A_841 = vector.multi_reduction <minsi>, %reduce_min3A_839, %reduce_min3A_840 [1, 2] : vector<1x32x32xi32> to vector<1xi32>
    %reduce_min3A_842 = vector.shape_cast %reduce_min3A_841 : vector<1xi32> to vector<1x1x1xi32>
    %reduce_min3A_843 = vector.extract %reduce_min3A_842[0, 0, 0] : i32 from vector<1x1x1xi32>
    %eq3A_844 = arith.constant 27 : i32
    %eq3A_845 = vector.broadcast %eq3A_844 : i32 to vector<1x32xi32>
    %eq3A_846 = arith.cmpi eq, %iota3A_17, %eq3A_845 : vector<1x32xi32>
    %broadcast_in_dim3A_847 = vector.broadcast %reduce_max3A_833 : f32 to vector<1x32xf32>
    %select_n3A_848 = arith.select %eq3A_846, %broadcast_in_dim3A_847, %select_n3A_818 : vector<1x32xi1>, vector<1x32xf32>
    %eq3A_849 = arith.constant 27 : i32
    %eq3A_850 = vector.broadcast %eq3A_849 : i32 to vector<1x32xi32>
    %eq3A_851 = arith.cmpi eq, %iota3A_17, %eq3A_850 : vector<1x32xi32>
    %broadcast_in_dim3A_852 = vector.broadcast %reduce_min3A_843 : i32 to vector<1x32xi32>
    %select_n3A_853 = arith.select %eq3A_851, %broadcast_in_dim3A_852, %select_n3A_823 : vector<1x32xi1>, vector<1x32xi32>
    %eq3A_854 = vector.broadcast %reduce_min3A_843 : i32 to vector<32x32xi32>
    %eq3A_855 = arith.cmpi eq, %select_n3A_16, %eq3A_854 : vector<32x32xi32>
    %jit3A_856 = arith.constant 0xFF800000 : f32
    %broadcast_in_dim3A_857 = vector.broadcast %jit3A_856 : f32 to vector<32x32xf32>
    %select_n3A_858 = arith.select %eq3A_855, %broadcast_in_dim3A_857, %select_n3A_828 : vector<32x32xi1>, vector<32x32xf32>
    %reduce_max3A_859 = vector.shape_cast %select_n3A_858 : vector<32x32xf32> to vector<1x32x32xf32>
    %reduce_max3A_860 = arith.constant dense<0xFF800000> : vector<1xf32>
    %reduce_max3A_861 = vector.multi_reduction <maximumf>, %reduce_max3A_859, %reduce_max3A_860 [1, 2] : vector<1x32x32xf32> to vector<1xf32>
    %reduce_max3A_862 = vector.shape_cast %reduce_max3A_861 : vector<1xf32> to vector<1x1x1xf32>
    %reduce_max3A_863 = vector.extract %reduce_max3A_862[0, 0, 0] : f32 from vector<1x1x1xf32>
    %eq3A_864 = vector.broadcast %reduce_max3A_863 : f32 to vector<32x32xf32>
    %eq3A_865 = arith.cmpf oeq, %select_n3A_858, %eq3A_864 : vector<32x32xf32>
    %jit3A_866 = arith.constant 2147483647 : i32
    %broadcast_in_dim3A_867 = vector.broadcast %jit3A_866 : i32 to vector<32x32xi32>
    %select_n3A_868 = arith.select %eq3A_865, %select_n3A_16, %broadcast_in_dim3A_867 : vector<32x32xi1>, vector<32x32xi32>
    %reduce_min3A_869 = vector.shape_cast %select_n3A_868 : vector<32x32xi32> to vector<1x32x32xi32>
    %reduce_min3A_870 = arith.constant dense<2147483647> : vector<1xi32>
    %reduce_min3A_871 = vector.multi_reduction <minsi>, %reduce_min3A_869, %reduce_min3A_870 [1, 2] : vector<1x32x32xi32> to vector<1xi32>
    %reduce_min3A_872 = vector.shape_cast %reduce_min3A_871 : vector<1xi32> to vector<1x1x1xi32>
    %reduce_min3A_873 = vector.extract %reduce_min3A_872[0, 0, 0] : i32 from vector<1x1x1xi32>
    %eq3A_874 = arith.constant 28 : i32
    %eq3A_875 = vector.broadcast %eq3A_874 : i32 to vector<1x32xi32>
    %eq3A_876 = arith.cmpi eq, %iota3A_17, %eq3A_875 : vector<1x32xi32>
    %broadcast_in_dim3A_877 = vector.broadcast %reduce_max3A_863 : f32 to vector<1x32xf32>
    %select_n3A_878 = arith.select %eq3A_876, %broadcast_in_dim3A_877, %select_n3A_848 : vector<1x32xi1>, vector<1x32xf32>
    %eq3A_879 = arith.constant 28 : i32
    %eq3A_880 = vector.broadcast %eq3A_879 : i32 to vector<1x32xi32>
    %eq3A_881 = arith.cmpi eq, %iota3A_17, %eq3A_880 : vector<1x32xi32>
    %broadcast_in_dim3A_882 = vector.broadcast %reduce_min3A_873 : i32 to vector<1x32xi32>
    %select_n3A_883 = arith.select %eq3A_881, %broadcast_in_dim3A_882, %select_n3A_853 : vector<1x32xi1>, vector<1x32xi32>
    %eq3A_884 = vector.broadcast %reduce_min3A_873 : i32 to vector<32x32xi32>
    %eq3A_885 = arith.cmpi eq, %select_n3A_16, %eq3A_884 : vector<32x32xi32>
    %jit3A_886 = arith.constant 0xFF800000 : f32
    %broadcast_in_dim3A_887 = vector.broadcast %jit3A_886 : f32 to vector<32x32xf32>
    %select_n3A_888 = arith.select %eq3A_885, %broadcast_in_dim3A_887, %select_n3A_858 : vector<32x32xi1>, vector<32x32xf32>
    %reduce_max3A_889 = vector.shape_cast %select_n3A_888 : vector<32x32xf32> to vector<1x32x32xf32>
    %reduce_max3A_890 = arith.constant dense<0xFF800000> : vector<1xf32>
    %reduce_max3A_891 = vector.multi_reduction <maximumf>, %reduce_max3A_889, %reduce_max3A_890 [1, 2] : vector<1x32x32xf32> to vector<1xf32>
    %reduce_max3A_892 = vector.shape_cast %reduce_max3A_891 : vector<1xf32> to vector<1x1x1xf32>
    %reduce_max3A_893 = vector.extract %reduce_max3A_892[0, 0, 0] : f32 from vector<1x1x1xf32>
    %eq3A_894 = vector.broadcast %reduce_max3A_893 : f32 to vector<32x32xf32>
    %eq3A_895 = arith.cmpf oeq, %select_n3A_888, %eq3A_894 : vector<32x32xf32>
    %jit3A_896 = arith.constant 2147483647 : i32
    %broadcast_in_dim3A_897 = vector.broadcast %jit3A_896 : i32 to vector<32x32xi32>
    %select_n3A_898 = arith.select %eq3A_895, %select_n3A_16, %broadcast_in_dim3A_897 : vector<32x32xi1>, vector<32x32xi32>
    %reduce_min3A_899 = vector.shape_cast %select_n3A_898 : vector<32x32xi32> to vector<1x32x32xi32>
    %reduce_min3A_900 = arith.constant dense<2147483647> : vector<1xi32>
    %reduce_min3A_901 = vector.multi_reduction <minsi>, %reduce_min3A_899, %reduce_min3A_900 [1, 2] : vector<1x32x32xi32> to vector<1xi32>
    %reduce_min3A_902 = vector.shape_cast %reduce_min3A_901 : vector<1xi32> to vector<1x1x1xi32>
    %reduce_min3A_903 = vector.extract %reduce_min3A_902[0, 0, 0] : i32 from vector<1x1x1xi32>
    %eq3A_904 = arith.constant 29 : i32
    %eq3A_905 = vector.broadcast %eq3A_904 : i32 to vector<1x32xi32>
    %eq3A_906 = arith.cmpi eq, %iota3A_17, %eq3A_905 : vector<1x32xi32>
    %broadcast_in_dim3A_907 = vector.broadcast %reduce_max3A_893 : f32 to vector<1x32xf32>
    %select_n3A_908 = arith.select %eq3A_906, %broadcast_in_dim3A_907, %select_n3A_878 : vector<1x32xi1>, vector<1x32xf32>
    %eq3A_909 = arith.constant 29 : i32
    %eq3A_910 = vector.broadcast %eq3A_909 : i32 to vector<1x32xi32>
    %eq3A_911 = arith.cmpi eq, %iota3A_17, %eq3A_910 : vector<1x32xi32>
    %broadcast_in_dim3A_912 = vector.broadcast %reduce_min3A_903 : i32 to vector<1x32xi32>
    %select_n3A_913 = arith.select %eq3A_911, %broadcast_in_dim3A_912, %select_n3A_883 : vector<1x32xi1>, vector<1x32xi32>
    %eq3A_914 = vector.broadcast %reduce_min3A_903 : i32 to vector<32x32xi32>
    %eq3A_915 = arith.cmpi eq, %select_n3A_16, %eq3A_914 : vector<32x32xi32>
    %jit3A_916 = arith.constant 0xFF800000 : f32
    %broadcast_in_dim3A_917 = vector.broadcast %jit3A_916 : f32 to vector<32x32xf32>
    %select_n3A_918 = arith.select %eq3A_915, %broadcast_in_dim3A_917, %select_n3A_888 : vector<32x32xi1>, vector<32x32xf32>
    %reduce_max3A_919 = vector.shape_cast %select_n3A_918 : vector<32x32xf32> to vector<1x32x32xf32>
    %reduce_max3A_920 = arith.constant dense<0xFF800000> : vector<1xf32>
    %reduce_max3A_921 = vector.multi_reduction <maximumf>, %reduce_max3A_919, %reduce_max3A_920 [1, 2] : vector<1x32x32xf32> to vector<1xf32>
    %reduce_max3A_922 = vector.shape_cast %reduce_max3A_921 : vector<1xf32> to vector<1x1x1xf32>
    %reduce_max3A_923 = vector.extract %reduce_max3A_922[0, 0, 0] : f32 from vector<1x1x1xf32>
    %eq3A_924 = vector.broadcast %reduce_max3A_923 : f32 to vector<32x32xf32>
    %eq3A_925 = arith.cmpf oeq, %select_n3A_918, %eq3A_924 : vector<32x32xf32>
    %jit3A_926 = arith.constant 2147483647 : i32
    %broadcast_in_dim3A_927 = vector.broadcast %jit3A_926 : i32 to vector<32x32xi32>
    %select_n3A_928 = arith.select %eq3A_925, %select_n3A_16, %broadcast_in_dim3A_927 : vector<32x32xi1>, vector<32x32xi32>
    %reduce_min3A_929 = vector.shape_cast %select_n3A_928 : vector<32x32xi32> to vector<1x32x32xi32>
    %reduce_min3A_930 = arith.constant dense<2147483647> : vector<1xi32>
    %reduce_min3A_931 = vector.multi_reduction <minsi>, %reduce_min3A_929, %reduce_min3A_930 [1, 2] : vector<1x32x32xi32> to vector<1xi32>
    %reduce_min3A_932 = vector.shape_cast %reduce_min3A_931 : vector<1xi32> to vector<1x1x1xi32>
    %reduce_min3A_933 = vector.extract %reduce_min3A_932[0, 0, 0] : i32 from vector<1x1x1xi32>
    %eq3A_934 = arith.constant 30 : i32
    %eq3A_935 = vector.broadcast %eq3A_934 : i32 to vector<1x32xi32>
    %eq3A_936 = arith.cmpi eq, %iota3A_17, %eq3A_935 : vector<1x32xi32>
    %broadcast_in_dim3A_937 = vector.broadcast %reduce_max3A_923 : f32 to vector<1x32xf32>
    %select_n3A_938 = arith.select %eq3A_936, %broadcast_in_dim3A_937, %select_n3A_908 : vector<1x32xi1>, vector<1x32xf32>
    %eq3A_939 = arith.constant 30 : i32
    %eq3A_940 = vector.broadcast %eq3A_939 : i32 to vector<1x32xi32>
    %eq3A_941 = arith.cmpi eq, %iota3A_17, %eq3A_940 : vector<1x32xi32>
    %broadcast_in_dim3A_942 = vector.broadcast %reduce_min3A_933 : i32 to vector<1x32xi32>
    %select_n3A_943 = arith.select %eq3A_941, %broadcast_in_dim3A_942, %select_n3A_913 : vector<1x32xi1>, vector<1x32xi32>
    %eq3A_944 = vector.broadcast %reduce_min3A_933 : i32 to vector<32x32xi32>
    %eq3A_945 = arith.cmpi eq, %select_n3A_16, %eq3A_944 : vector<32x32xi32>
    %jit3A_946 = arith.constant 0xFF800000 : f32
    %broadcast_in_dim3A_947 = vector.broadcast %jit3A_946 : f32 to vector<32x32xf32>
    %select_n3A_948 = arith.select %eq3A_945, %broadcast_in_dim3A_947, %select_n3A_918 : vector<32x32xi1>, vector<32x32xf32>
    %reduce_max3A_949 = vector.shape_cast %select_n3A_948 : vector<32x32xf32> to vector<1x32x32xf32>
    %reduce_max3A_950 = arith.constant dense<0xFF800000> : vector<1xf32>
    %reduce_max3A_951 = vector.multi_reduction <maximumf>, %reduce_max3A_949, %reduce_max3A_950 [1, 2] : vector<1x32x32xf32> to vector<1xf32>
    %reduce_max3A_952 = vector.shape_cast %reduce_max3A_951 : vector<1xf32> to vector<1x1x1xf32>
    %reduce_max3A_953 = vector.extract %reduce_max3A_952[0, 0, 0] : f32 from vector<1x1x1xf32>
    %eq3A_954 = vector.broadcast %reduce_max3A_953 : f32 to vector<32x32xf32>
    %eq3A_955 = arith.cmpf oeq, %select_n3A_948, %eq3A_954 : vector<32x32xf32>
    %jit3A_956 = arith.constant 2147483647 : i32
    %broadcast_in_dim3A_957 = vector.broadcast %jit3A_956 : i32 to vector<32x32xi32>
    %select_n3A_958 = arith.select %eq3A_955, %select_n3A_16, %broadcast_in_dim3A_957 : vector<32x32xi1>, vector<32x32xi32>
    %reduce_min3A_959 = vector.shape_cast %select_n3A_958 : vector<32x32xi32> to vector<1x32x32xi32>
    %reduce_min3A_960 = arith.constant dense<2147483647> : vector<1xi32>
    %reduce_min3A_961 = vector.multi_reduction <minsi>, %reduce_min3A_959, %reduce_min3A_960 [1, 2] : vector<1x32x32xi32> to vector<1xi32>
    %reduce_min3A_962 = vector.shape_cast %reduce_min3A_961 : vector<1xi32> to vector<1x1x1xi32>
    %reduce_min3A_963 = vector.extract %reduce_min3A_962[0, 0, 0] : i32 from vector<1x1x1xi32>
    %eq3A_964 = arith.constant 31 : i32
    %eq3A_965 = vector.broadcast %eq3A_964 : i32 to vector<1x32xi32>
    %eq3A_966 = arith.cmpi eq, %iota3A_17, %eq3A_965 : vector<1x32xi32>
    %broadcast_in_dim3A_967 = vector.broadcast %reduce_max3A_953 : f32 to vector<1x32xf32>
    %select_n3A_968 = arith.select %eq3A_966, %broadcast_in_dim3A_967, %select_n3A_938 : vector<1x32xi1>, vector<1x32xf32>
    %eq3A_969 = arith.constant 31 : i32
    %eq3A_970 = vector.broadcast %eq3A_969 : i32 to vector<1x32xi32>
    %eq3A_971 = arith.cmpi eq, %iota3A_17, %eq3A_970 : vector<1x32xi32>
    %broadcast_in_dim3A_972 = vector.broadcast %reduce_min3A_963 : i32 to vector<1x32xi32>
    %select_n3A_973 = arith.select %eq3A_971, %broadcast_in_dim3A_972, %select_n3A_943 : vector<1x32xi1>, vector<1x32xi32>
    %swap3A = arith.constant 0 : index
    %swap3A_974 = arith.constant 0 : index
    %swap3A_975 = vector.load %arg3[%swap3A, %swap3A_974] : memref<1x32xf32, #tpu.memory_space<vmem>>, vector<1x32xf32>
    tpu.vector_store %arg3[%swap3A, %swap3A_974], %select_n3A_968 {strides = array<i32>} : memref<1x32xf32, #tpu.memory_space<vmem>>, vector<1x32xf32>,
    %swap3A_976 = arith.constant 0 : index
    %swap3A_977 = arith.constant 0 : index
    %swap3A_978 = vector.load %arg4[%swap3A_976, %swap3A_977] : memref<1x32xi32, #tpu.memory_space<vmem>>, vector<1x32xi32>
    tpu.vector_store %arg4[%swap3A_976, %swap3A_977], %select_n3A_973 {strides = array<i32>} : memref<1x32xi32, #tpu.memory_space<vmem>>, vector<1x32xi32>,
    %jit3A_979 = arith.constant 1000000 : i32
    %div3A = vector.broadcast %jit3A_979 : i32 to vector<1x32xi32>
    %div3A_980 = arith.divsi %select_n3A_973, %div3A : vector<1x32xi32>
    %sign3A = arith.constant 0 : i32
    %sign3A_981 = vector.broadcast %sign3A : i32 to vector<1x32xi32>
    %sign3A_982 = arith.cmpi sgt, %select_n3A_973, %sign3A_981 : vector<1x32xi32>
    %sign3A_983 = arith.extui %sign3A_982 : vector<1x32xi1> to vector<1x32xi32>
    %sign3A_984 = arith.constant 0 : i32
    %sign3A_985 = vector.broadcast %sign3A_984 : i32 to vector<1x32xi32>
    %sign3A_986 = arith.cmpi slt, %select_n3A_973, %sign3A_985 : vector<1x32xi32>
    %sign3A_987 = arith.extui %sign3A_986 : vector<1x32xi1> to vector<1x32xi32>
    %sign3A_988 = arith.subi %sign3A_983, %sign3A_987 : vector<1x32xi32>
    %sign3A_989 = arith.constant 0 : i32
    %sign3A_990 = arith.cmpi sgt, %jit3A_979, %sign3A_989 : i32
    %sign3A_991 = arith.extui %sign3A_990 : i1 to i32
    %sign3A_992 = arith.constant 0 : i32
    %sign3A_993 = arith.cmpi slt, %jit3A_979, %sign3A_992 : i32
    %sign3A_994 = arith.extui %sign3A_993 : i1 to i32
    %sign3A_995 = arith.subi %sign3A_991, %sign3A_994 : i32
    %ne3A = vector.broadcast %sign3A_995 : i32 to vector<1x32xi32>
    %ne3A_996 = arith.cmpi ne, %sign3A_988, %ne3A : vector<1x32xi32>
    %rem3A = vector.broadcast %jit3A_979 : i32 to vector<1x32xi32>
    %rem3A_997 = arith.remsi %select_n3A_973, %rem3A : vector<1x32xi32>
    %ne3A_998 = arith.constant 0 : i32
    %ne3A_999 = vector.broadcast %ne3A_998 : i32 to vector<1x32xi32>
    %ne3A_1000 = arith.cmpi ne, %rem3A_997, %ne3A_999 : vector<1x32xi32>
    %and3A = arith.andi %ne3A_996, %ne3A_1000 : vector<1x32xi1>
    %sub3A = arith.constant 1 : i32
    %sub3A_1001 = vector.broadcast %sub3A : i32 to vector<1x32xi32>
    %sub3A_1002 = arith.subi %div3A_980, %sub3A_1001 : vector<1x32xi32>
    %select_n3A_1003 = arith.select %and3A, %sub3A_1002, %div3A_980 : vector<1x32xi1>, vector<1x32xi32>
    %swap3A_1004 = arith.constant 0 : index
    %swap3A_1005 = arith.constant 0 : index
    %swap3A_1006 = vector.load %arg5[%swap3A_1004, %swap3A_1005] : memref<1x32xi32, #tpu.memory_space<vmem>>, vector<1x32xi32>
    tpu.vector_store %arg5[%swap3A_1004, %swap3A_1005], %select_n3A_1003 {strides = array<i32>} : memref<1x32xi32, #tpu.memory_space<vmem>>, vector<1x32xi32>,
    %jit3A_1007 = arith.constant 1000000 : i32
    %eq3A_1008 = arith.constant 0 : i32
    %eq3A_1009 = arith.cmpi eq, %jit3A_1007, %eq3A_1008 : i32
    %jit3A_1010 = arith.constant 1 : i32
    %select_n3A_1011 = arith.select %eq3A_1009, %jit3A_1010, %jit3A_1007 : i32
    %rem3A_1012 = vector.broadcast %select_n3A_1011 : i32 to vector<1x32xi32>
    %rem3A_1013 = arith.remsi %select_n3A_973, %rem3A_1012 : vector<1x32xi32>
    %ne3A_1014 = arith.constant 0 : i32
    %ne3A_1015 = vector.broadcast %ne3A_1014 : i32 to vector<1x32xi32>
    %ne3A_1016 = arith.cmpi ne, %rem3A_1013, %ne3A_1015 : vector<1x32xi32>
    %lt3A = arith.constant 0 : i32
    %lt3A_1017 = vector.broadcast %lt3A : i32 to vector<1x32xi32>
    %lt3A_1018 = arith.cmpi slt, %rem3A_1013, %lt3A_1017 : vector<1x32xi32>
    %lt3A_1019 = arith.constant 0 : i32
    %lt3A_1020 = arith.cmpi slt, %select_n3A_1011, %lt3A_1019 : i32
    %ne3A_1021 = vector.broadcast %lt3A_1020 : i1 to vector<1x32xi1>
    %ne3A_1022 = vector.broadcast %ne3A_1021 : vector<1x32xi1> to vector<1x32xi1>
    %ne3A_1023 = arith.xori %lt3A_1018, %ne3A_1022 : vector<1x32xi1>
    %and3A_1024 = arith.andi %ne3A_1023, %ne3A_1016 : vector<1x32xi1>
    %add3A_1025 = vector.broadcast %select_n3A_1011 : i32 to vector<1x32xi32>
    %add3A_1026 = arith.addi %rem3A_1013, %add3A_1025 : vector<1x32xi32>
    %select_n3A_1027 = arith.select %and3A_1024, %add3A_1026, %rem3A_1013 : vector<1x32xi1>, vector<1x32xi32>
    %swap3A_1028 = arith.constant 0 : index
    %swap3A_1029 = arith.constant 0 : index
    %swap3A_1030 = vector.load %arg6[%swap3A_1028, %swap3A_1029] : memref<1x32xi32, #tpu.memory_space<vmem>>, vector<1x32xi32>
    tpu.vector_store %arg6[%swap3A_1028, %swap3A_1029], %select_n3A_1027 {strides = array<i32>} : memref<1x32xi32, #tpu.memory_space<vmem>>, vector<1x32xi32>,
    return
  }
}

</mosaic_0001>

<sc_bundles>
// kernel: kernel.4.cloned.1.call-start
scs
__scs_entry_jumppad:
0x0: {  	(pc) =	sbr.rel $0x88, $3  }
0x1: {  	(tag) =	ssettag $0x0;
	lr =	simm.s32 $0x1  }
0x2: {  	[smem:$0x3F9F] =	sst lr;
	_ =	strace $0xD0000000  }
0x3: {  	_ = 	snop  }
0x4: {  	_ = 	snop  }
0x5: {  	_ = 	snop  }
0x6: {  	_ = 	snop  }
0x7: {  	_ = 	snop  }
__scs_overlays_trampoline_lowered:
0x8: {  	[smem:$0x3FAE] =	sst s0  }
0x9: {  	[smem:$0x3FAF] =	sst s1  }
0xa: {  	[smem:$0x3FB0] =	sst s2  }
0xb: {  	[smem:$0x3FB1] =	sst s3  }
0xc: {  	[smem:$0x3FB2] =	sst s4  }
0xd: {  	[smem:$0x3FB3] =	sst s5  }
0xe: {  	[smem:$0x3FB4] =	sst s6  }
0xf: {  	[smem:$0x3FB5] =	sst s7  }
0x10: {  	[smem:$0x3FB6] =	sst s8  }
0x11: {  	[smem:$0x3FB7] =	sst s9;
	s0 =	simm.s32 @!p0 $0x0  }
0x12: {  	s1 =	sld [smem:$0x3F9D];
	s0 =	simm.s32 @p0 $0x1  }
0x13: {  	[smem:$0x3FB8] =	sst s0;
	s0 =	simm.s32 @!p1 $0x0  }
0x14: {  	s2 =	sld [smem:$0x3F9C];
	s0 =	simm.s32 @p1 $0x1  }
0x15: {  	[smem:$0x3FB9] =	sst s0;
	s0 =	simm.s32 @!p2 $0x0  }
0x16: {  	s3 =	sld [smem:$0x3FDB];
	s0 =	simm.s32 @p2 $0x1  }
0x17: {  	s4 =	simm.s32 $0x1BF5;
	[smem:$0x3FBB] =	sst s0  }
0x18: {  	s0 =	sld [smem:$0x3F9E];
	_ =	swait.ge [sflag:s4], $0x0  }
0x19: {  	s7 =	sld [smem:$0x3F9F]  }
0x1a: {  	s8 =	sadd.s32 $0xFFFFE003, lr  }
0x1b: {  	s9 =	sadd.s32 $0xFFFFFEF7, lr;
	s5 =	simm.s32 $0xFFFFFFFF;
	p2 =	slt.u32 s8, $0xFFFFF086  }
0x1c: {  	p1 =	slt.u32 s9, $0xF7A;
	s5 =	simm.s32 @!p2 $0x0  }
0x1d: {  	s5 =	simm.s32 @p1 $0x1;
	p0 =	seq.s32 s7, s2  }
0x1e: {  	s7 =	smul.u32 @!p0 $0xF7A, s2;
	p2 =	seq.s32 @!p0 s5, $0x0  }
0x1f: {  	s9 =	smul.u32 $0xF7A, s1;
	s8 =	simm.s32 @!p0 $0x1BF5;
	p2 =	por !p2, p0  }
0x20: {  	[sflag:s8] =	ssyncset.s32 @!p0 $0xFFFFF086;
	s6 =	sadd.s32 @!p0 s3, s7;
	s7 =	simm.s32 @!p0 $0x108  }
0x21: {  	s3 =	sadd.s32 s3, s9;
	s6 =	sadd.s32 @!p0 $0x88, s6;
	s7 =	simm.s32 @p2 $0x1082  }
0x22: {  	[simem:s7], [sflag:s8] =	dma.local @!p0 [hbm:s6], $0xF7A  }
0x23: {  	s9 =	sor.u32 $0xD0000000, s2;
	s6 =	simm.s32 $0x108;
	_ =	swait.ge @!p0 [sflag:s8], $0x0  }
0x24: {  	s3 =	sadd.s32 $0x88, s3;
	s6 =	simm.s32 @!p1 $0x1082;
	[sflag:s4] =	ssyncset.s32 $0xFFFFF086  }
0x25: {  	[simem:s6], [sflag:s4] =	dma.local [hbm:s3], $0xF7A  }
0x26: {  	[smem:$0x3F9F] =	sst s1;
	(tag) =	ssettag s2;
	_ =	strace s9  }
0x27: {  	s1 =	sld [smem:$0x3FAF]  }
0x28: {  	s2 =	sld [smem:$0x3FB0]  }
0x29: {  	s4 =	sld [smem:$0x3FB2]  }
0x2a: {  	p0 =	seq.s32 s5, $0x0;
	s5 =	sld [smem:$0x3FB3]  }
0x2b: {  	s6 =	sld [smem:$0x3FB4]  }
0x2c: {  	s7 =	sld [smem:$0x3FB5]  }
0x2d: {  	s3 =	simm.s32 $0x108;
	s8 =	sld [smem:$0x3FB6]  }
0x2e: {  	s3 =	simm.s32 @!p0 $0x1082;
	s9 =	sld [smem:$0x3FB7]  }
0x2f: {  	lr =	sadd.s32 s0, s3;
	s0 =	sld [smem:$0x3FAE]  }
0x30: {  	s3 =	sld [smem:$0x3FB1]  }
0x31: {  	[smem:$0x3FBA] =	sst s10  }
0x32: {  	s10 =	sld [smem:$0x3FB8];
	_ =	sdelay $0x3  }
0x33: {  	p0 =	seq.s32 s10, $0x1;
	s10 =	sld [smem:$0x3FBA];
	_ =	sdelay $0x3  }
0x34: {  	[smem:$0x3FBA] =	sst s10  }
0x35: {  	s10 =	sld [smem:$0x3FB9];
	_ =	sdelay $0x3  }
0x36: {  	p1 =	seq.s32 s10, $0x1;
	s10 =	sld [smem:$0x3FBA];
	_ =	sdelay $0x3  }
0x37: {  	[smem:$0x3FBA] =	sst s10  }
0x38: {  	s10 =	sld [smem:$0x3FBB]  }
0x39: {  	_ = 	snop;
	(pc) =	sbr.ind lr, $3  }
0x3a: {  	_ = 	snop  }
0x3b: {  	_ = 	snop  }
0x3c: {  	p2 =	seq.s32 s10, $0x1;
	s10 =	sld [smem:$0x3FBA]  }
0x3d: {  	_ =	shalt  }
0x3e: {  	_ =	shalt  }
0x3f: {  	_ =	shalt  }
0x40: {  	_ =	shalt  }
0x41: {  	_ =	shalt  }
0x42: {  	_ =	shalt  }
0x43: {  	_ =	shalt  }
0x44: {  	_ =	shalt  }
0x45: {  	_ =	shalt  }
0x46: {  	_ =	shalt  }
0x47: {  	_ =	shalt  }
0x48: {  	_ =	shalt  }
0x49: {  	_ =	shalt  }
0x4a: {  	_ =	shalt  }
0x4b: {  	_ =	shalt  }
0x4c: {  	_ =	shalt  }
0x4d: {  	_ =	shalt  }
0x4e: {  	_ =	shalt  }
0x4f: {  	_ =	shalt  }
0x50: {  	_ =	shalt  }
0x51: {  	_ =	shalt  }
0x52: {  	_ =	shalt  }
0x53: {  	_ =	shalt  }
0x54: {  	_ =	shalt  }
0x55: {  	_ =	shalt  }
0x56: {  	_ =	shalt  }
0x57: {  	_ =	shalt  }
0x58: {  	_ =	shalt  }
0x59: {  	_ =	shalt  }
0x5a: {  	_ =	shalt  }
0x5b: {  	_ =	shalt  }
0x5c: {  	_ =	shalt  }
0x5d: {  	_ =	shalt  }
0x5e: {  	_ =	shalt  }
0x5f: {  	_ =	shalt  }
0x60: {  	_ =	shalt  }
0x61: {  	_ =	shalt  }
0x62: {  	_ =	shalt  }
0x63: {  	_ =	shalt  }
0x64: {  	_ =	shalt  }
0x65: {  	_ =	shalt  }
0x66: {  	_ =	shalt  }
0x67: {  	_ =	shalt  }
0x68: {  	_ =	shalt  }
0x69: {  	_ =	shalt  }
0x6a: {  	_ =	shalt  }
0x6b: {  	_ =	shalt  }
0x6c: {  	_ =	shalt  }
0x6d: {  	_ =	shalt  }
0x6e: {  	_ =	shalt  }
0x6f: {  	_ =	shalt  }
0x70: {  	_ =	shalt  }
0x71: {  	_ =	shalt  }
0x72: {  	_ =	shalt  }
0x73: {  	_ =	shalt  }
0x74: {  	_ =	shalt  }
0x75: {  	_ =	shalt  }
0x76: {  	_ =	shalt  }
0x77: {  	_ =	shalt  }
0x78: {  	_ =	shalt  }
0x79: {  	_ =	shalt  }
0x7a: {  	_ =	shalt  }
0x7b: {  	_ =	shalt  }
0x7c: {  	_ =	shalt  }
0x7d: {  	_ =	shalt  }
0x7e: {  	_ =	shalt  }
0x7f: {  	_ =	shalt  }
0x80: {  	_ =	shalt  }
0x81: {  	_ =	shalt  }
0x82: {  	_ =	shalt  }
0x83: {  	_ =	shalt  }
0x84: {  	_ =	shalt  }
0x85: {  	_ =	shalt  }
0x86: {  	_ =	shalt  }
0x87: {  	_ =	shalt  }
.Lfunc_end0:
.L_simem_size_0:
called_computation_lowered:
.L_overlay_start_0:
0x88: {  	s2 =	sld [smem:$0x3FD9]  }
0x89: {  	s3 =	sld [smem:$0x3FFE];
	_ =	sdelay $0x1  }
0x8a: {  	s1 =	srdreg.scid  }
0x8b: {  	s0 =	sand.u32 $0x1, s1  }
0x8c: {  	s16 =	sshll.u32 s0, $0xA;
	s2 =	sadd.s32 s3, s2  }
0x8d: {  	s2 =	sadd.s32 s2, s16  }
0x8e: {  	[smem:$0x3FC6] =	sst s2  }
0x8f: {  	_ = 	snop  }
0x90: {  	(tm) =	ssettm $0x1  }
0x91: {  	s17 =	sld [smem:$0x3FFB];
	_ =	sdelay $0x3  }
0x92: {  	_ =	strace s17  }
0x93: {  	s2 =	sld [smem:$0x3FFC];
	_ =	sdelay $0x3  }
0x94: {  	_ =	strace s2  }
0x95: {  	s2 =	sld [smem:$0x3FFD];
	_ =	sdelay $0x3  }
0x96: {  	_ =	strace s2  }
0x97: {  	_ =	strace $0x8FFFFFFF  }
0x98: {  	s18 =	sld [smem:$0x3FDB];
	_ =	sdelay $0x1  }
0x99: {  	s19 =	simm.s32 $_scs_section_size  }
0x9a: {  	s4 =	simm.s32 $_size__tile_overlayer_lowered;
	s5 =	simm.s32 $_tile_overlayer_lowered  }
0x9b: {  	s22 =	simm.s32 $0x1BFF;
	s21 =	sshll.u32 s5, $0x1;
	s2 =	sadd.s32 s19, s18  }
0x9c: {  	s6 =	simm.s32 $0x0;
	s20 =	sshll.u32 s4, $0x1;
	s4 =	sadd.s32 s21, s2  }
0x9d: {  	[timem:s6], [sflag:s22] =	dma.local [hbm:s4], s20  }
0x9e: {  	_ =	swait.ge [sflag:s22], s20  }
0x9f: {  	s3 =	ssub.s32 $0x0, s20;
	[sflag:s22] =	ssyncset.done $0x0  }
0xa0: {  	[sflag:s22] =	ssyncadd.s32 s3;
	_ =	sdelay $0x1  }
0xa1: {  	s23 =	simm.s32 $0x1B8B  }
0xa2: {  	_ =	swait.ge [sflag:s23], $0x1  }
0xa3: {  	[sflag:s23] =	ssyncset.done $0x0  }
0xa4: {  	s25 =	simm.s32 $0x1B8E;
	s24 =	sld [smem:$0x3FFE];
	[sflag:s23] =	ssyncadd.s32 $0xFFFFFFFF  }
0xa5: {  	s26 =	simm.s32 $execute0_lowered;
	[smem:$0x3FD2] =	sst s25  }
0xa6: {  	s4 =	sshll.u32 s26, $0x1;
	_ =	strace $0x80000046;
	[dreg:$0x1] =	wrdreg $0xFFFFFFFF  }
0xa7: {  	s28 =	simm.s32 $_size_execute0_lowered;
	s2 =	sadd.s32 s2, s4;
	[dreg:$0x0] =	wrdreg $0x0  }
0xa8: {  	s4 =	sshll.u32 s28, $0x1;
	[dreg:$0x2] =	wrdreg s2  }
0xa9: {  	[dreg:$0x3] =	wrdreg s4  }
0xaa: {  	[dreg:$0x4] =	wrdreg $0xC0  }
0xab: {  	_ =	task [dreg:s6], $0x5FFFF  }
0xac: {  	[dreg:$0x1] =	wrdreg $0xFFFFFFFF  }
0xad: {  	[dreg:$0x0] =	wrdreg $0x60  }
0xae: {  	[dreg:$0x2] =	wrdreg s24  }
0xaf: {  	[dreg:$0x3] =	wrdreg $0x9  }
0xb0: {  	_ =	task.clear_ibuf [dreg:s6], $0x4FFFF;
	_ =	strace $0x90000046  }
0xb1: {  	s29 =	simm.s32 $0x9;
	_ =	strace $0x80000048  }
0xb2: {  	_ =	swait.ge [sflag:s29], $0x1  }
0xb3: {  	[sflag:s29] =	ssyncadd.s32 $0xFFFFFFFF  }
0xb4: {  	_ =	strace $0x90000048  }
0xb5: {  	_ =	sfence  }
0xb6: {  	s30 =	sld [smem:$0x0];
	_ =	sdelay $0x2  }
0xb7: {  	s31 =	sshll.u32 s1, $0xD;
	s1 =	sshrl.u32 s1, $0x2  }
0xb8: {  	s3 =	sand.u32 $0x4000, s31;
	s1 =	sadd.s32 s1, s30  }
0xb9: {  	s0 =	sor.u32 s3, s0;
	s1 =	sshll.u32 s1, $0x11  }
0xba: {  	s0 =	sor.u32 s1, s0  }
0xbb: {  	s0 =	sadd.s32 $0x8F2B, s0  }
0xbc: {  	[sflag:s0] =	ssyncadd.remote.s32 $0x1  }
0xbd: {  	_ =	sfence.sel $0xFFFF  }
0xbe: {  	[dreg:$0x0] =	wrdreg $0xFFFFFFFF;
	(pc) =	sbr.abs _section_cstart, $3  }
0xbf: {  	[dreg:$0x1] =	wrdreg $0xFFFFFFFF  }
0xc0: {  	_ =	task.clear_ibuf [dreg:s6], $0x2FFFF;
	_ =	strace $0x9FFFFFFF  }
0xc1: {  	(tm) =	ssettm $0x7FFFFFFF  }
tec
execute0_lowered:
.L_overlay_start_1:
0x0: {  	(tag) =	ssettag $0x1  }
0x1: {  	s5 =	rddreg [dreg:$0x0]  }
0x2: {  	s0 =	rddreg [dreg:$0x1]  }
0x3: {  	s3 =	srdreg.scid;
	s1 =	stileid.u32  }
0x4: {  	s2 =	simm.s32 $0x0;
	s11 =	simm.s32 $0x1;
	s12 =	simm.s32 $0x2  }
0x5: {  	s13 =	simm.s32 $0x19000;
	s3 =	sand.u32 $0x1, s3;
	s4 =	sshll.u32 s1, $0x1  }
0x6: {  	s14 =	simm.s32 $0x3;
	s15 =	simm.s32 $0x19080;
	s6 =	sor.u32 s3, s4  }
0x7: {  	[smem:$0x7FF] =	sst s2;
	s7 =	ssub.s32 $0x2, s3;
	s3 =	smul.u32 $0xF4240, s6  }
.Ltmp0:
0x8: {  	s16 =	simm.s32 $0x0;
	_ =	strace $0x80000047;
	(pc) =	sbr.rel .LBB2_1-.Ltmp0, $4  }
0x9: {  	s4 =	sadd.s32 $0xA00, s5;
	s6 =	sshll.u32 s6, $0x2;
	s8 =	sshrl.u32 s7, $0x1  }
0xa: {  	s9 =	sadd.s32 s6, s5;
	s10 =	ssub.s32 s7, s8;
	s6 =	sadd.s32 $0x186A0, s3  }
0xb: {  	s31 =	sshrl.u32 s3, $0x3;
	s7 =	sadd.s32 $0x3D1400, s9;
	s8 =	sadd.s32 $0x3D1600, s9  }
0xc: {  	v2 =	vlaneseq.u32;
	s9 =	smax.u32 s10, $0x1;
	s10 =	simm.s32 $0xC380;
	s5 =	sadd.s32 s4, s31  }
.LBB2_45:
0xd: {  	_ =	swait.ge [sflag:s11], $0xC350  }
0xe: {  	[sflag:s11] =	ssyncset.done $0x0  }
0xf: {  	[sflag:s11] =	ssyncadd.s32 $0xFFFF3CB0  }
0x10: {  	[hbm4b:s7+s2] =	stream.linear.scatter [tilespmem:s13], [sflag:$0x3], $0x20, $0x38;
	[tilespmem:$0x19100] =	vst v63  }
0x11: {  	s16 =	sadd.s32 $0x1, s16;
	_ =	swait.ge [sflag:s14], $0x20  }
0x12: {  	p0 =	sne.s32 s16, s9;
	[sflag:s14] =	ssyncset.done $0x0  }
.Ltmp1:
0x13: {  	[sflag:s14] =	ssyncadd.s32 $0xFFFFFFE0;
	(pc) =	sbr.rel @!p0 .LBB2_46-.Ltmp1, $4  }
0x14: {  	[hbm4b:s8+s2] =	stream.linear.scatter [tilespmem:s15], [sflag:$0x3], $0x20, $0x38;
	[tilespmem:$0x19100] =	vst v63  }
0x15: {  	_ =	swait.ge [sflag:s14], $0x20  }
0x16: {  	[sflag:s14] =	ssyncset.done $0x0  }
0x17: {  	[sflag:s14] =	ssyncadd.s32 $0xFFFFFFE0  }
.LBB2_1:
0x18: {  	v0 =	vimm.f32 $-3.000000010e+38  }
0x19: {  	v1 =	vimm.s32 $0x7FFFFFFF;
	[tilespmem:$0x18F00] =	vst v0  }
0x1a: {  	[tilespmem:$0x18F80] =	vst v1  }
0x1b: {  	[tilespmem:$0x18F10] =	vst v0  }
0x1c: {  	[tilespmem:$0x18F90] =	vst v1  }
.Ltmp2:
0x1d: {  	[tilespmem:$0x18F20] =	vst v0;
	(pc) =	sbr.rel .LBB2_2-.Ltmp2, $4  }
0x1e: {  	[tilespmem:$0x18FA0] =	vst v1  }
0x1f: {  	s20 =	simm.f32 $-3.000000010e+38;
	[tilespmem:$0x18F30] =	vst v0  }
0x20: {  	s17 =	simm.s32 $0xC350;
	s18 =	simm.s32 $0x0;
	s19 =	simm.s32 $0x0;
	[tilespmem:$0x18FB0] =	vst v1  }
0x21: {  	[tilespmem:s2], [sflag:$0x1] =	stream.linear.gather [hbm4b:s5+s2], $0xC350, $0x38;
	[tilespmem:$0x19100] =	vst v63  }
.LBB2_44:
0x22: {  	s19 =	sadd.s32 $0x1, s19  }
0x23: {  	p0 =	sne.s32 s19, $0xA  }
.Ltmp3:
0x24: {  	_ = 	snop;
	(pc) =	sbr.rel @!p0 .LBB2_45-.Ltmp3, $2  }
0x25: {  	_ =	sdelay $0x2  }
0x26: {  	s18 =	sadd.s32 $0x186A0, s18;
	s17 =	sadd.s32 $0x186A0, s17  }
.LBB2_2:
0x27: {  	s22 =	smul.u32 $0x186A0, s19;
	_ =	sdelay $0x1  }
0x28: {  	s21 =	sadd.s32 s3, s22  }
0x29: {  	s21 =	sshrl.u32 s21, $0x3  }
0x2a: {  	s21 =	sadd.s32 s4, s21  }
0x2b: {  	s23 =	sadd.s32 $0x186A, s21;
	s21 =	simm.s32 $0x0  }
0x2c: {  	[tilespmem:s10], [sflag:$0x2] =	stream.linear.gather [hbm4b:s23+s21], $0xC350, $0x38;
	[tilespmem:$0x19100] =	vst v63  }
0x2d: {  	_ =	swait.ge [sflag:s11], $0xC350  }
0x2e: {  	[sflag:s11] =	ssyncset.done $0x0  }
0x2f: {  	[sflag:s11] =	ssyncadd.s32 $0xFFFF3CB0  }
0x30: {  	v3 =	vld [tilespmem:$0x0];
	_ =	sdelay $0x2  }
0x31: {  	v4 =	vor.u32 s22, v2  }
0x32: {  	vm0 =	vgt.u32 v4, $0x1  }
0x33: {  	v3 =	vnsel vm0, $0xFF61B1E6, v3  }
0x34: {  	s28 =	simm.s32 $0x320;
	[tilespmem:$0x0] =	vst v3  }
0x35: {  	v4 =	vld [tilespmem:s28+$0x190]  }
0x36: {  	v5 =	vld [tilespmem:s28+$0x1A0]  }
0x37: {  	v6 =	vld [tilespmem:s28+$0x1B0]  }
0x38: {  	v0 =	vld [tilespmem:s28+$0x220]  }
0x39: {  	v7 =	vld [tilespmem:s28+$0x1C0]  }
0x3a: {  	v10 =	vld [tilespmem:s28+$0x1D0]  }
0x3b: {  	v11 =	vld [tilespmem:s28+$0x1E0]  }
0x3c: {  	v12 =	vld [tilespmem:s28+$0x1F0]  }
0x3d: {  	v13 =	vld [tilespmem:s28+$0x200];
	[tilespmem:$0x1FF70] =	vst v0  }
0x3e: {  	v15 =	vld [tilespmem:s28+$0x230]  }
0x3f: {  	v0 =	vld [tilespmem:s28+$0x2A0]  }
0x40: {  	v16 =	vld [tilespmem:s28+$0x240]  }
0x41: {  	v17 =	vld [tilespmem:s28+$0x250]  }
0x42: {  	v18 =	vld [tilespmem:s28+$0x260]  }
0x43: {  	v19 =	vld [tilespmem:s28+$0x270]  }
0x44: {  	v20 =	vld [tilespmem:s28+$0x280];
	[tilespmem:$0x1FF80] =	vst v0  }
0x45: {  	v22 =	vld [tilespmem:s28+$0x2B0]  }
0x46: {  	s30 =	simm.s32 $0x190;
	v23 =	vld [tilespmem:s28+$0x2C0]  }
0x47: {  	s23 =	sand.u32 $0xFFD0, s30;
	v24 =	vld [tilespmem:s28+$0x2D0]  }
0x48: {  	v0 =	vld [tilespmem:s23+$0x80]  }
0x49: {  	v25 =	vld [tilespmem:s28+$0x2E0]  }
0x4a: {  	s29 =	simm.s32 $0x4B0;
	v26 =	vld [tilespmem:s28+$0x2F0]  }
0x4b: {  	s24 =	sand.u32 $0xFFF0, s29;
	v27 =	vld [tilespmem:s28+$0x300]  }
0x4c: {  	v28 =	vld [tilespmem:s24+$0x80]  }
0x4d: {  	v29 =	vld [tilespmem:s24+$0x100];
	[tilespmem:$0x1FFB0] =	vst v0  }
0x4e: {  	v0 =	vld [tilespmem:s23+$0x100];
	_ =	sdelay $0x3  }
0x4f: {  	s25 =	simm.s32 $0x320  }
0x50: {  	s25 =	sand.u32 $0xFFE0, s25;
	[tilespmem:$0x1FFC0] =	vst v0  }
0x51: {  	v0 =	vld [tilespmem:s25+$0x80];
	_ =	sdelay $0x4  }
0x52: {  	v32 =	vld [tilespmem:s24+$0x180];
	[tilespmem:$0x1FFE0] =	vst v0  }
0x53: {  	v0 =	vld [tilespmem:s25+$0x100];
	_ =	sdelay $0x4  }
0x54: {  	s31 =	sand.u32 $0xFFC0, s21;
	[tilespmem:$0x1FFF0] =	vst v0  }
0x55: {  	v0 =	vld [tilespmem:s31+$0x80]  }
0x56: {  	v4 =	vmax.f32 v4, v5  }
0x57: {  	v5 =	vmax.f32 v6, v7;
	v6 =	vmax.f32 v10, v11;
	v7 =	vmax.f32 v12, v13  }
0x58: {  	v4 =	vmax.f32 v4, v5;
	v5 =	vmax.f32 v6, v7;
	v6 =	vld [tilespmem:$0x1FF70]  }
0x59: {  	v7 =	vld [tilespmem:$0x1FF80]  }
0x5a: {  	[tilespmem:$0x1FF90] =	vst v0  }
0x5b: {  	v0 =	vld [tilespmem:s31+$0x100]  }
0x5c: {  	v11 =	vmax.f32 v15, v16;
	v12 =	vmax.f32 v17, v18;
	v15 =	vmax.f32 v19, v20  }
0x5d: {  	v12 =	vmax.f32 v12, v15;
	v16 =	vmax.f32 v22, v23;
	v17 =	vmax.f32 v24, v25  }
0x5e: {  	v19 =	vmax.f32 v26, v27;
	v6 =	vmax.f32 v28, v6;
	v7 =	vmax.f32 v29, v7  }
0x5f: {  	v6 =	vmax.f32 v6, v11;
	v7 =	vmax.f32 v7, v16;
	v11 =	vmax.f32 v17, v19  }
0x60: {  	v4 =	vmax.f32 v4, v5;
	v5 =	vmax.f32 v6, v12;
	v6 =	vmax.f32 v7, v11;
	v7 =	vld [tilespmem:$0x1FF90];
	[tilespmem:$0x1FFA0] =	vst v0  }
0x61: {  	v3 =	vld [tilespmem:s28+$0xFFFFFCF0]  }
0x62: {  	v35 =	vld [tilespmem:s28+$0xFFFFFD00]  }
0x63: {  	v36 =	vld [tilespmem:s28+$0xFFFFFD10]  }
0x64: {  	v37 =	vld [tilespmem:s28+$0xFFFFFD20]  }
0x65: {  	v38 =	vld [tilespmem:s28+$0xFFFFFD30]  }
0x66: {  	v39 =	vld [tilespmem:s28+$0xFFFFFD40]  }
0x67: {  	v40 =	vld [tilespmem:s28+$0xFFFFFD50]  }
0x68: {  	v41 =	vld [tilespmem:s28+$0xFFFFFD70]  }
0x69: {  	v42 =	vld [tilespmem:s28+$0xFFFFFD80]  }
0x6a: {  	v43 =	vld [tilespmem:s28+$0xFFFFFD90]  }
0x6b: {  	v44 =	vld [tilespmem:s28+$0xFFFFFDA0]  }
0x6c: {  	v45 =	vld [tilespmem:s28+$0xFFFFFDB0]  }
0x6d: {  	v46 =	vld [tilespmem:s28+$0xFFFFFDC0]  }
0x6e: {  	v47 =	vld [tilespmem:s28+$0xFFFFFDD0]  }
0x6f: {  	v48 =	vld [tilespmem:s28+$0xFFFFFDF0]  }
0x70: {  	v49 =	vld [tilespmem:s28+$0xFFFFFE00]  }
0x71: {  	v50 =	vld [tilespmem:s28+$0xFFFFFE10]  }
0x72: {  	v51 =	vld [tilespmem:s28+$0xFFFFFE20]  }
0x73: {  	v52 =	vld [tilespmem:s28+$0xFFFFFE30]  }
0x74: {  	v53 =	vld [tilespmem:s28+$0xFFFFFE40]  }
0x75: {  	v54 =	vld [tilespmem:s28+$0xFFFFFE50]  }
0x76: {  	v55 =	vld [tilespmem:s28+$0xFFFFFE70]  }
0x77: {  	v56 =	vld [tilespmem:s28+$0xFFFFFE80]  }
0x78: {  	v57 =	vld [tilespmem:s28+$0xFFFFFE90]  }
0x79: {  	v58 =	vld [tilespmem:s28+$0xFFFFFEA0]  }
0x7a: {  	v59 =	vld [tilespmem:s28+$0xFFFFFEB0]  }
0x7b: {  	v60 =	vld [tilespmem:s28+$0xFFFFFEC0]  }
0x7c: {  	v61 =	vld [tilespmem:s28+$0xFFFFFED0]  }
0x7d: {  	v62 =	vld [tilespmem:s28+$0xFFFFFEE0]  }
0x7e: {  	v63 =	vld [tilespmem:s28+$0xFFFFFF00]  }
0x7f: {  	v34 =	vld [tilespmem:s28+$0xFFFFFF10]  }
0x80: {  	v9 =	vld [tilespmem:s28+$0xFFFFFF20]  }
0x81: {  	v30 =	vld [tilespmem:s28+$0xFFFFFF90]  }
0x82: {  	v14 =	vld [tilespmem:s28+$0xFFFFFF30]  }
0x83: {  	v8 =	vld [tilespmem:s28+$0xFFFFFF40]  }
0x84: {  	v1 =	vld [tilespmem:s28+$0xFFFFFF50]  }
0x85: {  	v0 =	vld [tilespmem:s28+$0xFFFFFF60]  }
0x86: {  	v21 =	vld [tilespmem:s28+$0xFFFFFF80];
	[tilespmem:$0x1FFD0] =	vst v30  }
0x87: {  	v31 =	vld [tilespmem:s28+$0xFFFFFFA0]  }
0x88: {  	v33 =	vld [tilespmem:s28+$0xFFFFFFB0]  }
0x89: {  	v7 =	vmax.f32 v7, v41;
	v11 =	vmax.f32 v42, v43;
	v30 =	vld [tilespmem:s28+$0xFFFFFFC0]  }
0x8a: {  	v7 =	vmax.f32 v7, v11;
	v11 =	vmax.f32 v44, v45;
	v44 =	vmax.f32 v46, v47;
	v46 =	vld [tilespmem:$0x1FFA0]  }
0x8b: {  	v4 =	vmax.f32 v4, v5;
	v5 =	vmax.f32 v6, v32;
	v10 =	vld [tilespmem:s28+$0xFFFFFFD0]  }
0x8c: {  	v19 =	vmax.f32 v4, v5;
	v13 =	vld [tilespmem:s28+$0xFFFFFFE0]  }
0x8d: {  	v5 =	vmax.f32 v37, v38;
	v6 =	vmax.f32 v39, v40;
	v18 =	vld [tilespmem:s28+$0x0];
	v47 =	vmax.f32 v49, v50  }
0x8e: {  	v20 =	vld [tilespmem:s28+$0x10];
	v5 =	vmax.f32 v5, v6;
	v50 =	vmax.f32 v53, v54;
	v11 =	vmax.f32 v11, v44  }
0x8f: {  	v15 =	vld [tilespmem:s28+$0x20];
	v6 =	vmax.f32 v7, v11;
	v11 =	vmax.f32 v51, v52;
	v26 =	vmax.f32 v46, v48  }
0x90: {  	v16 =	vld [tilespmem:s28+$0x30];
	v11 =	vmax.f32 v11, v50;
	v7 =	vmax.f32 v26, v47  }
0x91: {  	v7 =	vmax.f32 v7, v11;
	v11 =	vld [tilespmem:$0x1FFB0]  }
0x92: {  	v12 =	vld [tilespmem:s28+$0x40]  }
0x93: {  	v17 =	vld [tilespmem:s28+$0x50]  }
0x94: {  	v22 =	vld [tilespmem:s28+$0x60]  }
0x95: {  	v43 =	vld [tilespmem:s28+$0x70]  }
0x96: {  	v9 =	vmax.f32 v34, v9;
	v8 =	vmax.f32 v14, v8;
	v14 =	vld [tilespmem:$0x1FFD0];
	v11 =	vmax.f32 v11, v63  }
0x97: {  	v9 =	vmax.f32 v11, v9;
	v11 =	vld [tilespmem:$0x1FFC0]  }
0x98: {  	v0 =	vmax.f32 v1, v0;
	v45 =	vld [tilespmem:s28+$0x90];
	v53 =	vmax.f32 v57, v58  }
0x99: {  	v49 =	vld [tilespmem:s28+$0xB0];
	v54 =	vmax.f32 v59, v60;
	v51 =	vmax.f32 v55, v56;
	v55 =	vmax.f32 v61, v62  }
0x9a: {  	v59 =	vld [tilespmem:s28+$0xE0];
	v0 =	vmax.f32 v8, v0;
	v57 =	vmax.f32 v51, v53;
	v58 =	vmax.f32 v54, v55  }
0x9b: {  	v60 =	vld [tilespmem:s28+$0xF0];
	v14 =	vmax.f32 v14, v31;
	v61 =	vmax.f32 v33, v30;
	v10 =	vmax.f32 v10, v13  }
0x9c: {  	v52 =	vld [tilespmem:s28+$0xC0];
	v26 =	vmax.f32 v57, v58;
	v0 =	vmax.f32 v9, v0;
	v11 =	vmax.f32 v11, v21  }
0x9d: {  	v56 =	vld [tilespmem:s28+$0xD0];
	v9 =	vmax.f32 v11, v14;
	v11 =	vmax.f32 v61, v10;
	v10 =	vmax.f32 v26, v0  }
0x9e: {  	v48 =	vld [tilespmem:s28+$0xA0];
	v0 =	vmax.f32 v18, v20;
	v11 =	vmax.f32 v9, v11;
	v9 =	vmax.f32 v15, v16  }
0x9f: {  	v0 =	vmax.f32 v0, v9;
	v9 =	vld [tilespmem:$0x1FFE0]  }
0xa0: {  	v1 =	vld [tilespmem:s28+$0x110]  }
0xa1: {  	v8 =	vld [tilespmem:s28+$0x120]  }
0xa2: {  	v62 =	vld [tilespmem:s28+$0x140]  }
0xa3: {  	v13 =	vld [tilespmem:s28+$0x130];
	v63 =	vmax.f32 v59, v60;
	v14 =	vmax.f32 v12, v17  }
0xa4: {  	v18 =	vld [tilespmem:s28+$0x150];
	v17 =	vmax.f32 v48, v49;
	v20 =	vmax.f32 v52, v56;
	v16 =	vmax.f32 v9, v45  }
0xa5: {  	v16 =	vmax.f32 v16, v17;
	v17 =	vmax.f32 v20, v63;
	v20 =	vld [tilespmem:$0x1FFF0]  }
0xa6: {  	v12 =	vld [tilespmem:s28+$0x160]  }
0xa7: {  	v15 =	vmax.f32 v22, v43;
	v9 =	vld [tilespmem:s28+$0x170]  }
0xa8: {  	v15 =	vmax.f32 v14, v15;
	v14 =	vld [tilespmem:s28+$0xFFFFFCE0]  }
0xa9: {  	v4 =	vmax.f32 v35, v36;
	v0 =	vmax.f32 v0, v15;
	v15 =	vld [tilespmem:s23+$0x180]  }
0xaa: {  	s22 =	simm.s32 $0x18720;
	v16 =	vmax.f32 v16, v17;
	v17 =	vmax.f32 v8, v13;
	v13 =	vld [tilespmem:s25+$0x180];
	v1 =	vmax.f32 v20, v1  }
0xab: {  	s24 =	simm.s32 $0x960;
	s23 =	simm.s32 $0x0;
	v18 =	vmax.f32 v62, v18;
	[tilespmem:s22+$0x10] =	vst v19;
	v8 =	vmax.f32 v0, v16;
	v16 =	vld [tilespmem:s31+$0x180];
	v17 =	vmax.f32 v1, v17  }
.LBB2_3:
0xac: {  	v0 =	vld [tilespmem:s24+$0x190];
	v1 =	vmax.f32 v12, v9  }
0xad: {  	v9 =	vld [tilespmem:s24+$0x1A0];
	v3 =	vmax.f32 v14, v3;
	v1 =	vmax.f32 v18, v1  }
0xae: {  	v12 =	vld [tilespmem:s24+$0x1B0];
	v3 =	vmax.f32 v3, v4;
	v4 =	vmax.f32 v11, v15;
	v1 =	vmax.f32 v17, v1  }
0xaf: {  	v14 =	vld [tilespmem:s24+$0x1C0];
	v3 =	vmax.f32 v3, v5;
	v4 =	vmax.f32 v10, v4;
	v1 =	vmax.f32 v1, v13  }
0xb0: {  	v5 =	vld [tilespmem:s24+$0x1D0];
	v3 =	vmax.f32 v3, v6;
	v6 =	vmax.f32 v7, v16;
	[tilespmem:s22+$0xFFFFFFF0] =	vst v4;
	v1 =	vmax.f32 v8, v1  }
0xb1: {  	v4 =	vld [tilespmem:s24+$0x1E0];
	v3 =	vmax.f32 v3, v6;
	[tilespmem:s22+$0x0] =	vst v1  }
0xb2: {  	v1 =	vld [tilespmem:s24+$0x1F0];
	[tilespmem:s22+$0xFFFFFFE0] =	vst v3  }
0xb3: {  	v3 =	vld [tilespmem:s24+$0x200]  }
0xb4: {  	v6 =	vld [tilespmem:s24+$0x220]  }
0xb5: {  	v7 =	vld [tilespmem:s24+$0x230]  }
0xb6: {  	v8 =	vld [tilespmem:s24+$0x240]  }
0xb7: {  	v13 =	vld [tilespmem:s24+$0x250]  }
0xb8: {  	v15 =	vld [tilespmem:s24+$0x260]  }
0xb9: {  	v16 =	vld [tilespmem:s24+$0x270]  }
0xba: {  	v17 =	vld [tilespmem:s24+$0x280]  }
0xbb: {  	v18 =	vld [tilespmem:s24+$0x2A0]  }
0xbc: {  	v19 =	vld [tilespmem:s24+$0x2B0]  }
0xbd: {  	v20 =	vld [tilespmem:s24+$0x2C0]  }
0xbe: {  	v21 =	vld [tilespmem:s24+$0x2D0]  }
0xbf: {  	s21 =	sadd.s32 $0x640, s21;
	v22 =	vld [tilespmem:s24+$0x2E0]  }
0xc0: {  	s25 =	sadd.s32 $0x190, s21;
	s28 =	sadd.s32 $0x320, s21;
	s29 =	sadd.s32 $0x4B0, s21;
	v23 =	vld [tilespmem:s24+$0x2F0]  }
0xc1: {  	s23 =	sadd.s32 $0x4, s23;
	s26 =	sand.u32 $0xFFD0, s25;
	s29 =	sand.u32 $0xFFF0, s29;
	v24 =	vld [tilespmem:s24+$0x300]  }
0xc2: {  	p0 =	slt.u32 s23, $0x78;
	s25 =	sand.u32 $0xFFC0, s21;
	s28 =	sand.u32 $0xFFE0, s28;
	v25 =	vld [tilespmem:s29+$0x80]  }
0xc3: {  	v26 =	vld [tilespmem:s29+$0x100]  }
0xc4: {  	v0 =	vmax.f32 v0, v9;
	v12 =	vmax.f32 v12, v14;
	v4 =	vmax.f32 v5, v4;
	v11 =	vld [tilespmem:s26+$0x80]  }
0xc5: {  	v1 =	vmax.f32 v1, v3;
	v3 =	vmax.f32 v7, v8;
	v5 =	vmax.f32 v13, v15;
	v10 =	vld [tilespmem:s26+$0x100]  }
0xc6: {  	v13 =	vmax.f32 v16, v17;
	v14 =	vmax.f32 v19, v20;
	v15 =	vmax.f32 v21, v22;
	v7 =	vld [tilespmem:s29+$0x180]  }
0xc7: {  	v0 =	vmax.f32 v0, v12;
	v1 =	vmax.f32 v4, v1;
	v16 =	vmax.f32 v23, v24;
	v9 =	vld [tilespmem:s28+$0x80]  }
0xc8: {  	v5 =	vmax.f32 v5, v13;
	v4 =	vmax.f32 v25, v6;
	v8 =	vld [tilespmem:s28+$0x100];
	v6 =	vmax.f32 v26, v18  }
0xc9: {  	v3 =	vmax.f32 v4, v3;
	v12 =	vld [tilespmem:s25+$0x80];
	v4 =	vmax.f32 v6, v14;
	v6 =	vmax.f32 v15, v16  }
0xca: {  	v0 =	vmax.f32 v0, v1;
	v1 =	vmax.f32 v3, v5;
	v13 =	vld [tilespmem:s25+$0x100];
	v4 =	vmax.f32 v4, v6  }
0xcb: {  	v0 =	vmax.f32 v0, v1;
	v3 =	vld [tilespmem:s24+$0xFFFFFCF0];
	v1 =	vmax.f32 v4, v7  }
0xcc: {  	s22 =	sadd.s32 $0x40, s22;
	v4 =	vld [tilespmem:s24+$0xFFFFFD00];
	v0 =	vmax.f32 v0, v1  }
0xcd: {  	v1 =	vld [tilespmem:s24+$0xFFFFFD10];
	[tilespmem:s22+$0x10] =	vst v0  }
0xce: {  	v0 =	vld [tilespmem:s24+$0xFFFFFD20]  }
0xcf: {  	v5 =	vld [tilespmem:s24+$0xFFFFFD30]  }
0xd0: {  	v6 =	vld [tilespmem:s24+$0xFFFFFD40]  }
0xd1: {  	v7 =	vld [tilespmem:s24+$0xFFFFFD50]  }
0xd2: {  	v14 =	vld [tilespmem:s24+$0xFFFFFD70];
	v4 =	vmax.f32 v4, v1  }
0xd3: {  	v1 =	vld [tilespmem:s24+$0xFFFFFD80]  }
0xd4: {  	v15 =	vld [tilespmem:s24+$0xFFFFFD90];
	v0 =	vmax.f32 v0, v5  }
0xd5: {  	v16 =	vld [tilespmem:s24+$0xFFFFFDA0]  }
0xd6: {  	v17 =	vld [tilespmem:s24+$0xFFFFFDB0];
	v5 =	vmax.f32 v6, v7  }
0xd7: {  	v6 =	vld [tilespmem:s24+$0xFFFFFDC0];
	v7 =	vmax.f32 v12, v14;
	v5 =	vmax.f32 v0, v5  }
0xd8: {  	v0 =	vld [tilespmem:s24+$0xFFFFFDD0]  }
0xd9: {  	v12 =	vld [tilespmem:s24+$0xFFFFFDF0];
	v1 =	vmax.f32 v1, v15  }
0xda: {  	v14 =	vld [tilespmem:s24+$0xFFFFFE00];
	v1 =	vmax.f32 v7, v1  }
0xdb: {  	v7 =	vld [tilespmem:s24+$0xFFFFFE10];
	v15 =	vmax.f32 v16, v17  }
0xdc: {  	v16 =	vld [tilespmem:s24+$0xFFFFFE20]  }
0xdd: {  	v17 =	vld [tilespmem:s24+$0xFFFFFE30];
	v0 =	vmax.f32 v6, v0  }
0xde: {  	v18 =	vld [tilespmem:s24+$0xFFFFFE40];
	v12 =	vmax.f32 v13, v12;
	v0 =	vmax.f32 v15, v0  }
0xdf: {  	v13 =	vld [tilespmem:s24+$0xFFFFFE50];
	v6 =	vmax.f32 v1, v0  }
0xe0: {  	v0 =	vmax.f32 v14, v7;
	v1 =	vld [tilespmem:s24+$0xFFFFFE70]  }
0xe1: {  	v0 =	vmax.f32 v12, v0;
	v12 =	vld [tilespmem:s24+$0xFFFFFE80]  }
0xe2: {  	v7 =	vmax.f32 v16, v17;
	v14 =	vld [tilespmem:s24+$0xFFFFFE90]  }
0xe3: {  	v15 =	vld [tilespmem:s24+$0xFFFFFEA0]  }
0xe4: {  	v13 =	vmax.f32 v18, v13;
	v16 =	vld [tilespmem:s24+$0xFFFFFEB0]  }
0xe5: {  	v7 =	vmax.f32 v7, v13;
	v13 =	vld [tilespmem:s24+$0xFFFFFEC0]  }
0xe6: {  	v7 =	vmax.f32 v0, v7;
	v0 =	vld [tilespmem:s24+$0xFFFFFED0];
	v1 =	vmax.f32 v1, v12  }
0xe7: {  	v12 =	vld [tilespmem:s24+$0xFFFFFEE0]  }
0xe8: {  	v17 =	vld [tilespmem:s24+$0xFFFFFF00];
	v14 =	vmax.f32 v14, v15  }
0xe9: {  	v15 =	vld [tilespmem:s24+$0xFFFFFF10];
	v1 =	vmax.f32 v1, v14  }
0xea: {  	v14 =	vld [tilespmem:s24+$0xFFFFFF20];
	v13 =	vmax.f32 v16, v13  }
0xeb: {  	v16 =	vld [tilespmem:s24+$0xFFFFFF30]  }
0xec: {  	v18 =	vld [tilespmem:s24+$0xFFFFFF40];
	v0 =	vmax.f32 v0, v12  }
0xed: {  	v12 =	vld [tilespmem:s24+$0xFFFFFF50];
	v11 =	vmax.f32 v11, v17;
	v0 =	vmax.f32 v13, v0  }
0xee: {  	v13 =	vld [tilespmem:s24+$0xFFFFFF60];
	v0 =	vmax.f32 v1, v0  }
0xef: {  	v1 =	vld [tilespmem:s24+$0xFFFFFF80];
	v14 =	vmax.f32 v15, v14  }
0xf0: {  	v15 =	vld [tilespmem:s24+$0xFFFFFF90];
	v11 =	vmax.f32 v11, v14  }
0xf1: {  	v14 =	vld [tilespmem:s24+$0xFFFFFFA0];
	v16 =	vmax.f32 v16, v18  }
0xf2: {  	v17 =	vld [tilespmem:s24+$0xFFFFFFB0]  }
0xf3: {  	v18 =	vld [tilespmem:s24+$0xFFFFFFC0];
	v12 =	vmax.f32 v12, v13  }
0xf4: {  	v13 =	vld [tilespmem:s24+$0xFFFFFFD0];
	v1 =	vmax.f32 v10, v1;
	v10 =	vmax.f32 v16, v12  }
0xf5: {  	v12 =	vld [tilespmem:s24+$0xFFFFFFE0];
	v10 =	vmax.f32 v11, v10  }
0xf6: {  	v11 =	vmax.f32 v15, v14;
	v10 =	vmax.f32 v0, v10;
	v0 =	vld [tilespmem:s24+$0x0]  }
0xf7: {  	v1 =	vmax.f32 v1, v11;
	v14 =	vld [tilespmem:s24+$0x10]  }
0xf8: {  	v11 =	vmax.f32 v17, v18;
	v15 =	vld [tilespmem:s24+$0x20]  }
0xf9: {  	v16 =	vld [tilespmem:s24+$0x30]  }
0xfa: {  	v12 =	vmax.f32 v13, v12;
	v13 =	vld [tilespmem:s24+$0x40]  }
0xfb: {  	v11 =	vmax.f32 v11, v12;
	v12 =	vld [tilespmem:s24+$0x50]  }
0xfc: {  	v11 =	vmax.f32 v1, v11;
	v1 =	vld [tilespmem:s24+$0x60];
	v0 =	vmax.f32 v0, v14  }
0xfd: {  	v14 =	vld [tilespmem:s24+$0x70]  }
0xfe: {  	v17 =	vld [tilespmem:s24+$0x90];
	v15 =	vmax.f32 v15, v16  }
0xff: {  	v16 =	vld [tilespmem:s24+$0xA0];
	v0 =	vmax.f32 v0, v15  }
0x100: {  	v15 =	vld [tilespmem:s24+$0xB0];
	v12 =	vmax.f32 v13, v12  }
0x101: {  	v13 =	vld [tilespmem:s24+$0xC0]  }
0x102: {  	v18 =	vld [tilespmem:s24+$0xD0];
	v1 =	vmax.f32 v1, v14  }
0x103: {  	v14 =	vld [tilespmem:s24+$0xE0];
	v9 =	vmax.f32 v9, v17;
	v1 =	vmax.f32 v12, v1  }
0x104: {  	v12 =	vld [tilespmem:s24+$0xF0];
	v0 =	vmax.f32 v0, v1  }
0x105: {  	v1 =	vld [tilespmem:s24+$0x110];
	v15 =	vmax.f32 v16, v15  }
0x106: {  	v16 =	vld [tilespmem:s24+$0x120];
	v15 =	vmax.f32 v9, v15  }
0x107: {  	v17 =	vld [tilespmem:s24+$0x130];
	v9 =	vmax.f32 v13, v18  }
0x108: {  	v18 =	vld [tilespmem:s24+$0x140]  }
0x109: {  	v19 =	vld [tilespmem:s24+$0x150];
	v13 =	vmax.f32 v14, v12  }
0x10a: {  	v12 =	vld [tilespmem:s24+$0x160];
	v1 =	vmax.f32 v8, v1;
	v8 =	vmax.f32 v9, v13  }
.Ltmp4:
0x10b: {  	v9 =	vld [tilespmem:s24+$0x170];
	v8 =	vmax.f32 v15, v8;
	(pc) =	sbr.rel @p0 .LBB2_3-.Ltmp4, $4  }
0x10c: {  	v14 =	vld [tilespmem:s24+$0xFFFFFCE0];
	v13 =	vmax.f32 v16, v17;
	v8 =	vmax.f32 v0, v8  }
0x10d: {  	v15 =	vld [tilespmem:s26+$0x180];
	v17 =	vmax.f32 v1, v13  }
0x10e: {  	v13 =	vld [tilespmem:s28+$0x180];
	v18 =	vmax.f32 v18, v19  }
0x10f: {  	s24 =	sadd.s32 $0x640, s24;
	v16 =	vld [tilespmem:s25+$0x180]  }
0x110: {  	v0 =	vmax.f32 v12, v9  }
0x111: {  	v1 =	vmax.f32 v14, v3;
	v0 =	vmax.f32 v18, v0  }
0x112: {  	v1 =	vmax.f32 v1, v4;
	v3 =	vmax.f32 v11, v15;
	v0 =	vmax.f32 v17, v0  }
0x113: {  	v1 =	vmax.f32 v1, v5;
	v3 =	vmax.f32 v10, v3;
	v0 =	vmax.f32 v0, v13  }
0x114: {  	v1 =	vmax.f32 v1, v6;
	v4 =	vmax.f32 v7, v16;
	[tilespmem:s22+$0xFFFFFFF0] =	vst v3;
	v0 =	vmax.f32 v8, v0  }
0x115: {  	v1 =	vmax.f32 v1, v4;
	[tilespmem:s22+$0x0] =	vst v0  }
0x116: {  	[tilespmem:s22+$0xFFFFFFE0] =	vst v1  }
0x117: {  	v0 =	vld [tilespmem:$0xC1C0]  }
0x118: {  	v1 =	vld [tilespmem:$0xC1D0]  }
0x119: {  	v3 =	vld [tilespmem:$0xC1E0]  }
0x11a: {  	v4 =	vld [tilespmem:$0xC1F0]  }
0x11b: {  	v5 =	vld [tilespmem:$0xC200]  }
0x11c: {  	v6 =	vld [tilespmem:$0xC210]  }
0x11d: {  	v7 =	vld [tilespmem:$0xC220]  }
0x11e: {  	v47 =	vld [tilespmem:$0xC230]  }
0x11f: {  	v48 =	vld [tilespmem:$0xC240]  }
0x120: {  	v49 =	vld [tilespmem:$0xC250]  }
0x121: {  	v50 =	vld [tilespmem:$0xC260]  }
0x122: {  	v51 =	vld [tilespmem:$0xC270]  }
0x123: {  	v52 =	vld [tilespmem:$0xC280]  }
0x124: {  	v53 =	vld [tilespmem:$0xC290]  }
0x125: {  	v54 =	vld [tilespmem:$0xC2A0]  }
0x126: {  	v55 =	vld [tilespmem:$0xC2B0]  }
0x127: {  	v56 =	vld [tilespmem:$0xC2C0]  }
0x128: {  	v57 =	vld [tilespmem:$0xC2D0]  }
0x129: {  	v19 =	vld [tilespmem:$0xC2E0]  }
0x12a: {  	v20 =	vld [tilespmem:$0xC2F0]  }
0x12b: {  	v21 =	vld [tilespmem:$0xC300]  }
0x12c: {  	v22 =	vld [tilespmem:$0xC310]  }
0x12d: {  	v23 =	vld [tilespmem:$0xC320]  }
0x12e: {  	v24 =	vld [tilespmem:$0xC330];
	_ =	sdelay $0x1  }
0x12f: {  	v0 =	vmax.f32 v0, v1;
	v1 =	vmax.f32 v3, v4;
	v3 =	vmax.f32 v5, v6  }
0x130: {  	v4 =	vmax.f32 v7, v47;
	v5 =	vmax.f32 v48, v49;
	v6 =	vmax.f32 v50, v51  }
0x131: {  	v7 =	vld [tilespmem:$0xC340];
	v58 =	vmax.f32 v52, v53;
	v59 =	vmax.f32 v54, v55;
	v60 =	vmax.f32 v56, v57  }
0x132: {  	v61 =	vmax.f32 v19, v20;
	v62 =	vmax.f32 v21, v22;
	v63 =	vmax.f32 v23, v24  }
0x133: {  	v0 =	vmax.f32 v0, v1;
	v1 =	vmax.f32 v3, v4;
	v3 =	vmax.f32 v5, v6  }
0x134: {  	v4 =	vmax.f32 v58, v59;
	v5 =	vmax.f32 v60, v61;
	v6 =	vmax.f32 v62, v63  }
0x135: {  	v0 =	vmax.f32 v0, v1;
	v1 =	vmax.f32 v3, v4;
	v3 =	vmax.f32 v5, v6  }
0x136: {  	v0 =	vmax.f32 v0, v1;
	v1 =	vmax.f32 v3, v7  }
0x137: {  	v0 =	vmax.f32 v0, v1  }
0x138: {  	s31 =	simm.s32 $0x0;
	[tilespmem:$0x18EC0] =	vst v0  }
0x139: {  	s21 =	simm.s32 $0x40;
	v3 =	vimm.f32 $-3.000000010e+38;
	v4 =	vld [tilespmem:s31+$0x18700]  }
.LBB2_5:
0x13a: {  	p0 =	sne.s32 s21, $0x1F00  }
.Ltmp5:
0x13b: {  	_ = 	snop;
	(pc) =	sbr.rel @p0 .LBB2_5-.Ltmp5, $3  }
0x13c: {  	_ =	sdelay $0x1  }
0x13d: {  	s22 =	sshra.s32 s21, $0x2;
	s21 =	sadd.s32 $0x40, s21;
	v3 =	vmax.f32 v3, v4  }
0x13e: {  	v4 =	vld [tilespmem:s22+$0x18700]  }
0x13f: {  	_ =	sdelay $0x3  }
0x140: {  	v0 =	vmax.f32 v3, v4  }
0x141: {  	(v2sf) =	vpush v0, $0x0  }
0x142: {  	(v2sf) =	vpush v0, $0x1  }
0x143: {  	(v2sf) =	vpush v0, $0x2  }
0x144: {  	(v2sf) =	vpush v0, $0x3  }
0x145: {  	(v2sf) =	vpush v0, $0x4  }
0x146: {  	(v2sf) =	vpush v0, $0x5  }
0x147: {  	(v2sf) =	vpush v0, $0x6  }
0x148: {  	(v2sf) =	vpush v0, $0x7  }
0x149: {  	(v2sf) =	vpush v0, $0x8  }
0x14a: {  	(v2sf) =	vpush v0, $0x9  }
0x14b: {  	(v2sf) =	vpush v0, $0xA  }
0x14c: {  	(v2sf) =	vpush v0, $0xB  }
0x14d: {  	(v2sf) =	vpush v0, $0xC  }
0x14e: {  	(v2sf) =	vpush v0, $0xD;
	_ =	sdelay $0x1  }
0x14f: {  	(v2sf) =	vpush v0, $0xE;
	s21 =	spop (v2sf)  }
0x150: {  	(v2sf) =	vpush v0, $0xF;
	s22 =	spop (v2sf)  }
0x151: {  	s23 =	spop (v2sf)  }
0x152: {  	s21 =	smax.f32 s21, s22;
	s31 =	spop (v2sf)  }
0x153: {  	s21 =	smax.f32 s21, s23;
	s24 =	spop (v2sf)  }
0x154: {  	s21 =	smax.f32 s21, s31;
	s25 =	spop (v2sf)  }
0x155: {  	s21 =	smax.f32 s21, s24;
	s26 =	spop (v2sf)  }
0x156: {  	s21 =	smax.f32 s21, s25;
	s29 =	spop (v2sf)  }
0x157: {  	s21 =	smax.f32 s21, s26;
	s30 =	spop (v2sf)  }
0x158: {  	s21 =	smax.f32 s21, s29;
	s31 =	spop (v2sf)  }
0x159: {  	s21 =	smax.f32 s21, s30;
	s24 =	spop (v2sf)  }
0x15a: {  	s21 =	smax.f32 s21, s31;
	s25 =	spop (v2sf)  }
0x15b: {  	s21 =	smax.f32 s21, s24;
	s26 =	spop (v2sf)  }
0x15c: {  	s21 =	smax.f32 s21, s25;
	s29 =	spop (v2sf)  }
.Ltmp6:
0x15d: {  	s21 =	smax.f32 s21, s26;
	(pc) =	sbr.rel .LBB2_7-.Ltmp6, $4  }
0x15e: {  	s30 =	spop (v2sf);
	s21 =	smax.f32 s21, s29  }
0x15f: {  	s21 =	smax.f32 s21, s30;
	s31 =	spop (v2sf)  }
0x160: {  	s28 =	simm.f32 $3.000000010e+38;
	s23 =	simm.s32 $0x0;
	s22 =	smax.f32 s21, s31  }
0x161: {  	s24 =	simm.s32 $0xFFFFFFFF;
	s21 =	simm.s32 $0x0;
	p0 =	sgt.f32 s22, s20  }
.LBB2_8:
0x162: {  	s25 =	smov.u32 s22  }
.LBB2_18:
0x163: {  	p0 =	sgt.f32 s25, s20  }
0x164: {  	p1 =	slt.s32 s21, $0x20;
	s23 =	sadd.s32 $0x1, s23  }
0x165: {  	p0 =	por !p1, !p0;
	p1 =	sne.s32 s23, $0x20  }
.Ltmp7:
0x166: {  	_ = 	snop;
	(pc) =	sbr.rel @!p1 .LBB2_19-.Ltmp7, $2  }
0x167: {  	_ =	sdelay $0x2  }
0x168: {  	p0 =	por !p0, !p0  }
.LBB2_7:
.Ltmp8:
0x169: {  	(pc) =	sbr.rel @!p0 .LBB2_8-.Ltmp8, $1  }
0x16a: {  	_ =	sdelay $0x3  }
0x16b: {  	s25 =	simm.s32 $0x18700  }
0x16c: {  	v0 =	vld [tilespmem:s25+$0x0];
	_ =	sdelay $0x3  }
0x16d: {  	v3 =	vmov s22;
	s26 =	simm.s32 $0x0  }
0x16e: {  	v4 =	vimm.s32 $0x7FFFFFFF;
	s25 =	simm.s32 $0x1;
	v5 =	vmov s26;
	s26 =	simm.s32 $0x18710;
	vm0 =	veq.f32 v0, v3  }
.LBB2_10:
0x16f: {  	v0 =	vld [tilespmem:s26+$0x0];
	p0 =	sne.s32 s25, $0x7C;
	v1 =	vnsel vm0, $0x7FFFFFFF, v5;
	s29 =	smov.u32 s25;
	s25 =	sadd.s32 $0x1, s25  }
.Ltmp9:
0x170: {  	vm0 =	vlt.s32 v4, v1;
	(pc) =	sbr.rel @p0 .LBB2_10-.Ltmp9, $2  }
0x171: {  	v4 =	vsel vm0, v4, v1;
	_ =	sdelay $0x2  }
0x172: {  	s26 =	sadd.s32 $0x10, s26;
	v5 =	vmov s29;
	vm0 =	veq.f32 v0, v3  }
0x173: {  	v0 =	vnsel vm0, $0x7FFFFFFF, v5  }
0x174: {  	vm0 =	vlt.s32 v4, v0  }
0x175: {  	v0 =	vsel vm0, v4, v0  }
0x176: {  	(v2sf) =	vpush v0, $0x0  }
0x177: {  	(v2sf) =	vpush v0, $0x1;
	_ =	sdelay $0x1  }
0x178: {  	(v2sf) =	vpush v0, $0x2;
	_ =	sdelay $0x1  }
0x179: {  	(v2sf) =	vpush v0, $0x3;
	_ =	sdelay $0x1  }
0x17a: {  	(v2sf) =	vpush v0, $0x4;
	_ =	sdelay $0x1  }
0x17b: {  	(v2sf) =	vpush v0, $0x5;
	_ =	sdelay $0x1  }
0x17c: {  	(v2sf) =	vpush v0, $0x6;
	_ =	sdelay $0x1  }
0x17d: {  	(v2sf) =	vpush v0, $0x7;
	_ =	sdelay $0x1  }
0x17e: {  	s25 =	spop (v2sf);
	(v2sf) =	vpush v0, $0x8  }
0x17f: {  	s26 =	spop (v2sf)  }
0x180: {  	(v2sf) =	vpush v0, $0x9;
	p0 =	slt.s32 s25, s26  }
0x181: {  	s26 =	smov.u32 @p0 s25;
	s25 =	spop (v2sf)  }
0x182: {  	(v2sf) =	vpush v0, $0xA;
	p0 =	slt.s32 s26, s25  }
0x183: {  	s25 =	smov.u32 @p0 s26;
	s26 =	spop (v2sf)  }
0x184: {  	(v2sf) =	vpush v0, $0xB;
	p0 =	slt.s32 s25, s26  }
0x185: {  	s26 =	smov.u32 @p0 s25;
	s25 =	spop (v2sf)  }
0x186: {  	(v2sf) =	vpush v0, $0xC;
	p0 =	slt.s32 s26, s25  }
0x187: {  	s25 =	smov.u32 @p0 s26;
	s26 =	spop (v2sf)  }
0x188: {  	(v2sf) =	vpush v0, $0xD;
	p0 =	slt.s32 s25, s26  }
0x189: {  	s26 =	smov.u32 @p0 s25;
	s25 =	spop (v2sf)  }
0x18a: {  	(v2sf) =	vpush v0, $0xE;
	p0 =	slt.s32 s26, s25  }
0x18b: {  	s25 =	smov.u32 @p0 s26;
	s26 =	spop (v2sf)  }
0x18c: {  	(v2sf) =	vpush v0, $0xF;
	p0 =	slt.s32 s25, s26  }
0x18d: {  	s29 =	spop (v2sf);
	s26 =	smov.u32 @p0 s25  }
0x18e: {  	p0 =	slt.s32 s26, s29  }
0x18f: {  	s25 =	spop (v2sf);
	s29 =	smov.u32 @p0 s26  }
0x190: {  	p0 =	slt.s32 s29, s25  }
0x191: {  	s26 =	spop (v2sf);
	s25 =	smov.u32 @p0 s29  }
0x192: {  	p0 =	slt.s32 s25, s26  }
0x193: {  	s29 =	spop (v2sf);
	s26 =	smov.u32 @p0 s25  }
0x194: {  	p0 =	slt.s32 s26, s29  }
0x195: {  	s25 =	spop (v2sf);
	s29 =	smov.u32 @p0 s26  }
0x196: {  	p0 =	slt.s32 s29, s25  }
0x197: {  	s26 =	spop (v2sf);
	s25 =	smov.u32 @p0 s29  }
0x198: {  	p0 =	slt.s32 s25, s26  }
0x199: {  	s29 =	spop (v2sf);
	s26 =	smov.u32 @p0 s25  }
0x19a: {  	p0 =	slt.s32 s26, s29  }
0x19b: {  	s25 =	spop (v2sf);
	s29 =	smov.u32 @p0 s26  }
0x19c: {  	p0 =	slt.s32 s29, s25  }
0x19d: {  	s25 =	smov.u32 @p0 s29  }
0x19e: {  	s26 =	smul.u32 $0x190, s25;
	_ =	sdelay $0x1  }
0x19f: {  	v4 =	vmov s26;
	_ =	sdelay $0x3  }
0x1a0: {  	s31 =	simm.s32 $0x0  }
0x1a1: {  	p0 =	seq.f32 s22, s28;
	v7 =	vld.idx.msk [tilespmem:v4+s31+$0x0 ss:$0x1], $0xffff;
	_ =	sdelay $0x1  }
0x1a2: {  	s24 =	simm.s32 @!p0 $0xFFFFFFFF  }
0x1a3: {  	v5 =	vimm.s32 $0x7FFFFFFF;
	s28 =	simm.s32 $0x40;
	v6 =	vmov s24;
	s24 =	sadd.s32 s26, s18  }
.LBB2_12:
0x1a4: {  	s29 =	sshra.s32 s28, $0x2;
	p0 =	sne.s32 s28, $0x600;
	s28 =	sadd.s32 $0x40, s28;
	v0 =	vor.u32 s24, v2  }
.Ltmp10:
0x1a5: {  	vm0 =	veq.f32 v7, v3;
	v7 =	vld.idx.msk [tilespmem:v4+s29+$0x0 ss:$0x1], $0xffff;
	vm1 =	vgt.s32 v0, v6;
	(pc) =	sbr.rel @p0 .LBB2_12-.Ltmp10, $4  }
0x1a6: {  	vm0 =	vmand vm1, vm0  }
0x1a7: {  	v0 =	vnsel vm0, $0x7FFFFFFF, v0  }
0x1a8: {  	vm0 =	vlt.s32 v5, v0  }
0x1a9: {  	s24 =	sadd.s32 $0x10, s24;
	v5 =	vsel vm0, v5, v0  }
0x1aa: {  	v0 =	vor.u32 s24, v2  }
0x1ab: {  	vm0 =	veq.f32 v7, v3;
	vm1 =	vgt.s32 v0, v6  }
0x1ac: {  	vm0 =	vmand vm1, vm0  }
0x1ad: {  	v0 =	vnsel vm0, $0x7FFFFFFF, v0  }
0x1ae: {  	vm0 =	vlt.s32 v5, v0  }
0x1af: {  	v0 =	vsel vm0, v5, v0  }
0x1b0: {  	(v2sf) =	vpush v0, $0x0  }
0x1b1: {  	(v2sf) =	vpush v0, $0x1;
	_ =	sdelay $0x1  }
0x1b2: {  	(v2sf) =	vpush v0, $0x2;
	_ =	sdelay $0x1  }
0x1b3: {  	(v2sf) =	vpush v0, $0x3;
	_ =	sdelay $0x1  }
0x1b4: {  	(v2sf) =	vpush v0, $0x4;
	_ =	sdelay $0x1  }
0x1b5: {  	(v2sf) =	vpush v0, $0x5;
	_ =	sdelay $0x1  }
0x1b6: {  	(v2sf) =	vpush v0, $0x6;
	_ =	sdelay $0x1  }
0x1b7: {  	(v2sf) =	vpush v0, $0x7;
	_ =	sdelay $0x1  }
0x1b8: {  	s24 =	spop (v2sf);
	(v2sf) =	vpush v0, $0x8  }
0x1b9: {  	s28 =	spop (v2sf)  }
0x1ba: {  	(v2sf) =	vpush v0, $0x9;
	p0 =	slt.s32 s24, s28  }
0x1bb: {  	s28 =	smov.u32 @p0 s24;
	s24 =	spop (v2sf)  }
0x1bc: {  	p0 =	slt.s32 s28, s24  }
0x1bd: {  	(v2sf) =	vpush v0, $0xA;
	s29 =	spop (v2sf);
	s24 =	smov.u32 @p0 s28  }
0x1be: {  	p0 =	slt.s32 s24, s29  }
0x1bf: {  	(v2sf) =	vpush v0, $0xB;
	s29 =	smov.u32 @p0 s24;
	s24 =	spop (v2sf)  }
0x1c0: {  	p0 =	slt.s32 s29, s24  }
0x1c1: {  	(v2sf) =	vpush v0, $0xC;
	s28 =	spop (v2sf);
	s24 =	smov.u32 @p0 s29  }
0x1c2: {  	p0 =	slt.s32 s24, s28  }
0x1c3: {  	(v2sf) =	vpush v0, $0xD;
	s28 =	smov.u32 @p0 s24;
	s24 =	spop (v2sf)  }
0x1c4: {  	p0 =	slt.s32 s28, s24  }
0x1c5: {  	(v2sf) =	vpush v0, $0xE;
	s24 =	smov.u32 @p0 s28;
	s28 =	spop (v2sf)  }
0x1c6: {  	p0 =	slt.s32 s24, s28  }
0x1c7: {  	s28 =	smov.u32 @p0 s24;
	s24 =	spop (v2sf);
	(v2sf) =	vpush v0, $0xF  }
0x1c8: {  	p0 =	slt.s32 s28, s24  }
0x1c9: {  	s29 =	spop (v2sf);
	s24 =	smov.u32 @p0 s28;
	s28 =	sshra.s32 s21, $0x1F  }
0x1ca: {  	p0 =	slt.s32 s24, s29;
	s31 =	sshrl.u32 s28, $0x1C  }
0x1cb: {  	s29 =	smov.u32 @p0 s24;
	s24 =	sadd.s32 s31, s21  }
0x1cc: {  	p6 =	slt.s32 s21, $0x1;
	s30 =	spop (v2sf);
	s28 =	sand.u32 $0xFFFFFFF0, s24  }
0x1cd: {  	p0 =	slt.s32 s29, s30;
	s24 =	sshrl.u32 s24, $0x4;
	p1 =	sne.s32 s21, s28  }
0x1ce: {  	s30 =	smov.u32 @p0 s29;
	s29 =	spop (v2sf);
	p0 =	por !p6, !p1  }
0x1cf: {  	s28 =	simm.s32 $0x1;
	p1 =	slt.s32 s30, s29;
	p0 =	por !p0, !p0  }
0x1d0: {  	s29 =	smov.u32 @p1 s30;
	s30 =	spop (v2sf);
	s28 =	simm.s32 @!p0 $0x0  }
0x1d1: {  	p0 =	slt.s32 s29, s30;
	s24 =	ssub.s32 s24, s28  }
0x1d2: {  	s28 =	spop (v2sf);
	s30 =	smov.u32 @p0 s29;
	s29 =	sshll.u32 s24, $0x4  }
0x1d3: {  	p0 =	slt.s32 s30, s28;
	v0 =	vld [tilespmem:s29+$0x18F20]  }
0x1d4: {  	s31 =	spop (v2sf);
	s28 =	smov.u32 @p0 s30;
	v1 =	vld [tilespmem:s29+$0x18FA0]  }
0x1d5: {  	s30 =	sand.u32 $0xF, s21;
	p0 =	slt.s32 s28, s31  }
0x1d6: {  	v5 =	vmov s30;
	s31 =	smov.u32 @p0 s28;
	s24 =	spop (v2sf)  }
0x1d7: {  	vm15 =	veq.s32 v5, v2;
	p0 =	slt.s32 s31, s24  }
0x1d8: {  	s24 =	smov.u32 @p0 s31;
	v0 =	vsel vm15, v3, v0  }
0x1d9: {  	[tilespmem:s29+$0x18F20] =	vst v0;
	v0 =	vsel vm15, s24, v1  }
0x1da: {  	s31 =	simm.s32 $0x0;
	[tilespmem:s29+$0x18FA0] =	vst v0  }
0x1db: {  	v7 =	vld.idx.msk [tilespmem:v4+s31+$0x0 ss:$0x1], $0xffff;
	_ =	sdelay $0x2  }
0x1dc: {  	s26 =	sadd.s32 s26, s18;
	v5 =	vimm.f32 $-3.000000010e+38;
	s28 =	simm.s32 $0x40;
	v6 =	vmov s24  }
.LBB2_14:
0x1dd: {  	s29 =	sshra.s32 s28, $0x2;
	p0 =	sne.s32 s28, $0x600;
	s28 =	sadd.s32 $0x40, s28;
	v1 =	vor.u32 s26, v2  }
.Ltmp11:
0x1de: {  	vm0 =	veq.f32 v7, v3;
	v0 =	vmov v7;
	vm1 =	vle.s32 v1, v6;
	v7 =	vld.idx.msk [tilespmem:v4+s29+$0x0 ss:$0x1], $0xffff;
	(pc) =	sbr.rel @p0 .LBB2_14-.Ltmp11, $4  }
0x1df: {  	vm2 =	vgt.f32 v0, v3;
	vm0 =	vmand vm1, vm0  }
0x1e0: {  	vm0 =	vmor vm2, vm0  }
0x1e1: {  	v0 =	vsel vm0, $0xFF61B1E6, v0  }
0x1e2: {  	s26 =	sadd.s32 $0x10, s26;
	v5 =	vmax.f32 v5, v0  }
0x1e3: {  	v0 =	vor.u32 s26, v2  }
0x1e4: {  	vm0 =	veq.f32 v7, v3;
	vm1 =	vle.s32 v0, v6  }
0x1e5: {  	vm2 =	vgt.f32 v7, v3;
	vm0 =	vmand vm1, vm0  }
0x1e6: {  	vm0 =	vmor vm2, vm0  }
0x1e7: {  	s25 =	sshll.u32 s25, $0x6;
	v0 =	vsel vm0, $0xFF61B1E6, v7  }
0x1e8: {  	s25 =	sshra.s32 s25, $0x2;
	v0 =	vmax.f32 v5, v0  }
0x1e9: {  	s31 =	simm.s32 $0x0;
	[tilespmem:s25+$0x18700] =	vst v0  }
0x1ea: {  	v3 =	vimm.f32 $-3.000000010e+38;
	s25 =	simm.s32 $0x40;
	v4 =	vld [tilespmem:s31+$0x18700]  }
.LBB2_16:
0x1eb: {  	p0 =	sne.s32 s25, $0x1F00  }
.Ltmp12:
0x1ec: {  	_ = 	snop;
	(pc) =	sbr.rel @p0 .LBB2_16-.Ltmp12, $3  }
0x1ed: {  	_ =	sdelay $0x1  }
0x1ee: {  	s26 =	sshra.s32 s25, $0x2;
	s25 =	sadd.s32 $0x40, s25;
	v3 =	vmax.f32 v3, v4  }
0x1ef: {  	v4 =	vld [tilespmem:s26+$0x18700]  }
0x1f0: {  	_ =	sdelay $0x3  }
0x1f1: {  	v0 =	vmax.f32 v3, v4  }
0x1f2: {  	(v2sf) =	vpush v0, $0x0  }
0x1f3: {  	(v2sf) =	vpush v0, $0x1  }
0x1f4: {  	(v2sf) =	vpush v0, $0x2  }
0x1f5: {  	(v2sf) =	vpush v0, $0x3  }
0x1f6: {  	(v2sf) =	vpush v0, $0x4  }
0x1f7: {  	(v2sf) =	vpush v0, $0x5  }
0x1f8: {  	(v2sf) =	vpush v0, $0x6  }
0x1f9: {  	(v2sf) =	vpush v0, $0x7  }
0x1fa: {  	(v2sf) =	vpush v0, $0x8  }
0x1fb: {  	(v2sf) =	vpush v0, $0x9  }
0x1fc: {  	(v2sf) =	vpush v0, $0xA  }
0x1fd: {  	(v2sf) =	vpush v0, $0xB  }
0x1fe: {  	(v2sf) =	vpush v0, $0xC;
	_ =	sdelay $0x1  }
0x1ff: {  	(v2sf) =	vpush v0, $0xD  }
0x200: {  	(v2sf) =	vpush v0, $0xE;
	s25 =	spop (v2sf)  }
0x201: {  	(v2sf) =	vpush v0, $0xF;
	s26 =	spop (v2sf)  }
0x202: {  	s25 =	smax.f32 s25, s26;
	s30 =	spop (v2sf)  }
0x203: {  	s25 =	smax.f32 s25, s30;
	s31 =	spop (v2sf)  }
0x204: {  	s25 =	smax.f32 s25, s31;
	s29 =	spop (v2sf)  }
0x205: {  	s25 =	smax.f32 s25, s29;
	s30 =	spop (v2sf)  }
0x206: {  	s25 =	smax.f32 s25, s30;
	s31 =	spop (v2sf)  }
0x207: {  	s25 =	smax.f32 s25, s31;
	s29 =	spop (v2sf)  }
0x208: {  	s25 =	smax.f32 s25, s29;
	s30 =	spop (v2sf)  }
0x209: {  	s25 =	smax.f32 s25, s30;
	s31 =	spop (v2sf)  }
0x20a: {  	s25 =	smax.f32 s25, s31;
	s29 =	spop (v2sf)  }
0x20b: {  	s25 =	smax.f32 s25, s29;
	s30 =	spop (v2sf)  }
0x20c: {  	s25 =	smax.f32 s25, s30;
	s31 =	spop (v2sf)  }
0x20d: {  	s25 =	smax.f32 s25, s31  }
.Ltmp13:
0x20e: {  	s29 =	spop (v2sf);
	(pc) =	sbr.rel .LBB2_18-.Ltmp13, $4  }
0x20f: {  	s25 =	smax.f32 s25, s29;
	s30 =	spop (v2sf)  }
0x210: {  	s25 =	smax.f32 s25, s30;
	s31 =	spop (v2sf)  }
0x211: {  	s25 =	smax.f32 s25, s31  }
0x212: {  	s28 =	smov.u32 s22;
	s21 =	sadd.s32 $0x1, s21;
	s22 =	smov.u32 s25  }
.LBB2_19:
0x213: {  	p0 =	slt.s32 s21, $0x1  }
.Ltmp14:
0x214: {  	_ = 	snop;
	(pc) =	sbr.rel @p0 .LBB2_23-.Ltmp14, $1  }
0x215: {  	_ =	sdelay $0x3  }
0x216: {  	v6 =	vld [tilespmem:$0x18F00]  }
0x217: {  	v5 =	vimm.f32 $-3.000000010e+38;
	v7 =	vld [tilespmem:$0x18F10]  }
0x218: {  	s20 =	simm.s32 $0x0;
	v3 =	vimm.s32 $0x7FFFFFFF;
	v8 =	vld [tilespmem:$0x18F20];
	s21 =	simm.s32 $0x1;
	v9 =	vimm.f32 $-3.000000010e+38;
	v4 =	vimm.s32 $0x7FFFFFFF  }
.LBB2_21:
0x219: {  	p0 =	sne.s32 s21, $0x1F;
	v10 =	vld [tilespmem:$0x18F30];
	_ =	sdelay $0x1  }
0x21a: {  	v0 =	vmax.f32 v6, $-3.000000010e+38  }
0x21b: {  	v0 =	vmax.f32 v0, v7  }
0x21c: {  	v0 =	vmax.f32 v0, v8  }
0x21d: {  	v0 =	vmax.f32 v0, v10  }
0x21e: {  	(v2sf) =	vpush v0, $0x0  }
0x21f: {  	(v2sf) =	vpush v0, $0x1  }
0x220: {  	(v2sf) =	vpush v0, $0x2  }
0x221: {  	(v2sf) =	vpush v0, $0x3  }
0x222: {  	(v2sf) =	vpush v0, $0x4  }
0x223: {  	(v2sf) =	vpush v0, $0x5  }
0x224: {  	(v2sf) =	vpush v0, $0x6  }
0x225: {  	(v2sf) =	vpush v0, $0x7  }
0x226: {  	(v2sf) =	vpush v0, $0x8  }
0x227: {  	(v2sf) =	vpush v0, $0x9  }
0x228: {  	(v2sf) =	vpush v0, $0xA  }
0x229: {  	(v2sf) =	vpush v0, $0xB  }
0x22a: {  	(v2sf) =	vpush v0, $0xC  }
0x22b: {  	(v2sf) =	vpush v0, $0xD  }
0x22c: {  	(v2sf) =	vpush v0, $0xE  }
0x22d: {  	s22 =	spop (v2sf);
	(v2sf) =	vpush v0, $0xF  }
0x22e: {  	s23 =	spop (v2sf)  }
0x22f: {  	s22 =	smax.f32 s22, s23;
	s23 =	spop (v2sf)  }
0x230: {  	s22 =	smax.f32 s22, s23;
	s23 =	spop (v2sf)  }
0x231: {  	s22 =	smax.f32 s22, s23;
	s23 =	spop (v2sf)  }
0x232: {  	s22 =	smax.f32 s22, s23;
	s23 =	spop (v2sf)  }
0x233: {  	s22 =	smax.f32 s22, s23;
	s23 =	spop (v2sf)  }
0x234: {  	s22 =	smax.f32 s22, s23;
	s23 =	spop (v2sf)  }
0x235: {  	s22 =	smax.f32 s22, s23;
	s23 =	spop (v2sf)  }
0x236: {  	s22 =	smax.f32 s22, s23;
	s23 =	spop (v2sf)  }
0x237: {  	s22 =	smax.f32 s22, s23;
	s23 =	spop (v2sf)  }
0x238: {  	s22 =	smax.f32 s22, s23;
	s23 =	spop (v2sf)  }
0x239: {  	s22 =	smax.f32 s22, s23;
	s23 =	spop (v2sf)  }
0x23a: {  	s22 =	smax.f32 s22, s23;
	v0 =	vld [tilespmem:$0x18F90];
	s23 =	spop (v2sf)  }
0x23b: {  	s22 =	smax.f32 s22, s23;
	v11 =	vld [tilespmem:$0x18F80];
	s23 =	sadd.s32 $0xFFFFFFF0, s20;
	s24 =	spop (v2sf)  }
0x23c: {  	v1 =	vmov s20;
	s20 =	smov.u32 s21;
	s22 =	smax.f32 s22, s24;
	v12 =	vmov s23;
	s23 =	spop (v2sf)  }
0x23d: {  	vm0 =	veq.s32 v1, v2;
	s22 =	smax.f32 s22, s23;
	vm1 =	veq.s32 v12, v2  }
0x23e: {  	vm2 =	veq.f32 v7, s22;
	v1 =	vld [tilespmem:$0x18FA0];
	v5 =	vsel vm0, s22, v5;
	v9 =	vsel vm1, s22, v9  }
0x23f: {  	v0 =	vnsel vm2, $0x7FFFFFFF, v0  }
0x240: {  	vm2 =	vlt.s32 v11, v0  }
0x241: {  	vm3 =	veq.f32 v6, s22;
	v12 =	vsel vm2, v11, v0;
	v13 =	vld [tilespmem:$0x18FB0]  }
0x242: {  	v0 =	vsel vm3, v12, v0  }
0x243: {  	vm2 =	vlt.s32 v0, v1  }
0x244: {  	vm3 =	veq.f32 v8, s22;
	v1 =	vsel vm2, v0, v1  }
0x245: {  	v0 =	vsel vm3, v1, v0  }
0x246: {  	vm2 =	vlt.s32 v0, v13  }
0x247: {  	vm3 =	veq.f32 v10, s22;
	v1 =	vsel vm2, v0, v13  }
0x248: {  	v0 =	vsel vm3, v1, v0  }
0x249: {  	(v2sf) =	vpush v0, $0x0  }
0x24a: {  	(v2sf) =	vpush v0, $0x1  }
0x24b: {  	(v2sf) =	vpush v0, $0xF  }
0x24c: {  	(v2sf) =	vpush v0, $0x2  }
0x24d: {  	(v2sf) =	vpush v0, $0x3  }
0x24e: {  	(v2sf) =	vpush v0, $0x4  }
0x24f: {  	(v2sf) =	vpush v0, $0x5  }
0x250: {  	(v2sf) =	vpush v0, $0x6  }
0x251: {  	(v2sf) =	vpush v0, $0x7  }
0x252: {  	(v2sf) =	vpush v0, $0x8  }
0x253: {  	(v2sf) =	vpush v0, $0x9  }
0x254: {  	(v2sf) =	vpush v0, $0xA  }
0x255: {  	(v2sf) =	vpush v0, $0xB  }
0x256: {  	(v2sf) =	vpush v0, $0xC  }
0x257: {  	(v2sf) =	vpush v0, $0xD  }
0x258: {  	s23 =	spop (v2sf);
	(v2sf) =	vpush v0, $0xE  }
0x259: {  	s24 =	spop (v2sf)  }
0x25a: {  	p1 =	slt.s32 s23, s24;
	s22 =	spop (v2sf)  }
0x25b: {  	s24 =	smov.u32 @p1 s23;
	s23 =	spop (v2sf)  }
0x25c: {  	p1 =	slt.s32 s24, s23;
	s25 =	spop (v2sf)  }
0x25d: {  	s23 =	smov.u32 @p1 s24;
	s24 =	spop (v2sf)  }
0x25e: {  	p1 =	slt.s32 s23, s25;
	s26 =	spop (v2sf)  }
0x25f: {  	s25 =	smov.u32 @p1 s23;
	s23 =	spop (v2sf)  }
0x260: {  	p1 =	slt.s32 s25, s24;
	s28 =	spop (v2sf)  }
0x261: {  	s24 =	smov.u32 @p1 s25;
	s25 =	spop (v2sf)  }
0x262: {  	p1 =	slt.s32 s24, s26;
	s29 =	spop (v2sf)  }
0x263: {  	s26 =	smov.u32 @p1 s24;
	s24 =	spop (v2sf)  }
0x264: {  	p1 =	slt.s32 s26, s23;
	s30 =	spop (v2sf)  }
0x265: {  	s23 =	smov.u32 @p1 s26;
	s26 =	spop (v2sf)  }
0x266: {  	p1 =	slt.s32 s23, s28;
	s31 =	spop (v2sf)  }
0x267: {  	s28 =	smov.u32 @p1 s23;
	s23 =	spop (v2sf)  }
0x268: {  	p1 =	slt.s32 s28, s25  }
0x269: {  	s25 =	smov.u32 @p1 s28  }
0x26a: {  	p1 =	slt.s32 s25, s29  }
0x26b: {  	s29 =	smov.u32 @p1 s25  }
0x26c: {  	p1 =	slt.s32 s29, s24  }
0x26d: {  	s24 =	smov.u32 @p1 s29  }
0x26e: {  	p1 =	slt.s32 s24, s30  }
0x26f: {  	s30 =	smov.u32 @p1 s24  }
0x270: {  	p1 =	slt.s32 s30, s26  }
0x271: {  	s26 =	smov.u32 @p1 s30  }
0x272: {  	p1 =	slt.s32 s26, s31;
	v0 =	vld [tilespmem:$0x18F90]  }
0x273: {  	s31 =	smov.u32 @p1 s26;
	v1 =	vld [tilespmem:$0x18FA0]  }
0x274: {  	p1 =	slt.s32 s31, s23  }
0x275: {  	s23 =	smov.u32 @p1 s31;
	v12 =	vld [tilespmem:$0x18FB0]  }
0x276: {  	p1 =	slt.s32 s23, s22  }
0x277: {  	s22 =	smov.u32 @p1 s23  }
0x278: {  	vm2 =	veq.s32 v11, s22;
	vm3 =	veq.s32 v0, s22;
	vm4 =	veq.s32 v1, s22  }
.Ltmp15:
0x279: {  	v0 =	vsel vm2, $0xFF61B1E6, v6;
	v1 =	vsel vm3, $0xFF61B1E6, v7;
	v8 =	vsel vm4, $0xFF61B1E6, v8;
	(pc) =	sbr.rel @p0 .LBB2_21-.Ltmp15, $4  }
0x27a: {  	v3 =	vsel vm0, s22, v3;
	v4 =	vsel vm1, s22, v4;
	[tilespmem:$0x18F00] =	vst v0;
	vm2 =	veq.s32 v12, s22  }
0x27b: {  	v6 =	vld [tilespmem:$0x18F00];
	[tilespmem:$0x18F10] =	vst v1;
	v0 =	vsel vm2, $0xFF61B1E6, v10  }
0x27c: {  	v7 =	vld [tilespmem:$0x18F10];
	[tilespmem:$0x18F20] =	vst v8  }
0x27d: {  	s21 =	sadd.s32 $0x1, s21;
	v8 =	vld [tilespmem:$0x18F20];
	[tilespmem:$0x18F30] =	vst v0  }
0x27e: {  	v10 =	vld [tilespmem:$0x18F30];
	_ =	sdelay $0x1  }
0x27f: {  	v0 =	vmax.f32 v6, $-3.000000010e+38  }
0x280: {  	v0 =	vmax.f32 v0, v7  }
0x281: {  	v0 =	vmax.f32 v0, v8  }
0x282: {  	v0 =	vmax.f32 v0, v10  }
0x283: {  	(v2sf) =	vpush v0, $0x0  }
0x284: {  	(v2sf) =	vpush v0, $0x1  }
0x285: {  	(v2sf) =	vpush v0, $0x2  }
0x286: {  	(v2sf) =	vpush v0, $0x3  }
0x287: {  	(v2sf) =	vpush v0, $0x4  }
0x288: {  	(v2sf) =	vpush v0, $0x5  }
0x289: {  	(v2sf) =	vpush v0, $0x6  }
0x28a: {  	(v2sf) =	vpush v0, $0x7  }
0x28b: {  	(v2sf) =	vpush v0, $0x8  }
0x28c: {  	(v2sf) =	vpush v0, $0x9  }
0x28d: {  	(v2sf) =	vpush v0, $0xA  }
0x28e: {  	(v2sf) =	vpush v0, $0xB  }
0x28f: {  	(v2sf) =	vpush v0, $0xC  }
0x290: {  	(v2sf) =	vpush v0, $0xD  }
0x291: {  	(v2sf) =	vpush v0, $0xE  }
0x292: {  	s21 =	spop (v2sf);
	(v2sf) =	vpush v0, $0xF  }
0x293: {  	s22 =	spop (v2sf)  }
0x294: {  	s21 =	smax.f32 s21, s22;
	s31 =	spop (v2sf)  }
0x295: {  	s21 =	smax.f32 s21, s31;
	s23 =	spop (v2sf)  }
0x296: {  	s21 =	smax.f32 s21, s23;
	s24 =	spop (v2sf)  }
0x297: {  	s21 =	smax.f32 s21, s24;
	s25 =	spop (v2sf)  }
0x298: {  	s21 =	smax.f32 s21, s25;
	s26 =	spop (v2sf)  }
0x299: {  	s21 =	smax.f32 s21, s26;
	s28 =	spop (v2sf)  }
0x29a: {  	s21 =	smax.f32 s21, s28;
	s29 =	spop (v2sf)  }
0x29b: {  	s21 =	smax.f32 s21, s29;
	s30 =	spop (v2sf)  }
0x29c: {  	s21 =	smax.f32 s21, s30;
	s31 =	spop (v2sf)  }
0x29d: {  	s21 =	smax.f32 s21, s31;
	s23 =	spop (v2sf)  }
0x29e: {  	s21 =	smax.f32 s21, s23;
	s24 =	spop (v2sf)  }
0x29f: {  	v0 =	vld [tilespmem:$0x18F90];
	s21 =	smax.f32 s21, s24;
	s25 =	spop (v2sf)  }
0x2a0: {  	v1 =	vld [tilespmem:$0x18F80];
	s21 =	smax.f32 s21, s25;
	s26 =	spop (v2sf)  }
0x2a1: {  	s21 =	smax.f32 s21, s26;
	s28 =	spop (v2sf)  }
0x2a2: {  	s21 =	smax.f32 s21, s28  }
0x2a3: {  	v11 =	vld [tilespmem:$0x18FA0];
	vm0 =	veq.f32 v7, s21  }
0x2a4: {  	v0 =	vnsel vm0, $0x7FFFFFFF, v0  }
0x2a5: {  	vm0 =	vlt.s32 v1, v0  }
0x2a6: {  	v13 =	vld [tilespmem:$0x18FB0];
	vm1 =	veq.f32 v6, s21;
	v12 =	vsel vm0, v1, v0  }
0x2a7: {  	v0 =	vsel vm1, v12, v0  }
0x2a8: {  	vm7 =	vlt.s32 v0, v11  }
0x2a9: {  	vm8 =	veq.f32 v8, s21;
	v11 =	vsel vm7, v0, v11  }
0x2aa: {  	v0 =	vsel vm8, v11, v0  }
0x2ab: {  	vm9 =	vlt.s32 v0, v13  }
0x2ac: {  	vm10 =	veq.f32 v10, s21;
	v11 =	vsel vm9, v0, v13  }
0x2ad: {  	v0 =	vsel vm10, v11, v0  }
0x2ae: {  	(v2sf) =	vpush v0, $0x0  }
0x2af: {  	(v2sf) =	vpush v0, $0x1  }
0x2b0: {  	(v2sf) =	vpush v0, $0xF  }
0x2b1: {  	(v2sf) =	vpush v0, $0x2;
	_ =	sdelay $0x1  }
0x2b2: {  	(v2sf) =	vpush v0, $0x3;
	_ =	sdelay $0x1  }
0x2b3: {  	(v2sf) =	vpush v0, $0x4;
	_ =	sdelay $0x1  }
0x2b4: {  	(v2sf) =	vpush v0, $0x5;
	_ =	sdelay $0x1  }
0x2b5: {  	(v2sf) =	vpush v0, $0x6;
	_ =	sdelay $0x1  }
0x2b6: {  	(v2sf) =	vpush v0, $0x7;
	_ =	sdelay $0x1  }
0x2b7: {  	(v2sf) =	vpush v0, $0x8;
	s23 =	spop (v2sf)  }
0x2b8: {  	s24 =	spop (v2sf)  }
0x2b9: {  	(v2sf) =	vpush v0, $0x9;
	p0 =	slt.s32 s23, s24;
	s22 =	spop (v2sf)  }
0x2ba: {  	s24 =	smov.u32 @p0 s23;
	s23 =	spop (v2sf)  }
0x2bb: {  	(v2sf) =	vpush v0, $0xA;
	p0 =	slt.s32 s24, s23  }
0x2bc: {  	s25 =	spop (v2sf);
	s23 =	smov.u32 @p0 s24  }
0x2bd: {  	(v2sf) =	vpush v0, $0xB;
	p0 =	slt.s32 s23, s25  }
0x2be: {  	s24 =	spop (v2sf);
	s25 =	smov.u32 @p0 s23  }
0x2bf: {  	(v2sf) =	vpush v0, $0xC;
	p0 =	slt.s32 s25, s24  }
0x2c0: {  	s23 =	spop (v2sf);
	s24 =	smov.u32 @p0 s25  }
0x2c1: {  	(v2sf) =	vpush v0, $0xD;
	p0 =	slt.s32 s24, s23  }
0x2c2: {  	s25 =	spop (v2sf);
	s23 =	smov.u32 @p0 s24  }
0x2c3: {  	s29 =	sadd.s32 $0xFFFFFFF0, s20;
	(v2sf) =	vpush v0, $0xE;
	p0 =	slt.s32 s23, s25  }
0x2c4: {  	v0 =	vmov s29;
	s24 =	spop (v2sf);
	s25 =	smov.u32 @p0 s23  }
0x2c5: {  	vm11 =	veq.s32 v0, v2;
	p0 =	slt.s32 s25, s24  }
0x2c6: {  	v0 =	vsel vm11, s21, v9;
	s23 =	spop (v2sf);
	s24 =	smov.u32 @p0 s25  }
0x2c7: {  	(v2sf) =	vpush v0, $0x0;
	p0 =	slt.s32 s24, s23  }
0x2c8: {  	s25 =	spop (v2sf);
	(v2sf) =	vpush v0, $0x1;
	s23 =	smov.u32 @p0 s24  }
0x2c9: {  	(v2sf) =	vpush v0, $0x2;
	p0 =	slt.s32 s23, s25  }
0x2ca: {  	(v2sf) =	vpush v0, $0x3;
	s24 =	spop (v2sf);
	s25 =	smov.u32 @p0 s23  }
0x2cb: {  	(v2sf) =	vpush v0, $0x4;
	p0 =	slt.s32 s25, s24  }
0x2cc: {  	s23 =	spop (v2sf);
	(v2sf) =	vpush v0, $0x5;
	s24 =	smov.u32 @p0 s25  }
0x2cd: {  	(v2sf) =	vpush v0, $0x6;
	p0 =	slt.s32 s24, s23  }
0x2ce: {  	s25 =	spop (v2sf);
	(v2sf) =	vpush v0, $0x7;
	s23 =	smov.u32 @p0 s24  }
0x2cf: {  	(v2sf) =	vpush v0, $0x8;
	p0 =	slt.s32 s23, s25  }
0x2d0: {  	s24 =	spop (v2sf);
	(v2sf) =	vpush v0, $0x9;
	s25 =	smov.u32 @p0 s23  }
0x2d1: {  	(v2sf) =	vpush v0, $0xA;
	p0 =	slt.s32 s25, s24  }
0x2d2: {  	s23 =	spop (v2sf);
	(v2sf) =	vpush v0, $0xB;
	s24 =	smov.u32 @p0 s25  }
0x2d3: {  	(v2sf) =	vpush v0, $0xC;
	p0 =	slt.s32 s24, s23  }
0x2d4: {  	v57 =	vld [tilespmem:$0x18F90];
	(v2sf) =	vpush v0, $0xD;
	s23 =	smov.u32 @p0 s24  }
0x2d5: {  	v58 =	vld [tilespmem:$0x18FA0];
	(v2sf) =	vpush v0, $0xE;
	p0 =	slt.s32 s23, s22  }
0x2d6: {  	v59 =	vld [tilespmem:$0x18FB0];
	v63 =	vimm.s32 $0x7FFFFFFF;
	s30 =	spop (v2sf);
	(v2sf) =	vpush v0, $0xF;
	s22 =	smov.u32 @p0 s23  }
0x2d7: {  	[tilespmem:$0x18FA0] =	vst v63;
	s31 =	spop (v2sf);
	vm12 =	veq.s32 v1, s22  }
0x2d8: {  	[tilespmem:$0x18FB0] =	vst v63;
	s25 =	smin.f32 s30, s31;
	s26 =	spop (v2sf);
	v1 =	vsel vm12, $0xFF61B1E6, v6  }
0x2d9: {  	vm2 =	veq.s32 v57, s22;
	s28 =	spop (v2sf);
	[tilespmem:$0x18F00] =	vst v1;
	v1 =	vmov s20;
	s20 =	smin.f32 s25, s26  }
0x2da: {  	[tilespmem:$0x19010] =	vst v0;
	vm13 =	veq.s32 v58, s22;
	v60 =	vsel vm2, $0xFF61B1E6, v7;
	s29 =	spop (v2sf);
	s20 =	smin.f32 s20, s28  }
0x2db: {  	vm14 =	veq.s32 v59, s22;
	v61 =	vsel vm13, $0xFF61B1E6, v8;
	[tilespmem:$0x18F10] =	vst v60;
	s30 =	spop (v2sf);
	s20 =	smin.f32 s20, s29  }
0x2dc: {  	[tilespmem:$0x18F20] =	vst v61;
	vm15 =	veq.s32 v1, v2;
	v1 =	vsel vm14, $0xFF61B1E6, v10;
	s31 =	spop (v2sf);
	s20 =	smin.f32 s20, s30  }
0x2dd: {  	[tilespmem:$0x18F30] =	vst v1;
	v1 =	vsel vm15, s22, v3;
	v3 =	vsel vm11, s22, v4;
	s22 =	spop (v2sf);
	s20 =	smin.f32 s20, s31  }
0x2de: {  	v62 =	vimm.f32 $-3.000000010e+38;
	[tilespmem:$0x18F10] =	vst v0;
	s23 =	spop (v2sf);
	s20 =	smin.f32 s20, s22  }
0x2df: {  	[tilespmem:$0x18F20] =	vst v62;
	v5 =	vsel vm15, s21, v5;
	s24 =	spop (v2sf);
	s20 =	smin.f32 s20, s23  }
0x2e0: {  	[tilespmem:$0x18F00] =	vst v5;
	s25 =	spop (v2sf);
	s20 =	smin.f32 s20, s24  }
0x2e1: {  	[tilespmem:$0x18F80] =	vst v1;
	s26 =	spop (v2sf);
	s20 =	smin.f32 s20, s25  }
0x2e2: {  	[tilespmem:$0x18F90] =	vst v3;
	s28 =	spop (v2sf);
	s20 =	smin.f32 s20, s26  }
0x2e3: {  	[tilespmem:$0x18F30] =	vst v62;
	s29 =	spop (v2sf);
	s20 =	smin.f32 s20, s28  }
0x2e4: {  	[tilespmem:$0x19000] =	vst v5;
	s30 =	spop (v2sf);
	s20 =	smin.f32 s20, s29  }
0x2e5: {  	[tilespmem:$0x19080] =	vst v1;
	s31 =	spop (v2sf);
	s20 =	smin.f32 s20, s30  }
0x2e6: {  	[tilespmem:$0x19090] =	vst v3;
	s20 =	smin.f32 s20, s31  }
.LBB2_23:
0x2e7: {  	s21 =	sshll.u32 s19, $0x1  }
0x2e8: {  	s21 =	smin.u32 s21, $0x11  }
0x2e9: {  	s21 =	smul.u32 $0xC350, s21;
	_ =	sdelay $0x1  }
0x2ea: {  	s21 =	sadd.s32 s21, s6  }
0x2eb: {  	s21 =	sshrl.u32 s21, $0x3  }
0x2ec: {  	s22 =	sadd.s32 s4, s21;
	s21 =	simm.s32 $0x0  }
0x2ed: {  	[tilespmem:s21], [sflag:$0x1] =	stream.linear.gather [hbm4b:s22+s21], $0xC350, $0x38;
	[tilespmem:$0x19100] =	vst v63  }
0x2ee: {  	_ =	swait.ge [sflag:s12], $0xC350  }
0x2ef: {  	[sflag:s12] =	ssyncset.done $0x0  }
0x2f0: {  	s29 =	simm.s32 $0xC6A0;
	[sflag:s12] =	ssyncadd.s32 $0xFFFF3CB0  }
0x2f1: {  	v32 =	vld [tilespmem:s29+$0x190]  }
0x2f2: {  	v31 =	vld [tilespmem:s29+$0x1A0]  }
0x2f3: {  	v4 =	vld [tilespmem:s29+$0x1B0]  }
0x2f4: {  	v0 =	vld [tilespmem:s29+$0x220]  }
0x2f5: {  	v5 =	vld [tilespmem:s29+$0x1C0]  }
0x2f6: {  	v6 =	vld [tilespmem:s29+$0x1D0]  }
0x2f7: {  	v7 =	vld [tilespmem:s29+$0x1E0]  }
0x2f8: {  	v10 =	vld [tilespmem:s29+$0x1F0]  }
0x2f9: {  	v11 =	vld [tilespmem:s29+$0x200];
	[tilespmem:$0x1FEE0] =	vst v0  }
0x2fa: {  	v13 =	vld [tilespmem:s29+$0x230]  }
0x2fb: {  	v0 =	vld [tilespmem:s29+$0x2A0]  }
0x2fc: {  	v14 =	vld [tilespmem:s29+$0x240]  }
0x2fd: {  	v15 =	vld [tilespmem:s29+$0x250]  }
0x2fe: {  	v16 =	vld [tilespmem:s29+$0x260]  }
0x2ff: {  	v17 =	vld [tilespmem:s29+$0x270]  }
0x300: {  	v18 =	vld [tilespmem:s29+$0x280];
	[tilespmem:$0x1FEF0] =	vst v0  }
0x301: {  	v20 =	vld [tilespmem:s29+$0x2B0]  }
0x302: {  	s23 =	simm.s32 $0x4B0;
	s30 =	simm.s32 $0x190;
	v21 =	vld [tilespmem:s29+$0x2C0]  }
0x303: {  	s24 =	sand.u32 $0xFFF0, s23;
	s23 =	sand.u32 $0xFFD0, s30;
	v22 =	vld [tilespmem:s29+$0x2D0]  }
0x304: {  	v0 =	vld [tilespmem:s23+$0xC400]  }
0x305: {  	v23 =	vld [tilespmem:s29+$0x2E0]  }
0x306: {  	v24 =	vld [tilespmem:s29+$0x2F0]  }
0x307: {  	v25 =	vld [tilespmem:s29+$0x300]  }
0x308: {  	v26 =	vld [tilespmem:s24+$0xC400]  }
0x309: {  	v27 =	vld [tilespmem:s24+$0xC480];
	[tilespmem:$0x1FF20] =	vst v0  }
0x30a: {  	v0 =	vld [tilespmem:s23+$0xC480];
	_ =	sdelay $0x3  }
0x30b: {  	s25 =	simm.s32 $0x320  }
0x30c: {  	s25 =	sand.u32 $0xFFE0, s25;
	[tilespmem:$0x1FF30] =	vst v0  }
0x30d: {  	v0 =	vld [tilespmem:s25+$0xC400];
	_ =	sdelay $0x4  }
0x30e: {  	v30 =	vld [tilespmem:s24+$0xC500];
	[tilespmem:$0x1FF50] =	vst v0  }
0x30f: {  	v0 =	vld [tilespmem:s25+$0xC480];
	_ =	sdelay $0x4  }
0x310: {  	s31 =	sand.u32 $0xFFC0, s21;
	[tilespmem:$0x1FF60] =	vst v0  }
0x311: {  	v0 =	vld [tilespmem:s31+$0xC400];
	_ =	sdelay $0x1  }
0x312: {  	v4 =	vmax.f32 v4, v5;
	v5 =	vmax.f32 v6, v7;
	v6 =	vmax.f32 v10, v11  }
0x313: {  	v5 =	vmax.f32 v5, v6;
	v6 =	vld [tilespmem:$0x1FEE0]  }
0x314: {  	v7 =	vmax.f32 v13, v14;
	v14 =	vmax.f32 v20, v21;
	v20 =	vld [tilespmem:$0x1FEF0]  }
0x315: {  	[tilespmem:$0x1FF00] =	vst v0  }
0x316: {  	v0 =	vld [tilespmem:s31+$0xC480]  }
0x317: {  	v31 =	vmax.f32 v32, v31;
	v10 =	vmax.f32 v15, v16;
	v13 =	vmax.f32 v17, v18  }
0x318: {  	v4 =	vmax.f32 v31, v4;
	v10 =	vmax.f32 v10, v13;
	v15 =	vmax.f32 v22, v23  }
0x319: {  	v17 =	vmax.f32 v24, v25;
	v6 =	vmax.f32 v26, v6;
	v20 =	vmax.f32 v27, v20  }
0x31a: {  	v6 =	vmax.f32 v6, v7;
	v7 =	vmax.f32 v20, v14;
	v14 =	vmax.f32 v15, v17  }
0x31b: {  	v4 =	vmax.f32 v4, v5;
	v5 =	vmax.f32 v6, v10;
	v6 =	vmax.f32 v7, v14;
	v7 =	vld [tilespmem:$0x1FF00];
	[tilespmem:$0x1FF10] =	vst v0  }
0x31c: {  	v3 =	vld [tilespmem:s29+$0xFFFFFCF0]  }
0x31d: {  	v33 =	vld [tilespmem:s29+$0xFFFFFD00]  }
0x31e: {  	v34 =	vld [tilespmem:s29+$0xFFFFFD10]  }
0x31f: {  	v35 =	vld [tilespmem:s29+$0xFFFFFD20]  }
0x320: {  	v36 =	vld [tilespmem:s29+$0xFFFFFD30]  }
0x321: {  	v37 =	vld [tilespmem:s29+$0xFFFFFD40]  }
0x322: {  	v38 =	vld [tilespmem:s29+$0xFFFFFD50]  }
0x323: {  	v39 =	vld [tilespmem:s29+$0xFFFFFD70]  }
0x324: {  	v40 =	vld [tilespmem:s29+$0xFFFFFD80]  }
0x325: {  	v41 =	vld [tilespmem:s29+$0xFFFFFD90]  }
0x326: {  	v42 =	vld [tilespmem:s29+$0xFFFFFDA0]  }
0x327: {  	v43 =	vld [tilespmem:s29+$0xFFFFFDB0]  }
0x328: {  	v44 =	vld [tilespmem:s29+$0xFFFFFDC0]  }
0x329: {  	v45 =	vld [tilespmem:s29+$0xFFFFFDD0]  }
0x32a: {  	v46 =	vld [tilespmem:s29+$0xFFFFFDF0]  }
0x32b: {  	v47 =	vld [tilespmem:s29+$0xFFFFFE00]  }
0x32c: {  	v48 =	vld [tilespmem:s29+$0xFFFFFE10]  }
0x32d: {  	v49 =	vld [tilespmem:s29+$0xFFFFFE20]  }
0x32e: {  	v50 =	vld [tilespmem:s29+$0xFFFFFE30]  }
0x32f: {  	v51 =	vld [tilespmem:s29+$0xFFFFFE40]  }
0x330: {  	v52 =	vld [tilespmem:s29+$0xFFFFFE50]  }
0x331: {  	v53 =	vld [tilespmem:s29+$0xFFFFFE70]  }
0x332: {  	v54 =	vld [tilespmem:s29+$0xFFFFFE80]  }
0x333: {  	v55 =	vld [tilespmem:s29+$0xFFFFFE90]  }
0x334: {  	v56 =	vld [tilespmem:s29+$0xFFFFFEA0]  }
0x335: {  	v57 =	vld [tilespmem:s29+$0xFFFFFEB0]  }
0x336: {  	v58 =	vld [tilespmem:s29+$0xFFFFFEC0]  }
0x337: {  	v59 =	vld [tilespmem:s29+$0xFFFFFED0]  }
0x338: {  	v60 =	vld [tilespmem:s29+$0xFFFFFEE0]  }
0x339: {  	v61 =	vld [tilespmem:s29+$0xFFFFFF00]  }
0x33a: {  	v62 =	vld [tilespmem:s29+$0xFFFFFF10]  }
0x33b: {  	v63 =	vld [tilespmem:s29+$0xFFFFFF20]  }
0x33c: {  	v9 =	vld [tilespmem:s29+$0xFFFFFF30]  }
0x33d: {  	v19 =	vld [tilespmem:s29+$0xFFFFFF90]  }
0x33e: {  	v8 =	vld [tilespmem:s29+$0xFFFFFF40]  }
0x33f: {  	v1 =	vld [tilespmem:s29+$0xFFFFFF50];
	v7 =	vmax.f32 v7, v39;
	v10 =	vmax.f32 v40, v41  }
0x340: {  	v7 =	vmax.f32 v7, v10;
	v10 =	vmax.f32 v42, v43;
	v43 =	vmax.f32 v44, v45;
	v45 =	vld [tilespmem:$0x1FF10]  }
0x341: {  	v4 =	vmax.f32 v4, v5;
	v5 =	vmax.f32 v6, v30;
	v0 =	vld [tilespmem:s29+$0xFFFFFF60]  }
0x342: {  	v20 =	vmax.f32 v4, v5;
	v12 =	vld [tilespmem:s29+$0xFFFFFF80];
	[tilespmem:$0x1FF40] =	vst v19  }
0x343: {  	v5 =	vmax.f32 v35, v36;
	v6 =	vmax.f32 v37, v38;
	v28 =	vld [tilespmem:s29+$0xFFFFFFA0];
	v10 =	vmax.f32 v10, v43  }
0x344: {  	v29 =	vld [tilespmem:s29+$0xFFFFFFB0];
	v5 =	vmax.f32 v5, v6;
	v6 =	vmax.f32 v7, v10;
	v10 =	vmax.f32 v49, v50  }
0x345: {  	v19 =	vld [tilespmem:s29+$0xFFFFFFC0];
	v50 =	vmax.f32 v51, v52;
	v25 =	vmax.f32 v45, v46;
	v46 =	vmax.f32 v47, v48  }
0x346: {  	v32 =	vld [tilespmem:s29+$0xFFFFFFD0];
	v10 =	vmax.f32 v10, v50;
	v7 =	vmax.f32 v25, v46  }
0x347: {  	v7 =	vmax.f32 v7, v10;
	v10 =	vld [tilespmem:$0x1FF20]  }
0x348: {  	v11 =	vld [tilespmem:s29+$0xFFFFFFE0]  }
0x349: {  	v16 =	vld [tilespmem:s29+$0x0]  }
0x34a: {  	v18 =	vld [tilespmem:s29+$0x10]  }
0x34b: {  	v13 =	vld [tilespmem:s29+$0x20]  }
0x34c: {  	v15 =	vld [tilespmem:s29+$0x30];
	v10 =	vmax.f32 v10, v61;
	v61 =	vmax.f32 v62, v63  }
0x34d: {  	v8 =	vmax.f32 v9, v8;
	v9 =	vmax.f32 v10, v61;
	v10 =	vld [tilespmem:$0x1FF30]  }
0x34e: {  	v14 =	vld [tilespmem:s29+$0x40]  }
0x34f: {  	v17 =	vld [tilespmem:s29+$0x50]  }
0x350: {  	v36 =	vld [tilespmem:s29+$0x60]  }
0x351: {  	v41 =	vld [tilespmem:s29+$0x70]  }
0x352: {  	v10 =	vmax.f32 v10, v12;
	v12 =	vld [tilespmem:$0x1FF40]  }
0x353: {  	v0 =	vmax.f32 v1, v0;
	v44 =	vld [tilespmem:s29+$0x90]  }
0x354: {  	v0 =	vmax.f32 v8, v0;
	v51 =	vmax.f32 v53, v54;
	v52 =	vld [tilespmem:s29+$0xC0];
	v53 =	vmax.f32 v55, v56  }
0x355: {  	v54 =	vmax.f32 v57, v58;
	v55 =	vmax.f32 v59, v60;
	v56 =	vld [tilespmem:s29+$0xD0];
	v57 =	vmax.f32 v51, v53  }
0x356: {  	v59 =	vld [tilespmem:s29+$0xE0];
	v58 =	vmax.f32 v54, v55;
	v19 =	vmax.f32 v29, v19;
	v11 =	vmax.f32 v32, v11  }
0x357: {  	v60 =	vld [tilespmem:s29+$0xF0];
	v25 =	vmax.f32 v57, v58;
	v0 =	vmax.f32 v9, v0;
	v12 =	vmax.f32 v12, v28  }
0x358: {  	v47 =	vld [tilespmem:s29+$0xA0];
	v11 =	vmax.f32 v19, v11;
	v9 =	vmax.f32 v10, v12;
	v10 =	vmax.f32 v25, v0  }
0x359: {  	v48 =	vld [tilespmem:s29+$0xB0];
	v0 =	vmax.f32 v16, v18;
	v11 =	vmax.f32 v9, v11;
	v9 =	vmax.f32 v13, v15  }
0x35a: {  	v0 =	vmax.f32 v0, v9;
	v9 =	vld [tilespmem:$0x1FF50]  }
0x35b: {  	v1 =	vld [tilespmem:s29+$0x110]  }
0x35c: {  	v8 =	vld [tilespmem:s29+$0x120]  }
0x35d: {  	v19 =	vld [tilespmem:s29+$0x140];
	v63 =	vmax.f32 v59, v60  }
0x35e: {  	v62 =	vld [tilespmem:s29+$0x130];
	v18 =	vmax.f32 v52, v56;
	v13 =	vmax.f32 v14, v17;
	v14 =	vmax.f32 v36, v41  }
0x35f: {  	v16 =	vld [tilespmem:s29+$0x150];
	v17 =	vmax.f32 v47, v48;
	v13 =	vmax.f32 v13, v14;
	v15 =	vmax.f32 v9, v44  }
0x360: {  	v0 =	vmax.f32 v0, v13;
	v13 =	vmax.f32 v15, v17;
	v17 =	vmax.f32 v18, v63;
	v18 =	vld [tilespmem:$0x1FF60]  }
0x361: {  	v12 =	vld [tilespmem:s29+$0x160]  }
0x362: {  	v9 =	vld [tilespmem:s29+$0x170]  }
0x363: {  	v14 =	vld [tilespmem:s29+$0xFFFFFCE0]  }
0x364: {  	v4 =	vmax.f32 v33, v34;
	v15 =	vld [tilespmem:s23+$0xC500]  }
0x365: {  	s22 =	simm.s32 $0x18720;
	v17 =	vmax.f32 v13, v17;
	v13 =	vld [tilespmem:s25+$0xC500];
	v1 =	vmax.f32 v18, v1;
	v18 =	vmax.f32 v8, v62  }
0x366: {  	s24 =	simm.s32 $0xCCE0;
	s23 =	simm.s32 $0x0;
	[tilespmem:s22+$0x10] =	vst v20;
	v8 =	vmax.f32 v0, v17;
	v17 =	vmax.f32 v1, v18;
	v18 =	vmax.f32 v19, v16;
	v16 =	vld [tilespmem:s31+$0xC500]  }
.LBB2_24:
0x367: {  	v0 =	vld [tilespmem:s24+$0x190];
	v1 =	vmax.f32 v12, v9  }
0x368: {  	v9 =	vld [tilespmem:s24+$0x1A0];
	v3 =	vmax.f32 v14, v3;
	v1 =	vmax.f32 v18, v1  }
0x369: {  	v12 =	vld [tilespmem:s24+$0x1B0];
	v3 =	vmax.f32 v3, v4;
	v4 =	vmax.f32 v11, v15;
	v1 =	vmax.f32 v17, v1  }
0x36a: {  	v14 =	vld [tilespmem:s24+$0x1C0];
	v3 =	vmax.f32 v3, v5;
	v4 =	vmax.f32 v10, v4;
	v1 =	vmax.f32 v1, v13  }
0x36b: {  	v5 =	vld [tilespmem:s24+$0x1D0];
	v3 =	vmax.f32 v3, v6;
	v6 =	vmax.f32 v7, v16;
	[tilespmem:s22+$0xFFFFFFF0] =	vst v4;
	v1 =	vmax.f32 v8, v1  }
0x36c: {  	v4 =	vld [tilespmem:s24+$0x1E0];
	v3 =	vmax.f32 v3, v6;
	[tilespmem:s22+$0x0] =	vst v1  }
0x36d: {  	v1 =	vld [tilespmem:s24+$0x1F0];
	[tilespmem:s22+$0xFFFFFFE0] =	vst v3  }
0x36e: {  	v3 =	vld [tilespmem:s24+$0x200]  }
0x36f: {  	v6 =	vld [tilespmem:s24+$0x220]  }
0x370: {  	v7 =	vld [tilespmem:s24+$0x230]  }
0x371: {  	v8 =	vld [tilespmem:s24+$0x240]  }
0x372: {  	v13 =	vld [tilespmem:s24+$0x250]  }
0x373: {  	v15 =	vld [tilespmem:s24+$0x260]  }
0x374: {  	v16 =	vld [tilespmem:s24+$0x270]  }
0x375: {  	v17 =	vld [tilespmem:s24+$0x280]  }
0x376: {  	v18 =	vld [tilespmem:s24+$0x2A0]  }
0x377: {  	v19 =	vld [tilespmem:s24+$0x2B0]  }
0x378: {  	v20 =	vld [tilespmem:s24+$0x2C0]  }
0x379: {  	v21 =	vld [tilespmem:s24+$0x2D0]  }
0x37a: {  	s21 =	sadd.s32 $0x640, s21;
	v22 =	vld [tilespmem:s24+$0x2E0]  }
0x37b: {  	s25 =	sadd.s32 $0x190, s21;
	s28 =	sadd.s32 $0x320, s21;
	s29 =	sadd.s32 $0x4B0, s21;
	v23 =	vld [tilespmem:s24+$0x2F0]  }
0x37c: {  	s23 =	sadd.s32 $0x4, s23;
	s26 =	sand.u32 $0xFFD0, s25;
	s29 =	sand.u32 $0xFFF0, s29;
	v24 =	vld [tilespmem:s24+$0x300]  }
0x37d: {  	p0 =	slt.u32 s23, $0x78;
	s25 =	sand.u32 $0xFFC0, s21;
	s28 =	sand.u32 $0xFFE0, s28;
	v25 =	vld [tilespmem:s29+$0xC400]  }
0x37e: {  	v26 =	vld [tilespmem:s29+$0xC480]  }
0x37f: {  	v0 =	vmax.f32 v0, v9;
	v12 =	vmax.f32 v12, v14;
	v4 =	vmax.f32 v5, v4;
	v11 =	vld [tilespmem:s26+$0xC400]  }
0x380: {  	v1 =	vmax.f32 v1, v3;
	v3 =	vmax.f32 v7, v8;
	v5 =	vmax.f32 v13, v15;
	v10 =	vld [tilespmem:s26+$0xC480]  }
0x381: {  	v13 =	vmax.f32 v16, v17;
	v14 =	vmax.f32 v19, v20;
	v15 =	vmax.f32 v21, v22;
	v7 =	vld [tilespmem:s29+$0xC500]  }
0x382: {  	v0 =	vmax.f32 v0, v12;
	v1 =	vmax.f32 v4, v1;
	v16 =	vmax.f32 v23, v24;
	v9 =	vld [tilespmem:s28+$0xC400]  }
0x383: {  	v5 =	vmax.f32 v5, v13;
	v4 =	vmax.f32 v25, v6;
	v8 =	vld [tilespmem:s28+$0xC480];
	v6 =	vmax.f32 v26, v18  }
0x384: {  	v3 =	vmax.f32 v4, v3;
	v12 =	vld [tilespmem:s25+$0xC400];
	v4 =	vmax.f32 v6, v14;
	v6 =	vmax.f32 v15, v16  }
0x385: {  	v0 =	vmax.f32 v0, v1;
	v1 =	vmax.f32 v3, v5;
	v13 =	vld [tilespmem:s25+$0xC480];
	v4 =	vmax.f32 v4, v6  }
0x386: {  	v0 =	vmax.f32 v0, v1;
	v3 =	vld [tilespmem:s24+$0xFFFFFCF0];
	v1 =	vmax.f32 v4, v7  }
0x387: {  	s22 =	sadd.s32 $0x40, s22;
	v4 =	vld [tilespmem:s24+$0xFFFFFD00];
	v0 =	vmax.f32 v0, v1  }
0x388: {  	v1 =	vld [tilespmem:s24+$0xFFFFFD10];
	[tilespmem:s22+$0x10] =	vst v0  }
0x389: {  	v0 =	vld [tilespmem:s24+$0xFFFFFD20]  }
0x38a: {  	v5 =	vld [tilespmem:s24+$0xFFFFFD30]  }
0x38b: {  	v6 =	vld [tilespmem:s24+$0xFFFFFD40]  }
0x38c: {  	v7 =	vld [tilespmem:s24+$0xFFFFFD50]  }
0x38d: {  	v14 =	vld [tilespmem:s24+$0xFFFFFD70];
	v4 =	vmax.f32 v4, v1  }
0x38e: {  	v1 =	vld [tilespmem:s24+$0xFFFFFD80]  }
0x38f: {  	v15 =	vld [tilespmem:s24+$0xFFFFFD90];
	v0 =	vmax.f32 v0, v5  }
0x390: {  	v16 =	vld [tilespmem:s24+$0xFFFFFDA0]  }
0x391: {  	v17 =	vld [tilespmem:s24+$0xFFFFFDB0];
	v5 =	vmax.f32 v6, v7  }
0x392: {  	v6 =	vld [tilespmem:s24+$0xFFFFFDC0];
	v7 =	vmax.f32 v12, v14;
	v5 =	vmax.f32 v0, v5  }
0x393: {  	v0 =	vld [tilespmem:s24+$0xFFFFFDD0]  }
0x394: {  	v12 =	vld [tilespmem:s24+$0xFFFFFDF0];
	v1 =	vmax.f32 v1, v15  }
0x395: {  	v14 =	vld [tilespmem:s24+$0xFFFFFE00];
	v1 =	vmax.f32 v7, v1  }
0x396: {  	v7 =	vld [tilespmem:s24+$0xFFFFFE10];
	v15 =	vmax.f32 v16, v17  }
0x397: {  	v16 =	vld [tilespmem:s24+$0xFFFFFE20]  }
0x398: {  	v17 =	vld [tilespmem:s24+$0xFFFFFE30];
	v0 =	vmax.f32 v6, v0  }
0x399: {  	v18 =	vld [tilespmem:s24+$0xFFFFFE40];
	v12 =	vmax.f32 v13, v12;
	v0 =	vmax.f32 v15, v0  }
0x39a: {  	v13 =	vld [tilespmem:s24+$0xFFFFFE50];
	v6 =	vmax.f32 v1, v0  }
0x39b: {  	v0 =	vmax.f32 v14, v7;
	v1 =	vld [tilespmem:s24+$0xFFFFFE70]  }
0x39c: {  	v0 =	vmax.f32 v12, v0;
	v12 =	vld [tilespmem:s24+$0xFFFFFE80]  }
0x39d: {  	v7 =	vmax.f32 v16, v17;
	v14 =	vld [tilespmem:s24+$0xFFFFFE90]  }
0x39e: {  	v15 =	vld [tilespmem:s24+$0xFFFFFEA0]  }
0x39f: {  	v13 =	vmax.f32 v18, v13;
	v16 =	vld [tilespmem:s24+$0xFFFFFEB0]  }
0x3a0: {  	v7 =	vmax.f32 v7, v13;
	v13 =	vld [tilespmem:s24+$0xFFFFFEC0]  }
0x3a1: {  	v7 =	vmax.f32 v0, v7;
	v0 =	vld [tilespmem:s24+$0xFFFFFED0];
	v1 =	vmax.f32 v1, v12  }
0x3a2: {  	v12 =	vld [tilespmem:s24+$0xFFFFFEE0]  }
0x3a3: {  	v17 =	vld [tilespmem:s24+$0xFFFFFF00];
	v14 =	vmax.f32 v14, v15  }
0x3a4: {  	v15 =	vld [tilespmem:s24+$0xFFFFFF10];
	v1 =	vmax.f32 v1, v14  }
0x3a5: {  	v14 =	vld [tilespmem:s24+$0xFFFFFF20];
	v13 =	vmax.f32 v16, v13  }
0x3a6: {  	v16 =	vld [tilespmem:s24+$0xFFFFFF30]  }
0x3a7: {  	v18 =	vld [tilespmem:s24+$0xFFFFFF40];
	v0 =	vmax.f32 v0, v12  }
0x3a8: {  	v12 =	vld [tilespmem:s24+$0xFFFFFF50];
	v11 =	vmax.f32 v11, v17;
	v0 =	vmax.f32 v13, v0  }
0x3a9: {  	v13 =	vld [tilespmem:s24+$0xFFFFFF60];
	v0 =	vmax.f32 v1, v0  }
0x3aa: {  	v1 =	vld [tilespmem:s24+$0xFFFFFF80];
	v14 =	vmax.f32 v15, v14  }
0x3ab: {  	v15 =	vld [tilespmem:s24+$0xFFFFFF90];
	v11 =	vmax.f32 v11, v14  }
0x3ac: {  	v14 =	vld [tilespmem:s24+$0xFFFFFFA0];
	v16 =	vmax.f32 v16, v18  }
0x3ad: {  	v17 =	vld [tilespmem:s24+$0xFFFFFFB0]  }
0x3ae: {  	v18 =	vld [tilespmem:s24+$0xFFFFFFC0];
	v12 =	vmax.f32 v12, v13  }
0x3af: {  	v13 =	vld [tilespmem:s24+$0xFFFFFFD0];
	v1 =	vmax.f32 v10, v1;
	v10 =	vmax.f32 v16, v12  }
0x3b0: {  	v12 =	vld [tilespmem:s24+$0xFFFFFFE0];
	v10 =	vmax.f32 v11, v10  }
0x3b1: {  	v11 =	vmax.f32 v15, v14;
	v10 =	vmax.f32 v0, v10;
	v0 =	vld [tilespmem:s24+$0x0]  }
0x3b2: {  	v1 =	vmax.f32 v1, v11;
	v14 =	vld [tilespmem:s24+$0x10]  }
0x3b3: {  	v11 =	vmax.f32 v17, v18;
	v15 =	vld [tilespmem:s24+$0x20]  }
0x3b4: {  	v16 =	vld [tilespmem:s24+$0x30]  }
0x3b5: {  	v12 =	vmax.f32 v13, v12;
	v13 =	vld [tilespmem:s24+$0x40]  }
0x3b6: {  	v11 =	vmax.f32 v11, v12;
	v12 =	vld [tilespmem:s24+$0x50]  }
0x3b7: {  	v11 =	vmax.f32 v1, v11;
	v1 =	vld [tilespmem:s24+$0x60];
	v0 =	vmax.f32 v0, v14  }
0x3b8: {  	v14 =	vld [tilespmem:s24+$0x70]  }
0x3b9: {  	v17 =	vld [tilespmem:s24+$0x90];
	v15 =	vmax.f32 v15, v16  }
0x3ba: {  	v16 =	vld [tilespmem:s24+$0xA0];
	v0 =	vmax.f32 v0, v15  }
0x3bb: {  	v15 =	vld [tilespmem:s24+$0xB0];
	v12 =	vmax.f32 v13, v12  }
0x3bc: {  	v13 =	vld [tilespmem:s24+$0xC0]  }
0x3bd: {  	v18 =	vld [tilespmem:s24+$0xD0];
	v1 =	vmax.f32 v1, v14  }
0x3be: {  	v14 =	vld [tilespmem:s24+$0xE0];
	v9 =	vmax.f32 v9, v17;
	v1 =	vmax.f32 v12, v1  }
0x3bf: {  	v12 =	vld [tilespmem:s24+$0xF0];
	v0 =	vmax.f32 v0, v1  }
0x3c0: {  	v1 =	vld [tilespmem:s24+$0x110];
	v15 =	vmax.f32 v16, v15  }
0x3c1: {  	v16 =	vld [tilespmem:s24+$0x120];
	v15 =	vmax.f32 v9, v15  }
0x3c2: {  	v17 =	vld [tilespmem:s24+$0x130];
	v9 =	vmax.f32 v13, v18  }
0x3c3: {  	v18 =	vld [tilespmem:s24+$0x140]  }
0x3c4: {  	v19 =	vld [tilespmem:s24+$0x150];
	v13 =	vmax.f32 v14, v12  }
0x3c5: {  	v12 =	vld [tilespmem:s24+$0x160];
	v1 =	vmax.f32 v8, v1;
	v8 =	vmax.f32 v9, v13  }
.Ltmp16:
0x3c6: {  	v9 =	vld [tilespmem:s24+$0x170];
	v8 =	vmax.f32 v15, v8;
	(pc) =	sbr.rel @p0 .LBB2_24-.Ltmp16, $4  }
0x3c7: {  	v14 =	vld [tilespmem:s24+$0xFFFFFCE0];
	v13 =	vmax.f32 v16, v17;
	v8 =	vmax.f32 v0, v8  }
0x3c8: {  	v15 =	vld [tilespmem:s26+$0xC500];
	v17 =	vmax.f32 v1, v13  }
0x3c9: {  	v13 =	vld [tilespmem:s28+$0xC500];
	v18 =	vmax.f32 v18, v19  }
0x3ca: {  	s24 =	sadd.s32 $0x640, s24;
	v16 =	vld [tilespmem:s25+$0xC500]  }
0x3cb: {  	v0 =	vmax.f32 v12, v9  }
0x3cc: {  	v1 =	vmax.f32 v14, v3;
	v0 =	vmax.f32 v18, v0  }
0x3cd: {  	v1 =	vmax.f32 v1, v4;
	v3 =	vmax.f32 v11, v15;
	v0 =	vmax.f32 v17, v0  }
0x3ce: {  	v1 =	vmax.f32 v1, v5;
	v3 =	vmax.f32 v10, v3;
	v0 =	vmax.f32 v0, v13  }
0x3cf: {  	v1 =	vmax.f32 v1, v6;
	v4 =	vmax.f32 v7, v16;
	[tilespmem:s22+$0xFFFFFFF0] =	vst v3;
	v0 =	vmax.f32 v8, v0  }
0x3d0: {  	v1 =	vmax.f32 v1, v4;
	[tilespmem:s22+$0x0] =	vst v0  }
0x3d1: {  	[tilespmem:s22+$0xFFFFFFE0] =	vst v1  }
0x3d2: {  	v0 =	vld [tilespmem:$0x18540]  }
0x3d3: {  	v1 =	vld [tilespmem:$0x18550]  }
0x3d4: {  	v3 =	vld [tilespmem:$0x18560]  }
0x3d5: {  	v4 =	vld [tilespmem:$0x18570]  }
0x3d6: {  	v5 =	vld [tilespmem:$0x18580]  }
0x3d7: {  	v6 =	vld [tilespmem:$0x18590]  }
0x3d8: {  	v7 =	vld [tilespmem:$0x185A0]  }
0x3d9: {  	v47 =	vld [tilespmem:$0x185B0]  }
0x3da: {  	v48 =	vld [tilespmem:$0x185C0]  }
0x3db: {  	v49 =	vld [tilespmem:$0x185D0]  }
0x3dc: {  	v50 =	vld [tilespmem:$0x185E0]  }
0x3dd: {  	v51 =	vld [tilespmem:$0x185F0]  }
0x3de: {  	v52 =	vld [tilespmem:$0x18600]  }
0x3df: {  	v53 =	vld [tilespmem:$0x18610]  }
0x3e0: {  	v54 =	vld [tilespmem:$0x18620]  }
0x3e1: {  	v55 =	vld [tilespmem:$0x18630]  }
0x3e2: {  	v56 =	vld [tilespmem:$0x18640]  }
0x3e3: {  	v57 =	vld [tilespmem:$0x18650]  }
0x3e4: {  	v19 =	vld [tilespmem:$0x18660]  }
0x3e5: {  	v20 =	vld [tilespmem:$0x18670]  }
0x3e6: {  	v21 =	vld [tilespmem:$0x18680]  }
0x3e7: {  	v22 =	vld [tilespmem:$0x18690]  }
0x3e8: {  	v23 =	vld [tilespmem:$0x186A0]  }
0x3e9: {  	v24 =	vld [tilespmem:$0x186B0];
	_ =	sdelay $0x1  }
0x3ea: {  	v0 =	vmax.f32 v0, v1;
	v1 =	vmax.f32 v3, v4;
	v3 =	vmax.f32 v5, v6  }
0x3eb: {  	v4 =	vmax.f32 v7, v47;
	v5 =	vmax.f32 v48, v49;
	v6 =	vmax.f32 v50, v51  }
0x3ec: {  	v7 =	vld [tilespmem:$0x186C0];
	v58 =	vmax.f32 v52, v53;
	v59 =	vmax.f32 v54, v55;
	v60 =	vmax.f32 v56, v57  }
0x3ed: {  	v61 =	vmax.f32 v19, v20;
	v62 =	vmax.f32 v21, v22;
	v63 =	vmax.f32 v23, v24  }
0x3ee: {  	v0 =	vmax.f32 v0, v1;
	v1 =	vmax.f32 v3, v4;
	v3 =	vmax.f32 v5, v6  }
0x3ef: {  	v4 =	vmax.f32 v58, v59;
	v5 =	vmax.f32 v60, v61;
	v6 =	vmax.f32 v62, v63  }
0x3f0: {  	v0 =	vmax.f32 v0, v1;
	v1 =	vmax.f32 v3, v4;
	v3 =	vmax.f32 v5, v6  }
0x3f1: {  	v0 =	vmax.f32 v0, v1;
	v1 =	vmax.f32 v3, v7  }
0x3f2: {  	v0 =	vmax.f32 v0, v1  }
0x3f3: {  	s31 =	simm.s32 $0x0;
	[tilespmem:$0x18EC0] =	vst v0  }
0x3f4: {  	s21 =	simm.s32 $0x40;
	v3 =	vimm.f32 $-3.000000010e+38;
	v4 =	vld [tilespmem:s31+$0x18700]  }
.LBB2_26:
0x3f5: {  	p0 =	sne.s32 s21, $0x1F00  }
.Ltmp17:
0x3f6: {  	_ = 	snop;
	(pc) =	sbr.rel @p0 .LBB2_26-.Ltmp17, $3  }
0x3f7: {  	_ =	sdelay $0x1  }
0x3f8: {  	s22 =	sshra.s32 s21, $0x2;
	s21 =	sadd.s32 $0x40, s21;
	v3 =	vmax.f32 v3, v4  }
0x3f9: {  	v4 =	vld [tilespmem:s22+$0x18700]  }
0x3fa: {  	_ =	sdelay $0x3  }
0x3fb: {  	v0 =	vmax.f32 v3, v4  }
0x3fc: {  	(v2sf) =	vpush v0, $0x0  }
0x3fd: {  	(v2sf) =	vpush v0, $0x1  }
0x3fe: {  	(v2sf) =	vpush v0, $0x2  }
0x3ff: {  	(v2sf) =	vpush v0, $0x3  }
0x400: {  	(v2sf) =	vpush v0, $0x4  }
0x401: {  	(v2sf) =	vpush v0, $0x5  }
0x402: {  	(v2sf) =	vpush v0, $0x6  }
0x403: {  	(v2sf) =	vpush v0, $0x7  }
0x404: {  	(v2sf) =	vpush v0, $0x8  }
0x405: {  	(v2sf) =	vpush v0, $0x9  }
0x406: {  	(v2sf) =	vpush v0, $0xA  }
0x407: {  	(v2sf) =	vpush v0, $0xB  }
0x408: {  	(v2sf) =	vpush v0, $0xC  }
0x409: {  	(v2sf) =	vpush v0, $0xD;
	_ =	sdelay $0x1  }
0x40a: {  	(v2sf) =	vpush v0, $0xE;
	s21 =	spop (v2sf)  }
0x40b: {  	(v2sf) =	vpush v0, $0xF;
	s22 =	spop (v2sf)  }
0x40c: {  	s23 =	spop (v2sf)  }
0x40d: {  	s21 =	smax.f32 s21, s22;
	s31 =	spop (v2sf)  }
0x40e: {  	s21 =	smax.f32 s21, s23;
	s24 =	spop (v2sf)  }
0x40f: {  	s21 =	smax.f32 s21, s31;
	s25 =	spop (v2sf)  }
0x410: {  	s21 =	smax.f32 s21, s24;
	s26 =	spop (v2sf)  }
0x411: {  	s21 =	smax.f32 s21, s25;
	s29 =	spop (v2sf)  }
0x412: {  	s21 =	smax.f32 s21, s26;
	s30 =	spop (v2sf)  }
0x413: {  	s21 =	smax.f32 s21, s29;
	s31 =	spop (v2sf)  }
0x414: {  	s21 =	smax.f32 s21, s30;
	s24 =	spop (v2sf)  }
0x415: {  	s21 =	smax.f32 s21, s31;
	s25 =	spop (v2sf)  }
0x416: {  	s21 =	smax.f32 s21, s24;
	s26 =	spop (v2sf)  }
0x417: {  	s21 =	smax.f32 s21, s25;
	s29 =	spop (v2sf)  }
.Ltmp18:
0x418: {  	s21 =	smax.f32 s21, s26;
	(pc) =	sbr.rel .LBB2_28-.Ltmp18, $4  }
0x419: {  	s30 =	spop (v2sf);
	s21 =	smax.f32 s21, s29  }
0x41a: {  	s21 =	smax.f32 s21, s30;
	s31 =	spop (v2sf)  }
0x41b: {  	s28 =	simm.f32 $3.000000010e+38;
	s23 =	simm.s32 $0x0;
	s22 =	smax.f32 s21, s31  }
0x41c: {  	s24 =	simm.s32 $0xFFFFFFFF;
	s21 =	simm.s32 $0x0;
	p0 =	sgt.f32 s22, s20  }
.LBB2_29:
0x41d: {  	s25 =	smov.u32 s22  }
.LBB2_39:
0x41e: {  	p0 =	sgt.f32 s25, s20  }
0x41f: {  	p1 =	slt.s32 s21, $0x20;
	s23 =	sadd.s32 $0x1, s23  }
0x420: {  	p0 =	por !p1, !p0;
	p1 =	sne.s32 s23, $0x20  }
.Ltmp19:
0x421: {  	_ = 	snop;
	(pc) =	sbr.rel @!p1 .LBB2_40-.Ltmp19, $2  }
0x422: {  	_ =	sdelay $0x2  }
0x423: {  	p0 =	por !p0, !p0  }
.LBB2_28:
.Ltmp20:
0x424: {  	(pc) =	sbr.rel @!p0 .LBB2_29-.Ltmp20, $1  }
0x425: {  	_ =	sdelay $0x3  }
0x426: {  	s25 =	simm.s32 $0x18700  }
0x427: {  	v0 =	vld [tilespmem:s25+$0x0];
	_ =	sdelay $0x3  }
0x428: {  	v3 =	vmov s22;
	s26 =	simm.s32 $0x0  }
0x429: {  	v4 =	vimm.s32 $0x7FFFFFFF;
	s25 =	simm.s32 $0x1;
	v5 =	vmov s26;
	s26 =	simm.s32 $0x18710;
	vm0 =	veq.f32 v0, v3  }
.LBB2_31:
0x42a: {  	v0 =	vld [tilespmem:s26+$0x0];
	p0 =	sne.s32 s25, $0x7C;
	v1 =	vnsel vm0, $0x7FFFFFFF, v5;
	s29 =	smov.u32 s25;
	s25 =	sadd.s32 $0x1, s25  }
.Ltmp21:
0x42b: {  	vm0 =	vlt.s32 v4, v1;
	(pc) =	sbr.rel @p0 .LBB2_31-.Ltmp21, $2  }
0x42c: {  	v4 =	vsel vm0, v4, v1;
	_ =	sdelay $0x2  }
0x42d: {  	s26 =	sadd.s32 $0x10, s26;
	v5 =	vmov s29;
	vm0 =	veq.f32 v0, v3  }
0x42e: {  	v0 =	vnsel vm0, $0x7FFFFFFF, v5  }
0x42f: {  	vm0 =	vlt.s32 v4, v0  }
0x430: {  	v0 =	vsel vm0, v4, v0  }
0x431: {  	(v2sf) =	vpush v0, $0x0  }
0x432: {  	(v2sf) =	vpush v0, $0x1;
	_ =	sdelay $0x1  }
0x433: {  	(v2sf) =	vpush v0, $0x2;
	_ =	sdelay $0x1  }
0x434: {  	(v2sf) =	vpush v0, $0x3;
	_ =	sdelay $0x1  }
0x435: {  	(v2sf) =	vpush v0, $0x4;
	_ =	sdelay $0x1  }
0x436: {  	(v2sf) =	vpush v0, $0x5;
	_ =	sdelay $0x1  }
0x437: {  	(v2sf) =	vpush v0, $0x6;
	_ =	sdelay $0x1  }
0x438: {  	(v2sf) =	vpush v0, $0x7;
	_ =	sdelay $0x1  }
0x439: {  	s25 =	spop (v2sf);
	(v2sf) =	vpush v0, $0x8  }
0x43a: {  	s26 =	spop (v2sf)  }
0x43b: {  	(v2sf) =	vpush v0, $0x9;
	p0 =	slt.s32 s25, s26  }
0x43c: {  	s26 =	smov.u32 @p0 s25;
	s25 =	spop (v2sf)  }
0x43d: {  	(v2sf) =	vpush v0, $0xA;
	p0 =	slt.s32 s26, s25  }
0x43e: {  	s25 =	smov.u32 @p0 s26;
	s26 =	spop (v2sf)  }
0x43f: {  	(v2sf) =	vpush v0, $0xB;
	p0 =	slt.s32 s25, s26  }
0x440: {  	s26 =	smov.u32 @p0 s25;
	s25 =	spop (v2sf)  }
0x441: {  	(v2sf) =	vpush v0, $0xC;
	p0 =	slt.s32 s26, s25  }
0x442: {  	s25 =	smov.u32 @p0 s26;
	s26 =	spop (v2sf)  }
0x443: {  	(v2sf) =	vpush v0, $0xD;
	p0 =	slt.s32 s25, s26  }
0x444: {  	s26 =	smov.u32 @p0 s25;
	s25 =	spop (v2sf)  }
0x445: {  	(v2sf) =	vpush v0, $0xE;
	p0 =	slt.s32 s26, s25  }
0x446: {  	s25 =	smov.u32 @p0 s26;
	s26 =	spop (v2sf)  }
0x447: {  	(v2sf) =	vpush v0, $0xF;
	p0 =	slt.s32 s25, s26  }
0x448: {  	s29 =	spop (v2sf);
	s26 =	smov.u32 @p0 s25  }
0x449: {  	p0 =	slt.s32 s26, s29  }
0x44a: {  	s25 =	spop (v2sf);
	s29 =	smov.u32 @p0 s26  }
0x44b: {  	p0 =	slt.s32 s29, s25  }
0x44c: {  	s26 =	spop (v2sf);
	s25 =	smov.u32 @p0 s29  }
0x44d: {  	p0 =	slt.s32 s25, s26  }
0x44e: {  	s29 =	spop (v2sf);
	s26 =	smov.u32 @p0 s25  }
0x44f: {  	p0 =	slt.s32 s26, s29  }
0x450: {  	s25 =	spop (v2sf);
	s29 =	smov.u32 @p0 s26  }
0x451: {  	p0 =	slt.s32 s29, s25  }
0x452: {  	s26 =	spop (v2sf);
	s25 =	smov.u32 @p0 s29  }
0x453: {  	p0 =	slt.s32 s25, s26  }
0x454: {  	s29 =	spop (v2sf);
	s26 =	smov.u32 @p0 s25  }
0x455: {  	p0 =	slt.s32 s26, s29  }
0x456: {  	s25 =	spop (v2sf);
	s29 =	smov.u32 @p0 s26  }
0x457: {  	p0 =	slt.s32 s29, s25  }
0x458: {  	s25 =	smov.u32 @p0 s29  }
0x459: {  	s26 =	smul.u32 $0x190, s25;
	_ =	sdelay $0x1  }
0x45a: {  	s30 =	sadd.s32 $0xC380, s26  }
0x45b: {  	v4 =	vmov s30;
	_ =	sdelay $0x3  }
0x45c: {  	s31 =	simm.s32 $0x0  }
0x45d: {  	p0 =	seq.f32 s22, s28;
	v7 =	vld.idx.msk [tilespmem:v4+s31+$0x0 ss:$0x1], $0xffff;
	_ =	sdelay $0x1  }
0x45e: {  	s24 =	simm.s32 @!p0 $0xFFFFFFFF  }
0x45f: {  	v5 =	vimm.s32 $0x7FFFFFFF;
	s28 =	simm.s32 $0x40;
	v6 =	vmov s24;
	s24 =	sadd.s32 s26, s17  }
.LBB2_33:
0x460: {  	s29 =	sshra.s32 s28, $0x2;
	p0 =	sne.s32 s28, $0x600;
	s28 =	sadd.s32 $0x40, s28;
	v0 =	vor.u32 s24, v2  }
.Ltmp22:
0x461: {  	vm0 =	veq.f32 v7, v3;
	v7 =	vld.idx.msk [tilespmem:v4+s29+$0x0 ss:$0x1], $0xffff;
	vm1 =	vgt.s32 v0, v6;
	(pc) =	sbr.rel @p0 .LBB2_33-.Ltmp22, $4  }
0x462: {  	vm0 =	vmand vm1, vm0  }
0x463: {  	v0 =	vnsel vm0, $0x7FFFFFFF, v0  }
0x464: {  	vm0 =	vlt.s32 v5, v0  }
0x465: {  	s24 =	sadd.s32 $0x10, s24;
	v5 =	vsel vm0, v5, v0  }
0x466: {  	v0 =	vor.u32 s24, v2  }
0x467: {  	vm0 =	veq.f32 v7, v3;
	vm1 =	vgt.s32 v0, v6  }
0x468: {  	vm0 =	vmand vm1, vm0  }
0x469: {  	v0 =	vnsel vm0, $0x7FFFFFFF, v0  }
0x46a: {  	vm0 =	vlt.s32 v5, v0  }
0x46b: {  	v0 =	vsel vm0, v5, v0  }
0x46c: {  	(v2sf) =	vpush v0, $0x0  }
0x46d: {  	(v2sf) =	vpush v0, $0x1;
	_ =	sdelay $0x1  }
0x46e: {  	(v2sf) =	vpush v0, $0x2;
	_ =	sdelay $0x1  }
0x46f: {  	(v2sf) =	vpush v0, $0x3;
	_ =	sdelay $0x1  }
0x470: {  	(v2sf) =	vpush v0, $0x4;
	_ =	sdelay $0x1  }
0x471: {  	(v2sf) =	vpush v0, $0x5;
	_ =	sdelay $0x1  }
0x472: {  	(v2sf) =	vpush v0, $0x6;
	_ =	sdelay $0x1  }
0x473: {  	(v2sf) =	vpush v0, $0x7;
	_ =	sdelay $0x1  }
0x474: {  	s24 =	spop (v2sf);
	(v2sf) =	vpush v0, $0x8  }
0x475: {  	s28 =	spop (v2sf)  }
0x476: {  	(v2sf) =	vpush v0, $0x9;
	p0 =	slt.s32 s24, s28  }
0x477: {  	s28 =	smov.u32 @p0 s24;
	s24 =	spop (v2sf)  }
0x478: {  	p0 =	slt.s32 s28, s24  }
0x479: {  	(v2sf) =	vpush v0, $0xA;
	s29 =	spop (v2sf);
	s24 =	smov.u32 @p0 s28  }
0x47a: {  	p0 =	slt.s32 s24, s29  }
0x47b: {  	(v2sf) =	vpush v0, $0xB;
	s29 =	smov.u32 @p0 s24;
	s24 =	spop (v2sf)  }
0x47c: {  	p0 =	slt.s32 s29, s24  }
0x47d: {  	(v2sf) =	vpush v0, $0xC;
	s28 =	spop (v2sf);
	s24 =	smov.u32 @p0 s29  }
0x47e: {  	p0 =	slt.s32 s24, s28  }
0x47f: {  	(v2sf) =	vpush v0, $0xD;
	s28 =	smov.u32 @p0 s24;
	s24 =	spop (v2sf)  }
0x480: {  	p0 =	slt.s32 s28, s24  }
0x481: {  	(v2sf) =	vpush v0, $0xE;
	s24 =	smov.u32 @p0 s28;
	s28 =	spop (v2sf)  }
0x482: {  	p0 =	slt.s32 s24, s28  }
0x483: {  	s28 =	smov.u32 @p0 s24;
	s24 =	spop (v2sf);
	(v2sf) =	vpush v0, $0xF  }
0x484: {  	p0 =	slt.s32 s28, s24  }
0x485: {  	s29 =	spop (v2sf);
	s24 =	smov.u32 @p0 s28;
	s28 =	sshra.s32 s21, $0x1F  }
0x486: {  	p0 =	slt.s32 s24, s29;
	s31 =	sshrl.u32 s28, $0x1C  }
0x487: {  	s29 =	smov.u32 @p0 s24;
	s24 =	sadd.s32 s31, s21  }
0x488: {  	p6 =	slt.s32 s21, $0x1;
	s30 =	spop (v2sf);
	s28 =	sand.u32 $0xFFFFFFF0, s24  }
0x489: {  	p0 =	slt.s32 s29, s30;
	s24 =	sshrl.u32 s24, $0x4;
	p1 =	sne.s32 s21, s28  }
0x48a: {  	s30 =	smov.u32 @p0 s29;
	s29 =	spop (v2sf);
	p0 =	por !p6, !p1  }
0x48b: {  	s28 =	simm.s32 $0x1;
	p1 =	slt.s32 s30, s29;
	p0 =	por !p0, !p0  }
0x48c: {  	s29 =	smov.u32 @p1 s30;
	s30 =	spop (v2sf);
	s28 =	simm.s32 @!p0 $0x0  }
0x48d: {  	p0 =	slt.s32 s29, s30;
	s24 =	ssub.s32 s24, s28  }
0x48e: {  	s28 =	spop (v2sf);
	s30 =	smov.u32 @p0 s29;
	s29 =	sshll.u32 s24, $0x4  }
0x48f: {  	p0 =	slt.s32 s30, s28;
	v0 =	vld [tilespmem:s29+$0x18F20]  }
0x490: {  	s31 =	spop (v2sf);
	s28 =	smov.u32 @p0 s30;
	v1 =	vld [tilespmem:s29+$0x18FA0]  }
0x491: {  	s30 =	sand.u32 $0xF, s21;
	p0 =	slt.s32 s28, s31  }
0x492: {  	v5 =	vmov s30;
	s31 =	smov.u32 @p0 s28;
	s24 =	spop (v2sf)  }
0x493: {  	vm15 =	veq.s32 v5, v2;
	p0 =	slt.s32 s31, s24  }
0x494: {  	s24 =	smov.u32 @p0 s31;
	v0 =	vsel vm15, v3, v0  }
0x495: {  	[tilespmem:s29+$0x18F20] =	vst v0;
	v0 =	vsel vm15, s24, v1  }
0x496: {  	s31 =	simm.s32 $0x0;
	[tilespmem:s29+$0x18FA0] =	vst v0  }
0x497: {  	v7 =	vld.idx.msk [tilespmem:v4+s31+$0x0 ss:$0x1], $0xffff;
	_ =	sdelay $0x2  }
0x498: {  	s26 =	sadd.s32 s26, s17;
	v5 =	vimm.f32 $-3.000000010e+38;
	s28 =	simm.s32 $0x40;
	v6 =	vmov s24  }
.LBB2_35:
0x499: {  	s29 =	sshra.s32 s28, $0x2;
	p0 =	sne.s32 s28, $0x600;
	s28 =	sadd.s32 $0x40, s28;
	v1 =	vor.u32 s26, v2  }
.Ltmp23:
0x49a: {  	vm0 =	veq.f32 v7, v3;
	v0 =	vmov v7;
	vm1 =	vle.s32 v1, v6;
	v7 =	vld.idx.msk [tilespmem:v4+s29+$0x0 ss:$0x1], $0xffff;
	(pc) =	sbr.rel @p0 .LBB2_35-.Ltmp23, $4  }
0x49b: {  	vm2 =	vgt.f32 v0, v3;
	vm0 =	vmand vm1, vm0  }
0x49c: {  	vm0 =	vmor vm2, vm0  }
0x49d: {  	v0 =	vsel vm0, $0xFF61B1E6, v0  }
0x49e: {  	s26 =	sadd.s32 $0x10, s26;
	v5 =	vmax.f32 v5, v0  }
0x49f: {  	v0 =	vor.u32 s26, v2  }
0x4a0: {  	vm0 =	veq.f32 v7, v3;
	vm1 =	vle.s32 v0, v6  }
0x4a1: {  	vm2 =	vgt.f32 v7, v3;
	vm0 =	vmand vm1, vm0  }
0x4a2: {  	vm0 =	vmor vm2, vm0  }
0x4a3: {  	s25 =	sshll.u32 s25, $0x6;
	v0 =	vsel vm0, $0xFF61B1E6, v7  }
0x4a4: {  	s25 =	sshra.s32 s25, $0x2;
	v0 =	vmax.f32 v5, v0  }
0x4a5: {  	s31 =	simm.s32 $0x0;
	[tilespmem:s25+$0x18700] =	vst v0  }
0x4a6: {  	v3 =	vimm.f32 $-3.000000010e+38;
	s25 =	simm.s32 $0x40;
	v4 =	vld [tilespmem:s31+$0x18700]  }
.LBB2_37:
0x4a7: {  	p0 =	sne.s32 s25, $0x1F00  }
.Ltmp24:
0x4a8: {  	_ = 	snop;
	(pc) =	sbr.rel @p0 .LBB2_37-.Ltmp24, $3  }
0x4a9: {  	_ =	sdelay $0x1  }
0x4aa: {  	s26 =	sshra.s32 s25, $0x2;
	s25 =	sadd.s32 $0x40, s25;
	v3 =	vmax.f32 v3, v4  }
0x4ab: {  	v4 =	vld [tilespmem:s26+$0x18700]  }
0x4ac: {  	_ =	sdelay $0x3  }
0x4ad: {  	v0 =	vmax.f32 v3, v4  }
0x4ae: {  	(v2sf) =	vpush v0, $0x0  }
0x4af: {  	(v2sf) =	vpush v0, $0x1  }
0x4b0: {  	(v2sf) =	vpush v0, $0x2  }
0x4b1: {  	(v2sf) =	vpush v0, $0x3  }
0x4b2: {  	(v2sf) =	vpush v0, $0x4  }
0x4b3: {  	(v2sf) =	vpush v0, $0x5  }
0x4b4: {  	(v2sf) =	vpush v0, $0x6  }
0x4b5: {  	(v2sf) =	vpush v0, $0x7  }
0x4b6: {  	(v2sf) =	vpush v0, $0x8  }
0x4b7: {  	(v2sf) =	vpush v0, $0x9  }
0x4b8: {  	(v2sf) =	vpush v0, $0xA  }
0x4b9: {  	(v2sf) =	vpush v0, $0xB  }
0x4ba: {  	(v2sf) =	vpush v0, $0xC;
	_ =	sdelay $0x1  }
0x4bb: {  	(v2sf) =	vpush v0, $0xD  }
0x4bc: {  	(v2sf) =	vpush v0, $0xE;
	s25 =	spop (v2sf)  }
0x4bd: {  	(v2sf) =	vpush v0, $0xF;
	s26 =	spop (v2sf)  }
0x4be: {  	s25 =	smax.f32 s25, s26;
	s30 =	spop (v2sf)  }
0x4bf: {  	s25 =	smax.f32 s25, s30;
	s31 =	spop (v2sf)  }
0x4c0: {  	s25 =	smax.f32 s25, s31;
	s29 =	spop (v2sf)  }
0x4c1: {  	s25 =	smax.f32 s25, s29;
	s30 =	spop (v2sf)  }
0x4c2: {  	s25 =	smax.f32 s25, s30;
	s31 =	spop (v2sf)  }
0x4c3: {  	s25 =	smax.f32 s25, s31;
	s29 =	spop (v2sf)  }
0x4c4: {  	s25 =	smax.f32 s25, s29;
	s30 =	spop (v2sf)  }
0x4c5: {  	s25 =	smax.f32 s25, s30;
	s31 =	spop (v2sf)  }
0x4c6: {  	s25 =	smax.f32 s25, s31;
	s29 =	spop (v2sf)  }
0x4c7: {  	s25 =	smax.f32 s25, s29;
	s30 =	spop (v2sf)  }
0x4c8: {  	s25 =	smax.f32 s25, s30;
	s31 =	spop (v2sf)  }
0x4c9: {  	s25 =	smax.f32 s25, s31  }
.Ltmp25:
0x4ca: {  	s29 =	spop (v2sf);
	(pc) =	sbr.rel .LBB2_39-.Ltmp25, $4  }
0x4cb: {  	s25 =	smax.f32 s25, s29;
	s30 =	spop (v2sf)  }
0x4cc: {  	s25 =	smax.f32 s25, s30;
	s31 =	spop (v2sf)  }
0x4cd: {  	s25 =	smax.f32 s25, s31  }
0x4ce: {  	s28 =	smov.u32 s22;
	s21 =	sadd.s32 $0x1, s21;
	s22 =	smov.u32 s25  }
.LBB2_40:
0x4cf: {  	p0 =	slt.s32 s21, $0x1  }
.Ltmp26:
0x4d0: {  	_ = 	snop;
	(pc) =	sbr.rel @p0 .LBB2_44-.Ltmp26, $1  }
0x4d1: {  	_ =	sdelay $0x3  }
0x4d2: {  	v6 =	vld [tilespmem:$0x18F00]  }
0x4d3: {  	v5 =	vimm.f32 $-3.000000010e+38;
	v7 =	vld [tilespmem:$0x18F10]  }
0x4d4: {  	s20 =	simm.s32 $0x0;
	v3 =	vimm.s32 $0x7FFFFFFF;
	v8 =	vld [tilespmem:$0x18F20];
	s21 =	simm.s32 $0x1;
	v9 =	vimm.f32 $-3.000000010e+38;
	v4 =	vimm.s32 $0x7FFFFFFF  }
.LBB2_42:
0x4d5: {  	p0 =	sne.s32 s21, $0x1F;
	v10 =	vld [tilespmem:$0x18F30];
	_ =	sdelay $0x1  }
0x4d6: {  	v0 =	vmax.f32 v6, $-3.000000010e+38  }
0x4d7: {  	v0 =	vmax.f32 v0, v7  }
0x4d8: {  	v0 =	vmax.f32 v0, v8  }
0x4d9: {  	v0 =	vmax.f32 v0, v10  }
0x4da: {  	(v2sf) =	vpush v0, $0x0  }
0x4db: {  	(v2sf) =	vpush v0, $0x1  }
0x4dc: {  	(v2sf) =	vpush v0, $0x2  }
0x4dd: {  	(v2sf) =	vpush v0, $0x3  }
0x4de: {  	(v2sf) =	vpush v0, $0x4  }
0x4df: {  	(v2sf) =	vpush v0, $0x5  }
0x4e0: {  	(v2sf) =	vpush v0, $0x6  }
0x4e1: {  	(v2sf) =	vpush v0, $0x7  }
0x4e2: {  	(v2sf) =	vpush v0, $0x8  }
0x4e3: {  	(v2sf) =	vpush v0, $0x9  }
0x4e4: {  	(v2sf) =	vpush v0, $0xA  }
0x4e5: {  	(v2sf) =	vpush v0, $0xB  }
0x4e6: {  	(v2sf) =	vpush v0, $0xC  }
0x4e7: {  	(v2sf) =	vpush v0, $0xD  }
0x4e8: {  	(v2sf) =	vpush v0, $0xE  }
0x4e9: {  	s22 =	spop (v2sf);
	(v2sf) =	vpush v0, $0xF  }
0x4ea: {  	s23 =	spop (v2sf)  }
0x4eb: {  	s22 =	smax.f32 s22, s23;
	s23 =	spop (v2sf)  }
0x4ec: {  	s22 =	smax.f32 s22, s23;
	s23 =	spop (v2sf)  }
0x4ed: {  	s22 =	smax.f32 s22, s23;
	s23 =	spop (v2sf)  }
0x4ee: {  	s22 =	smax.f32 s22, s23;
	s23 =	spop (v2sf)  }
0x4ef: {  	s22 =	smax.f32 s22, s23;
	s23 =	spop (v2sf)  }
0x4f0: {  	s22 =	smax.f32 s22, s23;
	s23 =	spop (v2sf)  }
0x4f1: {  	s22 =	smax.f32 s22, s23;
	s23 =	spop (v2sf)  }
0x4f2: {  	s22 =	smax.f32 s22, s23;
	s23 =	spop (v2sf)  }
0x4f3: {  	s22 =	smax.f32 s22, s23;
	s23 =	spop (v2sf)  }
0x4f4: {  	s22 =	smax.f32 s22, s23;
	s23 =	spop (v2sf)  }
0x4f5: {  	s22 =	smax.f32 s22, s23;
	s23 =	spop (v2sf)  }
0x4f6: {  	s22 =	smax.f32 s22, s23;
	v0 =	vld [tilespmem:$0x18F90];
	s23 =	spop (v2sf)  }
0x4f7: {  	s22 =	smax.f32 s22, s23;
	v11 =	vld [tilespmem:$0x18F80];
	s23 =	sadd.s32 $0xFFFFFFF0, s20;
	s24 =	spop (v2sf)  }
0x4f8: {  	v1 =	vmov s20;
	s20 =	smov.u32 s21;
	s22 =	smax.f32 s22, s24;
	v12 =	vmov s23;
	s23 =	spop (v2sf)  }
0x4f9: {  	vm0 =	veq.s32 v1, v2;
	s22 =	smax.f32 s22, s23;
	vm1 =	veq.s32 v12, v2  }
0x4fa: {  	vm2 =	veq.f32 v7, s22;
	v1 =	vld [tilespmem:$0x18FA0];
	v5 =	vsel vm0, s22, v5;
	v9 =	vsel vm1, s22, v9  }
0x4fb: {  	v0 =	vnsel vm2, $0x7FFFFFFF, v0  }
0x4fc: {  	vm2 =	vlt.s32 v11, v0  }
0x4fd: {  	vm3 =	veq.f32 v6, s22;
	v12 =	vsel vm2, v11, v0;
	v13 =	vld [tilespmem:$0x18FB0]  }
0x4fe: {  	v0 =	vsel vm3, v12, v0  }
0x4ff: {  	vm2 =	vlt.s32 v0, v1  }
0x500: {  	vm3 =	veq.f32 v8, s22;
	v1 =	vsel vm2, v0, v1  }
0x501: {  	v0 =	vsel vm3, v1, v0  }
0x502: {  	vm2 =	vlt.s32 v0, v13  }
0x503: {  	vm3 =	veq.f32 v10, s22;
	v1 =	vsel vm2, v0, v13  }
0x504: {  	v0 =	vsel vm3, v1, v0  }
0x505: {  	(v2sf) =	vpush v0, $0x0  }
0x506: {  	(v2sf) =	vpush v0, $0x1  }
0x507: {  	(v2sf) =	vpush v0, $0xF  }
0x508: {  	(v2sf) =	vpush v0, $0x2  }
0x509: {  	(v2sf) =	vpush v0, $0x3  }
0x50a: {  	(v2sf) =	vpush v0, $0x4  }
0x50b: {  	(v2sf) =	vpush v0, $0x5  }
0x50c: {  	(v2sf) =	vpush v0, $0x6  }
0x50d: {  	(v2sf) =	vpush v0, $0x7  }
0x50e: {  	(v2sf) =	vpush v0, $0x8  }
0x50f: {  	(v2sf) =	vpush v0, $0x9  }
0x510: {  	(v2sf) =	vpush v0, $0xA  }
0x511: {  	(v2sf) =	vpush v0, $0xB  }
0x512: {  	(v2sf) =	vpush v0, $0xC  }
0x513: {  	(v2sf) =	vpush v0, $0xD  }
0x514: {  	s23 =	spop (v2sf);
	(v2sf) =	vpush v0, $0xE  }
0x515: {  	s24 =	spop (v2sf)  }
0x516: {  	p1 =	slt.s32 s23, s24;
	s22 =	spop (v2sf)  }
0x517: {  	s24 =	smov.u32 @p1 s23;
	s23 =	spop (v2sf)  }
0x518: {  	p1 =	slt.s32 s24, s23;
	s25 =	spop (v2sf)  }
0x519: {  	s23 =	smov.u32 @p1 s24;
	s24 =	spop (v2sf)  }
0x51a: {  	p1 =	slt.s32 s23, s25;
	s26 =	spop (v2sf)  }
0x51b: {  	s25 =	smov.u32 @p1 s23;
	s23 =	spop (v2sf)  }
0x51c: {  	p1 =	slt.s32 s25, s24;
	s28 =	spop (v2sf)  }
0x51d: {  	s24 =	smov.u32 @p1 s25;
	s25 =	spop (v2sf)  }
0x51e: {  	p1 =	slt.s32 s24, s26;
	s29 =	spop (v2sf)  }
0x51f: {  	s26 =	smov.u32 @p1 s24;
	s24 =	spop (v2sf)  }
0x520: {  	p1 =	slt.s32 s26, s23;
	s30 =	spop (v2sf)  }
0x521: {  	s23 =	smov.u32 @p1 s26;
	s26 =	spop (v2sf)  }
0x522: {  	p1 =	slt.s32 s23, s28;
	s31 =	spop (v2sf)  }
0x523: {  	s28 =	smov.u32 @p1 s23;
	s23 =	spop (v2sf)  }
0x524: {  	p1 =	slt.s32 s28, s25  }
0x525: {  	s25 =	smov.u32 @p1 s28  }
0x526: {  	p1 =	slt.s32 s25, s29  }
0x527: {  	s29 =	smov.u32 @p1 s25  }
0x528: {  	p1 =	slt.s32 s29, s24  }
0x529: {  	s24 =	smov.u32 @p1 s29  }
0x52a: {  	p1 =	slt.s32 s24, s30  }
0x52b: {  	s30 =	smov.u32 @p1 s24  }
0x52c: {  	p1 =	slt.s32 s30, s26  }
0x52d: {  	s26 =	smov.u32 @p1 s30  }
0x52e: {  	p1 =	slt.s32 s26, s31;
	v0 =	vld [tilespmem:$0x18F90]  }
0x52f: {  	s31 =	smov.u32 @p1 s26;
	v1 =	vld [tilespmem:$0x18FA0]  }
0x530: {  	p1 =	slt.s32 s31, s23  }
0x531: {  	s23 =	smov.u32 @p1 s31;
	v12 =	vld [tilespmem:$0x18FB0]  }
0x532: {  	p1 =	slt.s32 s23, s22  }
0x533: {  	s22 =	smov.u32 @p1 s23  }
0x534: {  	vm2 =	veq.s32 v11, s22;
	vm3 =	veq.s32 v0, s22;
	vm4 =	veq.s32 v1, s22  }
.Ltmp27:
0x535: {  	v0 =	vsel vm2, $0xFF61B1E6, v6;
	v1 =	vsel vm3, $0xFF61B1E6, v7;
	v8 =	vsel vm4, $0xFF61B1E6, v8;
	(pc) =	sbr.rel @p0 .LBB2_42-.Ltmp27, $4  }
0x536: {  	v3 =	vsel vm0, s22, v3;
	v4 =	vsel vm1, s22, v4;
	[tilespmem:$0x18F00] =	vst v0;
	vm2 =	veq.s32 v12, s22  }
0x537: {  	v6 =	vld [tilespmem:$0x18F00];
	[tilespmem:$0x18F10] =	vst v1;
	v0 =	vsel vm2, $0xFF61B1E6, v10  }
0x538: {  	v7 =	vld [tilespmem:$0x18F10];
	[tilespmem:$0x18F20] =	vst v8  }
0x539: {  	s21 =	sadd.s32 $0x1, s21;
	v8 =	vld [tilespmem:$0x18F20];
	[tilespmem:$0x18F30] =	vst v0  }
0x53a: {  	v10 =	vld [tilespmem:$0x18F30];
	_ =	sdelay $0x1  }
0x53b: {  	v0 =	vmax.f32 v6, $-3.000000010e+38  }
0x53c: {  	v0 =	vmax.f32 v0, v7  }
0x53d: {  	v0 =	vmax.f32 v0, v8  }
0x53e: {  	v0 =	vmax.f32 v0, v10  }
0x53f: {  	(v2sf) =	vpush v0, $0x0  }
0x540: {  	(v2sf) =	vpush v0, $0x1  }
0x541: {  	(v2sf) =	vpush v0, $0x2  }
0x542: {  	(v2sf) =	vpush v0, $0x3  }
0x543: {  	(v2sf) =	vpush v0, $0x4  }
0x544: {  	(v2sf) =	vpush v0, $0x5  }
0x545: {  	(v2sf) =	vpush v0, $0x6  }
0x546: {  	(v2sf) =	vpush v0, $0x7  }
0x547: {  	(v2sf) =	vpush v0, $0x8  }
0x548: {  	(v2sf) =	vpush v0, $0x9  }
0x549: {  	(v2sf) =	vpush v0, $0xA  }
0x54a: {  	(v2sf) =	vpush v0, $0xB  }
0x54b: {  	(v2sf) =	vpush v0, $0xC  }
0x54c: {  	(v2sf) =	vpush v0, $0xD  }
0x54d: {  	(v2sf) =	vpush v0, $0xE  }
0x54e: {  	s21 =	spop (v2sf);
	(v2sf) =	vpush v0, $0xF  }
0x54f: {  	s22 =	spop (v2sf)  }
0x550: {  	s21 =	smax.f32 s21, s22;
	s31 =	spop (v2sf)  }
0x551: {  	s21 =	smax.f32 s21, s31;
	s23 =	spop (v2sf)  }
0x552: {  	s21 =	smax.f32 s21, s23;
	s24 =	spop (v2sf)  }
0x553: {  	s21 =	smax.f32 s21, s24;
	s25 =	spop (v2sf)  }
0x554: {  	s21 =	smax.f32 s21, s25;
	s26 =	spop (v2sf)  }
0x555: {  	s21 =	smax.f32 s21, s26;
	s28 =	spop (v2sf)  }
0x556: {  	s21 =	smax.f32 s21, s28;
	s29 =	spop (v2sf)  }
0x557: {  	s21 =	smax.f32 s21, s29;
	s30 =	spop (v2sf)  }
0x558: {  	s21 =	smax.f32 s21, s30;
	s31 =	spop (v2sf)  }
0x559: {  	s21 =	smax.f32 s21, s31;
	s23 =	spop (v2sf)  }
0x55a: {  	s21 =	smax.f32 s21, s23;
	s24 =	spop (v2sf)  }
0x55b: {  	v0 =	vld [tilespmem:$0x18F90];
	s21 =	smax.f32 s21, s24;
	s25 =	spop (v2sf)  }
0x55c: {  	v1 =	vld [tilespmem:$0x18F80];
	s21 =	smax.f32 s21, s25;
	s26 =	spop (v2sf)  }
0x55d: {  	s21 =	smax.f32 s21, s26;
	s28 =	spop (v2sf)  }
0x55e: {  	s21 =	smax.f32 s21, s28  }
0x55f: {  	v11 =	vld [tilespmem:$0x18FA0];
	vm0 =	veq.f32 v7, s21  }
0x560: {  	v0 =	vnsel vm0, $0x7FFFFFFF, v0  }
0x561: {  	vm0 =	vlt.s32 v1, v0  }
0x562: {  	v13 =	vld [tilespmem:$0x18FB0];
	vm1 =	veq.f32 v6, s21;
	v12 =	vsel vm0, v1, v0  }
0x563: {  	v0 =	vsel vm1, v12, v0  }
0x564: {  	vm7 =	vlt.s32 v0, v11  }
0x565: {  	vm8 =	veq.f32 v8, s21;
	v11 =	vsel vm7, v0, v11  }
0x566: {  	v0 =	vsel vm8, v11, v0  }
0x567: {  	vm9 =	vlt.s32 v0, v13  }
0x568: {  	vm10 =	veq.f32 v10, s21;
	v11 =	vsel vm9, v0, v13  }
0x569: {  	v0 =	vsel vm10, v11, v0  }
0x56a: {  	(v2sf) =	vpush v0, $0x0  }
0x56b: {  	(v2sf) =	vpush v0, $0x1  }
0x56c: {  	(v2sf) =	vpush v0, $0xF  }
0x56d: {  	(v2sf) =	vpush v0, $0x2;
	_ =	sdelay $0x1  }
0x56e: {  	(v2sf) =	vpush v0, $0x3;
	_ =	sdelay $0x1  }
0x56f: {  	(v2sf) =	vpush v0, $0x4;
	_ =	sdelay $0x1  }
0x570: {  	(v2sf) =	vpush v0, $0x5;
	_ =	sdelay $0x1  }
0x571: {  	(v2sf) =	vpush v0, $0x6;
	_ =	sdelay $0x1  }
0x572: {  	(v2sf) =	vpush v0, $0x7;
	_ =	sdelay $0x1  }
0x573: {  	(v2sf) =	vpush v0, $0x8;
	s23 =	spop (v2sf)  }
0x574: {  	(v2sf) =	vpush v0, $0x9;
	s24 =	spop (v2sf)  }
0x575: {  	p0 =	slt.s32 s23, s24;
	s22 =	spop (v2sf)  }
0x576: {  	s24 =	smov.u32 @p0 s23;
	s23 =	spop (v2sf)  }
0x577: {  	(v2sf) =	vpush v0, $0xA;
	p0 =	slt.s32 s24, s23  }
0x578: {  	s25 =	spop (v2sf);
	s23 =	smov.u32 @p0 s24  }
0x579: {  	(v2sf) =	vpush v0, $0xB;
	p0 =	slt.s32 s23, s25  }
0x57a: {  	s24 =	spop (v2sf);
	s25 =	smov.u32 @p0 s23  }
0x57b: {  	(v2sf) =	vpush v0, $0xC;
	p0 =	slt.s32 s25, s24  }
0x57c: {  	s23 =	spop (v2sf);
	s24 =	smov.u32 @p0 s25  }
0x57d: {  	(v2sf) =	vpush v0, $0xD;
	p0 =	slt.s32 s24, s23  }
0x57e: {  	s29 =	sadd.s32 $0xFFFFFFF0, s20;
	s25 =	spop (v2sf);
	s23 =	smov.u32 @p0 s24  }
0x57f: {  	(v2sf) =	vpush v0, $0xE;
	v0 =	vmov s29;
	p0 =	slt.s32 s23, s25  }
0x580: {  	vm11 =	veq.s32 v0, v2;
	s24 =	spop (v2sf);
	s25 =	smov.u32 @p0 s23  }
0x581: {  	v0 =	vsel vm11, s21, v9;
	p0 =	slt.s32 s25, s24  }
0x582: {  	(v2sf) =	vpush v0, $0x0;
	s23 =	spop (v2sf);
	s24 =	smov.u32 @p0 s25  }
0x583: {  	s25 =	spop (v2sf);
	(v2sf) =	vpush v0, $0x1;
	p0 =	slt.s32 s24, s23  }
0x584: {  	(v2sf) =	vpush v0, $0x2;
	s23 =	smov.u32 @p0 s24  }
0x585: {  	(v2sf) =	vpush v0, $0x3;
	p0 =	slt.s32 s23, s25  }
0x586: {  	s24 =	spop (v2sf);
	(v2sf) =	vpush v0, $0x4;
	s25 =	smov.u32 @p0 s23  }
0x587: {  	(v2sf) =	vpush v0, $0x5;
	p0 =	slt.s32 s25, s24  }
0x588: {  	s23 =	spop (v2sf);
	(v2sf) =	vpush v0, $0x6;
	s24 =	smov.u32 @p0 s25  }
0x589: {  	(v2sf) =	vpush v0, $0x7;
	p0 =	slt.s32 s24, s23  }
0x58a: {  	s25 =	spop (v2sf);
	(v2sf) =	vpush v0, $0x8;
	s23 =	smov.u32 @p0 s24  }
0x58b: {  	(v2sf) =	vpush v0, $0x9;
	p0 =	slt.s32 s23, s25  }
0x58c: {  	s24 =	spop (v2sf);
	(v2sf) =	vpush v0, $0xA;
	s25 =	smov.u32 @p0 s23  }
0x58d: {  	(v2sf) =	vpush v0, $0xB;
	p0 =	slt.s32 s25, s24  }
0x58e: {  	s23 =	spop (v2sf);
	(v2sf) =	vpush v0, $0xC;
	s24 =	smov.u32 @p0 s25  }
0x58f: {  	p0 =	slt.s32 s24, s23  }
0x590: {  	v57 =	vld [tilespmem:$0x18F90];
	(v2sf) =	vpush v0, $0xD;
	s23 =	smov.u32 @p0 s24  }
0x591: {  	v59 =	vld [tilespmem:$0x18FB0];
	s30 =	spop (v2sf);
	(v2sf) =	vpush v0, $0xE;
	p0 =	slt.s32 s23, s22  }
0x592: {  	v58 =	vld [tilespmem:$0x18FA0];
	v63 =	vimm.s32 $0x7FFFFFFF;
	(v2sf) =	vpush v0, $0xF;
	s31 =	spop (v2sf);
	s22 =	smov.u32 @p0 s23  }
0x593: {  	[tilespmem:$0x18FA0] =	vst v63;
	s26 =	spop (v2sf);
	vm12 =	veq.s32 v1, s22  }
0x594: {  	[tilespmem:$0x18FB0] =	vst v63;
	s25 =	smin.f32 s30, s31;
	s28 =	spop (v2sf);
	v1 =	vsel vm12, $0xFF61B1E6, v6  }
0x595: {  	vm2 =	veq.s32 v57, s22;
	s29 =	spop (v2sf);
	[tilespmem:$0x18F00] =	vst v1;
	v1 =	vmov s20;
	s20 =	smin.f32 s25, s26  }
0x596: {  	[tilespmem:$0x19010] =	vst v0;
	vm14 =	veq.s32 v59, s22;
	v60 =	vsel vm2, $0xFF61B1E6, v7;
	s30 =	spop (v2sf);
	s20 =	smin.f32 s20, s28  }
0x597: {  	vm13 =	veq.s32 v58, s22;
	[tilespmem:$0x18F10] =	vst v60;
	vm15 =	veq.s32 v1, v2;
	v1 =	vsel vm14, $0xFF61B1E6, v10;
	s31 =	spop (v2sf);
	s20 =	smin.f32 s20, s29  }
0x598: {  	v61 =	vsel vm13, $0xFF61B1E6, v8;
	[tilespmem:$0x18F30] =	vst v1;
	v1 =	vsel vm15, s22, v3;
	v3 =	vsel vm11, s22, v4;
	s22 =	spop (v2sf);
	s20 =	smin.f32 s20, s30  }
0x599: {  	[tilespmem:$0x18F20] =	vst v61;
	s23 =	spop (v2sf);
	s20 =	smin.f32 s20, s31  }
0x59a: {  	v62 =	vimm.f32 $-3.000000010e+38;
	[tilespmem:$0x18F10] =	vst v0;
	s24 =	spop (v2sf);
	s20 =	smin.f32 s20, s22  }
0x59b: {  	[tilespmem:$0x18F20] =	vst v62;
	v5 =	vsel vm15, s21, v5;
	s25 =	spop (v2sf);
	s20 =	smin.f32 s20, s23  }
0x59c: {  	[tilespmem:$0x18F00] =	vst v5;
	s26 =	spop (v2sf);
	s20 =	smin.f32 s20, s24  }
0x59d: {  	[tilespmem:$0x18F80] =	vst v1;
	s28 =	spop (v2sf);
	s20 =	smin.f32 s20, s25  }
.Ltmp28:
0x59e: {  	[tilespmem:$0x18F90] =	vst v3;
	s20 =	smin.f32 s20, s26;
	(pc) =	sbr.rel .LBB2_44-.Ltmp28, $4  }
0x59f: {  	[tilespmem:$0x18F30] =	vst v62;
	s29 =	spop (v2sf);
	s20 =	smin.f32 s20, s28  }
0x5a0: {  	[tilespmem:$0x19000] =	vst v5;
	s30 =	spop (v2sf);
	s20 =	smin.f32 s20, s29  }
0x5a1: {  	[tilespmem:$0x19080] =	vst v1;
	s31 =	spop (v2sf);
	s20 =	smin.f32 s20, s30  }
0x5a2: {  	[tilespmem:$0x19090] =	vst v3;
	s20 =	smin.f32 s20, s31  }
.LBB2_46:
0x5a3: {  	_ =	sfence.sel $0x180000  }
0x5a4: {  	[bflag:$0x0] =	sbarrier.arrive $0xFFFF  }
0x5a5: {  	p0 =	sne.s32 s1, $0x0;
	_ =	strace $0x90000047  }
0x5a6: {  	s0 =	sadd.s32 @!p0 $0x100000, s0;
	[bflag:$0x2] =	sbarrier.arrive $0xFFFF  }
0x5a7: {  	[sflag:s0] =	ssyncadd.tile.s32 @!p0 $0x1;
	_ =	shalt  }
.Lfunc_end2:
_tile_overlayer_lowered:
.L_overlay_start_2:
0x5a8: {  	(tag) =	ssettag $0x2  }
0x5a9: {  	s0 =	rddreg [dreg:$0x0];
	s2 =	stileid.u32  }
0x5aa: {  	s1 =	rddreg [dreg:$0x1];
	p0 =	sne.s32 s2, $0x0  }
0x5ab: {  	s3 =	rddreg [dreg:$0x2];
	[bflag:$0x3] =	sbarrier.arrive $0xFFFF;
	s2 =	simm.s32 @!p0 $0x1C03  }
0x5ac: {  	[timem:s3], [sflag:s2] =	dma.local @!p0 [hbm:s0], s1  }
0x5ad: {  	s0 =	simm.s32 @!p0 $0x3  }
0x5ae: {  	_ =	swait.ge @!p0 [sflag:s0], s1  }
0x5af: {  	s1 =	ssub.s32 @!p0 $0x0, s1;
	[sflag:s0] =	ssyncset.done @!p0 $0x0  }
0x5b0: {  	[sflag:s0] =	ssyncadd.s32 @!p0 s1  }
0x5b1: {  	[bflag:$0x3] =	sbarrier.arrive $0xFFFF  }
0x5b2: {  	_ =	shalt  }

</sc_bundles>
